<compile_context>
chip_gen: v7x
topology: tpu7x:2x2x1
jax: 0.10.2.dev20260603
libtpu: 0.0.44.dev20260713+nightly
codegen_flags: <defaults>
</compile_context>

<pallas_src>
import functools

import jax
import jax.numpy as jnp
from jax import lax
from jax.experimental import pallas as pl
from jax.experimental.pallas import tpu as pltpu
from jax.experimental.pallas import tpu_sc as plsc

NC, NS, L = 2, 16, 16
NW = NC * NS
C = 80
G = 48


@functools.lru_cache(maxsize=None)
def _build(B, V, D):
    BPW = B // NW
    NCH = BPW // C
    assert BPW * NW == B and NCH * C == BPW and NCH % 2 == 0
    assert G % L == 0 and (C - G) % L == 0 and D % L == 0
    TPAD = -(-V // 8) * 8

    mesh = plsc.VectorSubcoreMesh(core_axis_name="c", subcore_axis_name="s")

    @functools.partial(
        pl.kernel,
        out_type=jax.ShapeDtypeStruct((B, D), jnp.float32),
        mesh=mesh,
        compiler_params=pltpu.CompilerParams(needs_layout_passes=False),
        scratch_types=[
            pltpu.VMEM((BPW,), jnp.int32),
            pltpu.VMEM((TPAD, D), jnp.float32),
            pltpu.VMEM((C, D), jnp.float32),
            pltpu.VMEM((C, D), jnp.float32),
            pltpu.SemaphoreType.DMA,
            pltpu.SemaphoreType.DMA,
            pltpu.SemaphoreType.DMA,
            pltpu.SemaphoreType.DMA,
        ],
    )
    def emb(idx_hbm, table_hbm, out_hbm, idx_v, table_v, rows0, rows1,
            g0, g1, o0, o1):
        rows = (rows0, rows1)
        gsem = (g0, g1)
        osem = (o0, o1)
        wid = lax.axis_index("s") * NC + lax.axis_index("c")
        base = wid * BPW
        pltpu.sync_copy(idx_hbm.at[pl.ds(base, BPW)], idx_v)
        pltpu.sync_copy(table_hbm.at[pl.ds(0, TPAD)], table_v)

        def wait_g(b):
            pltpu.make_async_copy(table_hbm.at[idx_v.at[pl.ds(0, G)]],
                                  rows[b].at[pl.ds(0, G)], gsem[b]).wait()

        def wait_o(b):
            pltpu.make_async_copy(rows[b], out_hbm.at[pl.ds(0, C)],
                                  osem[b]).wait()

        def step(c, b):
            @pl.when(c >= 2)
            def _():
                wait_o(b)

            pltpu.async_copy(table_hbm.at[idx_v.at[pl.ds(c * C, G)]],
                             rows[b].at[pl.ds(0, G)], gsem[b])

            for g2 in range((C - G) // L):
                idx16 = idx_v[pl.ds(c * C + G + g2 * L, L)]
                rws = [idx16[u] for u in range(L)]

                @plsc.parallel_loop(0, D // L, unroll=D // L)
                def jbody(j, rws=rws, g2=g2, b=b):
                    off = j * L
                    for u in range(L):
                        rows[b][G + g2 * L + u, pl.ds(off, L)] = (
                            table_v[rws[u], pl.ds(off, L)])

            wait_g(b)
            pltpu.async_copy(rows[b], out_hbm.at[pl.ds(base + c * C, C)],
                             osem[b])

        def body(i, carry):
            step(2 * i, 0)
            step(2 * i + 1, 1)
            return carry

        lax.fori_loop(0, NCH // 2, body, 0)
        wait_o(0)
        wait_o(1)

    return emb


def kernel(word_seq, embedding_table):
    s, t = word_seq.shape
    b = s * t
    v, d = embedding_table.shape
    bpw = b // NW
    nch = bpw // C
    idx = word_seq.reshape(NW, nch, C).astype(jnp.int32)
    bias = (jnp.arange(C, dtype=jnp.int32) < G).astype(jnp.int32)[None, None, :]
    bias = bias * (jnp.arange(NW, dtype=jnp.int32) * v)[:, None, None]
    idx = (idx + bias).reshape(b)
    table = jnp.tile(embedding_table.astype(jnp.float32), (NW, 1))
    out = _build(b, v, d)(idx, table)
    return out.reshape(s, t, d)

# --- scband reference (transcript-rebuilt; emitter-appended) ---
"""Pipeline reference for scband-input-embedding-31550829757002 (READ-ONLY COPY).

The authoritative reference and input builder live on the scoring server;
editing this copy changes nothing except your own understanding.
"""

import jax, jax.numpy as jnp
import numpy as np


def setup_inputs(seed: int = 0) -> dict:
    key = jax.random.key(seed)
    k_idx, k_tab = jax.random.split(key)
    # forward arg: word_seq indices; the module's embedding table is hardcoded to (10, 512)
    word_seq = jax.random.randint(k_idx, (4096, 200), 0, 10, dtype=jnp.int64)
    # learned parameter: embedding table nn.Embedding(10, 512)
    embedding_table = jax.random.normal(k_tab, (10, 512), dtype=jnp.float32) * 0.02
    return {"word_seq": word_seq, "embedding_table": embedding_table}


def reference(word_seq, embedding_table):
    # Faithful translation of forward: self.embeddings(word_seq)
    # (the original torch code omits the return statement; we return the lookup result,
    # which is the only computation performed in forward)
    return jnp.take(embedding_table, word_seq, axis=0)

if __name__ == "__main__":
    import jax
    _d = setup_inputs()
    print(jax.jit(kernel)(*tuple(_d.values())))

</pallas_src>

<mosaic_0001>
#map = affine_map<(d0, d1) -> (0)>
#map1 = affine_map<(d0, d1) -> (0, 0)>
module attributes {stable_mosaic.version = 14 : i64} {
  func.func @emb(%arg0: i32, %arg1: i32, %arg2: memref<819200xi32, #tpu.memory_space<hbm>>, %arg3: memref<320x512xf32, #tpu.memory_space<hbm>>, %arg4: memref<819200x512xf32, #tpu.memory_space<hbm>>, %arg5: memref<25600xi32, #tpu.memory_space<vmem>>, %arg6: memref<16x512xf32, #tpu.memory_space<vmem>>, %arg7: memref<80x512xf32, #tpu.memory_space<vmem>>, %arg8: memref<80x512xf32, #tpu.memory_space<vmem>>, %arg9: memref<!tpu.dma_semaphore, #tpu.memory_space<semaphore_mem>>, %arg10: memref<!tpu.dma_semaphore, #tpu.memory_space<semaphore_mem>>, %arg11: memref<!tpu.dma_semaphore, #tpu.memory_space<semaphore_mem>>, %arg12: memref<!tpu.dma_semaphore, #tpu.memory_space<semaphore_mem>>) attributes {dimension_semantics = [#tpu.dimension_semantics<core_parallel>, #tpu.dimension_semantics<subcore_parallel>], iteration_bounds = array<i64: 2, 16>, scalar_prefetch = 0 : i64, scratch_operands = 8 : i64, tpu.core_type = #tpu.core_type<sc_vector_subcore>, window_params = [{transform_indices = #map}, {transform_indices = #map1}, {transform_indices = #map1}]} {
    %mul3A = arith.constant 2 : i32
    %mul3A_0 = arith.muli %arg1, %mul3A : i32
    %add3A = arith.addi %mul3A_0, %arg0 : i32
    %mul3A_1 = arith.constant 25600 : i32
    %mul3A_2 = arith.muli %add3A, %mul3A_1 : i32
    "tpu.region"() ({
      %run_scoped3A = tpu.sem_alloc : memref<!tpu.dma_semaphore, #tpu.memory_space<semaphore_mem>>
      %dma_start3A = tpu.memref_slice %arg2[%mul3A_2] : memref<819200xi32, #tpu.memory_space<hbm>> -> memref<25600xi32, #tpu.memory_space<hbm>>
      %dma_start3A_19 = tpu.memref_slice %arg2[%mul3A_2] : memref<819200xi32, #tpu.memory_space<hbm>> -> memref<25600xi32, #tpu.memory_space<hbm>>
      tpu.enqueue_dma source(%dma_start3A_19 : memref<25600xi32, #tpu.memory_space<hbm>>) target(%arg5 : memref<25600xi32, #tpu.memory_space<vmem>>) target_semaphore(%run_scoped3A : memref<!tpu.dma_semaphore, #tpu.memory_space<semaphore_mem>>)
      %dma_wait3A_20 = tpu.memref_slice %arg2[%mul3A_2] : memref<819200xi32, #tpu.memory_space<hbm>> -> memref<25600xi32, #tpu.memory_space<hbm>>
      %dma_wait3A_21 = tpu.memref_slice %arg2[%mul3A_2] : memref<819200xi32, #tpu.memory_space<hbm>> -> memref<25600xi32, #tpu.memory_space<hbm>>
      tpu.wait_dma2 semaphore(%run_scoped3A : memref<!tpu.dma_semaphore, #tpu.memory_space<semaphore_mem>>) src(%dma_wait3A_21 : memref<25600xi32, #tpu.memory_space<hbm>>) dst(%arg5 : memref<25600xi32, #tpu.memory_space<vmem>>)
      tpu.yield
    }) : () -> ()
    "tpu.region"() ({
      %run_scoped3A = tpu.sem_alloc : memref<!tpu.dma_semaphore, #tpu.memory_space<semaphore_mem>>
      %dma_start3A = arith.constant 0 : i32
      %dma_start3A_19 = arith.constant 0 : i32
      %dma_start3A_20 = tpu.memref_slice %arg3[%dma_start3A, %dma_start3A_19] : memref<320x512xf32, #tpu.memory_space<hbm>> -> memref<16x512xf32, #tpu.memory_space<hbm>>
      %dma_start3A_21 = arith.constant 0 : i32
      %dma_start3A_22 = arith.constant 0 : i32
      %dma_start3A_23 = tpu.memref_slice %arg3[%dma_start3A_21, %dma_start3A_22] : memref<320x512xf32, #tpu.memory_space<hbm>> -> memref<16x512xf32, #tpu.memory_space<hbm>>
      tpu.enqueue_dma source(%dma_start3A_23 : memref<16x512xf32, #tpu.memory_space<hbm>>) target(%arg6 : memref<16x512xf32, #tpu.memory_space<vmem>>) target_semaphore(%run_scoped3A : memref<!tpu.dma_semaphore, #tpu.memory_space<semaphore_mem>>)
      %dma_wait3A_24 = arith.constant 0 : i32
      %dma_wait3A_25 = arith.constant 0 : i32
      %dma_wait3A_26 = tpu.memref_slice %arg3[%dma_wait3A_24, %dma_wait3A_25] : memref<320x512xf32, #tpu.memory_space<hbm>> -> memref<16x512xf32, #tpu.memory_space<hbm>>
      %dma_wait3A_27 = arith.constant 0 : i32
      %dma_wait3A_28 = arith.constant 0 : i32
      %dma_wait3A_29 = tpu.memref_slice %arg3[%dma_wait3A_27, %dma_wait3A_28] : memref<320x512xf32, #tpu.memory_space<hbm>> -> memref<16x512xf32, #tpu.memory_space<hbm>>
      tpu.wait_dma2 semaphore(%run_scoped3A : memref<!tpu.dma_semaphore, #tpu.memory_space<semaphore_mem>>) src(%dma_wait3A_29 : memref<16x512xf32, #tpu.memory_space<hbm>>) dst(%arg6 : memref<16x512xf32, #tpu.memory_space<vmem>>)
      tpu.yield
    }) : () -> ()
    %scan3A = arith.constant 0 : i32
    %scan3A_3 = arith.constant 0 : i32
    %scan3A_4 = arith.constant 160 : i32
    %scan3A_5 = arith.addi %scan3A_3, %scan3A_4 : i32
    %scan3A_6 = arith.constant 1 : i32
    scf.for %scan3A_19 = %scan3A_3 to %scan3A_5 step %scan3A_6  : i32 {
      %mul3A_20 = arith.constant 2 : i32
      %mul3A_21 = arith.muli %mul3A_20, %scan3A_19 : i32
      %ge3A = arith.constant 2 : i32
      %ge3A_22 = arith.cmpi sge, %mul3A_21, %ge3A : i32
      %convert_element_type3A = arith.extui %ge3A_22 : i1 to i32
      %cond3A = arith.constant 0 : i32
      %cond3A_23 = arith.cmpi ne, %convert_element_type3A, %cond3A : i32
      scf.if %cond3A_23 {
        %dma_wait3A_248 = arith.constant 0 : i32
        %dma_wait3A_249 = arith.constant 0 : i32
        %dma_wait3A_250 = tpu.memref_slice %arg4[%dma_wait3A_248, %dma_wait3A_249] : memref<819200x512xf32, #tpu.memory_space<hbm>> -> memref<80x512xf32, #tpu.memory_space<hbm>>
        %dma_wait3A_251 = arith.constant 0 : i32
        %dma_wait3A_252 = arith.constant 0 : i32
        %dma_wait3A_253 = tpu.memref_slice %arg4[%dma_wait3A_251, %dma_wait3A_252] : memref<819200x512xf32, #tpu.memory_space<hbm>> -> memref<80x512xf32, #tpu.memory_space<hbm>>
        tpu.wait_dma2 semaphore(%arg11 : memref<!tpu.dma_semaphore, #tpu.memory_space<semaphore_mem>>) src(%arg7 : memref<80x512xf32, #tpu.memory_space<vmem>>) dst(%dma_wait3A_253 : memref<80x512xf32, #tpu.memory_space<hbm>>)
      } else {
      }
      %mul3A_24 = arith.constant 80 : i32
      %mul3A_25 = arith.muli %mul3A_21, %mul3A_24 : i32
      %dma_start3A = arith.constant 0 : i32
      %dma_start3A_26 = arith.constant 0 : i32
      %dma_start3A_27 = tpu.memref_slice %arg7[%dma_start3A, %dma_start3A_26] : memref<80x512xf32, #tpu.memory_space<vmem>> -> memref<48x512xf32, #tpu.memory_space<vmem>>
      %dma_start3A_28 = tpu.memref_slice %arg5[%mul3A_25] : memref<25600xi32, #tpu.memory_space<vmem>> -> memref<48xi32, #tpu.memory_space<vmem>>
      %dma_start3A_29 = arith.constant 0 : i32
      %dma_start3A_30 = arith.constant 0 : i32
      %dma_start3A_31 = tpu.memref_slice %arg3[%dma_start3A_29, %dma_start3A_30] : memref<320x512xf32, #tpu.memory_space<hbm>> -> memref<320x512xf32, #tpu.memory_space<hbm>>
      tpu.enqueue_indirect_dma source(%dma_start3A_31 : memref<320x512xf32, #tpu.memory_space<hbm>>) target(%dma_start3A_27 : memref<48x512xf32, #tpu.memory_space<vmem>>) offsets(%dma_start3A_28 : memref<48xi32, #tpu.memory_space<vmem>>) semaphore(%arg9 : memref<!tpu.dma_semaphore, #tpu.memory_space<semaphore_mem>>)
      %mul3A_32 = arith.constant 80 : i32
      %mul3A_33 = arith.muli %mul3A_21, %mul3A_32 : i32
      %add3A_34 = arith.constant 48 : i32
      %add3A_35 = arith.addi %mul3A_33, %add3A_34 : i32
      %add3A_36 = arith.constant 0 : i32
      %add3A_37 = arith.addi %add3A_35, %add3A_36 : i32
      %get3A = arith.index_cast %add3A_37 : i32 to index
      %get3A_38 = tpu.vector_load %arg5[%get3A] {strides = array<i32>} : memref<25600xi32, #tpu.memory_space<vmem>>, vector<16xi32>,
      %slice3A = vector.extract_strided_slice %get3A_38 {offsets = [0], sizes = [1], strides = [1]} : vector<16xi32> to vector<1xi32>
      %squeeze3A = vector.extract %slice3A[0] : i32 from vector<1xi32>
      %slice3A_39 = vector.extract_strided_slice %get3A_38 {offsets = [1], sizes = [1], strides = [1]} : vector<16xi32> to vector<1xi32>
      %squeeze3A_40 = vector.extract %slice3A_39[0] : i32 from vector<1xi32>
      %slice3A_41 = vector.extract_strided_slice %get3A_38 {offsets = [2], sizes = [1], strides = [1]} : vector<16xi32> to vector<1xi32>
      %squeeze3A_42 = vector.extract %slice3A_41[0] : i32 from vector<1xi32>
      %slice3A_43 = vector.extract_strided_slice %get3A_38 {offsets = [3], sizes = [1], strides = [1]} : vector<16xi32> to vector<1xi32>
      %squeeze3A_44 = vector.extract %slice3A_43[0] : i32 from vector<1xi32>
      %slice3A_45 = vector.extract_strided_slice %get3A_38 {offsets = [4], sizes = [1], strides = [1]} : vector<16xi32> to vector<1xi32>
      %squeeze3A_46 = vector.extract %slice3A_45[0] : i32 from vector<1xi32>
      %slice3A_47 = vector.extract_strided_slice %get3A_38 {offsets = [5], sizes = [1], strides = [1]} : vector<16xi32> to vector<1xi32>
      %squeeze3A_48 = vector.extract %slice3A_47[0] : i32 from vector<1xi32>
      %slice3A_49 = vector.extract_strided_slice %get3A_38 {offsets = [6], sizes = [1], strides = [1]} : vector<16xi32> to vector<1xi32>
      %squeeze3A_50 = vector.extract %slice3A_49[0] : i32 from vector<1xi32>
      %slice3A_51 = vector.extract_strided_slice %get3A_38 {offsets = [7], sizes = [1], strides = [1]} : vector<16xi32> to vector<1xi32>
      %squeeze3A_52 = vector.extract %slice3A_51[0] : i32 from vector<1xi32>
      %slice3A_53 = vector.extract_strided_slice %get3A_38 {offsets = [8], sizes = [1], strides = [1]} : vector<16xi32> to vector<1xi32>
      %squeeze3A_54 = vector.extract %slice3A_53[0] : i32 from vector<1xi32>
      %slice3A_55 = vector.extract_strided_slice %get3A_38 {offsets = [9], sizes = [1], strides = [1]} : vector<16xi32> to vector<1xi32>
      %squeeze3A_56 = vector.extract %slice3A_55[0] : i32 from vector<1xi32>
      %slice3A_57 = vector.extract_strided_slice %get3A_38 {offsets = [10], sizes = [1], strides = [1]} : vector<16xi32> to vector<1xi32>
      %squeeze3A_58 = vector.extract %slice3A_57[0] : i32 from vector<1xi32>
      %slice3A_59 = vector.extract_strided_slice %get3A_38 {offsets = [11], sizes = [1], strides = [1]} : vector<16xi32> to vector<1xi32>
      %squeeze3A_60 = vector.extract %slice3A_59[0] : i32 from vector<1xi32>
      %slice3A_61 = vector.extract_strided_slice %get3A_38 {offsets = [12], sizes = [1], strides = [1]} : vector<16xi32> to vector<1xi32>
      %squeeze3A_62 = vector.extract %slice3A_61[0] : i32 from vector<1xi32>
      %slice3A_63 = vector.extract_strided_slice %get3A_38 {offsets = [13], sizes = [1], strides = [1]} : vector<16xi32> to vector<1xi32>
      %squeeze3A_64 = vector.extract %slice3A_63[0] : i32 from vector<1xi32>
      %slice3A_65 = vector.extract_strided_slice %get3A_38 {offsets = [14], sizes = [1], strides = [1]} : vector<16xi32> to vector<1xi32>
      %squeeze3A_66 = vector.extract %slice3A_65[0] : i32 from vector<1xi32>
      %slice3A_67 = vector.extract_strided_slice %get3A_38 {offsets = [15], sizes = [1], strides = [1]} : vector<16xi32> to vector<1xi32>
      %squeeze3A_68 = vector.extract %slice3A_67[0] : i32 from vector<1xi32>
      %parallel_loop3A = arith.constant 0 : i32
      %parallel_loop3A_69 = arith.constant 32 : i32
      %parallel_loop3A_70 = arith.constant 1 : i32
      scf.for %parallel_loop3A_248 = %parallel_loop3A to %parallel_loop3A_69 step %parallel_loop3A_70  : i32 {
        %parallel_loop3A_249 = arith.constant 16 : i32
        %parallel_loop3A_250 = arith.muli %parallel_loop3A_248, %parallel_loop3A_249 : i32
        %parallel_loop3A_251 = arith.index_cast %squeeze3A : i32 to index
        %parallel_loop3A_252 = arith.index_cast %parallel_loop3A_250 : i32 to index
        %parallel_loop3A_253 = tpu.vector_load %arg6[%parallel_loop3A_251, %parallel_loop3A_252] {strides = array<i32>} : memref<16x512xf32, #tpu.memory_space<vmem>>, vector<16xf32>,
        %parallel_loop3A_254 = arith.constant 48 : i32
        %parallel_loop3A_255 = arith.index_cast %parallel_loop3A_254 : i32 to index
        %parallel_loop3A_256 = arith.index_cast %parallel_loop3A_250 : i32 to index
        %parallel_loop3A_257 = tpu.vector_load %arg7[%parallel_loop3A_255, %parallel_loop3A_256] {strides = array<i32>} : memref<80x512xf32, #tpu.memory_space<vmem>>, vector<16xf32>,
        tpu.vector_store %arg7[%parallel_loop3A_255, %parallel_loop3A_256], %parallel_loop3A_253 {strides = array<i32>} : memref<80x512xf32, #tpu.memory_space<vmem>>, vector<16xf32>,
        %parallel_loop3A_258 = arith.index_cast %squeeze3A_40 : i32 to index
        %parallel_loop3A_259 = arith.index_cast %parallel_loop3A_250 : i32 to index
        %parallel_loop3A_260 = tpu.vector_load %arg6[%parallel_loop3A_258, %parallel_loop3A_259] {strides = array<i32>} : memref<16x512xf32, #tpu.memory_space<vmem>>, vector<16xf32>,
        %parallel_loop3A_261 = arith.constant 49 : i32
        %parallel_loop3A_262 = arith.index_cast %parallel_loop3A_261 : i32 to index
        %parallel_loop3A_263 = arith.index_cast %parallel_loop3A_250 : i32 to index
        %parallel_loop3A_264 = tpu.vector_load %arg7[%parallel_loop3A_262, %parallel_loop3A_263] {strides = array<i32>} : memref<80x512xf32, #tpu.memory_space<vmem>>, vector<16xf32>,
        tpu.vector_store %arg7[%parallel_loop3A_262, %parallel_loop3A_263], %parallel_loop3A_260 {strides = array<i32>} : memref<80x512xf32, #tpu.memory_space<vmem>>, vector<16xf32>,
        %parallel_loop3A_265 = arith.index_cast %squeeze3A_42 : i32 to index
        %parallel_loop3A_266 = arith.index_cast %parallel_loop3A_250 : i32 to index
        %parallel_loop3A_267 = tpu.vector_load %arg6[%parallel_loop3A_265, %parallel_loop3A_266] {strides = array<i32>} : memref<16x512xf32, #tpu.memory_space<vmem>>, vector<16xf32>,
        %parallel_loop3A_268 = arith.constant 50 : i32
        %parallel_loop3A_269 = arith.index_cast %parallel_loop3A_268 : i32 to index
        %parallel_loop3A_270 = arith.index_cast %parallel_loop3A_250 : i32 to index
        %parallel_loop3A_271 = tpu.vector_load %arg7[%parallel_loop3A_269, %parallel_loop3A_270] {strides = array<i32>} : memref<80x512xf32, #tpu.memory_space<vmem>>, vector<16xf32>,
        tpu.vector_store %arg7[%parallel_loop3A_269, %parallel_loop3A_270], %parallel_loop3A_267 {strides = array<i32>} : memref<80x512xf32, #tpu.memory_space<vmem>>, vector<16xf32>,
        %parallel_loop3A_272 = arith.index_cast %squeeze3A_44 : i32 to index
        %parallel_loop3A_273 = arith.index_cast %parallel_loop3A_250 : i32 to index
        %parallel_loop3A_274 = tpu.vector_load %arg6[%parallel_loop3A_272, %parallel_loop3A_273] {strides = array<i32>} : memref<16x512xf32, #tpu.memory_space<vmem>>, vector<16xf32>,
        %parallel_loop3A_275 = arith.constant 51 : i32
        %parallel_loop3A_276 = arith.index_cast %parallel_loop3A_275 : i32 to index
        %parallel_loop3A_277 = arith.index_cast %parallel_loop3A_250 : i32 to index
        %parallel_loop3A_278 = tpu.vector_load %arg7[%parallel_loop3A_276, %parallel_loop3A_277] {strides = array<i32>} : memref<80x512xf32, #tpu.memory_space<vmem>>, vector<16xf32>,
        tpu.vector_store %arg7[%parallel_loop3A_276, %parallel_loop3A_277], %parallel_loop3A_274 {strides = array<i32>} : memref<80x512xf32, #tpu.memory_space<vmem>>, vector<16xf32>,
        %parallel_loop3A_279 = arith.index_cast %squeeze3A_46 : i32 to index
        %parallel_loop3A_280 = arith.index_cast %parallel_loop3A_250 : i32 to index
        %parallel_loop3A_281 = tpu.vector_load %arg6[%parallel_loop3A_279, %parallel_loop3A_280] {strides = array<i32>} : memref<16x512xf32, #tpu.memory_space<vmem>>, vector<16xf32>,
        %parallel_loop3A_282 = arith.constant 52 : i32
        %parallel_loop3A_283 = arith.index_cast %parallel_loop3A_282 : i32 to index
        %parallel_loop3A_284 = arith.index_cast %parallel_loop3A_250 : i32 to index
        %parallel_loop3A_285 = tpu.vector_load %arg7[%parallel_loop3A_283, %parallel_loop3A_284] {strides = array<i32>} : memref<80x512xf32, #tpu.memory_space<vmem>>, vector<16xf32>,
        tpu.vector_store %arg7[%parallel_loop3A_283, %parallel_loop3A_284], %parallel_loop3A_281 {strides = array<i32>} : memref<80x512xf32, #tpu.memory_space<vmem>>, vector<16xf32>,
        %parallel_loop3A_286 = arith.index_cast %squeeze3A_48 : i32 to index
        %parallel_loop3A_287 = arith.index_cast %parallel_loop3A_250 : i32 to index
        %parallel_loop3A_288 = tpu.vector_load %arg6[%parallel_loop3A_286, %parallel_loop3A_287] {strides = array<i32>} : memref<16x512xf32, #tpu.memory_space<vmem>>, vector<16xf32>,
        %parallel_loop3A_289 = arith.constant 53 : i32
        %parallel_loop3A_290 = arith.index_cast %parallel_loop3A_289 : i32 to index
        %parallel_loop3A_291 = arith.index_cast %parallel_loop3A_250 : i32 to index
        %parallel_loop3A_292 = tpu.vector_load %arg7[%parallel_loop3A_290, %parallel_loop3A_291] {strides = array<i32>} : memref<80x512xf32, #tpu.memory_space<vmem>>, vector<16xf32>,
        tpu.vector_store %arg7[%parallel_loop3A_290, %parallel_loop3A_291], %parallel_loop3A_288 {strides = array<i32>} : memref<80x512xf32, #tpu.memory_space<vmem>>, vector<16xf32>,
        %parallel_loop3A_293 = arith.index_cast %squeeze3A_50 : i32 to index
        %parallel_loop3A_294 = arith.index_cast %parallel_loop3A_250 : i32 to index
        %parallel_loop3A_295 = tpu.vector_load %arg6[%parallel_loop3A_293, %parallel_loop3A_294] {strides = array<i32>} : memref<16x512xf32, #tpu.memory_space<vmem>>, vector<16xf32>,
        %parallel_loop3A_296 = arith.constant 54 : i32
        %parallel_loop3A_297 = arith.index_cast %parallel_loop3A_296 : i32 to index
        %parallel_loop3A_298 = arith.index_cast %parallel_loop3A_250 : i32 to index
        %parallel_loop3A_299 = tpu.vector_load %arg7[%parallel_loop3A_297, %parallel_loop3A_298] {strides = array<i32>} : memref<80x512xf32, #tpu.memory_space<vmem>>, vector<16xf32>,
        tpu.vector_store %arg7[%parallel_loop3A_297, %parallel_loop3A_298], %parallel_loop3A_295 {strides = array<i32>} : memref<80x512xf32, #tpu.memory_space<vmem>>, vector<16xf32>,
        %parallel_loop3A_300 = arith.index_cast %squeeze3A_52 : i32 to index
        %parallel_loop3A_301 = arith.index_cast %parallel_loop3A_250 : i32 to index
        %parallel_loop3A_302 = tpu.vector_load %arg6[%parallel_loop3A_300, %parallel_loop3A_301] {strides = array<i32>} : memref<16x512xf32, #tpu.memory_space<vmem>>, vector<16xf32>,
        %parallel_loop3A_303 = arith.constant 55 : i32
        %parallel_loop3A_304 = arith.index_cast %parallel_loop3A_303 : i32 to index
        %parallel_loop3A_305 = arith.index_cast %parallel_loop3A_250 : i32 to index
        %parallel_loop3A_306 = tpu.vector_load %arg7[%parallel_loop3A_304, %parallel_loop3A_305] {strides = array<i32>} : memref<80x512xf32, #tpu.memory_space<vmem>>, vector<16xf32>,
        tpu.vector_store %arg7[%parallel_loop3A_304, %parallel_loop3A_305], %parallel_loop3A_302 {strides = array<i32>} : memref<80x512xf32, #tpu.memory_space<vmem>>, vector<16xf32>,
        %parallel_loop3A_307 = arith.index_cast %squeeze3A_54 : i32 to index
        %parallel_loop3A_308 = arith.index_cast %parallel_loop3A_250 : i32 to index
        %parallel_loop3A_309 = tpu.vector_load %arg6[%parallel_loop3A_307, %parallel_loop3A_308] {strides = array<i32>} : memref<16x512xf32, #tpu.memory_space<vmem>>, vector<16xf32>,
        %parallel_loop3A_310 = arith.constant 56 : i32
        %parallel_loop3A_311 = arith.index_cast %parallel_loop3A_310 : i32 to index
        %parallel_loop3A_312 = arith.index_cast %parallel_loop3A_250 : i32 to index
        %parallel_loop3A_313 = tpu.vector_load %arg7[%parallel_loop3A_311, %parallel_loop3A_312] {strides = array<i32>} : memref<80x512xf32, #tpu.memory_space<vmem>>, vector<16xf32>,
        tpu.vector_store %arg7[%parallel_loop3A_311, %parallel_loop3A_312], %parallel_loop3A_309 {strides = array<i32>} : memref<80x512xf32, #tpu.memory_space<vmem>>, vector<16xf32>,
        %parallel_loop3A_314 = arith.index_cast %squeeze3A_56 : i32 to index
        %parallel_loop3A_315 = arith.index_cast %parallel_loop3A_250 : i32 to index
        %parallel_loop3A_316 = tpu.vector_load %arg6[%parallel_loop3A_314, %parallel_loop3A_315] {strides = array<i32>} : memref<16x512xf32, #tpu.memory_space<vmem>>, vector<16xf32>,
        %parallel_loop3A_317 = arith.constant 57 : i32
        %parallel_loop3A_318 = arith.index_cast %parallel_loop3A_317 : i32 to index
        %parallel_loop3A_319 = arith.index_cast %parallel_loop3A_250 : i32 to index
        %parallel_loop3A_320 = tpu.vector_load %arg7[%parallel_loop3A_318, %parallel_loop3A_319] {strides = array<i32>} : memref<80x512xf32, #tpu.memory_space<vmem>>, vector<16xf32>,
        tpu.vector_store %arg7[%parallel_loop3A_318, %parallel_loop3A_319], %parallel_loop3A_316 {strides = array<i32>} : memref<80x512xf32, #tpu.memory_space<vmem>>, vector<16xf32>,
        %parallel_loop3A_321 = arith.index_cast %squeeze3A_58 : i32 to index
        %parallel_loop3A_322 = arith.index_cast %parallel_loop3A_250 : i32 to index
        %parallel_loop3A_323 = tpu.vector_load %arg6[%parallel_loop3A_321, %parallel_loop3A_322] {strides = array<i32>} : memref<16x512xf32, #tpu.memory_space<vmem>>, vector<16xf32>,
        %parallel_loop3A_324 = arith.constant 58 : i32
        %parallel_loop3A_325 = arith.index_cast %parallel_loop3A_324 : i32 to index
        %parallel_loop3A_326 = arith.index_cast %parallel_loop3A_250 : i32 to index
        %parallel_loop3A_327 = tpu.vector_load %arg7[%parallel_loop3A_325, %parallel_loop3A_326] {strides = array<i32>} : memref<80x512xf32, #tpu.memory_space<vmem>>, vector<16xf32>,
        tpu.vector_store %arg7[%parallel_loop3A_325, %parallel_loop3A_326], %parallel_loop3A_323 {strides = array<i32>} : memref<80x512xf32, #tpu.memory_space<vmem>>, vector<16xf32>,
        %parallel_loop3A_328 = arith.index_cast %squeeze3A_60 : i32 to index
        %parallel_loop3A_329 = arith.index_cast %parallel_loop3A_250 : i32 to index
        %parallel_loop3A_330 = tpu.vector_load %arg6[%parallel_loop3A_328, %parallel_loop3A_329] {strides = array<i32>} : memref<16x512xf32, #tpu.memory_space<vmem>>, vector<16xf32>,
        %parallel_loop3A_331 = arith.constant 59 : i32
        %parallel_loop3A_332 = arith.index_cast %parallel_loop3A_331 : i32 to index
        %parallel_loop3A_333 = arith.index_cast %parallel_loop3A_250 : i32 to index
        %parallel_loop3A_334 = tpu.vector_load %arg7[%parallel_loop3A_332, %parallel_loop3A_333] {strides = array<i32>} : memref<80x512xf32, #tpu.memory_space<vmem>>, vector<16xf32>,
        tpu.vector_store %arg7[%parallel_loop3A_332, %parallel_loop3A_333], %parallel_loop3A_330 {strides = array<i32>} : memref<80x512xf32, #tpu.memory_space<vmem>>, vector<16xf32>,
        %parallel_loop3A_335 = arith.index_cast %squeeze3A_62 : i32 to index
        %parallel_loop3A_336 = arith.index_cast %parallel_loop3A_250 : i32 to index
        %parallel_loop3A_337 = tpu.vector_load %arg6[%parallel_loop3A_335, %parallel_loop3A_336] {strides = array<i32>} : memref<16x512xf32, #tpu.memory_space<vmem>>, vector<16xf32>,
        %parallel_loop3A_338 = arith.constant 60 : i32
        %parallel_loop3A_339 = arith.index_cast %parallel_loop3A_338 : i32 to index
        %parallel_loop3A_340 = arith.index_cast %parallel_loop3A_250 : i32 to index
        %parallel_loop3A_341 = tpu.vector_load %arg7[%parallel_loop3A_339, %parallel_loop3A_340] {strides = array<i32>} : memref<80x512xf32, #tpu.memory_space<vmem>>, vector<16xf32>,
        tpu.vector_store %arg7[%parallel_loop3A_339, %parallel_loop3A_340], %parallel_loop3A_337 {strides = array<i32>} : memref<80x512xf32, #tpu.memory_space<vmem>>, vector<16xf32>,
        %parallel_loop3A_342 = arith.index_cast %squeeze3A_64 : i32 to index
        %parallel_loop3A_343 = arith.index_cast %parallel_loop3A_250 : i32 to index
        %parallel_loop3A_344 = tpu.vector_load %arg6[%parallel_loop3A_342, %parallel_loop3A_343] {strides = array<i32>} : memref<16x512xf32, #tpu.memory_space<vmem>>, vector<16xf32>,
        %parallel_loop3A_345 = arith.constant 61 : i32
        %parallel_loop3A_346 = arith.index_cast %parallel_loop3A_345 : i32 to index
        %parallel_loop3A_347 = arith.index_cast %parallel_loop3A_250 : i32 to index
        %parallel_loop3A_348 = tpu.vector_load %arg7[%parallel_loop3A_346, %parallel_loop3A_347] {strides = array<i32>} : memref<80x512xf32, #tpu.memory_space<vmem>>, vector<16xf32>,
        tpu.vector_store %arg7[%parallel_loop3A_346, %parallel_loop3A_347], %parallel_loop3A_344 {strides = array<i32>} : memref<80x512xf32, #tpu.memory_space<vmem>>, vector<16xf32>,
        %parallel_loop3A_349 = arith.index_cast %squeeze3A_66 : i32 to index
        %parallel_loop3A_350 = arith.index_cast %parallel_loop3A_250 : i32 to index
        %parallel_loop3A_351 = tpu.vector_load %arg6[%parallel_loop3A_349, %parallel_loop3A_350] {strides = array<i32>} : memref<16x512xf32, #tpu.memory_space<vmem>>, vector<16xf32>,
        %parallel_loop3A_352 = arith.constant 62 : i32
        %parallel_loop3A_353 = arith.index_cast %parallel_loop3A_352 : i32 to index
        %parallel_loop3A_354 = arith.index_cast %parallel_loop3A_250 : i32 to index
        %parallel_loop3A_355 = tpu.vector_load %arg7[%parallel_loop3A_353, %parallel_loop3A_354] {strides = array<i32>} : memref<80x512xf32, #tpu.memory_space<vmem>>, vector<16xf32>,
        tpu.vector_store %arg7[%parallel_loop3A_353, %parallel_loop3A_354], %parallel_loop3A_351 {strides = array<i32>} : memref<80x512xf32, #tpu.memory_space<vmem>>, vector<16xf32>,
        %parallel_loop3A_356 = arith.index_cast %squeeze3A_68 : i32 to index
        %parallel_loop3A_357 = arith.index_cast %parallel_loop3A_250 : i32 to index
        %parallel_loop3A_358 = tpu.vector_load %arg6[%parallel_loop3A_356, %parallel_loop3A_357] {strides = array<i32>} : memref<16x512xf32, #tpu.memory_space<vmem>>, vector<16xf32>,
        %parallel_loop3A_359 = arith.constant 63 : i32
        %parallel_loop3A_360 = arith.index_cast %parallel_loop3A_359 : i32 to index
        %parallel_loop3A_361 = arith.index_cast %parallel_loop3A_250 : i32 to index
        %parallel_loop3A_362 = tpu.vector_load %arg7[%parallel_loop3A_360, %parallel_loop3A_361] {strides = array<i32>} : memref<80x512xf32, #tpu.memory_space<vmem>>, vector<16xf32>,
        tpu.vector_store %arg7[%parallel_loop3A_360, %parallel_loop3A_361], %parallel_loop3A_358 {strides = array<i32>} : memref<80x512xf32, #tpu.memory_space<vmem>>, vector<16xf32>,
      } {sc.loop_unroll_factor = 32 : i64, sc.parallel_access}
      %mul3A_71 = arith.constant 80 : i32
      %mul3A_72 = arith.muli %mul3A_21, %mul3A_71 : i32
      %add3A_73 = arith.constant 48 : i32
      %add3A_74 = arith.addi %mul3A_72, %add3A_73 : i32
      %add3A_75 = arith.constant 16 : i32
      %add3A_76 = arith.addi %add3A_74, %add3A_75 : i32
      %get3A_77 = arith.index_cast %add3A_76 : i32 to index
      %get3A_78 = tpu.vector_load %arg5[%get3A_77] {strides = array<i32>} : memref<25600xi32, #tpu.memory_space<vmem>>, vector<16xi32>,
      %slice3A_79 = vector.extract_strided_slice %get3A_78 {offsets = [0], sizes = [1], strides = [1]} : vector<16xi32> to vector<1xi32>
      %squeeze3A_80 = vector.extract %slice3A_79[0] : i32 from vector<1xi32>
      %slice3A_81 = vector.extract_strided_slice %get3A_78 {offsets = [1], sizes = [1], strides = [1]} : vector<16xi32> to vector<1xi32>
      %squeeze3A_82 = vector.extract %slice3A_81[0] : i32 from vector<1xi32>
      %slice3A_83 = vector.extract_strided_slice %get3A_78 {offsets = [2], sizes = [1], strides = [1]} : vector<16xi32> to vector<1xi32>
      %squeeze3A_84 = vector.extract %slice3A_83[0] : i32 from vector<1xi32>
      %slice3A_85 = vector.extract_strided_slice %get3A_78 {offsets = [3], sizes = [1], strides = [1]} : vector<16xi32> to vector<1xi32>
      %squeeze3A_86 = vector.extract %slice3A_85[0] : i32 from vector<1xi32>
      %slice3A_87 = vector.extract_strided_slice %get3A_78 {offsets = [4], sizes = [1], strides = [1]} : vector<16xi32> to vector<1xi32>
      %squeeze3A_88 = vector.extract %slice3A_87[0] : i32 from vector<1xi32>
      %slice3A_89 = vector.extract_strided_slice %get3A_78 {offsets = [5], sizes = [1], strides = [1]} : vector<16xi32> to vector<1xi32>
      %squeeze3A_90 = vector.extract %slice3A_89[0] : i32 from vector<1xi32>
      %slice3A_91 = vector.extract_strided_slice %get3A_78 {offsets = [6], sizes = [1], strides = [1]} : vector<16xi32> to vector<1xi32>
      %squeeze3A_92 = vector.extract %slice3A_91[0] : i32 from vector<1xi32>
      %slice3A_93 = vector.extract_strided_slice %get3A_78 {offsets = [7], sizes = [1], strides = [1]} : vector<16xi32> to vector<1xi32>
      %squeeze3A_94 = vector.extract %slice3A_93[0] : i32 from vector<1xi32>
      %slice3A_95 = vector.extract_strided_slice %get3A_78 {offsets = [8], sizes = [1], strides = [1]} : vector<16xi32> to vector<1xi32>
      %squeeze3A_96 = vector.extract %slice3A_95[0] : i32 from vector<1xi32>
      %slice3A_97 = vector.extract_strided_slice %get3A_78 {offsets = [9], sizes = [1], strides = [1]} : vector<16xi32> to vector<1xi32>
      %squeeze3A_98 = vector.extract %slice3A_97[0] : i32 from vector<1xi32>
      %slice3A_99 = vector.extract_strided_slice %get3A_78 {offsets = [10], sizes = [1], strides = [1]} : vector<16xi32> to vector<1xi32>
      %squeeze3A_100 = vector.extract %slice3A_99[0] : i32 from vector<1xi32>
      %slice3A_101 = vector.extract_strided_slice %get3A_78 {offsets = [11], sizes = [1], strides = [1]} : vector<16xi32> to vector<1xi32>
      %squeeze3A_102 = vector.extract %slice3A_101[0] : i32 from vector<1xi32>
      %slice3A_103 = vector.extract_strided_slice %get3A_78 {offsets = [12], sizes = [1], strides = [1]} : vector<16xi32> to vector<1xi32>
      %squeeze3A_104 = vector.extract %slice3A_103[0] : i32 from vector<1xi32>
      %slice3A_105 = vector.extract_strided_slice %get3A_78 {offsets = [13], sizes = [1], strides = [1]} : vector<16xi32> to vector<1xi32>
      %squeeze3A_106 = vector.extract %slice3A_105[0] : i32 from vector<1xi32>
      %slice3A_107 = vector.extract_strided_slice %get3A_78 {offsets = [14], sizes = [1], strides = [1]} : vector<16xi32> to vector<1xi32>
      %squeeze3A_108 = vector.extract %slice3A_107[0] : i32 from vector<1xi32>
      %slice3A_109 = vector.extract_strided_slice %get3A_78 {offsets = [15], sizes = [1], strides = [1]} : vector<16xi32> to vector<1xi32>
      %squeeze3A_110 = vector.extract %slice3A_109[0] : i32 from vector<1xi32>
      %parallel_loop3A_111 = arith.constant 0 : i32
      %parallel_loop3A_112 = arith.constant 32 : i32
      %parallel_loop3A_113 = arith.constant 1 : i32
      scf.for %parallel_loop3A_248 = %parallel_loop3A_111 to %parallel_loop3A_112 step %parallel_loop3A_113  : i32 {
        %parallel_loop3A_249 = arith.constant 16 : i32
        %parallel_loop3A_250 = arith.muli %parallel_loop3A_248, %parallel_loop3A_249 : i32
        %parallel_loop3A_251 = arith.index_cast %squeeze3A_80 : i32 to index
        %parallel_loop3A_252 = arith.index_cast %parallel_loop3A_250 : i32 to index
        %parallel_loop3A_253 = tpu.vector_load %arg6[%parallel_loop3A_251, %parallel_loop3A_252] {strides = array<i32>} : memref<16x512xf32, #tpu.memory_space<vmem>>, vector<16xf32>,
        %parallel_loop3A_254 = arith.constant 64 : i32
        %parallel_loop3A_255 = arith.index_cast %parallel_loop3A_254 : i32 to index
        %parallel_loop3A_256 = arith.index_cast %parallel_loop3A_250 : i32 to index
        %parallel_loop3A_257 = tpu.vector_load %arg7[%parallel_loop3A_255, %parallel_loop3A_256] {strides = array<i32>} : memref<80x512xf32, #tpu.memory_space<vmem>>, vector<16xf32>,
        tpu.vector_store %arg7[%parallel_loop3A_255, %parallel_loop3A_256], %parallel_loop3A_253 {strides = array<i32>} : memref<80x512xf32, #tpu.memory_space<vmem>>, vector<16xf32>,
        %parallel_loop3A_258 = arith.index_cast %squeeze3A_82 : i32 to index
        %parallel_loop3A_259 = arith.index_cast %parallel_loop3A_250 : i32 to index
        %parallel_loop3A_260 = tpu.vector_load %arg6[%parallel_loop3A_258, %parallel_loop3A_259] {strides = array<i32>} : memref<16x512xf32, #tpu.memory_space<vmem>>, vector<16xf32>,
        %parallel_loop3A_261 = arith.constant 65 : i32
        %parallel_loop3A_262 = arith.index_cast %parallel_loop3A_261 : i32 to index
        %parallel_loop3A_263 = arith.index_cast %parallel_loop3A_250 : i32 to index
        %parallel_loop3A_264 = tpu.vector_load %arg7[%parallel_loop3A_262, %parallel_loop3A_263] {strides = array<i32>} : memref<80x512xf32, #tpu.memory_space<vmem>>, vector<16xf32>,
        tpu.vector_store %arg7[%parallel_loop3A_262, %parallel_loop3A_263], %parallel_loop3A_260 {strides = array<i32>} : memref<80x512xf32, #tpu.memory_space<vmem>>, vector<16xf32>,
        %parallel_loop3A_265 = arith.index_cast %squeeze3A_84 : i32 to index
        %parallel_loop3A_266 = arith.index_cast %parallel_loop3A_250 : i32 to index
        %parallel_loop3A_267 = tpu.vector_load %arg6[%parallel_loop3A_265, %parallel_loop3A_266] {strides = array<i32>} : memref<16x512xf32, #tpu.memory_space<vmem>>, vector<16xf32>,
        %parallel_loop3A_268 = arith.constant 66 : i32
        %parallel_loop3A_269 = arith.index_cast %parallel_loop3A_268 : i32 to index
        %parallel_loop3A_270 = arith.index_cast %parallel_loop3A_250 : i32 to index
        %parallel_loop3A_271 = tpu.vector_load %arg7[%parallel_loop3A_269, %parallel_loop3A_270] {strides = array<i32>} : memref<80x512xf32, #tpu.memory_space<vmem>>, vector<16xf32>,
        tpu.vector_store %arg7[%parallel_loop3A_269, %parallel_loop3A_270], %parallel_loop3A_267 {strides = array<i32>} : memref<80x512xf32, #tpu.memory_space<vmem>>, vector<16xf32>,
        %parallel_loop3A_272 = arith.index_cast %squeeze3A_86 : i32 to index
        %parallel_loop3A_273 = arith.index_cast %parallel_loop3A_250 : i32 to index
        %parallel_loop3A_274 = tpu.vector_load %arg6[%parallel_loop3A_272, %parallel_loop3A_273] {strides = array<i32>} : memref<16x512xf32, #tpu.memory_space<vmem>>, vector<16xf32>,
        %parallel_loop3A_275 = arith.constant 67 : i32
        %parallel_loop3A_276 = arith.index_cast %parallel_loop3A_275 : i32 to index
        %parallel_loop3A_277 = arith.index_cast %parallel_loop3A_250 : i32 to index
        %parallel_loop3A_278 = tpu.vector_load %arg7[%parallel_loop3A_276, %parallel_loop3A_277] {strides = array<i32>} : memref<80x512xf32, #tpu.memory_space<vmem>>, vector<16xf32>,
        tpu.vector_store %arg7[%parallel_loop3A_276, %parallel_loop3A_277], %parallel_loop3A_274 {strides = array<i32>} : memref<80x512xf32, #tpu.memory_space<vmem>>, vector<16xf32>,
        %parallel_loop3A_279 = arith.index_cast %squeeze3A_88 : i32 to index
        %parallel_loop3A_280 = arith.index_cast %parallel_loop3A_250 : i32 to index
        %parallel_loop3A_281 = tpu.vector_load %arg6[%parallel_loop3A_279, %parallel_loop3A_280] {strides = array<i32>} : memref<16x512xf32, #tpu.memory_space<vmem>>, vector<16xf32>,
        %parallel_loop3A_282 = arith.constant 68 : i32
        %parallel_loop3A_283 = arith.index_cast %parallel_loop3A_282 : i32 to index
        %parallel_loop3A_284 = arith.index_cast %parallel_loop3A_250 : i32 to index
        %parallel_loop3A_285 = tpu.vector_load %arg7[%parallel_loop3A_283, %parallel_loop3A_284] {strides = array<i32>} : memref<80x512xf32, #tpu.memory_space<vmem>>, vector<16xf32>,
        tpu.vector_store %arg7[%parallel_loop3A_283, %parallel_loop3A_284], %parallel_loop3A_281 {strides = array<i32>} : memref<80x512xf32, #tpu.memory_space<vmem>>, vector<16xf32>,
        %parallel_loop3A_286 = arith.index_cast %squeeze3A_90 : i32 to index
        %parallel_loop3A_287 = arith.index_cast %parallel_loop3A_250 : i32 to index
        %parallel_loop3A_288 = tpu.vector_load %arg6[%parallel_loop3A_286, %parallel_loop3A_287] {strides = array<i32>} : memref<16x512xf32, #tpu.memory_space<vmem>>, vector<16xf32>,
        %parallel_loop3A_289 = arith.constant 69 : i32
        %parallel_loop3A_290 = arith.index_cast %parallel_loop3A_289 : i32 to index
        %parallel_loop3A_291 = arith.index_cast %parallel_loop3A_250 : i32 to index
        %parallel_loop3A_292 = tpu.vector_load %arg7[%parallel_loop3A_290, %parallel_loop3A_291] {strides = array<i32>} : memref<80x512xf32, #tpu.memory_space<vmem>>, vector<16xf32>,
        tpu.vector_store %arg7[%parallel_loop3A_290, %parallel_loop3A_291], %parallel_loop3A_288 {strides = array<i32>} : memref<80x512xf32, #tpu.memory_space<vmem>>, vector<16xf32>,
        %parallel_loop3A_293 = arith.index_cast %squeeze3A_92 : i32 to index
        %parallel_loop3A_294 = arith.index_cast %parallel_loop3A_250 : i32 to index
        %parallel_loop3A_295 = tpu.vector_load %arg6[%parallel_loop3A_293, %parallel_loop3A_294] {strides = array<i32>} : memref<16x512xf32, #tpu.memory_space<vmem>>, vector<16xf32>,
        %parallel_loop3A_296 = arith.constant 70 : i32
        %parallel_loop3A_297 = arith.index_cast %parallel_loop3A_296 : i32 to index
        %parallel_loop3A_298 = arith.index_cast %parallel_loop3A_250 : i32 to index
        %parallel_loop3A_299 = tpu.vector_load %arg7[%parallel_loop3A_297, %parallel_loop3A_298] {strides = array<i32>} : memref<80x512xf32, #tpu.memory_space<vmem>>, vector<16xf32>,
        tpu.vector_store %arg7[%parallel_loop3A_297, %parallel_loop3A_298], %parallel_loop3A_295 {strides = array<i32>} : memref<80x512xf32, #tpu.memory_space<vmem>>, vector<16xf32>,
        %parallel_loop3A_300 = arith.index_cast %squeeze3A_94 : i32 to index
        %parallel_loop3A_301 = arith.index_cast %parallel_loop3A_250 : i32 to index
        %parallel_loop3A_302 = tpu.vector_load %arg6[%parallel_loop3A_300, %parallel_loop3A_301] {strides = array<i32>} : memref<16x512xf32, #tpu.memory_space<vmem>>, vector<16xf32>,
        %parallel_loop3A_303 = arith.constant 71 : i32
        %parallel_loop3A_304 = arith.index_cast %parallel_loop3A_303 : i32 to index
        %parallel_loop3A_305 = arith.index_cast %parallel_loop3A_250 : i32 to index
        %parallel_loop3A_306 = tpu.vector_load %arg7[%parallel_loop3A_304, %parallel_loop3A_305] {strides = array<i32>} : memref<80x512xf32, #tpu.memory_space<vmem>>, vector<16xf32>,
        tpu.vector_store %arg7[%parallel_loop3A_304, %parallel_loop3A_305], %parallel_loop3A_302 {strides = array<i32>} : memref<80x512xf32, #tpu.memory_space<vmem>>, vector<16xf32>,
        %parallel_loop3A_307 = arith.index_cast %squeeze3A_96 : i32 to index
        %parallel_loop3A_308 = arith.index_cast %parallel_loop3A_250 : i32 to index
        %parallel_loop3A_309 = tpu.vector_load %arg6[%parallel_loop3A_307, %parallel_loop3A_308] {strides = array<i32>} : memref<16x512xf32, #tpu.memory_space<vmem>>, vector<16xf32>,
        %parallel_loop3A_310 = arith.constant 72 : i32
        %parallel_loop3A_311 = arith.index_cast %parallel_loop3A_310 : i32 to index
        %parallel_loop3A_312 = arith.index_cast %parallel_loop3A_250 : i32 to index
        %parallel_loop3A_313 = tpu.vector_load %arg7[%parallel_loop3A_311, %parallel_loop3A_312] {strides = array<i32>} : memref<80x512xf32, #tpu.memory_space<vmem>>, vector<16xf32>,
        tpu.vector_store %arg7[%parallel_loop3A_311, %parallel_loop3A_312], %parallel_loop3A_309 {strides = array<i32>} : memref<80x512xf32, #tpu.memory_space<vmem>>, vector<16xf32>,
        %parallel_loop3A_314 = arith.index_cast %squeeze3A_98 : i32 to index
        %parallel_loop3A_315 = arith.index_cast %parallel_loop3A_250 : i32 to index
        %parallel_loop3A_316 = tpu.vector_load %arg6[%parallel_loop3A_314, %parallel_loop3A_315] {strides = array<i32>} : memref<16x512xf32, #tpu.memory_space<vmem>>, vector<16xf32>,
        %parallel_loop3A_317 = arith.constant 73 : i32
        %parallel_loop3A_318 = arith.index_cast %parallel_loop3A_317 : i32 to index
        %parallel_loop3A_319 = arith.index_cast %parallel_loop3A_250 : i32 to index
        %parallel_loop3A_320 = tpu.vector_load %arg7[%parallel_loop3A_318, %parallel_loop3A_319] {strides = array<i32>} : memref<80x512xf32, #tpu.memory_space<vmem>>, vector<16xf32>,
        tpu.vector_store %arg7[%parallel_loop3A_318, %parallel_loop3A_319], %parallel_loop3A_316 {strides = array<i32>} : memref<80x512xf32, #tpu.memory_space<vmem>>, vector<16xf32>,
        %parallel_loop3A_321 = arith.index_cast %squeeze3A_100 : i32 to index
        %parallel_loop3A_322 = arith.index_cast %parallel_loop3A_250 : i32 to index
        %parallel_loop3A_323 = tpu.vector_load %arg6[%parallel_loop3A_321, %parallel_loop3A_322] {strides = array<i32>} : memref<16x512xf32, #tpu.memory_space<vmem>>, vector<16xf32>,
        %parallel_loop3A_324 = arith.constant 74 : i32
        %parallel_loop3A_325 = arith.index_cast %parallel_loop3A_324 : i32 to index
        %parallel_loop3A_326 = arith.index_cast %parallel_loop3A_250 : i32 to index
        %parallel_loop3A_327 = tpu.vector_load %arg7[%parallel_loop3A_325, %parallel_loop3A_326] {strides = array<i32>} : memref<80x512xf32, #tpu.memory_space<vmem>>, vector<16xf32>,
        tpu.vector_store %arg7[%parallel_loop3A_325, %parallel_loop3A_326], %parallel_loop3A_323 {strides = array<i32>} : memref<80x512xf32, #tpu.memory_space<vmem>>, vector<16xf32>,
        %parallel_loop3A_328 = arith.index_cast %squeeze3A_102 : i32 to index
        %parallel_loop3A_329 = arith.index_cast %parallel_loop3A_250 : i32 to index
        %parallel_loop3A_330 = tpu.vector_load %arg6[%parallel_loop3A_328, %parallel_loop3A_329] {strides = array<i32>} : memref<16x512xf32, #tpu.memory_space<vmem>>, vector<16xf32>,
        %parallel_loop3A_331 = arith.constant 75 : i32
        %parallel_loop3A_332 = arith.index_cast %parallel_loop3A_331 : i32 to index
        %parallel_loop3A_333 = arith.index_cast %parallel_loop3A_250 : i32 to index
        %parallel_loop3A_334 = tpu.vector_load %arg7[%parallel_loop3A_332, %parallel_loop3A_333] {strides = array<i32>} : memref<80x512xf32, #tpu.memory_space<vmem>>, vector<16xf32>,
        tpu.vector_store %arg7[%parallel_loop3A_332, %parallel_loop3A_333], %parallel_loop3A_330 {strides = array<i32>} : memref<80x512xf32, #tpu.memory_space<vmem>>, vector<16xf32>,
        %parallel_loop3A_335 = arith.index_cast %squeeze3A_104 : i32 to index
        %parallel_loop3A_336 = arith.index_cast %parallel_loop3A_250 : i32 to index
        %parallel_loop3A_337 = tpu.vector_load %arg6[%parallel_loop3A_335, %parallel_loop3A_336] {strides = array<i32>} : memref<16x512xf32, #tpu.memory_space<vmem>>, vector<16xf32>,
        %parallel_loop3A_338 = arith.constant 76 : i32
        %parallel_loop3A_339 = arith.index_cast %parallel_loop3A_338 : i32 to index
        %parallel_loop3A_340 = arith.index_cast %parallel_loop3A_250 : i32 to index
        %parallel_loop3A_341 = tpu.vector_load %arg7[%parallel_loop3A_339, %parallel_loop3A_340] {strides = array<i32>} : memref<80x512xf32, #tpu.memory_space<vmem>>, vector<16xf32>,
        tpu.vector_store %arg7[%parallel_loop3A_339, %parallel_loop3A_340], %parallel_loop3A_337 {strides = array<i32>} : memref<80x512xf32, #tpu.memory_space<vmem>>, vector<16xf32>,
        %parallel_loop3A_342 = arith.index_cast %squeeze3A_106 : i32 to index
        %parallel_loop3A_343 = arith.index_cast %parallel_loop3A_250 : i32 to index
        %parallel_loop3A_344 = tpu.vector_load %arg6[%parallel_loop3A_342, %parallel_loop3A_343] {strides = array<i32>} : memref<16x512xf32, #tpu.memory_space<vmem>>, vector<16xf32>,
        %parallel_loop3A_345 = arith.constant 77 : i32
        %parallel_loop3A_346 = arith.index_cast %parallel_loop3A_345 : i32 to index
        %parallel_loop3A_347 = arith.index_cast %parallel_loop3A_250 : i32 to index
        %parallel_loop3A_348 = tpu.vector_load %arg7[%parallel_loop3A_346, %parallel_loop3A_347] {strides = array<i32>} : memref<80x512xf32, #tpu.memory_space<vmem>>, vector<16xf32>,
        tpu.vector_store %arg7[%parallel_loop3A_346, %parallel_loop3A_347], %parallel_loop3A_344 {strides = array<i32>} : memref<80x512xf32, #tpu.memory_space<vmem>>, vector<16xf32>,
        %parallel_loop3A_349 = arith.index_cast %squeeze3A_108 : i32 to index
        %parallel_loop3A_350 = arith.index_cast %parallel_loop3A_250 : i32 to index
        %parallel_loop3A_351 = tpu.vector_load %arg6[%parallel_loop3A_349, %parallel_loop3A_350] {strides = array<i32>} : memref<16x512xf32, #tpu.memory_space<vmem>>, vector<16xf32>,
        %parallel_loop3A_352 = arith.constant 78 : i32
        %parallel_loop3A_353 = arith.index_cast %parallel_loop3A_352 : i32 to index
        %parallel_loop3A_354 = arith.index_cast %parallel_loop3A_250 : i32 to index
        %parallel_loop3A_355 = tpu.vector_load %arg7[%parallel_loop3A_353, %parallel_loop3A_354] {strides = array<i32>} : memref<80x512xf32, #tpu.memory_space<vmem>>, vector<16xf32>,
        tpu.vector_store %arg7[%parallel_loop3A_353, %parallel_loop3A_354], %parallel_loop3A_351 {strides = array<i32>} : memref<80x512xf32, #tpu.memory_space<vmem>>, vector<16xf32>,
        %parallel_loop3A_356 = arith.index_cast %squeeze3A_110 : i32 to index
        %parallel_loop3A_357 = arith.index_cast %parallel_loop3A_250 : i32 to index
        %parallel_loop3A_358 = tpu.vector_load %arg6[%parallel_loop3A_356, %parallel_loop3A_357] {strides = array<i32>} : memref<16x512xf32, #tpu.memory_space<vmem>>, vector<16xf32>,
        %parallel_loop3A_359 = arith.constant 79 : i32
        %parallel_loop3A_360 = arith.index_cast %parallel_loop3A_359 : i32 to index
        %parallel_loop3A_361 = arith.index_cast %parallel_loop3A_250 : i32 to index
        %parallel_loop3A_362 = tpu.vector_load %arg7[%parallel_loop3A_360, %parallel_loop3A_361] {strides = array<i32>} : memref<80x512xf32, #tpu.memory_space<vmem>>, vector<16xf32>,
        tpu.vector_store %arg7[%parallel_loop3A_360, %parallel_loop3A_361], %parallel_loop3A_358 {strides = array<i32>} : memref<80x512xf32, #tpu.memory_space<vmem>>, vector<16xf32>,
      } {sc.loop_unroll_factor = 32 : i64, sc.parallel_access}
      %dma_wait3A_114 = arith.constant 0 : i32
      %dma_wait3A_115 = arith.constant 0 : i32
      %dma_wait3A_116 = tpu.memref_slice %arg7[%dma_wait3A_114, %dma_wait3A_115] : memref<80x512xf32, #tpu.memory_space<vmem>> -> memref<48x512xf32, #tpu.memory_space<vmem>>
      %dma_wait3A_117 = arith.constant 0 : i32
      %dma_wait3A_118 = tpu.memref_slice %arg5[%dma_wait3A_117] : memref<25600xi32, #tpu.memory_space<vmem>> -> memref<48xi32, #tpu.memory_space<vmem>>
      %dma_wait3A_119 = arith.constant 0 : i32
      %dma_wait3A_120 = arith.constant 0 : i32
      %dma_wait3A_121 = tpu.memref_slice %arg3[%dma_wait3A_119, %dma_wait3A_120] : memref<320x512xf32, #tpu.memory_space<hbm>> -> memref<320x512xf32, #tpu.memory_space<hbm>>
      tpu.wait_indirect_dma semaphore(%arg9 : memref<!tpu.dma_semaphore, #tpu.memory_space<semaphore_mem>>) src(%dma_wait3A_121 : memref<320x512xf32, #tpu.memory_space<hbm>>) dst(%dma_wait3A_116 : memref<48x512xf32, #tpu.memory_space<vmem>>)
      %mul3A_122 = arith.constant 80 : i32
      %mul3A_123 = arith.muli %mul3A_21, %mul3A_122 : i32
      %add3A_124 = arith.addi %mul3A_2, %mul3A_123 : i32
      %dma_start3A_125 = arith.constant 0 : i32
      %dma_start3A_126 = tpu.memref_slice %arg4[%add3A_124, %dma_start3A_125] : memref<819200x512xf32, #tpu.memory_space<hbm>> -> memref<80x512xf32, #tpu.memory_space<hbm>>
      %dma_start3A_127 = arith.constant 0 : i32
      %dma_start3A_128 = tpu.memref_slice %arg4[%add3A_124, %dma_start3A_127] : memref<819200x512xf32, #tpu.memory_space<hbm>> -> memref<80x512xf32, #tpu.memory_space<hbm>>
      tpu.enqueue_dma source(%arg7 : memref<80x512xf32, #tpu.memory_space<vmem>>) target(%dma_start3A_128 : memref<80x512xf32, #tpu.memory_space<hbm>>) target_semaphore(%arg11 : memref<!tpu.dma_semaphore, #tpu.memory_space<semaphore_mem>>)
      %mul3A_129 = arith.constant 2 : i32
      %mul3A_130 = arith.muli %mul3A_129, %scan3A_19 : i32
      %add3A_131 = arith.constant 1 : i32
      %add3A_132 = arith.addi %mul3A_130, %add3A_131 : i32
      %ge3A_133 = arith.constant 2 : i32
      %ge3A_134 = arith.cmpi sge, %add3A_132, %ge3A_133 : i32
      %convert_element_type3A_135 = arith.extui %ge3A_134 : i1 to i32
      %cond3A_136 = arith.constant 0 : i32
      %cond3A_137 = arith.cmpi ne, %convert_element_type3A_135, %cond3A_136 : i32
      scf.if %cond3A_137 {
        %dma_wait3A_248 = arith.constant 0 : i32
        %dma_wait3A_249 = arith.constant 0 : i32
        %dma_wait3A_250 = tpu.memref_slice %arg4[%dma_wait3A_248, %dma_wait3A_249] : memref<819200x512xf32, #tpu.memory_space<hbm>> -> memref<80x512xf32, #tpu.memory_space<hbm>>
        %dma_wait3A_251 = arith.constant 0 : i32
        %dma_wait3A_252 = arith.constant 0 : i32
        %dma_wait3A_253 = tpu.memref_slice %arg4[%dma_wait3A_251, %dma_wait3A_252] : memref<819200x512xf32, #tpu.memory_space<hbm>> -> memref<80x512xf32, #tpu.memory_space<hbm>>
        tpu.wait_dma2 semaphore(%arg12 : memref<!tpu.dma_semaphore, #tpu.memory_space<semaphore_mem>>) src(%arg8 : memref<80x512xf32, #tpu.memory_space<vmem>>) dst(%dma_wait3A_253 : memref<80x512xf32, #tpu.memory_space<hbm>>)
      } else {
      }
      %mul3A_138 = arith.constant 80 : i32
      %mul3A_139 = arith.muli %add3A_132, %mul3A_138 : i32
      %dma_start3A_140 = arith.constant 0 : i32
      %dma_start3A_141 = arith.constant 0 : i32
      %dma_start3A_142 = tpu.memref_slice %arg8[%dma_start3A_140, %dma_start3A_141] : memref<80x512xf32, #tpu.memory_space<vmem>> -> memref<48x512xf32, #tpu.memory_space<vmem>>
      %dma_start3A_143 = tpu.memref_slice %arg5[%mul3A_139] : memref<25600xi32, #tpu.memory_space<vmem>> -> memref<48xi32, #tpu.memory_space<vmem>>
      %dma_start3A_144 = arith.constant 0 : i32
      %dma_start3A_145 = arith.constant 0 : i32
      %dma_start3A_146 = tpu.memref_slice %arg3[%dma_start3A_144, %dma_start3A_145] : memref<320x512xf32, #tpu.memory_space<hbm>> -> memref<320x512xf32, #tpu.memory_space<hbm>>
      tpu.enqueue_indirect_dma source(%dma_start3A_146 : memref<320x512xf32, #tpu.memory_space<hbm>>) target(%dma_start3A_142 : memref<48x512xf32, #tpu.memory_space<vmem>>) offsets(%dma_start3A_143 : memref<48xi32, #tpu.memory_space<vmem>>) semaphore(%arg10 : memref<!tpu.dma_semaphore, #tpu.memory_space<semaphore_mem>>)
      %mul3A_147 = arith.constant 80 : i32
      %mul3A_148 = arith.muli %add3A_132, %mul3A_147 : i32
      %add3A_149 = arith.constant 48 : i32
      %add3A_150 = arith.addi %mul3A_148, %add3A_149 : i32
      %add3A_151 = arith.constant 0 : i32
      %add3A_152 = arith.addi %add3A_150, %add3A_151 : i32
      %get3A_153 = arith.index_cast %add3A_152 : i32 to index
      %get3A_154 = tpu.vector_load %arg5[%get3A_153] {strides = array<i32>} : memref<25600xi32, #tpu.memory_space<vmem>>, vector<16xi32>,
      %slice3A_155 = vector.extract_strided_slice %get3A_154 {offsets = [0], sizes = [1], strides = [1]} : vector<16xi32> to vector<1xi32>
      %squeeze3A_156 = vector.extract %slice3A_155[0] : i32 from vector<1xi32>
      %slice3A_157 = vector.extract_strided_slice %get3A_154 {offsets = [1], sizes = [1], strides = [1]} : vector<16xi32> to vector<1xi32>
      %squeeze3A_158 = vector.extract %slice3A_157[0] : i32 from vector<1xi32>
      %slice3A_159 = vector.extract_strided_slice %get3A_154 {offsets = [2], sizes = [1], strides = [1]} : vector<16xi32> to vector<1xi32>
      %squeeze3A_160 = vector.extract %slice3A_159[0] : i32 from vector<1xi32>
      %slice3A_161 = vector.extract_strided_slice %get3A_154 {offsets = [3], sizes = [1], strides = [1]} : vector<16xi32> to vector<1xi32>
      %squeeze3A_162 = vector.extract %slice3A_161[0] : i32 from vector<1xi32>
      %slice3A_163 = vector.extract_strided_slice %get3A_154 {offsets = [4], sizes = [1], strides = [1]} : vector<16xi32> to vector<1xi32>
      %squeeze3A_164 = vector.extract %slice3A_163[0] : i32 from vector<1xi32>
      %slice3A_165 = vector.extract_strided_slice %get3A_154 {offsets = [5], sizes = [1], strides = [1]} : vector<16xi32> to vector<1xi32>
      %squeeze3A_166 = vector.extract %slice3A_165[0] : i32 from vector<1xi32>
      %slice3A_167 = vector.extract_strided_slice %get3A_154 {offsets = [6], sizes = [1], strides = [1]} : vector<16xi32> to vector<1xi32>
      %squeeze3A_168 = vector.extract %slice3A_167[0] : i32 from vector<1xi32>
      %slice3A_169 = vector.extract_strided_slice %get3A_154 {offsets = [7], sizes = [1], strides = [1]} : vector<16xi32> to vector<1xi32>
      %squeeze3A_170 = vector.extract %slice3A_169[0] : i32 from vector<1xi32>
      %slice3A_171 = vector.extract_strided_slice %get3A_154 {offsets = [8], sizes = [1], strides = [1]} : vector<16xi32> to vector<1xi32>
      %squeeze3A_172 = vector.extract %slice3A_171[0] : i32 from vector<1xi32>
      %slice3A_173 = vector.extract_strided_slice %get3A_154 {offsets = [9], sizes = [1], strides = [1]} : vector<16xi32> to vector<1xi32>
      %squeeze3A_174 = vector.extract %slice3A_173[0] : i32 from vector<1xi32>
      %slice3A_175 = vector.extract_strided_slice %get3A_154 {offsets = [10], sizes = [1], strides = [1]} : vector<16xi32> to vector<1xi32>
      %squeeze3A_176 = vector.extract %slice3A_175[0] : i32 from vector<1xi32>
      %slice3A_177 = vector.extract_strided_slice %get3A_154 {offsets = [11], sizes = [1], strides = [1]} : vector<16xi32> to vector<1xi32>
      %squeeze3A_178 = vector.extract %slice3A_177[0] : i32 from vector<1xi32>
      %slice3A_179 = vector.extract_strided_slice %get3A_154 {offsets = [12], sizes = [1], strides = [1]} : vector<16xi32> to vector<1xi32>
      %squeeze3A_180 = vector.extract %slice3A_179[0] : i32 from vector<1xi32>
      %slice3A_181 = vector.extract_strided_slice %get3A_154 {offsets = [13], sizes = [1], strides = [1]} : vector<16xi32> to vector<1xi32>
      %squeeze3A_182 = vector.extract %slice3A_181[0] : i32 from vector<1xi32>
      %slice3A_183 = vector.extract_strided_slice %get3A_154 {offsets = [14], sizes = [1], strides = [1]} : vector<16xi32> to vector<1xi32>
      %squeeze3A_184 = vector.extract %slice3A_183[0] : i32 from vector<1xi32>
      %slice3A_185 = vector.extract_strided_slice %get3A_154 {offsets = [15], sizes = [1], strides = [1]} : vector<16xi32> to vector<1xi32>
      %squeeze3A_186 = vector.extract %slice3A_185[0] : i32 from vector<1xi32>
      %parallel_loop3A_187 = arith.constant 0 : i32
      %parallel_loop3A_188 = arith.constant 32 : i32
      %parallel_loop3A_189 = arith.constant 1 : i32
      scf.for %parallel_loop3A_248 = %parallel_loop3A_187 to %parallel_loop3A_188 step %parallel_loop3A_189  : i32 {
        %parallel_loop3A_249 = arith.constant 16 : i32
        %parallel_loop3A_250 = arith.muli %parallel_loop3A_248, %parallel_loop3A_249 : i32
        %parallel_loop3A_251 = arith.index_cast %squeeze3A_156 : i32 to index
        %parallel_loop3A_252 = arith.index_cast %parallel_loop3A_250 : i32 to index
        %parallel_loop3A_253 = tpu.vector_load %arg6[%parallel_loop3A_251, %parallel_loop3A_252] {strides = array<i32>} : memref<16x512xf32, #tpu.memory_space<vmem>>, vector<16xf32>,
        %parallel_loop3A_254 = arith.constant 48 : i32
        %parallel_loop3A_255 = arith.index_cast %parallel_loop3A_254 : i32 to index
        %parallel_loop3A_256 = arith.index_cast %parallel_loop3A_250 : i32 to index
        %parallel_loop3A_257 = tpu.vector_load %arg8[%parallel_loop3A_255, %parallel_loop3A_256] {strides = array<i32>} : memref<80x512xf32, #tpu.memory_space<vmem>>, vector<16xf32>,
        tpu.vector_store %arg8[%parallel_loop3A_255, %parallel_loop3A_256], %parallel_loop3A_253 {strides = array<i32>} : memref<80x512xf32, #tpu.memory_space<vmem>>, vector<16xf32>,
        %parallel_loop3A_258 = arith.index_cast %squeeze3A_158 : i32 to index
        %parallel_loop3A_259 = arith.index_cast %parallel_loop3A_250 : i32 to index
        %parallel_loop3A_260 = tpu.vector_load %arg6[%parallel_loop3A_258, %parallel_loop3A_259] {strides = array<i32>} : memref<16x512xf32, #tpu.memory_space<vmem>>, vector<16xf32>,
        %parallel_loop3A_261 = arith.constant 49 : i32
        %parallel_loop3A_262 = arith.index_cast %parallel_loop3A_261 : i32 to index
        %parallel_loop3A_263 = arith.index_cast %parallel_loop3A_250 : i32 to index
        %parallel_loop3A_264 = tpu.vector_load %arg8[%parallel_loop3A_262, %parallel_loop3A_263] {strides = array<i32>} : memref<80x512xf32, #tpu.memory_space<vmem>>, vector<16xf32>,
        tpu.vector_store %arg8[%parallel_loop3A_262, %parallel_loop3A_263], %parallel_loop3A_260 {strides = array<i32>} : memref<80x512xf32, #tpu.memory_space<vmem>>, vector<16xf32>,
        %parallel_loop3A_265 = arith.index_cast %squeeze3A_160 : i32 to index
        %parallel_loop3A_266 = arith.index_cast %parallel_loop3A_250 : i32 to index
        %parallel_loop3A_267 = tpu.vector_load %arg6[%parallel_loop3A_265, %parallel_loop3A_266] {strides = array<i32>} : memref<16x512xf32, #tpu.memory_space<vmem>>, vector<16xf32>,
        %parallel_loop3A_268 = arith.constant 50 : i32
        %parallel_loop3A_269 = arith.index_cast %parallel_loop3A_268 : i32 to index
        %parallel_loop3A_270 = arith.index_cast %parallel_loop3A_250 : i32 to index
        %parallel_loop3A_271 = tpu.vector_load %arg8[%parallel_loop3A_269, %parallel_loop3A_270] {strides = array<i32>} : memref<80x512xf32, #tpu.memory_space<vmem>>, vector<16xf32>,
        tpu.vector_store %arg8[%parallel_loop3A_269, %parallel_loop3A_270], %parallel_loop3A_267 {strides = array<i32>} : memref<80x512xf32, #tpu.memory_space<vmem>>, vector<16xf32>,
        %parallel_loop3A_272 = arith.index_cast %squeeze3A_162 : i32 to index
        %parallel_loop3A_273 = arith.index_cast %parallel_loop3A_250 : i32 to index
        %parallel_loop3A_274 = tpu.vector_load %arg6[%parallel_loop3A_272, %parallel_loop3A_273] {strides = array<i32>} : memref<16x512xf32, #tpu.memory_space<vmem>>, vector<16xf32>,
        %parallel_loop3A_275 = arith.constant 51 : i32
        %parallel_loop3A_276 = arith.index_cast %parallel_loop3A_275 : i32 to index
        %parallel_loop3A_277 = arith.index_cast %parallel_loop3A_250 : i32 to index
        %parallel_loop3A_278 = tpu.vector_load %arg8[%parallel_loop3A_276, %parallel_loop3A_277] {strides = array<i32>} : memref<80x512xf32, #tpu.memory_space<vmem>>, vector<16xf32>,
        tpu.vector_store %arg8[%parallel_loop3A_276, %parallel_loop3A_277], %parallel_loop3A_274 {strides = array<i32>} : memref<80x512xf32, #tpu.memory_space<vmem>>, vector<16xf32>,
        %parallel_loop3A_279 = arith.index_cast %squeeze3A_164 : i32 to index
        %parallel_loop3A_280 = arith.index_cast %parallel_loop3A_250 : i32 to index
        %parallel_loop3A_281 = tpu.vector_load %arg6[%parallel_loop3A_279, %parallel_loop3A_280] {strides = array<i32>} : memref<16x512xf32, #tpu.memory_space<vmem>>, vector<16xf32>,
        %parallel_loop3A_282 = arith.constant 52 : i32
        %parallel_loop3A_283 = arith.index_cast %parallel_loop3A_282 : i32 to index
        %parallel_loop3A_284 = arith.index_cast %parallel_loop3A_250 : i32 to index
        %parallel_loop3A_285 = tpu.vector_load %arg8[%parallel_loop3A_283, %parallel_loop3A_284] {strides = array<i32>} : memref<80x512xf32, #tpu.memory_space<vmem>>, vector<16xf32>,
        tpu.vector_store %arg8[%parallel_loop3A_283, %parallel_loop3A_284], %parallel_loop3A_281 {strides = array<i32>} : memref<80x512xf32, #tpu.memory_space<vmem>>, vector<16xf32>,
        %parallel_loop3A_286 = arith.index_cast %squeeze3A_166 : i32 to index
        %parallel_loop3A_287 = arith.index_cast %parallel_loop3A_250 : i32 to index
        %parallel_loop3A_288 = tpu.vector_load %arg6[%parallel_loop3A_286, %parallel_loop3A_287] {strides = array<i32>} : memref<16x512xf32, #tpu.memory_space<vmem>>, vector<16xf32>,
        %parallel_loop3A_289 = arith.constant 53 : i32
        %parallel_loop3A_290 = arith.index_cast %parallel_loop3A_289 : i32 to index
        %parallel_loop3A_291 = arith.index_cast %parallel_loop3A_250 : i32 to index
        %parallel_loop3A_292 = tpu.vector_load %arg8[%parallel_loop3A_290, %parallel_loop3A_291] {strides = array<i32>} : memref<80x512xf32, #tpu.memory_space<vmem>>, vector<16xf32>,
        tpu.vector_store %arg8[%parallel_loop3A_290, %parallel_loop3A_291], %parallel_loop3A_288 {strides = array<i32>} : memref<80x512xf32, #tpu.memory_space<vmem>>, vector<16xf32>,
        %parallel_loop3A_293 = arith.index_cast %squeeze3A_168 : i32 to index
        %parallel_loop3A_294 = arith.index_cast %parallel_loop3A_250 : i32 to index
        %parallel_loop3A_295 = tpu.vector_load %arg6[%parallel_loop3A_293, %parallel_loop3A_294] {strides = array<i32>} : memref<16x512xf32, #tpu.memory_space<vmem>>, vector<16xf32>,
        %parallel_loop3A_296 = arith.constant 54 : i32
        %parallel_loop3A_297 = arith.index_cast %parallel_loop3A_296 : i32 to index
        %parallel_loop3A_298 = arith.index_cast %parallel_loop3A_250 : i32 to index
        %parallel_loop3A_299 = tpu.vector_load %arg8[%parallel_loop3A_297, %parallel_loop3A_298] {strides = array<i32>} : memref<80x512xf32, #tpu.memory_space<vmem>>, vector<16xf32>,
        tpu.vector_store %arg8[%parallel_loop3A_297, %parallel_loop3A_298], %parallel_loop3A_295 {strides = array<i32>} : memref<80x512xf32, #tpu.memory_space<vmem>>, vector<16xf32>,
        %parallel_loop3A_300 = arith.index_cast %squeeze3A_170 : i32 to index
        %parallel_loop3A_301 = arith.index_cast %parallel_loop3A_250 : i32 to index
        %parallel_loop3A_302 = tpu.vector_load %arg6[%parallel_loop3A_300, %parallel_loop3A_301] {strides = array<i32>} : memref<16x512xf32, #tpu.memory_space<vmem>>, vector<16xf32>,
        %parallel_loop3A_303 = arith.constant 55 : i32
        %parallel_loop3A_304 = arith.index_cast %parallel_loop3A_303 : i32 to index
        %parallel_loop3A_305 = arith.index_cast %parallel_loop3A_250 : i32 to index
        %parallel_loop3A_306 = tpu.vector_load %arg8[%parallel_loop3A_304, %parallel_loop3A_305] {strides = array<i32>} : memref<80x512xf32, #tpu.memory_space<vmem>>, vector<16xf32>,
        tpu.vector_store %arg8[%parallel_loop3A_304, %parallel_loop3A_305], %parallel_loop3A_302 {strides = array<i32>} : memref<80x512xf32, #tpu.memory_space<vmem>>, vector<16xf32>,
        %parallel_loop3A_307 = arith.index_cast %squeeze3A_172 : i32 to index
        %parallel_loop3A_308 = arith.index_cast %parallel_loop3A_250 : i32 to index
        %parallel_loop3A_309 = tpu.vector_load %arg6[%parallel_loop3A_307, %parallel_loop3A_308] {strides = array<i32>} : memref<16x512xf32, #tpu.memory_space<vmem>>, vector<16xf32>,
        %parallel_loop3A_310 = arith.constant 56 : i32
        %parallel_loop3A_311 = arith.index_cast %parallel_loop3A_310 : i32 to index
        %parallel_loop3A_312 = arith.index_cast %parallel_loop3A_250 : i32 to index
        %parallel_loop3A_313 = tpu.vector_load %arg8[%parallel_loop3A_311, %parallel_loop3A_312] {strides = array<i32>} : memref<80x512xf32, #tpu.memory_space<vmem>>, vector<16xf32>,
        tpu.vector_store %arg8[%parallel_loop3A_311, %parallel_loop3A_312], %parallel_loop3A_309 {strides = array<i32>} : memref<80x512xf32, #tpu.memory_space<vmem>>, vector<16xf32>,
        %parallel_loop3A_314 = arith.index_cast %squeeze3A_174 : i32 to index
        %parallel_loop3A_315 = arith.index_cast %parallel_loop3A_250 : i32 to index
        %parallel_loop3A_316 = tpu.vector_load %arg6[%parallel_loop3A_314, %parallel_loop3A_315] {strides = array<i32>} : memref<16x512xf32, #tpu.memory_space<vmem>>, vector<16xf32>,
        %parallel_loop3A_317 = arith.constant 57 : i32
        %parallel_loop3A_318 = arith.index_cast %parallel_loop3A_317 : i32 to index
        %parallel_loop3A_319 = arith.index_cast %parallel_loop3A_250 : i32 to index
        %parallel_loop3A_320 = tpu.vector_load %arg8[%parallel_loop3A_318, %parallel_loop3A_319] {strides = array<i32>} : memref<80x512xf32, #tpu.memory_space<vmem>>, vector<16xf32>,
        tpu.vector_store %arg8[%parallel_loop3A_318, %parallel_loop3A_319], %parallel_loop3A_316 {strides = array<i32>} : memref<80x512xf32, #tpu.memory_space<vmem>>, vector<16xf32>,
        %parallel_loop3A_321 = arith.index_cast %squeeze3A_176 : i32 to index
        %parallel_loop3A_322 = arith.index_cast %parallel_loop3A_250 : i32 to index
        %parallel_loop3A_323 = tpu.vector_load %arg6[%parallel_loop3A_321, %parallel_loop3A_322] {strides = array<i32>} : memref<16x512xf32, #tpu.memory_space<vmem>>, vector<16xf32>,
        %parallel_loop3A_324 = arith.constant 58 : i32
        %parallel_loop3A_325 = arith.index_cast %parallel_loop3A_324 : i32 to index
        %parallel_loop3A_326 = arith.index_cast %parallel_loop3A_250 : i32 to index
        %parallel_loop3A_327 = tpu.vector_load %arg8[%parallel_loop3A_325, %parallel_loop3A_326] {strides = array<i32>} : memref<80x512xf32, #tpu.memory_space<vmem>>, vector<16xf32>,
        tpu.vector_store %arg8[%parallel_loop3A_325, %parallel_loop3A_326], %parallel_loop3A_323 {strides = array<i32>} : memref<80x512xf32, #tpu.memory_space<vmem>>, vector<16xf32>,
        %parallel_loop3A_328 = arith.index_cast %squeeze3A_178 : i32 to index
        %parallel_loop3A_329 = arith.index_cast %parallel_loop3A_250 : i32 to index
        %parallel_loop3A_330 = tpu.vector_load %arg6[%parallel_loop3A_328, %parallel_loop3A_329] {strides = array<i32>} : memref<16x512xf32, #tpu.memory_space<vmem>>, vector<16xf32>,
        %parallel_loop3A_331 = arith.constant 59 : i32
        %parallel_loop3A_332 = arith.index_cast %parallel_loop3A_331 : i32 to index
        %parallel_loop3A_333 = arith.index_cast %parallel_loop3A_250 : i32 to index
        %parallel_loop3A_334 = tpu.vector_load %arg8[%parallel_loop3A_332, %parallel_loop3A_333] {strides = array<i32>} : memref<80x512xf32, #tpu.memory_space<vmem>>, vector<16xf32>,
        tpu.vector_store %arg8[%parallel_loop3A_332, %parallel_loop3A_333], %parallel_loop3A_330 {strides = array<i32>} : memref<80x512xf32, #tpu.memory_space<vmem>>, vector<16xf32>,
        %parallel_loop3A_335 = arith.index_cast %squeeze3A_180 : i32 to index
        %parallel_loop3A_336 = arith.index_cast %parallel_loop3A_250 : i32 to index
        %parallel_loop3A_337 = tpu.vector_load %arg6[%parallel_loop3A_335, %parallel_loop3A_336] {strides = array<i32>} : memref<16x512xf32, #tpu.memory_space<vmem>>, vector<16xf32>,
        %parallel_loop3A_338 = arith.constant 60 : i32
        %parallel_loop3A_339 = arith.index_cast %parallel_loop3A_338 : i32 to index
        %parallel_loop3A_340 = arith.index_cast %parallel_loop3A_250 : i32 to index
        %parallel_loop3A_341 = tpu.vector_load %arg8[%parallel_loop3A_339, %parallel_loop3A_340] {strides = array<i32>} : memref<80x512xf32, #tpu.memory_space<vmem>>, vector<16xf32>,
        tpu.vector_store %arg8[%parallel_loop3A_339, %parallel_loop3A_340], %parallel_loop3A_337 {strides = array<i32>} : memref<80x512xf32, #tpu.memory_space<vmem>>, vector<16xf32>,
        %parallel_loop3A_342 = arith.index_cast %squeeze3A_182 : i32 to index
        %parallel_loop3A_343 = arith.index_cast %parallel_loop3A_250 : i32 to index
        %parallel_loop3A_344 = tpu.vector_load %arg6[%parallel_loop3A_342, %parallel_loop3A_343] {strides = array<i32>} : memref<16x512xf32, #tpu.memory_space<vmem>>, vector<16xf32>,
        %parallel_loop3A_345 = arith.constant 61 : i32
        %parallel_loop3A_346 = arith.index_cast %parallel_loop3A_345 : i32 to index
        %parallel_loop3A_347 = arith.index_cast %parallel_loop3A_250 : i32 to index
        %parallel_loop3A_348 = tpu.vector_load %arg8[%parallel_loop3A_346, %parallel_loop3A_347] {strides = array<i32>} : memref<80x512xf32, #tpu.memory_space<vmem>>, vector<16xf32>,
        tpu.vector_store %arg8[%parallel_loop3A_346, %parallel_loop3A_347], %parallel_loop3A_344 {strides = array<i32>} : memref<80x512xf32, #tpu.memory_space<vmem>>, vector<16xf32>,
        %parallel_loop3A_349 = arith.index_cast %squeeze3A_184 : i32 to index
        %parallel_loop3A_350 = arith.index_cast %parallel_loop3A_250 : i32 to index
        %parallel_loop3A_351 = tpu.vector_load %arg6[%parallel_loop3A_349, %parallel_loop3A_350] {strides = array<i32>} : memref<16x512xf32, #tpu.memory_space<vmem>>, vector<16xf32>,
        %parallel_loop3A_352 = arith.constant 62 : i32
        %parallel_loop3A_353 = arith.index_cast %parallel_loop3A_352 : i32 to index
        %parallel_loop3A_354 = arith.index_cast %parallel_loop3A_250 : i32 to index
        %parallel_loop3A_355 = tpu.vector_load %arg8[%parallel_loop3A_353, %parallel_loop3A_354] {strides = array<i32>} : memref<80x512xf32, #tpu.memory_space<vmem>>, vector<16xf32>,
        tpu.vector_store %arg8[%parallel_loop3A_353, %parallel_loop3A_354], %parallel_loop3A_351 {strides = array<i32>} : memref<80x512xf32, #tpu.memory_space<vmem>>, vector<16xf32>,
        %parallel_loop3A_356 = arith.index_cast %squeeze3A_186 : i32 to index
        %parallel_loop3A_357 = arith.index_cast %parallel_loop3A_250 : i32 to index
        %parallel_loop3A_358 = tpu.vector_load %arg6[%parallel_loop3A_356, %parallel_loop3A_357] {strides = array<i32>} : memref<16x512xf32, #tpu.memory_space<vmem>>, vector<16xf32>,
        %parallel_loop3A_359 = arith.constant 63 : i32
        %parallel_loop3A_360 = arith.index_cast %parallel_loop3A_359 : i32 to index
        %parallel_loop3A_361 = arith.index_cast %parallel_loop3A_250 : i32 to index
        %parallel_loop3A_362 = tpu.vector_load %arg8[%parallel_loop3A_360, %parallel_loop3A_361] {strides = array<i32>} : memref<80x512xf32, #tpu.memory_space<vmem>>, vector<16xf32>,
        tpu.vector_store %arg8[%parallel_loop3A_360, %parallel_loop3A_361], %parallel_loop3A_358 {strides = array<i32>} : memref<80x512xf32, #tpu.memory_space<vmem>>, vector<16xf32>,
      } {sc.loop_unroll_factor = 32 : i64, sc.parallel_access}
      %mul3A_190 = arith.constant 80 : i32
      %mul3A_191 = arith.muli %add3A_132, %mul3A_190 : i32
      %add3A_192 = arith.constant 48 : i32
      %add3A_193 = arith.addi %mul3A_191, %add3A_192 : i32
      %add3A_194 = arith.constant 16 : i32
      %add3A_195 = arith.addi %add3A_193, %add3A_194 : i32
      %get3A_196 = arith.index_cast %add3A_195 : i32 to index
      %get3A_197 = tpu.vector_load %arg5[%get3A_196] {strides = array<i32>} : memref<25600xi32, #tpu.memory_space<vmem>>, vector<16xi32>,
      %slice3A_198 = vector.extract_strided_slice %get3A_197 {offsets = [0], sizes = [1], strides = [1]} : vector<16xi32> to vector<1xi32>
      %squeeze3A_199 = vector.extract %slice3A_198[0] : i32 from vector<1xi32>
      %slice3A_200 = vector.extract_strided_slice %get3A_197 {offsets = [1], sizes = [1], strides = [1]} : vector<16xi32> to vector<1xi32>
      %squeeze3A_201 = vector.extract %slice3A_200[0] : i32 from vector<1xi32>
      %slice3A_202 = vector.extract_strided_slice %get3A_197 {offsets = [2], sizes = [1], strides = [1]} : vector<16xi32> to vector<1xi32>
      %squeeze3A_203 = vector.extract %slice3A_202[0] : i32 from vector<1xi32>
      %slice3A_204 = vector.extract_strided_slice %get3A_197 {offsets = [3], sizes = [1], strides = [1]} : vector<16xi32> to vector<1xi32>
      %squeeze3A_205 = vector.extract %slice3A_204[0] : i32 from vector<1xi32>
      %slice3A_206 = vector.extract_strided_slice %get3A_197 {offsets = [4], sizes = [1], strides = [1]} : vector<16xi32> to vector<1xi32>
      %squeeze3A_207 = vector.extract %slice3A_206[0] : i32 from vector<1xi32>
      %slice3A_208 = vector.extract_strided_slice %get3A_197 {offsets = [5], sizes = [1], strides = [1]} : vector<16xi32> to vector<1xi32>
      %squeeze3A_209 = vector.extract %slice3A_208[0] : i32 from vector<1xi32>
      %slice3A_210 = vector.extract_strided_slice %get3A_197 {offsets = [6], sizes = [1], strides = [1]} : vector<16xi32> to vector<1xi32>
      %squeeze3A_211 = vector.extract %slice3A_210[0] : i32 from vector<1xi32>
      %slice3A_212 = vector.extract_strided_slice %get3A_197 {offsets = [7], sizes = [1], strides = [1]} : vector<16xi32> to vector<1xi32>
      %squeeze3A_213 = vector.extract %slice3A_212[0] : i32 from vector<1xi32>
      %slice3A_214 = vector.extract_strided_slice %get3A_197 {offsets = [8], sizes = [1], strides = [1]} : vector<16xi32> to vector<1xi32>
      %squeeze3A_215 = vector.extract %slice3A_214[0] : i32 from vector<1xi32>
      %slice3A_216 = vector.extract_strided_slice %get3A_197 {offsets = [9], sizes = [1], strides = [1]} : vector<16xi32> to vector<1xi32>
      %squeeze3A_217 = vector.extract %slice3A_216[0] : i32 from vector<1xi32>
      %slice3A_218 = vector.extract_strided_slice %get3A_197 {offsets = [10], sizes = [1], strides = [1]} : vector<16xi32> to vector<1xi32>
      %squeeze3A_219 = vector.extract %slice3A_218[0] : i32 from vector<1xi32>
      %slice3A_220 = vector.extract_strided_slice %get3A_197 {offsets = [11], sizes = [1], strides = [1]} : vector<16xi32> to vector<1xi32>
      %squeeze3A_221 = vector.extract %slice3A_220[0] : i32 from vector<1xi32>
      %slice3A_222 = vector.extract_strided_slice %get3A_197 {offsets = [12], sizes = [1], strides = [1]} : vector<16xi32> to vector<1xi32>
      %squeeze3A_223 = vector.extract %slice3A_222[0] : i32 from vector<1xi32>
      %slice3A_224 = vector.extract_strided_slice %get3A_197 {offsets = [13], sizes = [1], strides = [1]} : vector<16xi32> to vector<1xi32>
      %squeeze3A_225 = vector.extract %slice3A_224[0] : i32 from vector<1xi32>
      %slice3A_226 = vector.extract_strided_slice %get3A_197 {offsets = [14], sizes = [1], strides = [1]} : vector<16xi32> to vector<1xi32>
      %squeeze3A_227 = vector.extract %slice3A_226[0] : i32 from vector<1xi32>
      %slice3A_228 = vector.extract_strided_slice %get3A_197 {offsets = [15], sizes = [1], strides = [1]} : vector<16xi32> to vector<1xi32>
      %squeeze3A_229 = vector.extract %slice3A_228[0] : i32 from vector<1xi32>
      %parallel_loop3A_230 = arith.constant 0 : i32
      %parallel_loop3A_231 = arith.constant 32 : i32
      %parallel_loop3A_232 = arith.constant 1 : i32
      scf.for %parallel_loop3A_248 = %parallel_loop3A_230 to %parallel_loop3A_231 step %parallel_loop3A_232  : i32 {
        %parallel_loop3A_249 = arith.constant 16 : i32
        %parallel_loop3A_250 = arith.muli %parallel_loop3A_248, %parallel_loop3A_249 : i32
        %parallel_loop3A_251 = arith.index_cast %squeeze3A_199 : i32 to index
        %parallel_loop3A_252 = arith.index_cast %parallel_loop3A_250 : i32 to index
        %parallel_loop3A_253 = tpu.vector_load %arg6[%parallel_loop3A_251, %parallel_loop3A_252] {strides = array<i32>} : memref<16x512xf32, #tpu.memory_space<vmem>>, vector<16xf32>,
        %parallel_loop3A_254 = arith.constant 64 : i32
        %parallel_loop3A_255 = arith.index_cast %parallel_loop3A_254 : i32 to index
        %parallel_loop3A_256 = arith.index_cast %parallel_loop3A_250 : i32 to index
        %parallel_loop3A_257 = tpu.vector_load %arg8[%parallel_loop3A_255, %parallel_loop3A_256] {strides = array<i32>} : memref<80x512xf32, #tpu.memory_space<vmem>>, vector<16xf32>,
        tpu.vector_store %arg8[%parallel_loop3A_255, %parallel_loop3A_256], %parallel_loop3A_253 {strides = array<i32>} : memref<80x512xf32, #tpu.memory_space<vmem>>, vector<16xf32>,
        %parallel_loop3A_258 = arith.index_cast %squeeze3A_201 : i32 to index
        %parallel_loop3A_259 = arith.index_cast %parallel_loop3A_250 : i32 to index
        %parallel_loop3A_260 = tpu.vector_load %arg6[%parallel_loop3A_258, %parallel_loop3A_259] {strides = array<i32>} : memref<16x512xf32, #tpu.memory_space<vmem>>, vector<16xf32>,
        %parallel_loop3A_261 = arith.constant 65 : i32
        %parallel_loop3A_262 = arith.index_cast %parallel_loop3A_261 : i32 to index
        %parallel_loop3A_263 = arith.index_cast %parallel_loop3A_250 : i32 to index
        %parallel_loop3A_264 = tpu.vector_load %arg8[%parallel_loop3A_262, %parallel_loop3A_263] {strides = array<i32>} : memref<80x512xf32, #tpu.memory_space<vmem>>, vector<16xf32>,
        tpu.vector_store %arg8[%parallel_loop3A_262, %parallel_loop3A_263], %parallel_loop3A_260 {strides = array<i32>} : memref<80x512xf32, #tpu.memory_space<vmem>>, vector<16xf32>,
        %parallel_loop3A_265 = arith.index_cast %squeeze3A_203 : i32 to index
        %parallel_loop3A_266 = arith.index_cast %parallel_loop3A_250 : i32 to index
        %parallel_loop3A_267 = tpu.vector_load %arg6[%parallel_loop3A_265, %parallel_loop3A_266] {strides = array<i32>} : memref<16x512xf32, #tpu.memory_space<vmem>>, vector<16xf32>,
        %parallel_loop3A_268 = arith.constant 66 : i32
        %parallel_loop3A_269 = arith.index_cast %parallel_loop3A_268 : i32 to index
        %parallel_loop3A_270 = arith.index_cast %parallel_loop3A_250 : i32 to index
        %parallel_loop3A_271 = tpu.vector_load %arg8[%parallel_loop3A_269, %parallel_loop3A_270] {strides = array<i32>} : memref<80x512xf32, #tpu.memory_space<vmem>>, vector<16xf32>,
        tpu.vector_store %arg8[%parallel_loop3A_269, %parallel_loop3A_270], %parallel_loop3A_267 {strides = array<i32>} : memref<80x512xf32, #tpu.memory_space<vmem>>, vector<16xf32>,
        %parallel_loop3A_272 = arith.index_cast %squeeze3A_205 : i32 to index
        %parallel_loop3A_273 = arith.index_cast %parallel_loop3A_250 : i32 to index
        %parallel_loop3A_274 = tpu.vector_load %arg6[%parallel_loop3A_272, %parallel_loop3A_273] {strides = array<i32>} : memref<16x512xf32, #tpu.memory_space<vmem>>, vector<16xf32>,
        %parallel_loop3A_275 = arith.constant 67 : i32
        %parallel_loop3A_276 = arith.index_cast %parallel_loop3A_275 : i32 to index
        %parallel_loop3A_277 = arith.index_cast %parallel_loop3A_250 : i32 to index
        %parallel_loop3A_278 = tpu.vector_load %arg8[%parallel_loop3A_276, %parallel_loop3A_277] {strides = array<i32>} : memref<80x512xf32, #tpu.memory_space<vmem>>, vector<16xf32>,
        tpu.vector_store %arg8[%parallel_loop3A_276, %parallel_loop3A_277], %parallel_loop3A_274 {strides = array<i32>} : memref<80x512xf32, #tpu.memory_space<vmem>>, vector<16xf32>,
        %parallel_loop3A_279 = arith.index_cast %squeeze3A_207 : i32 to index
        %parallel_loop3A_280 = arith.index_cast %parallel_loop3A_250 : i32 to index
        %parallel_loop3A_281 = tpu.vector_load %arg6[%parallel_loop3A_279, %parallel_loop3A_280] {strides = array<i32>} : memref<16x512xf32, #tpu.memory_space<vmem>>, vector<16xf32>,
        %parallel_loop3A_282 = arith.constant 68 : i32
        %parallel_loop3A_283 = arith.index_cast %parallel_loop3A_282 : i32 to index
        %parallel_loop3A_284 = arith.index_cast %parallel_loop3A_250 : i32 to index
        %parallel_loop3A_285 = tpu.vector_load %arg8[%parallel_loop3A_283, %parallel_loop3A_284] {strides = array<i32>} : memref<80x512xf32, #tpu.memory_space<vmem>>, vector<16xf32>,
        tpu.vector_store %arg8[%parallel_loop3A_283, %parallel_loop3A_284], %parallel_loop3A_281 {strides = array<i32>} : memref<80x512xf32, #tpu.memory_space<vmem>>, vector<16xf32>,
        %parallel_loop3A_286 = arith.index_cast %squeeze3A_209 : i32 to index
        %parallel_loop3A_287 = arith.index_cast %parallel_loop3A_250 : i32 to index
        %parallel_loop3A_288 = tpu.vector_load %arg6[%parallel_loop3A_286, %parallel_loop3A_287] {strides = array<i32>} : memref<16x512xf32, #tpu.memory_space<vmem>>, vector<16xf32>,
        %parallel_loop3A_289 = arith.constant 69 : i32
        %parallel_loop3A_290 = arith.index_cast %parallel_loop3A_289 : i32 to index
        %parallel_loop3A_291 = arith.index_cast %parallel_loop3A_250 : i32 to index
        %parallel_loop3A_292 = tpu.vector_load %arg8[%parallel_loop3A_290, %parallel_loop3A_291] {strides = array<i32>} : memref<80x512xf32, #tpu.memory_space<vmem>>, vector<16xf32>,
        tpu.vector_store %arg8[%parallel_loop3A_290, %parallel_loop3A_291], %parallel_loop3A_288 {strides = array<i32>} : memref<80x512xf32, #tpu.memory_space<vmem>>, vector<16xf32>,
        %parallel_loop3A_293 = arith.index_cast %squeeze3A_211 : i32 to index
        %parallel_loop3A_294 = arith.index_cast %parallel_loop3A_250 : i32 to index
        %parallel_loop3A_295 = tpu.vector_load %arg6[%parallel_loop3A_293, %parallel_loop3A_294] {strides = array<i32>} : memref<16x512xf32, #tpu.memory_space<vmem>>, vector<16xf32>,
        %parallel_loop3A_296 = arith.constant 70 : i32
        %parallel_loop3A_297 = arith.index_cast %parallel_loop3A_296 : i32 to index
        %parallel_loop3A_298 = arith.index_cast %parallel_loop3A_250 : i32 to index
        %parallel_loop3A_299 = tpu.vector_load %arg8[%parallel_loop3A_297, %parallel_loop3A_298] {strides = array<i32>} : memref<80x512xf32, #tpu.memory_space<vmem>>, vector<16xf32>,
        tpu.vector_store %arg8[%parallel_loop3A_297, %parallel_loop3A_298], %parallel_loop3A_295 {strides = array<i32>} : memref<80x512xf32, #tpu.memory_space<vmem>>, vector<16xf32>,
        %parallel_loop3A_300 = arith.index_cast %squeeze3A_213 : i32 to index
        %parallel_loop3A_301 = arith.index_cast %parallel_loop3A_250 : i32 to index
        %parallel_loop3A_302 = tpu.vector_load %arg6[%parallel_loop3A_300, %parallel_loop3A_301] {strides = array<i32>} : memref<16x512xf32, #tpu.memory_space<vmem>>, vector<16xf32>,
        %parallel_loop3A_303 = arith.constant 71 : i32
        %parallel_loop3A_304 = arith.index_cast %parallel_loop3A_303 : i32 to index
        %parallel_loop3A_305 = arith.index_cast %parallel_loop3A_250 : i32 to index
        %parallel_loop3A_306 = tpu.vector_load %arg8[%parallel_loop3A_304, %parallel_loop3A_305] {strides = array<i32>} : memref<80x512xf32, #tpu.memory_space<vmem>>, vector<16xf32>,
        tpu.vector_store %arg8[%parallel_loop3A_304, %parallel_loop3A_305], %parallel_loop3A_302 {strides = array<i32>} : memref<80x512xf32, #tpu.memory_space<vmem>>, vector<16xf32>,
        %parallel_loop3A_307 = arith.index_cast %squeeze3A_215 : i32 to index
        %parallel_loop3A_308 = arith.index_cast %parallel_loop3A_250 : i32 to index
        %parallel_loop3A_309 = tpu.vector_load %arg6[%parallel_loop3A_307, %parallel_loop3A_308] {strides = array<i32>} : memref<16x512xf32, #tpu.memory_space<vmem>>, vector<16xf32>,
        %parallel_loop3A_310 = arith.constant 72 : i32
        %parallel_loop3A_311 = arith.index_cast %parallel_loop3A_310 : i32 to index
        %parallel_loop3A_312 = arith.index_cast %parallel_loop3A_250 : i32 to index
        %parallel_loop3A_313 = tpu.vector_load %arg8[%parallel_loop3A_311, %parallel_loop3A_312] {strides = array<i32>} : memref<80x512xf32, #tpu.memory_space<vmem>>, vector<16xf32>,
        tpu.vector_store %arg8[%parallel_loop3A_311, %parallel_loop3A_312], %parallel_loop3A_309 {strides = array<i32>} : memref<80x512xf32, #tpu.memory_space<vmem>>, vector<16xf32>,
        %parallel_loop3A_314 = arith.index_cast %squeeze3A_217 : i32 to index
        %parallel_loop3A_315 = arith.index_cast %parallel_loop3A_250 : i32 to index
        %parallel_loop3A_316 = tpu.vector_load %arg6[%parallel_loop3A_314, %parallel_loop3A_315] {strides = array<i32>} : memref<16x512xf32, #tpu.memory_space<vmem>>, vector<16xf32>,
        %parallel_loop3A_317 = arith.constant 73 : i32
        %parallel_loop3A_318 = arith.index_cast %parallel_loop3A_317 : i32 to index
        %parallel_loop3A_319 = arith.index_cast %parallel_loop3A_250 : i32 to index
        %parallel_loop3A_320 = tpu.vector_load %arg8[%parallel_loop3A_318, %parallel_loop3A_319] {strides = array<i32>} : memref<80x512xf32, #tpu.memory_space<vmem>>, vector<16xf32>,
        tpu.vector_store %arg8[%parallel_loop3A_318, %parallel_loop3A_319], %parallel_loop3A_316 {strides = array<i32>} : memref<80x512xf32, #tpu.memory_space<vmem>>, vector<16xf32>,
        %parallel_loop3A_321 = arith.index_cast %squeeze3A_219 : i32 to index
        %parallel_loop3A_322 = arith.index_cast %parallel_loop3A_250 : i32 to index
        %parallel_loop3A_323 = tpu.vector_load %arg6[%parallel_loop3A_321, %parallel_loop3A_322] {strides = array<i32>} : memref<16x512xf32, #tpu.memory_space<vmem>>, vector<16xf32>,
        %parallel_loop3A_324 = arith.constant 74 : i32
        %parallel_loop3A_325 = arith.index_cast %parallel_loop3A_324 : i32 to index
        %parallel_loop3A_326 = arith.index_cast %parallel_loop3A_250 : i32 to index
        %parallel_loop3A_327 = tpu.vector_load %arg8[%parallel_loop3A_325, %parallel_loop3A_326] {strides = array<i32>} : memref<80x512xf32, #tpu.memory_space<vmem>>, vector<16xf32>,
        tpu.vector_store %arg8[%parallel_loop3A_325, %parallel_loop3A_326], %parallel_loop3A_323 {strides = array<i32>} : memref<80x512xf32, #tpu.memory_space<vmem>>, vector<16xf32>,
        %parallel_loop3A_328 = arith.index_cast %squeeze3A_221 : i32 to index
        %parallel_loop3A_329 = arith.index_cast %parallel_loop3A_250 : i32 to index
        %parallel_loop3A_330 = tpu.vector_load %arg6[%parallel_loop3A_328, %parallel_loop3A_329] {strides = array<i32>} : memref<16x512xf32, #tpu.memory_space<vmem>>, vector<16xf32>,
        %parallel_loop3A_331 = arith.constant 75 : i32
        %parallel_loop3A_332 = arith.index_cast %parallel_loop3A_331 : i32 to index
        %parallel_loop3A_333 = arith.index_cast %parallel_loop3A_250 : i32 to index
        %parallel_loop3A_334 = tpu.vector_load %arg8[%parallel_loop3A_332, %parallel_loop3A_333] {strides = array<i32>} : memref<80x512xf32, #tpu.memory_space<vmem>>, vector<16xf32>,
        tpu.vector_store %arg8[%parallel_loop3A_332, %parallel_loop3A_333], %parallel_loop3A_330 {strides = array<i32>} : memref<80x512xf32, #tpu.memory_space<vmem>>, vector<16xf32>,
        %parallel_loop3A_335 = arith.index_cast %squeeze3A_223 : i32 to index
        %parallel_loop3A_336 = arith.index_cast %parallel_loop3A_250 : i32 to index
        %parallel_loop3A_337 = tpu.vector_load %arg6[%parallel_loop3A_335, %parallel_loop3A_336] {strides = array<i32>} : memref<16x512xf32, #tpu.memory_space<vmem>>, vector<16xf32>,
        %parallel_loop3A_338 = arith.constant 76 : i32
        %parallel_loop3A_339 = arith.index_cast %parallel_loop3A_338 : i32 to index
        %parallel_loop3A_340 = arith.index_cast %parallel_loop3A_250 : i32 to index
        %parallel_loop3A_341 = tpu.vector_load %arg8[%parallel_loop3A_339, %parallel_loop3A_340] {strides = array<i32>} : memref<80x512xf32, #tpu.memory_space<vmem>>, vector<16xf32>,
        tpu.vector_store %arg8[%parallel_loop3A_339, %parallel_loop3A_340], %parallel_loop3A_337 {strides = array<i32>} : memref<80x512xf32, #tpu.memory_space<vmem>>, vector<16xf32>,
        %parallel_loop3A_342 = arith.index_cast %squeeze3A_225 : i32 to index
        %parallel_loop3A_343 = arith.index_cast %parallel_loop3A_250 : i32 to index
        %parallel_loop3A_344 = tpu.vector_load %arg6[%parallel_loop3A_342, %parallel_loop3A_343] {strides = array<i32>} : memref<16x512xf32, #tpu.memory_space<vmem>>, vector<16xf32>,
        %parallel_loop3A_345 = arith.constant 77 : i32
        %parallel_loop3A_346 = arith.index_cast %parallel_loop3A_345 : i32 to index
        %parallel_loop3A_347 = arith.index_cast %parallel_loop3A_250 : i32 to index
        %parallel_loop3A_348 = tpu.vector_load %arg8[%parallel_loop3A_346, %parallel_loop3A_347] {strides = array<i32>} : memref<80x512xf32, #tpu.memory_space<vmem>>, vector<16xf32>,
        tpu.vector_store %arg8[%parallel_loop3A_346, %parallel_loop3A_347], %parallel_loop3A_344 {strides = array<i32>} : memref<80x512xf32, #tpu.memory_space<vmem>>, vector<16xf32>,
        %parallel_loop3A_349 = arith.index_cast %squeeze3A_227 : i32 to index
        %parallel_loop3A_350 = arith.index_cast %parallel_loop3A_250 : i32 to index
        %parallel_loop3A_351 = tpu.vector_load %arg6[%parallel_loop3A_349, %parallel_loop3A_350] {strides = array<i32>} : memref<16x512xf32, #tpu.memory_space<vmem>>, vector<16xf32>,
        %parallel_loop3A_352 = arith.constant 78 : i32
        %parallel_loop3A_353 = arith.index_cast %parallel_loop3A_352 : i32 to index
        %parallel_loop3A_354 = arith.index_cast %parallel_loop3A_250 : i32 to index
        %parallel_loop3A_355 = tpu.vector_load %arg8[%parallel_loop3A_353, %parallel_loop3A_354] {strides = array<i32>} : memref<80x512xf32, #tpu.memory_space<vmem>>, vector<16xf32>,
        tpu.vector_store %arg8[%parallel_loop3A_353, %parallel_loop3A_354], %parallel_loop3A_351 {strides = array<i32>} : memref<80x512xf32, #tpu.memory_space<vmem>>, vector<16xf32>,
        %parallel_loop3A_356 = arith.index_cast %squeeze3A_229 : i32 to index
        %parallel_loop3A_357 = arith.index_cast %parallel_loop3A_250 : i32 to index
        %parallel_loop3A_358 = tpu.vector_load %arg6[%parallel_loop3A_356, %parallel_loop3A_357] {strides = array<i32>} : memref<16x512xf32, #tpu.memory_space<vmem>>, vector<16xf32>,
        %parallel_loop3A_359 = arith.constant 79 : i32
        %parallel_loop3A_360 = arith.index_cast %parallel_loop3A_359 : i32 to index
        %parallel_loop3A_361 = arith.index_cast %parallel_loop3A_250 : i32 to index
        %parallel_loop3A_362 = tpu.vector_load %arg8[%parallel_loop3A_360, %parallel_loop3A_361] {strides = array<i32>} : memref<80x512xf32, #tpu.memory_space<vmem>>, vector<16xf32>,
        tpu.vector_store %arg8[%parallel_loop3A_360, %parallel_loop3A_361], %parallel_loop3A_358 {strides = array<i32>} : memref<80x512xf32, #tpu.memory_space<vmem>>, vector<16xf32>,
      } {sc.loop_unroll_factor = 32 : i64, sc.parallel_access}
      %dma_wait3A_233 = arith.constant 0 : i32
      %dma_wait3A_234 = arith.constant 0 : i32
      %dma_wait3A_235 = tpu.memref_slice %arg8[%dma_wait3A_233, %dma_wait3A_234] : memref<80x512xf32, #tpu.memory_space<vmem>> -> memref<48x512xf32, #tpu.memory_space<vmem>>
      %dma_wait3A_236 = arith.constant 0 : i32
      %dma_wait3A_237 = tpu.memref_slice %arg5[%dma_wait3A_236] : memref<25600xi32, #tpu.memory_space<vmem>> -> memref<48xi32, #tpu.memory_space<vmem>>
      %dma_wait3A_238 = arith.constant 0 : i32
      %dma_wait3A_239 = arith.constant 0 : i32
      %dma_wait3A_240 = tpu.memref_slice %arg3[%dma_wait3A_238, %dma_wait3A_239] : memref<320x512xf32, #tpu.memory_space<hbm>> -> memref<320x512xf32, #tpu.memory_space<hbm>>
      tpu.wait_indirect_dma semaphore(%arg10 : memref<!tpu.dma_semaphore, #tpu.memory_space<semaphore_mem>>) src(%dma_wait3A_240 : memref<320x512xf32, #tpu.memory_space<hbm>>) dst(%dma_wait3A_235 : memref<48x512xf32, #tpu.memory_space<vmem>>)
      %mul3A_241 = arith.constant 80 : i32
      %mul3A_242 = arith.muli %add3A_132, %mul3A_241 : i32
      %add3A_243 = arith.addi %mul3A_2, %mul3A_242 : i32
      %dma_start3A_244 = arith.constant 0 : i32
      %dma_start3A_245 = tpu.memref_slice %arg4[%add3A_243, %dma_start3A_244] : memref<819200x512xf32, #tpu.memory_space<hbm>> -> memref<80x512xf32, #tpu.memory_space<hbm>>
      %dma_start3A_246 = arith.constant 0 : i32
      %dma_start3A_247 = tpu.memref_slice %arg4[%add3A_243, %dma_start3A_246] : memref<819200x512xf32, #tpu.memory_space<hbm>> -> memref<80x512xf32, #tpu.memory_space<hbm>>
      tpu.enqueue_dma source(%arg8 : memref<80x512xf32, #tpu.memory_space<vmem>>) target(%dma_start3A_247 : memref<80x512xf32, #tpu.memory_space<hbm>>) target_semaphore(%arg12 : memref<!tpu.dma_semaphore, #tpu.memory_space<semaphore_mem>>)
    }
    %scan3A_7 = arith.constant 160 : i32
    %dma_wait3A = arith.constant 0 : i32
    %dma_wait3A_8 = arith.constant 0 : i32
    %dma_wait3A_9 = tpu.memref_slice %arg4[%dma_wait3A, %dma_wait3A_8] : memref<819200x512xf32, #tpu.memory_space<hbm>> -> memref<80x512xf32, #tpu.memory_space<hbm>>
    %dma_wait3A_10 = arith.constant 0 : i32
    %dma_wait3A_11 = arith.constant 0 : i32
    %dma_wait3A_12 = tpu.memref_slice %arg4[%dma_wait3A_10, %dma_wait3A_11] : memref<819200x512xf32, #tpu.memory_space<hbm>> -> memref<80x512xf32, #tpu.memory_space<hbm>>
    tpu.wait_dma2 semaphore(%arg11 : memref<!tpu.dma_semaphore, #tpu.memory_space<semaphore_mem>>) src(%arg7 : memref<80x512xf32, #tpu.memory_space<vmem>>) dst(%dma_wait3A_12 : memref<80x512xf32, #tpu.memory_space<hbm>>)
    %dma_wait3A_13 = arith.constant 0 : i32
    %dma_wait3A_14 = arith.constant 0 : i32
    %dma_wait3A_15 = tpu.memref_slice %arg4[%dma_wait3A_13, %dma_wait3A_14] : memref<819200x512xf32, #tpu.memory_space<hbm>> -> memref<80x512xf32, #tpu.memory_space<hbm>>
    %dma_wait3A_16 = arith.constant 0 : i32
    %dma_wait3A_17 = arith.constant 0 : i32
    %dma_wait3A_18 = tpu.memref_slice %arg4[%dma_wait3A_16, %dma_wait3A_17] : memref<819200x512xf32, #tpu.memory_space<hbm>> -> memref<80x512xf32, #tpu.memory_space<hbm>>
    tpu.wait_dma2 semaphore(%arg12 : memref<!tpu.dma_semaphore, #tpu.memory_space<semaphore_mem>>) src(%arg8 : memref<80x512xf32, #tpu.memory_space<vmem>>) dst(%dma_wait3A_18 : memref<80x512xf32, #tpu.memory_space<hbm>>)
    return
  }
}

</mosaic_0001>

<sc_bundles>
// kernel: kernel.3.cloned.1.call-start
scs
__scs_entry_jumppad:
0x0: {  	(pc) =	sbr.rel $0x88, $3  }
0x1: {  	(tag) =	ssettag $0x0;
	lr =	simm.s32 $0x1  }
0x2: {  	[smem:$0x3F9F] =	sst lr;
	_ =	strace $0xD0000000  }
0x3: {  	_ = 	snop  }
0x4: {  	_ = 	snop  }
0x5: {  	_ = 	snop  }
0x6: {  	_ = 	snop  }
0x7: {  	_ = 	snop  }
__scs_overlays_trampoline_lowered:
0x8: {  	[smem:$0x3FAE] =	sst s0  }
0x9: {  	[smem:$0x3FAF] =	sst s1  }
0xa: {  	[smem:$0x3FB0] =	sst s2  }
0xb: {  	[smem:$0x3FB1] =	sst s3  }
0xc: {  	[smem:$0x3FB2] =	sst s4  }
0xd: {  	[smem:$0x3FB3] =	sst s5  }
0xe: {  	[smem:$0x3FB4] =	sst s6  }
0xf: {  	[smem:$0x3FB5] =	sst s7  }
0x10: {  	[smem:$0x3FB6] =	sst s8  }
0x11: {  	[smem:$0x3FB7] =	sst s9;
	s0 =	simm.s32 @!p0 $0x0  }
0x12: {  	s1 =	sld [smem:$0x3F9D];
	s0 =	simm.s32 @p0 $0x1  }
0x13: {  	[smem:$0x3FB8] =	sst s0;
	s0 =	simm.s32 @!p1 $0x0  }
0x14: {  	s2 =	sld [smem:$0x3F9C];
	s0 =	simm.s32 @p1 $0x1  }
0x15: {  	[smem:$0x3FB9] =	sst s0;
	s0 =	simm.s32 @!p2 $0x0  }
0x16: {  	s3 =	sld [smem:$0x3FDB];
	s0 =	simm.s32 @p2 $0x1  }
0x17: {  	s4 =	simm.s32 $0x1BF5;
	[smem:$0x3FBB] =	sst s0  }
0x18: {  	s0 =	sld [smem:$0x3F9E];
	_ =	swait.ge [sflag:s4], $0x0  }
0x19: {  	s7 =	sld [smem:$0x3F9F]  }
0x1a: {  	s8 =	sadd.s32 $0xFFFFE003, lr  }
0x1b: {  	s9 =	sadd.s32 $0xFFFFFEF7, lr;
	s5 =	simm.s32 $0xFFFFFFFF;
	p2 =	slt.u32 s8, $0xFFFFF086  }
0x1c: {  	p1 =	slt.u32 s9, $0xF7A;
	s5 =	simm.s32 @!p2 $0x0  }
0x1d: {  	s5 =	simm.s32 @p1 $0x1;
	p0 =	seq.s32 s7, s2  }
0x1e: {  	s7 =	smul.u32 @!p0 $0xF7A, s2;
	p2 =	seq.s32 @!p0 s5, $0x0  }
0x1f: {  	s9 =	smul.u32 $0xF7A, s1;
	s8 =	simm.s32 @!p0 $0x1BF5;
	p2 =	por !p2, p0  }
0x20: {  	[sflag:s8] =	ssyncset.s32 @!p0 $0xFFFFF086;
	s6 =	sadd.s32 @!p0 s3, s7;
	s7 =	simm.s32 @!p0 $0x108  }
0x21: {  	s3 =	sadd.s32 s3, s9;
	s6 =	sadd.s32 @!p0 $0x88, s6;
	s7 =	simm.s32 @p2 $0x1082  }
0x22: {  	[simem:s7], [sflag:s8] =	dma.local @!p0 [hbm:s6], $0xF7A  }
0x23: {  	s9 =	sor.u32 $0xD0000000, s2;
	s6 =	simm.s32 $0x108;
	_ =	swait.ge @!p0 [sflag:s8], $0x0  }
0x24: {  	s3 =	sadd.s32 $0x88, s3;
	s6 =	simm.s32 @!p1 $0x1082;
	[sflag:s4] =	ssyncset.s32 $0xFFFFF086  }
0x25: {  	[simem:s6], [sflag:s4] =	dma.local [hbm:s3], $0xF7A  }
0x26: {  	[smem:$0x3F9F] =	sst s1;
	(tag) =	ssettag s2;
	_ =	strace s9  }
0x27: {  	s1 =	sld [smem:$0x3FAF]  }
0x28: {  	s2 =	sld [smem:$0x3FB0]  }
0x29: {  	s4 =	sld [smem:$0x3FB2]  }
0x2a: {  	p0 =	seq.s32 s5, $0x0;
	s5 =	sld [smem:$0x3FB3]  }
0x2b: {  	s6 =	sld [smem:$0x3FB4]  }
0x2c: {  	s7 =	sld [smem:$0x3FB5]  }
0x2d: {  	s3 =	simm.s32 $0x108;
	s8 =	sld [smem:$0x3FB6]  }
0x2e: {  	s3 =	simm.s32 @!p0 $0x1082;
	s9 =	sld [smem:$0x3FB7]  }
0x2f: {  	lr =	sadd.s32 s0, s3;
	s0 =	sld [smem:$0x3FAE]  }
0x30: {  	s3 =	sld [smem:$0x3FB1]  }
0x31: {  	[smem:$0x3FBA] =	sst s10  }
0x32: {  	s10 =	sld [smem:$0x3FB8];
	_ =	sdelay $0x3  }
0x33: {  	p0 =	seq.s32 s10, $0x1;
	s10 =	sld [smem:$0x3FBA];
	_ =	sdelay $0x3  }
0x34: {  	[smem:$0x3FBA] =	sst s10  }
0x35: {  	s10 =	sld [smem:$0x3FB9];
	_ =	sdelay $0x3  }
0x36: {  	p1 =	seq.s32 s10, $0x1;
	s10 =	sld [smem:$0x3FBA];
	_ =	sdelay $0x3  }
0x37: {  	[smem:$0x3FBA] =	sst s10  }
0x38: {  	s10 =	sld [smem:$0x3FBB]  }
0x39: {  	_ = 	snop;
	(pc) =	sbr.ind lr, $3  }
0x3a: {  	_ = 	snop  }
0x3b: {  	_ = 	snop  }
0x3c: {  	p2 =	seq.s32 s10, $0x1;
	s10 =	sld [smem:$0x3FBA]  }
0x3d: {  	_ =	shalt  }
0x3e: {  	_ =	shalt  }
0x3f: {  	_ =	shalt  }
0x40: {  	_ =	shalt  }
0x41: {  	_ =	shalt  }
0x42: {  	_ =	shalt  }
0x43: {  	_ =	shalt  }
0x44: {  	_ =	shalt  }
0x45: {  	_ =	shalt  }
0x46: {  	_ =	shalt  }
0x47: {  	_ =	shalt  }
0x48: {  	_ =	shalt  }
0x49: {  	_ =	shalt  }
0x4a: {  	_ =	shalt  }
0x4b: {  	_ =	shalt  }
0x4c: {  	_ =	shalt  }
0x4d: {  	_ =	shalt  }
0x4e: {  	_ =	shalt  }
0x4f: {  	_ =	shalt  }
0x50: {  	_ =	shalt  }
0x51: {  	_ =	shalt  }
0x52: {  	_ =	shalt  }
0x53: {  	_ =	shalt  }
0x54: {  	_ =	shalt  }
0x55: {  	_ =	shalt  }
0x56: {  	_ =	shalt  }
0x57: {  	_ =	shalt  }
0x58: {  	_ =	shalt  }
0x59: {  	_ =	shalt  }
0x5a: {  	_ =	shalt  }
0x5b: {  	_ =	shalt  }
0x5c: {  	_ =	shalt  }
0x5d: {  	_ =	shalt  }
0x5e: {  	_ =	shalt  }
0x5f: {  	_ =	shalt  }
0x60: {  	_ =	shalt  }
0x61: {  	_ =	shalt  }
0x62: {  	_ =	shalt  }
0x63: {  	_ =	shalt  }
0x64: {  	_ =	shalt  }
0x65: {  	_ =	shalt  }
0x66: {  	_ =	shalt  }
0x67: {  	_ =	shalt  }
0x68: {  	_ =	shalt  }
0x69: {  	_ =	shalt  }
0x6a: {  	_ =	shalt  }
0x6b: {  	_ =	shalt  }
0x6c: {  	_ =	shalt  }
0x6d: {  	_ =	shalt  }
0x6e: {  	_ =	shalt  }
0x6f: {  	_ =	shalt  }
0x70: {  	_ =	shalt  }
0x71: {  	_ =	shalt  }
0x72: {  	_ =	shalt  }
0x73: {  	_ =	shalt  }
0x74: {  	_ =	shalt  }
0x75: {  	_ =	shalt  }
0x76: {  	_ =	shalt  }
0x77: {  	_ =	shalt  }
0x78: {  	_ =	shalt  }
0x79: {  	_ =	shalt  }
0x7a: {  	_ =	shalt  }
0x7b: {  	_ =	shalt  }
0x7c: {  	_ =	shalt  }
0x7d: {  	_ =	shalt  }
0x7e: {  	_ =	shalt  }
0x7f: {  	_ =	shalt  }
0x80: {  	_ =	shalt  }
0x81: {  	_ =	shalt  }
0x82: {  	_ =	shalt  }
0x83: {  	_ =	shalt  }
0x84: {  	_ =	shalt  }
0x85: {  	_ =	shalt  }
0x86: {  	_ =	shalt  }
0x87: {  	_ =	shalt  }
.Lfunc_end0:
.L_simem_size_0:
called_computation_lowered:
.L_overlay_start_0:
0x88: {  	s2 =	sld [smem:$0x3FD9]  }
0x89: {  	s3 =	sld [smem:$0x3FFE];
	_ =	sdelay $0x1  }
0x8a: {  	s1 =	srdreg.scid  }
0x8b: {  	s0 =	sand.u32 $0x1, s1  }
0x8c: {  	s17 =	sshll.u32 s0, $0xA;
	s2 =	sadd.s32 s3, s2  }
0x8d: {  	s2 =	sadd.s32 s2, s17  }
0x8e: {  	[smem:$0x3FC6] =	sst s2  }
0x8f: {  	_ = 	snop  }
0x90: {  	s2 =	sld [smem:$0x3FD0];
	(tm) =	ssettm $0x1  }
0x91: {  	s18 =	sld [smem:$0x3FFB];
	_ =	sdelay $0x3  }
0x92: {  	_ =	strace s18  }
0x93: {  	s3 =	sld [smem:$0x3FFC];
	_ =	sdelay $0x3  }
0x94: {  	_ =	strace s3  }
0x95: {  	s3 =	sld [smem:$0x3FFD];
	_ =	sdelay $0x3  }
0x96: {  	_ =	strace s3  }
0x97: {  	_ =	strace $0x8FFFFFFF  }
0x98: {  	s19 =	sld [smem:$0x3FDB];
	_ =	sdelay $0x1  }
0x99: {  	s4 =	simm.s32 $_scs_section_size  }
0x9a: {  	s5 =	simm.s32 $_size__tile_overlayer_lowered;
	s6 =	simm.s32 $_tile_overlayer_lowered  }
0x9b: {  	s22 =	simm.s32 $0x1BFF;
	s21 =	sshll.u32 s6, $0x1;
	s3 =	sadd.s32 s4, s19  }
0x9c: {  	s7 =	simm.s32 $0x0;
	s20 =	sshll.u32 s5, $0x1;
	s5 =	sadd.s32 s21, s3  }
0x9d: {  	[timem:s7], [sflag:s22] =	dma.local [hbm:s5], s20  }
0x9e: {  	_ =	swait.ge [sflag:s22], s20  }
0x9f: {  	s4 =	ssub.s32 $0x0, s20;
	[sflag:s22] =	ssyncset.done $0x0  }
0xa0: {  	[sflag:s22] =	ssyncadd.s32 s4;
	_ =	sdelay $0x1  }
0xa1: {  	s23 =	simm.s32 $0x1B8B  }
0xa2: {  	_ =	swait.ge [sflag:s23], $0x1  }
0xa3: {  	[sflag:s23] =	ssyncset.done $0x0  }
0xa4: {  	s25 =	simm.s32 $0x1B8E;
	s24 =	sld [smem:$0x3FFE];
	[sflag:s23] =	ssyncadd.s32 $0xFFFFFFFF  }
0xa5: {  	s26 =	simm.s32 $execute0_lowered;
	[smem:$0x3FD2] =	sst s25  }
0xa6: {  	s5 =	sshll.u32 s26, $0x1;
	_ =	strace $0x80000046;
	[dreg:$0x1] =	wrdreg $0xFFFFFFFF  }
0xa7: {  	s28 =	simm.s32 $_size_execute0_lowered;
	s3 =	sadd.s32 s3, s5;
	[dreg:$0x0] =	wrdreg $0x0  }
0xa8: {  	s5 =	sshll.u32 s28, $0x1;
	[dreg:$0x2] =	wrdreg s3  }
0xa9: {  	[dreg:$0x3] =	wrdreg s5  }
0xaa: {  	[dreg:$0x4] =	wrdreg $0xC0  }
0xab: {  	_ =	task [dreg:s7], $0x5FFFF  }
0xac: {  	[dreg:$0x1] =	wrdreg $0xFFFFFFFF  }
0xad: {  	[dreg:$0x0] =	wrdreg $0x60  }
0xae: {  	[dreg:$0x2] =	wrdreg s24  }
0xaf: {  	[dreg:$0x3] =	wrdreg s2  }
0xb0: {  	[dreg:$0x4] =	wrdreg $0x9  }
0xb1: {  	_ =	task.clear_ibuf [dreg:s7], $0x5FFFF;
	_ =	strace $0x90000046  }
0xb2: {  	s29 =	simm.s32 $0x9;
	_ =	strace $0x80000048  }
0xb3: {  	_ =	swait.ge [sflag:s29], $0x1  }
0xb4: {  	[sflag:s29] =	ssyncadd.s32 $0xFFFFFFFF  }
0xb5: {  	_ =	strace $0x90000048  }
0xb6: {  	_ =	sfence  }
0xb7: {  	s30 =	sld [smem:$0x0];
	_ =	sdelay $0x2  }
0xb8: {  	s31 =	sshll.u32 s1, $0xD;
	s1 =	sshrl.u32 s1, $0x2  }
0xb9: {  	s3 =	sand.u32 $0x4000, s31;
	s1 =	sadd.s32 s1, s30  }
0xba: {  	s0 =	sor.u32 s3, s0;
	s1 =	sshll.u32 s1, $0x11  }
0xbb: {  	s0 =	sor.u32 s1, s0  }
0xbc: {  	s0 =	sadd.s32 $0x8F2B, s0  }
0xbd: {  	[sflag:s0] =	ssyncadd.remote.s32 $0x1  }
0xbe: {  	_ =	sfence.sel $0xFFFF  }
0xbf: {  	[dreg:$0x0] =	wrdreg $0xFFFFFFFF;
	(pc) =	sbr.abs _section_cstart, $3  }
0xc0: {  	[dreg:$0x1] =	wrdreg $0xFFFFFFFF  }
0xc1: {  	_ =	task.clear_ibuf [dreg:s7], $0x2FFFF;
	_ =	strace $0x9FFFFFFF  }
0xc2: {  	(tm) =	ssettm $0x7FFFFFFF  }
0xc3: {  	_ =	shalt  }
tec
execute0_lowered:
.L_overlay_start_1:
0x0: {  	(tag) =	ssettag $0x1  }
0x1: {  	s0 =	rddreg [dreg:$0x0]  }
0x2: {  	s3 =	rddreg [dreg:$0x1];
	s2 =	simm.s32 $0x0  }
0x3: {  	s7 =	simm.s32 $0x8C00;
	[smem:$0x7FF] =	sst s2  }
0x4: {  	s8 =	simm.s32 $0x9400;
	_ =	strace $0x80000047;
	[dreg:$0x4] =	wrdreg s7  }
0x5: {  	s9 =	simm.s32 $0x9C00;
	[dreg:$0x5] =	wrdreg s8  }
0x6: {  	s10 =	simm.s32 $0xA400;
	[dreg:$0x6] =	wrdreg s9  }
0x7: {  	s11 =	simm.s32 $0xAC00;
	[dreg:$0x7] =	wrdreg s10  }
0x8: {  	s13 =	simm.s32 $0xB400;
	[dreg:$0x8] =	wrdreg s11  }
0x9: {  	s14 =	simm.s32 $0xBC00;
	[dreg:$0x9] =	wrdreg s13  }
0xa: {  	s15 =	simm.s32 $0xC400;
	[dreg:$0xa] =	wrdreg s14  }
0xb: {  	s16 =	simm.s32 $0xCC00;
	[dreg:$0xb] =	wrdreg s15  }
0xc: {  	s17 =	simm.s32 $0xD400;
	[dreg:$0xc] =	wrdreg s16  }
0xd: {  	s18 =	simm.s32 $0xDC00;
	[dreg:$0xd] =	wrdreg s17  }
0xe: {  	s19 =	simm.s32 $0x12C00;
	[dreg:$0xe] =	wrdreg s18  }
0xf: {  	s20 =	simm.s32 $0x13400;
	[dreg:$0xf] =	wrdreg s19  }
0x10: {  	s1 =	srdreg.scid;
	s22 =	simm.s32 $0x13C00;
	[dreg:$0x10] =	wrdreg s20  }
0x11: {  	s6 =	stileid.u32;
	s23 =	simm.s32 $0x14400;
	[dreg:$0x11] =	wrdreg s22  }
0x12: {  	s24 =	simm.s32 $0x14C00;
	s25 =	simm.s32 $0x15400;
	[dreg:$0x12] =	wrdreg s23  }
0x13: {  	s26 =	simm.s32 $0x15C00;
	s28 =	simm.s32 $0x16400;
	[dreg:$0x13] =	wrdreg s24  }
0x14: {  	s29 =	simm.s32 $0x16C00;
	s30 =	simm.s32 $0x17400;
	[dreg:$0x14] =	wrdreg s25  }
0x15: {  	s31 =	simm.s32 $0x17C00;
	s1 =	sand.u32 $0x1, s1;
	[dreg:$0x15] =	wrdreg s26  }
0x16: {  	s4 =	smul.u32 $0x320000, s6;
	s12 =	sshll.u32 s6, $0x1;
	[dreg:$0x16] =	wrdreg s28  }
0x17: {  	s5 =	smul.u32 $0x190000, s1;
	s7 =	simm.s32 $0x5;
	[dreg:$0x17] =	wrdreg s29  }
0x18: {  	s9 =	simm.s32 $0x8400;
	s10 =	simm.s32 $0x1;
	[dreg:$0x18] =	wrdreg s30  }
0x19: {  	s11 =	simm.s32 $0x12400;
	s3 =	sadd.s32 s4, s3;
	s4 =	sor.u32 s1, s12  }
0x1a: {  	[dreg:$0x19] =	wrdreg s31;
	s1 =	ssub.s32 $0x2, s1;
	s4 =	smul.u32 $0x6400, s4  }
0x1b: {  	s14 =	simm.s32 $0x4;
	s15 =	simm.s32 $0x0;
	s21 =	sshrl.u32 s1, $0x1  }
0x1c: {  	s3 =	sadd.s32 s5, s3;
	s1 =	ssub.s32 s1, s21;
	s4 =	sshrl.u32 s4, $0x3  }
0x1d: {  	v2 =	vlaneseq.u32;
	[dreg:$0x3] =	wrdreg s3;
	s1 =	smax.u32 s1, $0x1;
	s4 =	sadd.s32 s4, s0  }
0x1e: {  	vm0 =	vmmov $0xffff;
	v1 =	vshrl.u32 v2, $0x3;
	s12 =	simm.s32 $0x2;
	[dreg:$0x1b] =	wrdreg s1;
	s4 =	sadd.s32 $0x5400, s4  }
0x1f: {  	v0 =	vand.u32 $0x7, v2;
	v2 =	vor.u32 $0x8, v2;
	v1 =	vmul.u32 $0x8, v1;
	s5 =	sadd.s32 $0x500, s0;
	s3 =	sadd.s32 $0x400, s0;
	[dreg:$0x1a] =	wrdreg s4  }
.LBB2_1:
0x20: {  	s0 =	rddreg [dreg:$0x1a]  }
0x21: {  	[tilespmem:s2], [sflag:$0x5] =	stream.linear.gather [hbm4b:s0+s2], $0x6400, $0x38;
	[tilespmem:$0x1C400] =	vst v63  }
0x22: {  	_ =	swait.ge [sflag:s7], $0x6400  }
0x23: {  	[sflag:s7] =	ssyncset.done $0x0  }
0x24: {  	s31 =	simm.s32 $0x6400;
	[sflag:s7] =	ssyncadd.s32 $0xFFFF9C00  }
0x25: {  	[tilespmem:s31], [sflag:$0x5] =	stream.linear.gather [hbm4b:s3+s2], $0x2000, $0x38;
	[tilespmem:$0x1C400] =	vst v63  }
0x26: {  	_ =	swait.ge [sflag:s7], $0x2000  }
0x27: {  	s16 =	simm.s32 $0x50;
	[sflag:s7] =	ssyncset.done $0x0  }
0x28: {  	s17 =	simm.s32 $0x0;
	s18 =	simm.s32 $0x0;
	[sflag:s7] =	ssyncadd.s32 $0xFFFFE000  }
.LBB2_2:
0x29: {  	p0 =	seq.s32 s18, $0x0  }
0x2a: {  	s0 =	simm.s32 @!p0 $0x3  }
0x2b: {  	_ =	swait.ge @!p0 [sflag:s0], $0xA000  }
0x2c: {  	[sflag:s0] =	ssyncset.done @!p0 $0x0  }
0x2d: {  	[sflag:s0] =	ssyncadd.s32 @!p0 $0xFFFF6000  }
0x2e: {  	v3 =	vld [tilespmem:s16+$0xFFFFFFB0];
	_ =	sdelay $0x4  }
0x2f: {  	v4 =	vshll.u32 v3, $0x2  }
0x30: {  	v3 =	vand.u32 $0x7, v3;
	v4 =	vand.u32 $0xFFFFFFE0, v4  }
0x31: {  	v3 =	vor.u32 v3, v4  }
0x32: {  	v4 =	vperm.xlane v3, v0;
	_ =	sdelay $0x1  }
0x33: {  	v4 =	vadd.s32 v1, v4;
	_ =	sdelay $0x1  }
0x34: {  	v3 =	vperm.xlane v3, v2;
	_ =	sdelay $0x1  }
0x35: {  	v3 =	vadd.s32 v1, v3  }
0x36: {  	[tilespmem:s9], [sflag:$0x1] =	stream.indirect_vreg.gather [hbm4b:s3+s2], $0x80, v4, vm0, $0xb8;
	[tilespmem:$0x1C400] =	vst v63  }
0x37: {  	s31 =	rddreg [dreg:$0x4]  }
0x38: {  	[tilespmem:s31], [sflag:$0x1] =	stream.indirect_vreg.gather [hbm4b:s5+s2], $0x80, v4, vm0, $0xb8;
	[tilespmem:$0x1C400] =	vst v63  }
0x39: {  	s1 =	rddreg [dreg:$0x5]  }
0x3a: {  	[tilespmem:s1], [sflag:$0x1] =	stream.indirect_vreg.gather [hbm4b:s3+s2], $0x80, v3, vm0, $0xb8;
	[tilespmem:$0x1C400] =	vst v63  }
0x3b: {  	s4 =	rddreg [dreg:$0x6]  }
0x3c: {  	[tilespmem:s4], [sflag:$0x1] =	stream.indirect_vreg.gather [hbm4b:s5+s2], $0x80, v3, vm0, $0xb8;
	[tilespmem:$0x1C400] =	vst v63  }
0x3d: {  	v3 =	vld [tilespmem:s16+$0xFFFFFFC0];
	_ =	sdelay $0x4  }
0x3e: {  	v32 =	vshll.u32 v3, $0x2  }
0x3f: {  	v3 =	vand.u32 $0x7, v3;
	v4 =	vand.u32 $0xFFFFFFE0, v32  }
0x40: {  	v3 =	vor.u32 v3, v4  }
0x41: {  	v4 =	vperm.xlane v3, v0;
	_ =	sdelay $0x1  }
0x42: {  	v4 =	vadd.s32 v1, v4;
	_ =	sdelay $0x1  }
0x43: {  	v3 =	vperm.xlane v3, v2;
	_ =	sdelay $0x1  }
0x44: {  	s6 =	rddreg [dreg:$0x7];
	v3 =	vadd.s32 v1, v3  }
0x45: {  	[tilespmem:s6], [sflag:$0x1] =	stream.indirect_vreg.gather [hbm4b:s3+s2], $0x80, v4, vm0, $0xb8;
	[tilespmem:$0x1C400] =	vst v63  }
0x46: {  	s8 =	rddreg [dreg:$0x8]  }
0x47: {  	[tilespmem:s8], [sflag:$0x1] =	stream.indirect_vreg.gather [hbm4b:s5+s2], $0x80, v4, vm0, $0xb8;
	[tilespmem:$0x1C400] =	vst v63  }
0x48: {  	s13 =	rddreg [dreg:$0x9]  }
0x49: {  	[tilespmem:s13], [sflag:$0x1] =	stream.indirect_vreg.gather [hbm4b:s3+s2], $0x80, v3, vm0, $0xb8;
	[tilespmem:$0x1C400] =	vst v63  }
0x4a: {  	s19 =	rddreg [dreg:$0xa]  }
0x4b: {  	[tilespmem:s19], [sflag:$0x1] =	stream.indirect_vreg.gather [hbm4b:s5+s2], $0x80, v3, vm0, $0xb8;
	[tilespmem:$0x1C400] =	vst v63  }
0x4c: {  	v3 =	vld [tilespmem:s16+$0xFFFFFFD0];
	_ =	sdelay $0x4  }
0x4d: {  	v33 =	vshll.u32 v3, $0x2  }
0x4e: {  	v3 =	vand.u32 $0x7, v3;
	v4 =	vand.u32 $0xFFFFFFE0, v33  }
0x4f: {  	v3 =	vor.u32 v3, v4  }
0x50: {  	v4 =	vperm.xlane v3, v0;
	_ =	sdelay $0x1  }
0x51: {  	v4 =	vadd.s32 v1, v4;
	_ =	sdelay $0x1  }
0x52: {  	v3 =	vperm.xlane v3, v2;
	_ =	sdelay $0x1  }
0x53: {  	s20 =	rddreg [dreg:$0xb];
	v3 =	vadd.s32 v1, v3  }
0x54: {  	[tilespmem:s20], [sflag:$0x1] =	stream.indirect_vreg.gather [hbm4b:s3+s2], $0x80, v4, vm0, $0xb8;
	[tilespmem:$0x1C400] =	vst v63  }
0x55: {  	s21 =	rddreg [dreg:$0xc]  }
0x56: {  	[tilespmem:s21], [sflag:$0x1] =	stream.indirect_vreg.gather [hbm4b:s5+s2], $0x80, v4, vm0, $0xb8;
	[tilespmem:$0x1C400] =	vst v63  }
0x57: {  	s22 =	rddreg [dreg:$0xd]  }
0x58: {  	[tilespmem:s22], [sflag:$0x1] =	stream.indirect_vreg.gather [hbm4b:s3+s2], $0x80, v3, vm0, $0xb8;
	[tilespmem:$0x1C400] =	vst v63  }
0x59: {  	s23 =	rddreg [dreg:$0xe]  }
0x5a: {  	[tilespmem:s23], [sflag:$0x1] =	stream.indirect_vreg.gather [hbm4b:s5+s2], $0x80, v3, vm0, $0xb8;
	[tilespmem:$0x1C400] =	vst v63  }
0x5b: {  	v3 =	vld [tilespmem:s16+$0xFFFFFFE0];
	_ =	sdelay $0x4  }
0x5c: {  	(v2sf) =	vpush v3, $0x0;
	_ =	sdelay $0x5  }
0x5d: {  	(v2sf) =	vpush v3, $0x1;
	_ =	sdelay $0x5  }
0x5e: {  	(v2sf) =	vpush v3, $0x2;
	_ =	sdelay $0x2  }
0x5f: {  	s24 =	spop (v2sf)  }
0x60: {  	s25 =	sshll.u32 s24, $0x9;
	s0 =	sshll.u32 s24, $0x7  }
0x61: {  	s1 =	sand.u32 $0xFFFFF000, s25;
	s0 =	sand.u32 $0x380, s0  }
0x62: {  	(v2sf) =	vpush v3, $0x3;
	s4 =	sor.u32 s0, s1  }
0x63: {  	v4 =	vld [tilespmem:s4+$0x6400];
	_ =	sdelay $0x1  }
0x64: {  	s26 =	spop (v2sf)  }
0x65: {  	s28 =	sshll.u32 s26, $0x9;
	s0 =	sshll.u32 s26, $0x7  }
0x66: {  	s1 =	sand.u32 $0xFFFFF000, s28;
	s0 =	sand.u32 $0x380, s0  }
0x67: {  	(v2sf) =	vpush v3, $0x4;
	s8 =	sor.u32 s0, s1;
	[tilespmem:$0xE400] =	vst v4  }
0x68: {  	v4 =	vld [tilespmem:s8+$0x6400];
	_ =	sdelay $0x1  }
0x69: {  	s29 =	spop (v2sf)  }
0x6a: {  	s30 =	sshll.u32 s29, $0x9;
	s0 =	sshll.u32 s29, $0x7  }
0x6b: {  	s1 =	sand.u32 $0xFFFFF000, s30;
	s0 =	sand.u32 $0x380, s0  }
0x6c: {  	(v2sf) =	vpush v3, $0x5;
	s0 =	sor.u32 s0, s1;
	[tilespmem:$0xE480] =	vst v4  }
0x6d: {  	v4 =	vld [tilespmem:s0+$0x6400];
	_ =	sdelay $0x1  }
0x6e: {  	s31 =	spop (v2sf)  }
0x6f: {  	s6 =	sshll.u32 s31, $0x9;
	s1 =	sshll.u32 s31, $0x7  }
0x70: {  	s6 =	sand.u32 $0xFFFFF000, s6;
	s1 =	sand.u32 $0x380, s1  }
0x71: {  	(v2sf) =	vpush v3, $0x6;
	s1 =	sor.u32 s1, s6;
	[tilespmem:$0xE500] =	vst v4  }
0x72: {  	v4 =	vld [tilespmem:s1+$0x6400];
	_ =	sdelay $0x1  }
0x73: {  	s13 =	spop (v2sf)  }
0x74: {  	s19 =	sshll.u32 s13, $0x9;
	s6 =	sshll.u32 s13, $0x7  }
0x75: {  	s19 =	sand.u32 $0xFFFFF000, s19;
	s6 =	sand.u32 $0x380, s6  }
0x76: {  	(v2sf) =	vpush v3, $0x7;
	s31 =	sor.u32 s6, s19;
	[tilespmem:$0xE580] =	vst v4  }
0x77: {  	v4 =	vld [tilespmem:s31+$0x6400];
	_ =	sdelay $0x1  }
0x78: {  	s20 =	spop (v2sf)  }
0x79: {  	s21 =	sshll.u32 s20, $0x9;
	s6 =	sshll.u32 s20, $0x7  }
0x7a: {  	s19 =	sand.u32 $0xFFFFF000, s21;
	s6 =	sand.u32 $0x380, s6  }
0x7b: {  	(v2sf) =	vpush v3, $0x8;
	s30 =	sor.u32 s6, s19;
	[tilespmem:$0xE600] =	vst v4  }
0x7c: {  	v4 =	vld [tilespmem:s30+$0x6400];
	_ =	sdelay $0x1  }
0x7d: {  	s22 =	spop (v2sf)  }
0x7e: {  	s23 =	sshll.u32 s22, $0x9;
	s6 =	sshll.u32 s22, $0x7  }
0x7f: {  	s19 =	sand.u32 $0xFFFFF000, s23;
	s6 =	sand.u32 $0x380, s6  }
0x80: {  	(v2sf) =	vpush v3, $0x9;
	s29 =	sor.u32 s6, s19;
	[tilespmem:$0xE680] =	vst v4  }
0x81: {  	v4 =	vld [tilespmem:s29+$0x6400];
	_ =	sdelay $0x1  }
0x82: {  	s24 =	spop (v2sf)  }
0x83: {  	s25 =	sshll.u32 s24, $0x9;
	s6 =	sshll.u32 s24, $0x7  }
0x84: {  	s19 =	sand.u32 $0xFFFFF000, s25;
	s6 =	sand.u32 $0x380, s6  }
0x85: {  	(v2sf) =	vpush v3, $0xA;
	s28 =	sor.u32 s6, s19;
	[tilespmem:$0xE700] =	vst v4  }
0x86: {  	v4 =	vld [tilespmem:s28+$0x6400];
	_ =	sdelay $0x1  }
0x87: {  	s26 =	spop (v2sf)  }
0x88: {  	s13 =	sshll.u32 s26, $0x9;
	s6 =	sshll.u32 s26, $0x7  }
0x89: {  	s19 =	sand.u32 $0xFFFFF000, s13;
	s6 =	sand.u32 $0x380, s6  }
0x8a: {  	(v2sf) =	vpush v3, $0xB;
	s26 =	sor.u32 s6, s19;
	[tilespmem:$0xE780] =	vst v4  }
0x8b: {  	v4 =	vld [tilespmem:s26+$0x6400];
	_ =	sdelay $0x1  }
0x8c: {  	s19 =	spop (v2sf)  }
0x8d: {  	s20 =	sshll.u32 s19, $0x9;
	s6 =	sshll.u32 s19, $0x7  }
0x8e: {  	s19 =	sand.u32 $0xFFFFF000, s20;
	s6 =	sand.u32 $0x380, s6  }
0x8f: {  	(v2sf) =	vpush v3, $0xC;
	s25 =	sor.u32 s6, s19;
	[tilespmem:$0xF400] =	vst v4  }
0x90: {  	v4 =	vld [tilespmem:s25+$0x6400];
	_ =	sdelay $0x1  }
0x91: {  	s21 =	spop (v2sf)  }
0x92: {  	s22 =	sshll.u32 s21, $0x9;
	s6 =	sshll.u32 s21, $0x7  }
0x93: {  	s19 =	sand.u32 $0xFFFFF000, s22;
	s6 =	sand.u32 $0x380, s6  }
0x94: {  	(v2sf) =	vpush v3, $0xD;
	s24 =	sor.u32 s6, s19;
	[tilespmem:$0xF480] =	vst v4  }
0x95: {  	v4 =	vld [tilespmem:s24+$0x6400];
	_ =	sdelay $0x1  }
0x96: {  	s23 =	spop (v2sf)  }
0x97: {  	s13 =	sshll.u32 s23, $0x9;
	s6 =	sshll.u32 s23, $0x7  }
0x98: {  	s19 =	sand.u32 $0xFFFFF000, s13;
	s6 =	sand.u32 $0x380, s6  }
0x99: {  	(v2sf) =	vpush v3, $0xE;
	s23 =	sor.u32 s6, s19;
	[tilespmem:$0xF500] =	vst v4  }
0x9a: {  	v4 =	vld [tilespmem:s23+$0x6400];
	_ =	sdelay $0x1  }
0x9b: {  	s19 =	spop (v2sf)  }
0x9c: {  	s20 =	sshll.u32 s19, $0x9;
	s6 =	sshll.u32 s19, $0x7  }
0x9d: {  	s19 =	sand.u32 $0xFFFFF000, s20;
	s6 =	sand.u32 $0x380, s6  }
0x9e: {  	(v2sf) =	vpush v3, $0xF;
	s22 =	sor.u32 s6, s19;
	[tilespmem:$0xF580] =	vst v4  }
0x9f: {  	v3 =	vld [tilespmem:s22+$0x6400];
	_ =	sdelay $0x1  }
0xa0: {  	s21 =	spop (v2sf)  }
0xa1: {  	s13 =	sshll.u32 s21, $0x9;
	s6 =	sshll.u32 s21, $0x7  }
0xa2: {  	s19 =	sand.u32 $0xFFFFF000, s13;
	s6 =	sand.u32 $0x380, s6  }
0xa3: {  	s21 =	sor.u32 s6, s19;
	[tilespmem:$0xF600] =	vst v3  }
0xa4: {  	v3 =	vld [tilespmem:s21+$0x6400];
	_ =	sdelay $0x1  }
0xa5: {  	s20 =	spop (v2sf)  }
0xa6: {  	s13 =	sshll.u32 s20, $0x9;
	s6 =	sshll.u32 s20, $0x7  }
0xa7: {  	v34 =	vld [tilespmem:s4+$0x6410];
	s19 =	sand.u32 $0xFFFFF000, s13;
	s6 =	sand.u32 $0x380, s6  }
0xa8: {  	s20 =	sor.u32 s6, s19;
	[tilespmem:$0xF680] =	vst v3  }
0xa9: {  	v3 =	vld [tilespmem:s20+$0x6400];
	_ =	sdelay $0x1  }
0xaa: {  	v5 =	vld [tilespmem:s4+$0x6420];
	s19 =	spop (v2sf)  }
0xab: {  	[tilespmem:$0xE410] =	vst v34;
	s13 =	sshll.u32 s19, $0x9;
	s6 =	sshll.u32 s19, $0x7  }
0xac: {  	s19 =	sand.u32 $0xFFFFF000, s13;
	s6 =	sand.u32 $0x380, s6;
	v4 =	vld [tilespmem:s8+$0x6410]  }
0xad: {  	v6 =	vld [tilespmem:s4+$0x6430];
	s19 =	sor.u32 s6, s19;
	[tilespmem:$0xF700] =	vst v3  }
0xae: {  	v3 =	vld [tilespmem:s19+$0x6400]  }
0xaf: {  	v7 =	vld [tilespmem:s4+$0x6440];
	[tilespmem:$0xE420] =	vst v5  }
0xb0: {  	v5 =	vld [tilespmem:s8+$0x6420]  }
0xb1: {  	v35 =	vld [tilespmem:s4+$0x6460];
	[tilespmem:$0xE490] =	vst v4  }
0xb2: {  	[tilespmem:$0xE430] =	vst v6;
	v4 =	vld [tilespmem:s0+$0x6410]  }
0xb3: {  	[tilespmem:$0xF780] =	vst v3;
	v3 =	vld [tilespmem:s4+$0x6450]  }
0xb4: {  	[tilespmem:$0xE440] =	vst v7;
	v6 =	vld [tilespmem:s8+$0x6430]  }
0xb5: {  	v7 =	vld [tilespmem:s8+$0x6440];
	[tilespmem:$0xE4A0] =	vst v5  }
0xb6: {  	[tilespmem:$0xE460] =	vst v35;
	v5 =	vld [tilespmem:s0+$0x6420]  }
0xb7: {  	v36 =	vld [tilespmem:s4+$0x6470];
	[tilespmem:$0xE510] =	vst v4  }
0xb8: {  	v4 =	vld [tilespmem:s8+$0x6460];
	[tilespmem:$0xE450] =	vst v3  }
0xb9: {  	[tilespmem:$0xE4B0] =	vst v6;
	v3 =	vld [tilespmem:s8+$0x6450]  }
0xba: {  	[tilespmem:$0xE4C0] =	vst v7;
	v6 =	vld [tilespmem:s0+$0x6430]  }
0xbb: {  	v7 =	vld [tilespmem:s0+$0x6440];
	[tilespmem:$0xE520] =	vst v5  }
0xbc: {  	[tilespmem:$0xE470] =	vst v36;
	v5 =	vld [tilespmem:s1+$0x6420]  }
0xbd: {  	v8 =	vld [tilespmem:s1+$0x6410];
	[tilespmem:$0xE4E0] =	vst v4  }
0xbe: {  	v4 =	vld [tilespmem:s0+$0x6460];
	[tilespmem:$0xE4D0] =	vst v3  }
0xbf: {  	[tilespmem:$0xE530] =	vst v6;
	v3 =	vld [tilespmem:s0+$0x6450]  }
0xc0: {  	[tilespmem:$0xE540] =	vst v7;
	v6 =	vld [tilespmem:s1+$0x6430]  }
0xc1: {  	v7 =	vld [tilespmem:s1+$0x6440];
	[tilespmem:$0xE5A0] =	vst v5  }
0xc2: {  	v5 =	vld [tilespmem:s31+$0x6420];
	[tilespmem:$0xE590] =	vst v8  }
0xc3: {  	v8 =	vld [tilespmem:s31+$0x6410];
	[tilespmem:$0xE560] =	vst v4  }
0xc4: {  	v4 =	vld [tilespmem:s1+$0x6460];
	[tilespmem:$0xE550] =	vst v3  }
0xc5: {  	[tilespmem:$0xE5B0] =	vst v6;
	v3 =	vld [tilespmem:s1+$0x6450]  }
0xc6: {  	[tilespmem:$0xE5C0] =	vst v7;
	v6 =	vld [tilespmem:s31+$0x6430]  }
0xc7: {  	v7 =	vld [tilespmem:s31+$0x6440];
	[tilespmem:$0xE620] =	vst v5  }
0xc8: {  	v5 =	vld [tilespmem:s30+$0x6420];
	[tilespmem:$0xE610] =	vst v8  }
0xc9: {  	v8 =	vld [tilespmem:s30+$0x6410];
	[tilespmem:$0xE5E0] =	vst v4  }
0xca: {  	v4 =	vld [tilespmem:s31+$0x6460];
	[tilespmem:$0xE5D0] =	vst v3  }
0xcb: {  	[tilespmem:$0xE630] =	vst v6;
	v3 =	vld [tilespmem:s31+$0x6450]  }
0xcc: {  	[tilespmem:$0xE640] =	vst v7;
	v6 =	vld [tilespmem:s30+$0x6430]  }
0xcd: {  	v7 =	vld [tilespmem:s30+$0x6440];
	[tilespmem:$0xE6A0] =	vst v5  }
0xce: {  	v5 =	vld [tilespmem:s29+$0x6420];
	[tilespmem:$0xE690] =	vst v8  }
0xcf: {  	v8 =	vld [tilespmem:s29+$0x6410];
	[tilespmem:$0xE660] =	vst v4  }
0xd0: {  	v4 =	vld [tilespmem:s30+$0x6460];
	[tilespmem:$0xE650] =	vst v3  }
0xd1: {  	[tilespmem:$0xE6B0] =	vst v6;
	v3 =	vld [tilespmem:s30+$0x6450]  }
0xd2: {  	[tilespmem:$0xE6C0] =	vst v7;
	v6 =	vld [tilespmem:s29+$0x6430]  }
0xd3: {  	v7 =	vld [tilespmem:s29+$0x6440];
	[tilespmem:$0xE720] =	vst v5  }
0xd4: {  	v5 =	vld [tilespmem:s28+$0x6420];
	[tilespmem:$0xE710] =	vst v8  }
0xd5: {  	v8 =	vld [tilespmem:s28+$0x6410];
	[tilespmem:$0xE6E0] =	vst v4  }
0xd6: {  	v4 =	vld [tilespmem:s29+$0x6460];
	[tilespmem:$0xE6D0] =	vst v3  }
0xd7: {  	[tilespmem:$0xE730] =	vst v6;
	v3 =	vld [tilespmem:s29+$0x6450]  }
0xd8: {  	[tilespmem:$0xE740] =	vst v7;
	v6 =	vld [tilespmem:s28+$0x6430]  }
0xd9: {  	v7 =	vld [tilespmem:s28+$0x6440];
	[tilespmem:$0xE7A0] =	vst v5  }
0xda: {  	v5 =	vld [tilespmem:s26+$0x6420];
	[tilespmem:$0xE790] =	vst v8  }
0xdb: {  	v8 =	vld [tilespmem:s26+$0x6410];
	[tilespmem:$0xE760] =	vst v4  }
0xdc: {  	v4 =	vld [tilespmem:s28+$0x6460];
	[tilespmem:$0xE750] =	vst v3  }
0xdd: {  	[tilespmem:$0xE7B0] =	vst v6;
	v3 =	vld [tilespmem:s28+$0x6450]  }
0xde: {  	[tilespmem:$0xE7C0] =	vst v7;
	v6 =	vld [tilespmem:s26+$0x6430]  }
0xdf: {  	v7 =	vld [tilespmem:s26+$0x6440];
	[tilespmem:$0xF420] =	vst v5  }
0xe0: {  	v5 =	vld [tilespmem:s25+$0x6420];
	[tilespmem:$0xF410] =	vst v8  }
0xe1: {  	v8 =	vld [tilespmem:s25+$0x6410];
	[tilespmem:$0xE7E0] =	vst v4  }
0xe2: {  	v4 =	vld [tilespmem:s26+$0x6460];
	[tilespmem:$0xE7D0] =	vst v3  }
0xe3: {  	[tilespmem:$0xF430] =	vst v6;
	v3 =	vld [tilespmem:s26+$0x6450]  }
0xe4: {  	[tilespmem:$0xF440] =	vst v7;
	v6 =	vld [tilespmem:s25+$0x6430]  }
0xe5: {  	v7 =	vld [tilespmem:s25+$0x6440];
	[tilespmem:$0xF4A0] =	vst v5  }
0xe6: {  	v5 =	vld [tilespmem:s24+$0x6420];
	[tilespmem:$0xF490] =	vst v8  }
0xe7: {  	v8 =	vld [tilespmem:s24+$0x6410];
	[tilespmem:$0xF460] =	vst v4  }
0xe8: {  	v4 =	vld [tilespmem:s25+$0x6460];
	[tilespmem:$0xF450] =	vst v3  }
0xe9: {  	[tilespmem:$0xF4B0] =	vst v6;
	v3 =	vld [tilespmem:s25+$0x6450]  }
0xea: {  	[tilespmem:$0xF4C0] =	vst v7;
	v6 =	vld [tilespmem:s24+$0x6430]  }
0xeb: {  	v7 =	vld [tilespmem:s24+$0x6440];
	[tilespmem:$0xF520] =	vst v5  }
0xec: {  	v5 =	vld [tilespmem:s23+$0x6420];
	[tilespmem:$0xF510] =	vst v8  }
0xed: {  	v8 =	vld [tilespmem:s23+$0x6410];
	[tilespmem:$0xF4E0] =	vst v4  }
0xee: {  	v4 =	vld [tilespmem:s24+$0x6460];
	[tilespmem:$0xF4D0] =	vst v3  }
0xef: {  	[tilespmem:$0xF530] =	vst v6;
	v3 =	vld [tilespmem:s24+$0x6450]  }
0xf0: {  	[tilespmem:$0xF540] =	vst v7;
	v6 =	vld [tilespmem:s23+$0x6430]  }
0xf1: {  	v7 =	vld [tilespmem:s23+$0x6440];
	[tilespmem:$0xF5A0] =	vst v5  }
0xf2: {  	v5 =	vld [tilespmem:s22+$0x6420];
	[tilespmem:$0xF590] =	vst v8  }
0xf3: {  	v8 =	vld [tilespmem:s22+$0x6410];
	[tilespmem:$0xF560] =	vst v4  }
0xf4: {  	v4 =	vld [tilespmem:s23+$0x6460];
	[tilespmem:$0xF550] =	vst v3  }
0xf5: {  	[tilespmem:$0xF5B0] =	vst v6;
	v3 =	vld [tilespmem:s23+$0x6450]  }
0xf6: {  	[tilespmem:$0xF5C0] =	vst v7;
	v6 =	vld [tilespmem:s22+$0x6430]  }
0xf7: {  	v7 =	vld [tilespmem:s22+$0x6440];
	[tilespmem:$0xF620] =	vst v5  }
0xf8: {  	v5 =	vld [tilespmem:s21+$0x6420];
	[tilespmem:$0xF610] =	vst v8  }
0xf9: {  	v8 =	vld [tilespmem:s21+$0x6410];
	[tilespmem:$0xF5E0] =	vst v4  }
0xfa: {  	v4 =	vld [tilespmem:s22+$0x6460];
	[tilespmem:$0xF5D0] =	vst v3  }
0xfb: {  	[tilespmem:$0xF630] =	vst v6;
	v3 =	vld [tilespmem:s22+$0x6450]  }
0xfc: {  	[tilespmem:$0xF640] =	vst v7;
	v6 =	vld [tilespmem:s21+$0x6430]  }
0xfd: {  	v7 =	vld [tilespmem:s21+$0x6440];
	[tilespmem:$0xF6A0] =	vst v5  }
0xfe: {  	v5 =	vld [tilespmem:s8+$0x6470];
	[tilespmem:$0xF690] =	vst v8  }
0xff: {  	v8 =	vld [tilespmem:s20+$0x6410];
	[tilespmem:$0xF660] =	vst v4  }
0x100: {  	v4 =	vld [tilespmem:s21+$0x6460];
	[tilespmem:$0xF650] =	vst v3  }
0x101: {  	[tilespmem:$0xF6B0] =	vst v6;
	v3 =	vld [tilespmem:s21+$0x6450]  }
0x102: {  	[tilespmem:$0xF6C0] =	vst v7;
	v37 =	vld [tilespmem:s20+$0x6420]  }
0x103: {  	v6 =	vld [tilespmem:s20+$0x6430];
	[tilespmem:$0xE4F0] =	vst v5  }
0x104: {  	v7 =	vld [tilespmem:s20+$0x6440];
	[tilespmem:$0xF710] =	vst v8  }
0x105: {  	v8 =	vld [tilespmem:s19+$0x6410];
	[tilespmem:$0xF6E0] =	vst v4  }
0x106: {  	v4 =	vld [tilespmem:s20+$0x6460];
	[tilespmem:$0xF6D0] =	vst v3  }
0x107: {  	[tilespmem:$0xF720] =	vst v37;
	v3 =	vld [tilespmem:s20+$0x6450]  }
0x108: {  	[tilespmem:$0xF730] =	vst v6;
	v5 =	vld [tilespmem:s0+$0x6470]  }
0x109: {  	[tilespmem:$0xF740] =	vst v7;
	v6 =	vld [tilespmem:s19+$0x6430]  }
0x10a: {  	v7 =	vld [tilespmem:s19+$0x6440];
	[tilespmem:$0xF790] =	vst v8  }
0x10b: {  	v8 =	vld [tilespmem:s19+$0x6420];
	[tilespmem:$0xF760] =	vst v4  }
0x10c: {  	v4 =	vld [tilespmem:s19+$0x6460];
	[tilespmem:$0xF750] =	vst v3  }
0x10d: {  	[tilespmem:$0xE570] =	vst v5;
	v3 =	vld [tilespmem:s19+$0x6450]  }
0x10e: {  	[tilespmem:$0xF7B0] =	vst v6  }
0x10f: {  	[tilespmem:$0xF7C0] =	vst v7  }
0x110: {  	[tilespmem:$0xF7A0] =	vst v8  }
0x111: {  	[tilespmem:$0xF7E0] =	vst v4  }
0x112: {  	[tilespmem:$0xF7D0] =	vst v3  }
0x113: {  	v3 =	vld [tilespmem:s1+$0x6470]  }
0x114: {  	v38 =	vld [tilespmem:s4+$0x6800];
	_ =	sdelay $0x3  }
0x115: {  	v39 =	vld [tilespmem:s4+$0x6810]  }
0x116: {  	[tilespmem:$0xE800] =	vst v38  }
0x117: {  	[tilespmem:$0xE5F0] =	vst v3;
	v4 =	vld [tilespmem:s8+$0x6800]  }
0x118: {  	v3 =	vld [tilespmem:s31+$0x6470];
	_ =	sdelay $0x1  }
0x119: {  	[tilespmem:$0xE810] =	vst v39  }
0x11a: {  	v5 =	vld [tilespmem:s8+$0x6810]  }
0x11b: {  	[tilespmem:$0xE880] =	vst v4  }
0x11c: {  	[tilespmem:$0xE670] =	vst v3;
	v4 =	vld [tilespmem:s0+$0x6800]  }
0x11d: {  	v3 =	vld [tilespmem:s30+$0x6470];
	_ =	sdelay $0x1  }
0x11e: {  	[tilespmem:$0xE890] =	vst v5  }
0x11f: {  	v5 =	vld [tilespmem:s0+$0x6810]  }
0x120: {  	v40 =	vld [tilespmem:s4+$0x6820];
	[tilespmem:$0xE900] =	vst v4  }
0x121: {  	[tilespmem:$0xE6F0] =	vst v3;
	v4 =	vld [tilespmem:s1+$0x6800]  }
0x122: {  	v3 =	vld [tilespmem:s29+$0x6470];
	_ =	sdelay $0x1  }
0x123: {  	[tilespmem:$0xE910] =	vst v5  }
0x124: {  	[tilespmem:$0xE820] =	vst v40;
	v5 =	vld [tilespmem:s1+$0x6810]  }
0x125: {  	v6 =	vld [tilespmem:s8+$0x6820];
	[tilespmem:$0xE980] =	vst v4  }
0x126: {  	[tilespmem:$0xE770] =	vst v3;
	v4 =	vld [tilespmem:s31+$0x6800]  }
0x127: {  	v3 =	vld [tilespmem:s28+$0x6470];
	_ =	sdelay $0x1  }
0x128: {  	[tilespmem:$0xE990] =	vst v5  }
0x129: {  	[tilespmem:$0xE8A0] =	vst v6;
	v5 =	vld [tilespmem:s31+$0x6810]  }
0x12a: {  	v6 =	vld [tilespmem:s0+$0x6820];
	[tilespmem:$0xEA00] =	vst v4  }
0x12b: {  	[tilespmem:$0xE7F0] =	vst v3;
	v4 =	vld [tilespmem:s30+$0x6800]  }
0x12c: {  	v3 =	vld [tilespmem:s26+$0x6470];
	_ =	sdelay $0x1  }
0x12d: {  	[tilespmem:$0xEA10] =	vst v5  }
0x12e: {  	[tilespmem:$0xE920] =	vst v6;
	v5 =	vld [tilespmem:s30+$0x6810]  }
0x12f: {  	v6 =	vld [tilespmem:s1+$0x6820];
	[tilespmem:$0xEA80] =	vst v4  }
0x130: {  	[tilespmem:$0xF470] =	vst v3;
	v4 =	vld [tilespmem:s29+$0x6800]  }
0x131: {  	v3 =	vld [tilespmem:s25+$0x6470];
	_ =	sdelay $0x1  }
0x132: {  	[tilespmem:$0xEA90] =	vst v5  }
0x133: {  	[tilespmem:$0xE9A0] =	vst v6;
	v5 =	vld [tilespmem:s29+$0x6810]  }
0x134: {  	v6 =	vld [tilespmem:s31+$0x6820];
	[tilespmem:$0xEB00] =	vst v4  }
0x135: {  	[tilespmem:$0xF4F0] =	vst v3;
	v4 =	vld [tilespmem:s28+$0x6800]  }
0x136: {  	v3 =	vld [tilespmem:s24+$0x6470];
	_ =	sdelay $0x1  }
0x137: {  	[tilespmem:$0xEB10] =	vst v5  }
0x138: {  	[tilespmem:$0xEA20] =	vst v6;
	v5 =	vld [tilespmem:s28+$0x6810]  }
0x139: {  	v6 =	vld [tilespmem:s30+$0x6820];
	[tilespmem:$0xEB80] =	vst v4  }
0x13a: {  	[tilespmem:$0xF570] =	vst v3;
	v4 =	vld [tilespmem:s26+$0x6800]  }
0x13b: {  	v3 =	vld [tilespmem:s23+$0x6470];
	_ =	sdelay $0x1  }
0x13c: {  	[tilespmem:$0xEB90] =	vst v5  }
0x13d: {  	[tilespmem:$0xEAA0] =	vst v6;
	v5 =	vld [tilespmem:s26+$0x6810]  }
0x13e: {  	v6 =	vld [tilespmem:s29+$0x6820];
	[tilespmem:$0xF800] =	vst v4  }
0x13f: {  	[tilespmem:$0xF5F0] =	vst v3;
	v4 =	vld [tilespmem:s25+$0x6800]  }
0x140: {  	v3 =	vld [tilespmem:s22+$0x6470];
	_ =	sdelay $0x1  }
0x141: {  	[tilespmem:$0xF810] =	vst v5  }
0x142: {  	[tilespmem:$0xEB20] =	vst v6;
	v5 =	vld [tilespmem:s25+$0x6810]  }
0x143: {  	v6 =	vld [tilespmem:s28+$0x6820];
	[tilespmem:$0xF880] =	vst v4  }
0x144: {  	[tilespmem:$0xF670] =	vst v3;
	v4 =	vld [tilespmem:s24+$0x6800]  }
0x145: {  	v3 =	vld [tilespmem:s21+$0x6470];
	_ =	sdelay $0x1  }
0x146: {  	v41 =	vld [tilespmem:s4+$0x6830];
	[tilespmem:$0xF890] =	vst v5  }
0x147: {  	[tilespmem:$0xEBA0] =	vst v6;
	v5 =	vld [tilespmem:s24+$0x6810]  }
0x148: {  	v6 =	vld [tilespmem:s26+$0x6820];
	[tilespmem:$0xF900] =	vst v4  }
0x149: {  	[tilespmem:$0xF6F0] =	vst v3;
	v4 =	vld [tilespmem:s23+$0x6800]  }
0x14a: {  	v3 =	vld [tilespmem:s20+$0x6470]  }
0x14b: {  	v42 =	vld [tilespmem:s4+$0x6850];
	[tilespmem:$0xE830] =	vst v41  }
0x14c: {  	v43 =	vld [tilespmem:s4+$0x6860];
	[tilespmem:$0xF910] =	vst v5  }
0x14d: {  	[tilespmem:$0xF820] =	vst v6;
	v5 =	vld [tilespmem:s23+$0x6810]  }
0x14e: {  	v6 =	vld [tilespmem:s25+$0x6820];
	[tilespmem:$0xF980] =	vst v4  }
0x14f: {  	[tilespmem:$0xF770] =	vst v3;
	v4 =	vld [tilespmem:s22+$0x6800]  }
0x150: {  	[tilespmem:$0xE850] =	vst v42;
	v3 =	vld [tilespmem:s19+$0x6470]  }
0x151: {  	v44 =	vld [tilespmem:s4+$0x6870];
	[tilespmem:$0xE860] =	vst v43  }
0x152: {  	v46 =	vld [tilespmem:s4+$0x6C00];
	[tilespmem:$0xF990] =	vst v5  }
0x153: {  	[tilespmem:$0xF8A0] =	vst v6;
	v5 =	vld [tilespmem:s22+$0x6810]  }
0x154: {  	v6 =	vld [tilespmem:s24+$0x6820];
	[tilespmem:$0xFA00] =	vst v4  }
0x155: {  	[tilespmem:$0xF7F0] =	vst v3;
	v3 =	vld [tilespmem:s4+$0x6840]  }
0x156: {  	[tilespmem:$0xE870] =	vst v44;
	v4 =	vld [tilespmem:s21+$0x6800]  }
0x157: {  	v48 =	vld [tilespmem:s4+$0x6C20];
	[tilespmem:$0xEC00] =	vst v46  }
0x158: {  	v7 =	vld [tilespmem:s8+$0x6830];
	[tilespmem:$0xFA10] =	vst v5  }
0x159: {  	[tilespmem:$0xF920] =	vst v6;
	v5 =	vld [tilespmem:s21+$0x6810]  }
0x15a: {  	v6 =	vld [tilespmem:s23+$0x6820];
	[tilespmem:$0xE840] =	vst v3  }
0x15b: {  	[tilespmem:$0xFA80] =	vst v4;
	v3 =	vld [tilespmem:s8+$0x6840]  }
0x15c: {  	[tilespmem:$0xEC20] =	vst v48;
	v4 =	vld [tilespmem:s20+$0x6800]  }
0x15d: {  	v49 =	vld [tilespmem:s4+$0x6C30];
	[tilespmem:$0xE8B0] =	vst v7  }
0x15e: {  	v7 =	vld [tilespmem:s0+$0x6830];
	[tilespmem:$0xFA90] =	vst v5  }
0x15f: {  	[tilespmem:$0xF9A0] =	vst v6;
	v5 =	vld [tilespmem:s20+$0x6810]  }
0x160: {  	v6 =	vld [tilespmem:s22+$0x6820];
	[tilespmem:$0xE8C0] =	vst v3  }
0x161: {  	[tilespmem:$0xFB00] =	vst v4;
	v3 =	vld [tilespmem:s0+$0x6840]  }
0x162: {  	[tilespmem:$0xEC30] =	vst v49;
	v4 =	vld [tilespmem:s19+$0x6800]  }
0x163: {  	v50 =	vld [tilespmem:s4+$0x6C40];
	[tilespmem:$0xE930] =	vst v7  }
0x164: {  	v7 =	vld [tilespmem:s1+$0x6830];
	[tilespmem:$0xFB10] =	vst v5  }
0x165: {  	[tilespmem:$0xFA20] =	vst v6;
	v5 =	vld [tilespmem:s19+$0x6810]  }
0x166: {  	v6 =	vld [tilespmem:s8+$0x6870];
	[tilespmem:$0xE940] =	vst v3  }
0x167: {  	[tilespmem:$0xFB80] =	vst v4;
	v4 =	vld [tilespmem:s8+$0x6850]  }
0x168: {  	[tilespmem:$0xEC40] =	vst v50;
	v3 =	vld [tilespmem:s1+$0x6840]  }
0x169: {  	v51 =	vld [tilespmem:s4+$0x6C50];
	[tilespmem:$0xE9B0] =	vst v7  }
0x16a: {  	[tilespmem:$0xFB90] =	vst v5;
	v5 =	vld [tilespmem:s8+$0x6860]  }
0x16b: {  	v7 =	vld [tilespmem:s8+$0x6C00];
	[tilespmem:$0xE8F0] =	vst v6  }
0x16c: {  	v6 =	vld [tilespmem:s0+$0x6870];
	[tilespmem:$0xE8D0] =	vst v4  }
0x16d: {  	[tilespmem:$0xE9C0] =	vst v3;
	v4 =	vld [tilespmem:s0+$0x6850]  }
0x16e: {  	[tilespmem:$0xEC50] =	vst v51;
	v3 =	vld [tilespmem:s31+$0x6840]  }
0x16f: {  	v47 =	vld [tilespmem:s31+$0x6830];
	[tilespmem:$0xE8E0] =	vst v5  }
0x170: {  	[tilespmem:$0xEC80] =	vst v7;
	v5 =	vld [tilespmem:s0+$0x6860]  }
0x171: {  	v7 =	vld [tilespmem:s0+$0x6C00];
	[tilespmem:$0xE970] =	vst v6  }
0x172: {  	v6 =	vld [tilespmem:s1+$0x6870];
	[tilespmem:$0xE950] =	vst v4  }
0x173: {  	[tilespmem:$0xEA40] =	vst v3;
	v4 =	vld [tilespmem:s1+$0x6850]  }
0x174: {  	[tilespmem:$0xEA30] =	vst v47;
	v3 =	vld [tilespmem:s30+$0x6840]  }
0x175: {  	v45 =	vld [tilespmem:s21+$0x6820];
	[tilespmem:$0xE960] =	vst v5  }
0x176: {  	[tilespmem:$0xED00] =	vst v7;
	v5 =	vld [tilespmem:s1+$0x6860]  }
0x177: {  	v7 =	vld [tilespmem:s1+$0x6C00];
	[tilespmem:$0xE9F0] =	vst v6  }
0x178: {  	v6 =	vld [tilespmem:s31+$0x6870];
	[tilespmem:$0xE9D0] =	vst v4  }
0x179: {  	[tilespmem:$0xEAC0] =	vst v3;
	v4 =	vld [tilespmem:s31+$0x6850]  }
0x17a: {  	[tilespmem:$0xFAA0] =	vst v45;
	v3 =	vld [tilespmem:s29+$0x6840]  }
0x17b: {  	v8 =	vld [tilespmem:s20+$0x6820];
	[tilespmem:$0xE9E0] =	vst v5  }
0x17c: {  	[tilespmem:$0xED80] =	vst v7;
	v5 =	vld [tilespmem:s31+$0x6860]  }
0x17d: {  	v7 =	vld [tilespmem:s31+$0x6C00];
	[tilespmem:$0xEA70] =	vst v6  }
0x17e: {  	v6 =	vld [tilespmem:s30+$0x6870];
	[tilespmem:$0xEA50] =	vst v4  }
0x17f: {  	[tilespmem:$0xEB40] =	vst v3;
	v4 =	vld [tilespmem:s30+$0x6850]  }
0x180: {  	[tilespmem:$0xFB20] =	vst v8;
	v3 =	vld [tilespmem:s28+$0x6840]  }
0x181: {  	v8 =	vld [tilespmem:s19+$0x6820];
	[tilespmem:$0xEA60] =	vst v5  }
0x182: {  	[tilespmem:$0xEE00] =	vst v7;
	v5 =	vld [tilespmem:s30+$0x6860]  }
0x183: {  	v7 =	vld [tilespmem:s30+$0x6C00];
	[tilespmem:$0xEAF0] =	vst v6  }
0x184: {  	v6 =	vld [tilespmem:s29+$0x6870];
	[tilespmem:$0xEAD0] =	vst v4  }
0x185: {  	[tilespmem:$0xEBC0] =	vst v3;
	v4 =	vld [tilespmem:s29+$0x6850]  }
0x186: {  	[tilespmem:$0xFBA0] =	vst v8;
	v3 =	vld [tilespmem:s26+$0x6840]  }
0x187: {  	v8 =	vld [tilespmem:s30+$0x6830];
	[tilespmem:$0xEAE0] =	vst v5  }
0x188: {  	[tilespmem:$0xEE80] =	vst v7;
	v5 =	vld [tilespmem:s29+$0x6860]  }
0x189: {  	v7 =	vld [tilespmem:s29+$0x6C00];
	[tilespmem:$0xEB70] =	vst v6  }
0x18a: {  	v6 =	vld [tilespmem:s28+$0x6870];
	[tilespmem:$0xEB50] =	vst v4  }
0x18b: {  	[tilespmem:$0xF840] =	vst v3;
	v4 =	vld [tilespmem:s28+$0x6850]  }
0x18c: {  	[tilespmem:$0xEAB0] =	vst v8;
	v3 =	vld [tilespmem:s25+$0x6840]  }
0x18d: {  	v8 =	vld [tilespmem:s29+$0x6830];
	[tilespmem:$0xEB60] =	vst v5  }
0x18e: {  	[tilespmem:$0xEF00] =	vst v7;
	v5 =	vld [tilespmem:s28+$0x6860]  }
0x18f: {  	v7 =	vld [tilespmem:s28+$0x6C00];
	[tilespmem:$0xEBF0] =	vst v6  }
0x190: {  	v6 =	vld [tilespmem:s26+$0x6870];
	[tilespmem:$0xEBD0] =	vst v4  }
0x191: {  	[tilespmem:$0xF8C0] =	vst v3;
	v4 =	vld [tilespmem:s26+$0x6850]  }
0x192: {  	[tilespmem:$0xEB30] =	vst v8;
	v3 =	vld [tilespmem:s24+$0x6840]  }
0x193: {  	v8 =	vld [tilespmem:s28+$0x6830];
	[tilespmem:$0xEBE0] =	vst v5  }
0x194: {  	[tilespmem:$0xEF80] =	vst v7;
	v5 =	vld [tilespmem:s26+$0x6860]  }
0x195: {  	v7 =	vld [tilespmem:s26+$0x6C00];
	[tilespmem:$0xF870] =	vst v6  }
0x196: {  	v6 =	vld [tilespmem:s25+$0x6870];
	[tilespmem:$0xF850] =	vst v4  }
0x197: {  	[tilespmem:$0xF940] =	vst v3;
	v4 =	vld [tilespmem:s25+$0x6850]  }
0x198: {  	[tilespmem:$0xEBB0] =	vst v8;
	v3 =	vld [tilespmem:s23+$0x6840]  }
0x199: {  	v8 =	vld [tilespmem:s26+$0x6830];
	[tilespmem:$0xF860] =	vst v5  }
0x19a: {  	[tilespmem:$0xFC00] =	vst v7;
	v5 =	vld [tilespmem:s25+$0x6860]  }
0x19b: {  	v7 =	vld [tilespmem:s25+$0x6C00];
	[tilespmem:$0xF8F0] =	vst v6  }
0x19c: {  	v6 =	vld [tilespmem:s24+$0x6870];
	[tilespmem:$0xF8D0] =	vst v4  }
0x19d: {  	[tilespmem:$0xF9C0] =	vst v3;
	v4 =	vld [tilespmem:s24+$0x6850]  }
0x19e: {  	[tilespmem:$0xF830] =	vst v8;
	v3 =	vld [tilespmem:s22+$0x6840]  }
0x19f: {  	v8 =	vld [tilespmem:s25+$0x6830];
	[tilespmem:$0xF8E0] =	vst v5  }
0x1a0: {  	[tilespmem:$0xFC80] =	vst v7;
	v5 =	vld [tilespmem:s24+$0x6860]  }
0x1a1: {  	v7 =	vld [tilespmem:s24+$0x6C00];
	[tilespmem:$0xF970] =	vst v6  }
0x1a2: {  	v6 =	vld [tilespmem:s23+$0x6870];
	[tilespmem:$0xF950] =	vst v4  }
0x1a3: {  	[tilespmem:$0xFA40] =	vst v3;
	v4 =	vld [tilespmem:s23+$0x6850]  }
0x1a4: {  	[tilespmem:$0xF8B0] =	vst v8;
	v3 =	vld [tilespmem:s21+$0x6840]  }
0x1a5: {  	v8 =	vld [tilespmem:s24+$0x6830];
	[tilespmem:$0xF960] =	vst v5  }
0x1a6: {  	[tilespmem:$0xFD00] =	vst v7;
	v5 =	vld [tilespmem:s23+$0x6860]  }
0x1a7: {  	v7 =	vld [tilespmem:s23+$0x6C00];
	[tilespmem:$0xF9F0] =	vst v6  }
0x1a8: {  	v6 =	vld [tilespmem:s22+$0x6870];
	[tilespmem:$0xF9D0] =	vst v4  }
0x1a9: {  	[tilespmem:$0xFAC0] =	vst v3;
	v4 =	vld [tilespmem:s22+$0x6850]  }
0x1aa: {  	[tilespmem:$0xF930] =	vst v8;
	v3 =	vld [tilespmem:s20+$0x6840]  }
0x1ab: {  	v8 =	vld [tilespmem:s23+$0x6830];
	[tilespmem:$0xF9E0] =	vst v5  }
0x1ac: {  	[tilespmem:$0xFD80] =	vst v7;
	v5 =	vld [tilespmem:s22+$0x6860]  }
0x1ad: {  	v7 =	vld [tilespmem:s22+$0x6C00];
	[tilespmem:$0xFA70] =	vst v6  }
0x1ae: {  	v6 =	vld [tilespmem:s21+$0x6870];
	[tilespmem:$0xFA50] =	vst v4  }
0x1af: {  	[tilespmem:$0xFB40] =	vst v3;
	v4 =	vld [tilespmem:s21+$0x6850]  }
0x1b0: {  	[tilespmem:$0xF9B0] =	vst v8;
	v3 =	vld [tilespmem:s19+$0x6840]  }
0x1b1: {  	v8 =	vld [tilespmem:s22+$0x6830];
	[tilespmem:$0xFA60] =	vst v5  }
0x1b2: {  	[tilespmem:$0xFE00] =	vst v7;
	v5 =	vld [tilespmem:s21+$0x6860]  }
0x1b3: {  	v7 =	vld [tilespmem:s8+$0x6C50];
	[tilespmem:$0xFAF0] =	vst v6  }
0x1b4: {  	v6 =	vld [tilespmem:s20+$0x6870];
	[tilespmem:$0xFAD0] =	vst v4  }
0x1b5: {  	[tilespmem:$0xFBC0] =	vst v3;
	v3 =	vld [tilespmem:s4+$0x6C10]  }
0x1b6: {  	[tilespmem:$0xFA30] =	vst v8;
	v4 =	vld [tilespmem:s20+$0x6850]  }
0x1b7: {  	v8 =	vld [tilespmem:s21+$0x6830];
	[tilespmem:$0xFAE0] =	vst v5  }
0x1b8: {  	[tilespmem:$0xECD0] =	vst v7;
	v5 =	vld [tilespmem:s20+$0x6860]  }
0x1b9: {  	v52 =	vld [tilespmem:s21+$0x6C00];
	[tilespmem:$0xFB70] =	vst v6  }
0x1ba: {  	v6 =	vld [tilespmem:s19+$0x6870];
	[tilespmem:$0xEC10] =	vst v3  }
0x1bb: {  	[tilespmem:$0xFB50] =	vst v4;
	v3 =	vld [tilespmem:s8+$0x6C10]  }
0x1bc: {  	[tilespmem:$0xFAB0] =	vst v8;
	v4 =	vld [tilespmem:s19+$0x6850]  }
0x1bd: {  	v8 =	vld [tilespmem:s20+$0x6830];
	[tilespmem:$0xFB60] =	vst v5  }
0x1be: {  	[tilespmem:$0xFE80] =	vst v52;
	v5 =	vld [tilespmem:s19+$0x6860]  }
0x1bf: {  	[tilespmem:$0xFBF0] =	vst v6;
	v6 =	vld [tilespmem:s8+$0x6C40]  }
0x1c0: {  	v7 =	vld [tilespmem:s0+$0x6C50];
	[tilespmem:$0xEC90] =	vst v3  }
0x1c1: {  	[tilespmem:$0xFBD0] =	vst v4;
	v4 =	vld [tilespmem:s8+$0x6C20]  }
0x1c2: {  	[tilespmem:$0xFB30] =	vst v8;
	v3 =	vld [tilespmem:s0+$0x6C10]  }
0x1c3: {  	[tilespmem:$0xFBE0] =	vst v5;
	v5 =	vld [tilespmem:s8+$0x6C30]  }
0x1c4: {  	v8 =	vld [tilespmem:s19+$0x6830];
	[tilespmem:$0xECC0] =	vst v6  }
0x1c5: {  	[tilespmem:$0xED50] =	vst v7;
	v6 =	vld [tilespmem:s0+$0x6C40]  }
0x1c6: {  	v7 =	vld [tilespmem:s1+$0x6C50];
	[tilespmem:$0xECA0] =	vst v4  }
0x1c7: {  	[tilespmem:$0xED10] =	vst v3;
	v4 =	vld [tilespmem:s0+$0x6C20]  }
0x1c8: {  	[tilespmem:$0xECB0] =	vst v5;
	v3 =	vld [tilespmem:s1+$0x6C10]  }
0x1c9: {  	[tilespmem:$0xFBB0] =	vst v8;
	v5 =	vld [tilespmem:s0+$0x6C30]  }
0x1ca: {  	v8 =	vld [tilespmem:s20+$0x6C00];
	[tilespmem:$0xED40] =	vst v6  }
0x1cb: {  	[tilespmem:$0xEDD0] =	vst v7;
	v6 =	vld [tilespmem:s1+$0x6C40]  }
0x1cc: {  	v7 =	vld [tilespmem:s31+$0x6C50];
	[tilespmem:$0xED20] =	vst v4  }
0x1cd: {  	[tilespmem:$0xED90] =	vst v3;
	v3 =	vld [tilespmem:s4+$0x6C60]  }
0x1ce: {  	[tilespmem:$0xED30] =	vst v5;
	v4 =	vld [tilespmem:s1+$0x6C20]  }
0x1cf: {  	[tilespmem:$0xFF00] =	vst v8;
	v5 =	vld [tilespmem:s1+$0x6C30]  }
0x1d0: {  	v8 =	vld [tilespmem:s19+$0x6C00];
	[tilespmem:$0xEDC0] =	vst v6  }
0x1d1: {  	[tilespmem:$0xEE50] =	vst v7;
	v6 =	vld [tilespmem:s31+$0x6C40]  }
0x1d2: {  	v53 =	vld [tilespmem:s31+$0x6C10];
	[tilespmem:$0xEC60] =	vst v3  }
0x1d3: {  	[tilespmem:$0xEDA0] =	vst v4;
	v3 =	vld [tilespmem:s8+$0x6C60]  }
0x1d4: {  	[tilespmem:$0xEDB0] =	vst v5;
	v4 =	vld [tilespmem:s31+$0x6C20]  }
0x1d5: {  	[tilespmem:$0xFF80] =	vst v8;
	v5 =	vld [tilespmem:s31+$0x6C30]  }
0x1d6: {  	v7 =	vld [tilespmem:s30+$0x6C50];
	[tilespmem:$0xEE40] =	vst v6  }
0x1d7: {  	v6 =	vld [tilespmem:s30+$0x6C40];
	[tilespmem:$0xEE10] =	vst v53  }
0x1d8: {  	v8 =	vld [tilespmem:s30+$0x6C10];
	[tilespmem:$0xECE0] =	vst v3  }
0x1d9: {  	[tilespmem:$0xEE20] =	vst v4;
	v3 =	vld [tilespmem:s0+$0x6C60]  }
0x1da: {  	[tilespmem:$0xEE30] =	vst v5;
	v4 =	vld [tilespmem:s30+$0x6C20]  }
0x1db: {  	[tilespmem:$0xEED0] =	vst v7;
	v5 =	vld [tilespmem:s30+$0x6C30]  }
0x1dc: {  	v7 =	vld [tilespmem:s29+$0x6C50];
	[tilespmem:$0xEEC0] =	vst v6  }
0x1dd: {  	v6 =	vld [tilespmem:s29+$0x6C40];
	[tilespmem:$0xEE90] =	vst v8  }
0x1de: {  	v8 =	vld [tilespmem:s29+$0x6C10];
	[tilespmem:$0xED60] =	vst v3  }
0x1df: {  	[tilespmem:$0xEEA0] =	vst v4;
	v3 =	vld [tilespmem:s1+$0x6C60]  }
0x1e0: {  	[tilespmem:$0xEEB0] =	vst v5;
	v4 =	vld [tilespmem:s29+$0x6C20]  }
0x1e1: {  	[tilespmem:$0xEF50] =	vst v7;
	v5 =	vld [tilespmem:s29+$0x6C30]  }
0x1e2: {  	v7 =	vld [tilespmem:s28+$0x6C50];
	[tilespmem:$0xEF40] =	vst v6  }
0x1e3: {  	v6 =	vld [tilespmem:s28+$0x6C40];
	[tilespmem:$0xEF10] =	vst v8  }
0x1e4: {  	v8 =	vld [tilespmem:s28+$0x6C10];
	[tilespmem:$0xEDE0] =	vst v3  }
0x1e5: {  	[tilespmem:$0xEF20] =	vst v4;
	v3 =	vld [tilespmem:s31+$0x6C60]  }
0x1e6: {  	[tilespmem:$0xEF30] =	vst v5;
	v4 =	vld [tilespmem:s28+$0x6C20]  }
0x1e7: {  	[tilespmem:$0xEFD0] =	vst v7;
	v5 =	vld [tilespmem:s28+$0x6C30]  }
0x1e8: {  	v7 =	vld [tilespmem:s26+$0x6C50];
	[tilespmem:$0xEFC0] =	vst v6  }
0x1e9: {  	v6 =	vld [tilespmem:s26+$0x6C40];
	[tilespmem:$0xEF90] =	vst v8  }
0x1ea: {  	v8 =	vld [tilespmem:s26+$0x6C10];
	[tilespmem:$0xEE60] =	vst v3  }
0x1eb: {  	[tilespmem:$0xEFA0] =	vst v4;
	v3 =	vld [tilespmem:s30+$0x6C60]  }
0x1ec: {  	[tilespmem:$0xEFB0] =	vst v5;
	v4 =	vld [tilespmem:s26+$0x6C20]  }
0x1ed: {  	[tilespmem:$0xFC50] =	vst v7;
	v5 =	vld [tilespmem:s26+$0x6C30]  }
0x1ee: {  	v7 =	vld [tilespmem:s25+$0x6C50];
	[tilespmem:$0xFC40] =	vst v6  }
0x1ef: {  	v6 =	vld [tilespmem:s25+$0x6C40];
	[tilespmem:$0xFC10] =	vst v8  }
0x1f0: {  	v8 =	vld [tilespmem:s25+$0x6C10];
	[tilespmem:$0xEEE0] =	vst v3  }
0x1f1: {  	[tilespmem:$0xFC20] =	vst v4;
	v3 =	vld [tilespmem:s29+$0x6C60]  }
0x1f2: {  	[tilespmem:$0xFC30] =	vst v5;
	v4 =	vld [tilespmem:s25+$0x6C20]  }
0x1f3: {  	[tilespmem:$0xFCD0] =	vst v7;
	v5 =	vld [tilespmem:s25+$0x6C30]  }
0x1f4: {  	v7 =	vld [tilespmem:s24+$0x6C50];
	[tilespmem:$0xFCC0] =	vst v6  }
0x1f5: {  	v6 =	vld [tilespmem:s24+$0x6C40];
	[tilespmem:$0xFC90] =	vst v8  }
0x1f6: {  	v8 =	vld [tilespmem:s24+$0x6C10];
	[tilespmem:$0xEF60] =	vst v3  }
0x1f7: {  	[tilespmem:$0xFCA0] =	vst v4;
	v3 =	vld [tilespmem:s28+$0x6C60]  }
0x1f8: {  	[tilespmem:$0xFCB0] =	vst v5;
	v4 =	vld [tilespmem:s24+$0x6C20]  }
0x1f9: {  	[tilespmem:$0xFD50] =	vst v7;
	v5 =	vld [tilespmem:s24+$0x6C30]  }
0x1fa: {  	v7 =	vld [tilespmem:s23+$0x6C50];
	[tilespmem:$0xFD40] =	vst v6  }
0x1fb: {  	v6 =	vld [tilespmem:s23+$0x6C40];
	[tilespmem:$0xFD10] =	vst v8  }
0x1fc: {  	v8 =	vld [tilespmem:s23+$0x6C10];
	[tilespmem:$0xEFE0] =	vst v3  }
0x1fd: {  	[tilespmem:$0xFD20] =	vst v4;
	v3 =	vld [tilespmem:s26+$0x6C60]  }
0x1fe: {  	[tilespmem:$0xFD30] =	vst v5;
	v4 =	vld [tilespmem:s23+$0x6C20]  }
0x1ff: {  	[tilespmem:$0xFDD0] =	vst v7;
	v5 =	vld [tilespmem:s23+$0x6C30]  }
0x200: {  	v7 =	vld [tilespmem:s22+$0x6C50];
	[tilespmem:$0xFDC0] =	vst v6  }
0x201: {  	v6 =	vld [tilespmem:s22+$0x6C40];
	[tilespmem:$0xFD90] =	vst v8  }
0x202: {  	v8 =	vld [tilespmem:s22+$0x6C10];
	[tilespmem:$0xFC60] =	vst v3  }
0x203: {  	[tilespmem:$0xFDA0] =	vst v4;
	v3 =	vld [tilespmem:s25+$0x6C60]  }
0x204: {  	[tilespmem:$0xFDB0] =	vst v5;
	v4 =	vld [tilespmem:s22+$0x6C20]  }
0x205: {  	[tilespmem:$0xFE50] =	vst v7;
	v5 =	vld [tilespmem:s22+$0x6C30]  }
0x206: {  	v7 =	vld [tilespmem:s21+$0x6C50];
	[tilespmem:$0xFE40] =	vst v6  }
0x207: {  	v6 =	vld [tilespmem:s21+$0x6C40];
	[tilespmem:$0xFE10] =	vst v8  }
0x208: {  	v8 =	vld [tilespmem:s21+$0x6C10];
	[tilespmem:$0xFCE0] =	vst v3  }
0x209: {  	[tilespmem:$0xFE20] =	vst v4;
	v3 =	vld [tilespmem:s24+$0x6C60]  }
0x20a: {  	[tilespmem:$0xFE30] =	vst v5;
	v4 =	vld [tilespmem:s21+$0x6C20]  }
0x20b: {  	[tilespmem:$0xFED0] =	vst v7;
	v5 =	vld [tilespmem:s21+$0x6C30]  }
0x20c: {  	v7 =	vld [tilespmem:s20+$0x6C50];
	[tilespmem:$0xFEC0] =	vst v6  }
0x20d: {  	v6 =	vld [tilespmem:s20+$0x6C40];
	[tilespmem:$0xFE90] =	vst v8  }
0x20e: {  	v8 =	vld [tilespmem:s20+$0x6C10];
	[tilespmem:$0xFD60] =	vst v3  }
0x20f: {  	[tilespmem:$0xFEA0] =	vst v4;
	v3 =	vld [tilespmem:s23+$0x6C60]  }
0x210: {  	[tilespmem:$0xFEB0] =	vst v5;
	v4 =	vld [tilespmem:s20+$0x6C20]  }
0x211: {  	[tilespmem:$0xFF50] =	vst v7;
	v5 =	vld [tilespmem:s20+$0x6C30]  }
0x212: {  	v7 =	vld [tilespmem:s19+$0x6C50];
	[tilespmem:$0xFF40] =	vst v6  }
0x213: {  	v6 =	vld [tilespmem:s19+$0x6C40];
	[tilespmem:$0xFF10] =	vst v8  }
0x214: {  	v8 =	vld [tilespmem:s19+$0x6C10];
	[tilespmem:$0xFDE0] =	vst v3  }
0x215: {  	[tilespmem:$0xFF20] =	vst v4;
	v3 =	vld [tilespmem:s22+$0x6C60]  }
0x216: {  	[tilespmem:$0xFF30] =	vst v5;
	v4 =	vld [tilespmem:s19+$0x6C20]  }
0x217: {  	[tilespmem:$0xFFD0] =	vst v7;
	v5 =	vld [tilespmem:s19+$0x6C30]  }
0x218: {  	[tilespmem:$0xFFC0] =	vst v6  }
0x219: {  	[tilespmem:$0xFF90] =	vst v8  }
0x21a: {  	[tilespmem:$0xFE60] =	vst v3  }
0x21b: {  	[tilespmem:$0xFFA0] =	vst v4  }
0x21c: {  	[tilespmem:$0xFFB0] =	vst v5  }
0x21d: {  	v3 =	vld [tilespmem:s21+$0x6C60]  }
0x21e: {  	v54 =	vld [tilespmem:s4+$0x6C70]  }
0x21f: {  	v55 =	vld [tilespmem:s4+$0x7000]  }
0x220: {  	v56 =	vld [tilespmem:s4+$0x7010];
	_ =	sdelay $0x2  }
0x221: {  	[tilespmem:$0xEC70] =	vst v54  }
0x222: {  	[tilespmem:$0xF000] =	vst v55;
	v4 =	vld [tilespmem:s8+$0x6C70]  }
0x223: {  	[tilespmem:$0xF010] =	vst v56;
	v5 =	vld [tilespmem:s8+$0x7000]  }
0x224: {  	v6 =	vld [tilespmem:s8+$0x7010];
	_ =	sdelay $0x2  }
0x225: {  	[tilespmem:$0xECF0] =	vst v4  }
0x226: {  	[tilespmem:$0xF080] =	vst v5;
	v4 =	vld [tilespmem:s0+$0x6C70]  }
0x227: {  	[tilespmem:$0xF090] =	vst v6;
	v5 =	vld [tilespmem:s0+$0x7000]  }
0x228: {  	v6 =	vld [tilespmem:s0+$0x7010];
	_ =	sdelay $0x2  }
0x229: {  	[tilespmem:$0xED70] =	vst v4  }
0x22a: {  	[tilespmem:$0xF100] =	vst v5;
	v4 =	vld [tilespmem:s1+$0x6C70]  }
0x22b: {  	[tilespmem:$0xF110] =	vst v6;
	v5 =	vld [tilespmem:s1+$0x7000]  }
0x22c: {  	v6 =	vld [tilespmem:s1+$0x7010];
	_ =	sdelay $0x2  }
0x22d: {  	[tilespmem:$0xEDF0] =	vst v4  }
0x22e: {  	[tilespmem:$0xF180] =	vst v5;
	v4 =	vld [tilespmem:s31+$0x6C70]  }
0x22f: {  	[tilespmem:$0xF190] =	vst v6;
	v5 =	vld [tilespmem:s31+$0x7000]  }
0x230: {  	v6 =	vld [tilespmem:s31+$0x7010];
	_ =	sdelay $0x2  }
0x231: {  	[tilespmem:$0xEE70] =	vst v4  }
0x232: {  	[tilespmem:$0xF200] =	vst v5;
	v4 =	vld [tilespmem:s30+$0x6C70]  }
0x233: {  	[tilespmem:$0xF210] =	vst v6;
	v5 =	vld [tilespmem:s30+$0x7000]  }
0x234: {  	v6 =	vld [tilespmem:s30+$0x7010];
	_ =	sdelay $0x2  }
0x235: {  	[tilespmem:$0xEEF0] =	vst v4  }
0x236: {  	[tilespmem:$0xF280] =	vst v5;
	v4 =	vld [tilespmem:s29+$0x6C70]  }
0x237: {  	[tilespmem:$0xF290] =	vst v6;
	v5 =	vld [tilespmem:s29+$0x7000]  }
0x238: {  	v6 =	vld [tilespmem:s29+$0x7010];
	_ =	sdelay $0x2  }
0x239: {  	[tilespmem:$0xEF70] =	vst v4  }
0x23a: {  	[tilespmem:$0xF300] =	vst v5;
	v4 =	vld [tilespmem:s28+$0x6C70]  }
0x23b: {  	[tilespmem:$0xF310] =	vst v6;
	v5 =	vld [tilespmem:s28+$0x7000]  }
0x23c: {  	v6 =	vld [tilespmem:s28+$0x7010];
	_ =	sdelay $0x2  }
0x23d: {  	[tilespmem:$0xEFF0] =	vst v4  }
0x23e: {  	[tilespmem:$0xF380] =	vst v5;
	v4 =	vld [tilespmem:s26+$0x6C70]  }
0x23f: {  	[tilespmem:$0xF390] =	vst v6;
	v5 =	vld [tilespmem:s26+$0x7000]  }
0x240: {  	v6 =	vld [tilespmem:s26+$0x7010];
	_ =	sdelay $0x2  }
0x241: {  	[tilespmem:$0xFC70] =	vst v4  }
0x242: {  	[tilespmem:$0x10000] =	vst v5;
	v4 =	vld [tilespmem:s25+$0x6C70]  }
0x243: {  	[tilespmem:$0x10010] =	vst v6;
	v5 =	vld [tilespmem:s25+$0x7000]  }
0x244: {  	v6 =	vld [tilespmem:s25+$0x7010];
	_ =	sdelay $0x2  }
0x245: {  	[tilespmem:$0xFCF0] =	vst v4  }
0x246: {  	[tilespmem:$0x10080] =	vst v5;
	v4 =	vld [tilespmem:s24+$0x6C70]  }
0x247: {  	[tilespmem:$0x10090] =	vst v6;
	v5 =	vld [tilespmem:s24+$0x7000]  }
0x248: {  	v6 =	vld [tilespmem:s24+$0x7010];
	_ =	sdelay $0x2  }
0x249: {  	[tilespmem:$0xFD70] =	vst v4  }
0x24a: {  	[tilespmem:$0x10100] =	vst v5;
	v4 =	vld [tilespmem:s23+$0x6C70]  }
0x24b: {  	[tilespmem:$0x10110] =	vst v6;
	v5 =	vld [tilespmem:s23+$0x7000]  }
0x24c: {  	v6 =	vld [tilespmem:s23+$0x7010];
	_ =	sdelay $0x2  }
0x24d: {  	[tilespmem:$0xFDF0] =	vst v4  }
0x24e: {  	[tilespmem:$0x10180] =	vst v5;
	v4 =	vld [tilespmem:s22+$0x6C70]  }
0x24f: {  	[tilespmem:$0x10190] =	vst v6;
	v5 =	vld [tilespmem:s22+$0x7000]  }
0x250: {  	v6 =	vld [tilespmem:s22+$0x7010]  }
0x251: {  	v57 =	vld [tilespmem:s4+$0x7020]  }
0x252: {  	v58 =	vld [tilespmem:s4+$0x7040];
	[tilespmem:$0xFEE0] =	vst v3  }
0x253: {  	v3 =	vld [tilespmem:s20+$0x6C60];
	[tilespmem:$0xFE70] =	vst v4  }
0x254: {  	[tilespmem:$0x10200] =	vst v5;
	v4 =	vld [tilespmem:s21+$0x6C70]  }
0x255: {  	[tilespmem:$0x10210] =	vst v6;
	v5 =	vld [tilespmem:s21+$0x7000]  }
0x256: {  	[tilespmem:$0xF020] =	vst v57;
	v6 =	vld [tilespmem:s21+$0x7010]  }
0x257: {  	v59 =	vld [tilespmem:s4+$0x7050];
	[tilespmem:$0xF040] =	vst v58  }
0x258: {  	v60 =	vld [tilespmem:s4+$0x7060];
	[tilespmem:$0xFF60] =	vst v3  }
0x259: {  	v3 =	vld [tilespmem:s19+$0x6C60];
	[tilespmem:$0xFEF0] =	vst v4  }
0x25a: {  	[tilespmem:$0x10280] =	vst v5;
	v4 =	vld [tilespmem:s20+$0x6C70]  }
0x25b: {  	[tilespmem:$0x10290] =	vst v6;
	v5 =	vld [tilespmem:s20+$0x7000]  }
0x25c: {  	[tilespmem:$0xF050] =	vst v59;
	v6 =	vld [tilespmem:s20+$0x7010]  }
0x25d: {  	v61 =	vld [tilespmem:s4+$0x7070];
	[tilespmem:$0xF060] =	vst v60  }
0x25e: {  	[tilespmem:$0xFFE0] =	vst v3;
	v3 =	vld [tilespmem:s4+$0x7030]  }
0x25f: {  	v62 =	vld [tilespmem:s8+$0x7020];
	[tilespmem:$0xFF70] =	vst v4  }
0x260: {  	[tilespmem:$0x10300] =	vst v5;
	v4 =	vld [tilespmem:s19+$0x6C70]  }
0x261: {  	[tilespmem:$0x10310] =	vst v6;
	v5 =	vld [tilespmem:s19+$0x7000]  }
0x262: {  	[tilespmem:$0xF070] =	vst v61;
	v6 =	vld [tilespmem:s19+$0x7010]  }
0x263: {  	v7 =	vld [tilespmem:s8+$0x7070];
	[tilespmem:$0xF030] =	vst v3  }
0x264: {  	[tilespmem:$0xF0A0] =	vst v62;
	v3 =	vld [tilespmem:s8+$0x7030]  }
0x265: {  	[tilespmem:$0xFFF0] =	vst v4;
	v4 =	vld [tilespmem:s8+$0x7040]  }
0x266: {  	[tilespmem:$0x10380] =	vst v5;
	v5 =	vld [tilespmem:s8+$0x7050]  }
0x267: {  	[tilespmem:$0x10390] =	vst v6;
	v6 =	vld [tilespmem:s8+$0x7060]  }
0x268: {  	[tilespmem:$0xF0F0] =	vst v7;
	v8 =	vld [tilespmem:s0+$0x7020]  }
0x269: {  	v7 =	vld [tilespmem:s0+$0x7070];
	[tilespmem:$0xF0B0] =	vst v3  }
0x26a: {  	v3 =	vld [tilespmem:s0+$0x7030];
	[tilespmem:$0xF0C0] =	vst v4  }
0x26b: {  	[tilespmem:$0xF0D0] =	vst v5;
	v4 =	vld [tilespmem:s0+$0x7040]  }
0x26c: {  	[tilespmem:$0xF0E0] =	vst v6;
	v5 =	vld [tilespmem:s0+$0x7050]  }
0x26d: {  	[tilespmem:$0xF120] =	vst v8;
	v6 =	vld [tilespmem:s0+$0x7060]  }
0x26e: {  	[tilespmem:$0xF170] =	vst v7;
	v8 =	vld [tilespmem:s1+$0x7020]  }
0x26f: {  	v7 =	vld [tilespmem:s1+$0x7070];
	[tilespmem:$0xF130] =	vst v3  }
0x270: {  	v3 =	vld [tilespmem:s1+$0x7030];
	[tilespmem:$0xF140] =	vst v4  }
0x271: {  	[tilespmem:$0xF150] =	vst v5;
	v4 =	vld [tilespmem:s1+$0x7040]  }
0x272: {  	[tilespmem:$0xF160] =	vst v6;
	v5 =	vld [tilespmem:s1+$0x7050]  }
0x273: {  	[tilespmem:$0xF1A0] =	vst v8;
	v6 =	vld [tilespmem:s1+$0x7060]  }
0x274: {  	[tilespmem:$0xF1F0] =	vst v7;
	v8 =	vld [tilespmem:s31+$0x7020]  }
0x275: {  	v7 =	vld [tilespmem:s31+$0x7070];
	[tilespmem:$0xF1B0] =	vst v3  }
0x276: {  	v3 =	vld [tilespmem:s31+$0x7030];
	[tilespmem:$0xF1C0] =	vst v4  }
0x277: {  	[tilespmem:$0xF1D0] =	vst v5;
	v4 =	vld [tilespmem:s31+$0x7040]  }
0x278: {  	[tilespmem:$0xF1E0] =	vst v6;
	v5 =	vld [tilespmem:s31+$0x7050]  }
0x279: {  	[tilespmem:$0xF220] =	vst v8;
	v6 =	vld [tilespmem:s31+$0x7060]  }
0x27a: {  	[tilespmem:$0xF270] =	vst v7;
	v8 =	vld [tilespmem:s30+$0x7020]  }
0x27b: {  	v7 =	vld [tilespmem:s30+$0x7070];
	[tilespmem:$0xF230] =	vst v3  }
0x27c: {  	v3 =	vld [tilespmem:s30+$0x7030];
	[tilespmem:$0xF240] =	vst v4  }
0x27d: {  	[tilespmem:$0xF250] =	vst v5;
	v4 =	vld [tilespmem:s30+$0x7040]  }
0x27e: {  	[tilespmem:$0xF260] =	vst v6;
	v5 =	vld [tilespmem:s30+$0x7050]  }
0x27f: {  	[tilespmem:$0xF2A0] =	vst v8;
	v6 =	vld [tilespmem:s30+$0x7060]  }
0x280: {  	[tilespmem:$0xF2F0] =	vst v7;
	v8 =	vld [tilespmem:s29+$0x7020]  }
0x281: {  	v7 =	vld [tilespmem:s29+$0x7070];
	[tilespmem:$0xF2B0] =	vst v3  }
0x282: {  	v3 =	vld [tilespmem:s29+$0x7030];
	[tilespmem:$0xF2C0] =	vst v4  }
0x283: {  	[tilespmem:$0xF2D0] =	vst v5;
	v4 =	vld [tilespmem:s29+$0x7040]  }
0x284: {  	[tilespmem:$0xF2E0] =	vst v6;
	v5 =	vld [tilespmem:s29+$0x7050]  }
0x285: {  	[tilespmem:$0xF320] =	vst v8;
	v6 =	vld [tilespmem:s29+$0x7060]  }
0x286: {  	[tilespmem:$0xF370] =	vst v7;
	v8 =	vld [tilespmem:s28+$0x7020]  }
0x287: {  	v7 =	vld [tilespmem:s28+$0x7070];
	[tilespmem:$0xF330] =	vst v3  }
0x288: {  	v3 =	vld [tilespmem:s28+$0x7030];
	[tilespmem:$0xF340] =	vst v4  }
0x289: {  	[tilespmem:$0xF350] =	vst v5;
	v4 =	vld [tilespmem:s28+$0x7040]  }
0x28a: {  	[tilespmem:$0xF360] =	vst v6;
	v5 =	vld [tilespmem:s28+$0x7050]  }
0x28b: {  	[tilespmem:$0xF3A0] =	vst v8;
	v6 =	vld [tilespmem:s28+$0x7060]  }
0x28c: {  	[tilespmem:$0xF3F0] =	vst v7;
	v8 =	vld [tilespmem:s26+$0x7020]  }
0x28d: {  	v7 =	vld [tilespmem:s26+$0x7070];
	[tilespmem:$0xF3B0] =	vst v3  }
0x28e: {  	v3 =	vld [tilespmem:s26+$0x7030];
	[tilespmem:$0xF3C0] =	vst v4  }
0x28f: {  	[tilespmem:$0xF3D0] =	vst v5;
	v4 =	vld [tilespmem:s26+$0x7040]  }
0x290: {  	[tilespmem:$0xF3E0] =	vst v6;
	v5 =	vld [tilespmem:s26+$0x7050]  }
0x291: {  	[tilespmem:$0x10020] =	vst v8;
	v6 =	vld [tilespmem:s26+$0x7060]  }
0x292: {  	[tilespmem:$0x10070] =	vst v7;
	v8 =	vld [tilespmem:s25+$0x7020]  }
0x293: {  	v7 =	vld [tilespmem:s25+$0x7070];
	[tilespmem:$0x10030] =	vst v3  }
0x294: {  	v3 =	vld [tilespmem:s25+$0x7030];
	[tilespmem:$0x10040] =	vst v4  }
0x295: {  	[tilespmem:$0x10050] =	vst v5;
	v4 =	vld [tilespmem:s25+$0x7040]  }
0x296: {  	[tilespmem:$0x10060] =	vst v6;
	v5 =	vld [tilespmem:s25+$0x7050]  }
0x297: {  	[tilespmem:$0x100A0] =	vst v8;
	v6 =	vld [tilespmem:s25+$0x7060]  }
0x298: {  	[tilespmem:$0x100F0] =	vst v7;
	v8 =	vld [tilespmem:s24+$0x7020]  }
0x299: {  	v7 =	vld [tilespmem:s24+$0x7070];
	[tilespmem:$0x100B0] =	vst v3  }
0x29a: {  	v3 =	vld [tilespmem:s24+$0x7030];
	[tilespmem:$0x100C0] =	vst v4  }
0x29b: {  	[tilespmem:$0x100D0] =	vst v5;
	v4 =	vld [tilespmem:s24+$0x7040]  }
0x29c: {  	[tilespmem:$0x100E0] =	vst v6;
	v5 =	vld [tilespmem:s24+$0x7050]  }
0x29d: {  	[tilespmem:$0x10120] =	vst v8;
	v6 =	vld [tilespmem:s24+$0x7060]  }
0x29e: {  	[tilespmem:$0x10170] =	vst v7;
	v8 =	vld [tilespmem:s23+$0x7020]  }
0x29f: {  	v7 =	vld [tilespmem:s23+$0x7070];
	[tilespmem:$0x10130] =	vst v3  }
0x2a0: {  	v3 =	vld [tilespmem:s23+$0x7030];
	[tilespmem:$0x10140] =	vst v4  }
0x2a1: {  	[tilespmem:$0x10150] =	vst v5;
	v4 =	vld [tilespmem:s23+$0x7040]  }
0x2a2: {  	[tilespmem:$0x10160] =	vst v6;
	v5 =	vld [tilespmem:s23+$0x7050]  }
0x2a3: {  	[tilespmem:$0x101A0] =	vst v8;
	v6 =	vld [tilespmem:s23+$0x7060]  }
0x2a4: {  	[tilespmem:$0x101F0] =	vst v7;
	v8 =	vld [tilespmem:s22+$0x7020]  }
0x2a5: {  	v7 =	vld [tilespmem:s22+$0x7070];
	[tilespmem:$0x101B0] =	vst v3  }
0x2a6: {  	v3 =	vld [tilespmem:s22+$0x7030];
	[tilespmem:$0x101C0] =	vst v4  }
0x2a7: {  	[tilespmem:$0x101D0] =	vst v5;
	v4 =	vld [tilespmem:s22+$0x7040]  }
0x2a8: {  	[tilespmem:$0x101E0] =	vst v6;
	v5 =	vld [tilespmem:s22+$0x7050]  }
0x2a9: {  	[tilespmem:$0x10220] =	vst v8;
	v6 =	vld [tilespmem:s22+$0x7060]  }
0x2aa: {  	[tilespmem:$0x10270] =	vst v7;
	v8 =	vld [tilespmem:s21+$0x7020]  }
0x2ab: {  	v7 =	vld [tilespmem:s21+$0x7070];
	[tilespmem:$0x10230] =	vst v3  }
0x2ac: {  	v3 =	vld [tilespmem:s21+$0x7030];
	[tilespmem:$0x10240] =	vst v4  }
0x2ad: {  	[tilespmem:$0x10250] =	vst v5;
	v4 =	vld [tilespmem:s21+$0x7040]  }
0x2ae: {  	[tilespmem:$0x10260] =	vst v6;
	v5 =	vld [tilespmem:s21+$0x7050]  }
0x2af: {  	[tilespmem:$0x102A0] =	vst v8;
	v6 =	vld [tilespmem:s21+$0x7060]  }
0x2b0: {  	[tilespmem:$0x102F0] =	vst v7;
	v8 =	vld [tilespmem:s20+$0x7020]  }
0x2b1: {  	v7 =	vld [tilespmem:s20+$0x7070];
	[tilespmem:$0x102B0] =	vst v3  }
0x2b2: {  	v3 =	vld [tilespmem:s20+$0x7030];
	[tilespmem:$0x102C0] =	vst v4  }
0x2b3: {  	[tilespmem:$0x102D0] =	vst v5;
	v4 =	vld [tilespmem:s20+$0x7040]  }
0x2b4: {  	[tilespmem:$0x102E0] =	vst v6;
	v5 =	vld [tilespmem:s20+$0x7050]  }
0x2b5: {  	[tilespmem:$0x10320] =	vst v8;
	v6 =	vld [tilespmem:s20+$0x7060]  }
0x2b6: {  	[tilespmem:$0x10370] =	vst v7;
	v8 =	vld [tilespmem:s19+$0x7020]  }
0x2b7: {  	v7 =	vld [tilespmem:s19+$0x7070];
	[tilespmem:$0x10330] =	vst v3  }
0x2b8: {  	v3 =	vld [tilespmem:s19+$0x7030];
	[tilespmem:$0x10340] =	vst v4  }
0x2b9: {  	[tilespmem:$0x10350] =	vst v5;
	v4 =	vld [tilespmem:s19+$0x7040]  }
0x2ba: {  	[tilespmem:$0x10360] =	vst v6;
	v5 =	vld [tilespmem:s19+$0x7050]  }
0x2bb: {  	[tilespmem:$0x103A0] =	vst v8;
	v6 =	vld [tilespmem:s19+$0x7060]  }
0x2bc: {  	[tilespmem:$0x103F0] =	vst v7  }
0x2bd: {  	[tilespmem:$0x103B0] =	vst v3  }
0x2be: {  	[tilespmem:$0x103C0] =	vst v4  }
0x2bf: {  	[tilespmem:$0x103D0] =	vst v5  }
0x2c0: {  	[tilespmem:$0x103E0] =	vst v6  }
0x2c1: {  	v3 =	vld [tilespmem:s16+$0xFFFFFFF0];
	_ =	sdelay $0x4  }
0x2c2: {  	(v2sf) =	vpush v3, $0x0;
	_ =	sdelay $0x5  }
0x2c3: {  	(v2sf) =	vpush v3, $0x1;
	_ =	sdelay $0x5  }
0x2c4: {  	(v2sf) =	vpush v3, $0x2;
	_ =	sdelay $0x2  }
0x2c5: {  	s6 =	spop (v2sf)  }
0x2c6: {  	s8 =	sshll.u32 s6, $0x9;
	s0 =	sshll.u32 s6, $0x7  }
0x2c7: {  	s1 =	sand.u32 $0xFFFFF000, s8;
	s0 =	sand.u32 $0x380, s0  }
0x2c8: {  	(v2sf) =	vpush v3, $0x3;
	s0 =	sor.u32 s0, s1  }
0x2c9: {  	v4 =	vld [tilespmem:s0+$0x6400]  }
0x2ca: {  	v5 =	vld [tilespmem:s0+$0x6410]  }
0x2cb: {  	s13 =	spop (v2sf);
	v6 =	vld [tilespmem:s0+$0x6420]  }
0x2cc: {  	s19 =	sshll.u32 s13, $0x9;
	s1 =	sshll.u32 s13, $0x7;
	v7 =	vld [tilespmem:s0+$0x6430]  }
0x2cd: {  	s4 =	sand.u32 $0xFFFFF000, s19;
	s1 =	sand.u32 $0x380, s1;
	v8 =	vld [tilespmem:s0+$0x6440]  }
0x2ce: {  	(v2sf) =	vpush v3, $0x4;
	s1 =	sor.u32 s1, s4;
	[tilespmem:$0x10400] =	vst v4  }
0x2cf: {  	[tilespmem:$0x10410] =	vst v5;
	v4 =	vld [tilespmem:s1+$0x6400]  }
0x2d0: {  	[tilespmem:$0x10420] =	vst v6;
	v5 =	vld [tilespmem:s1+$0x6410]  }
0x2d1: {  	s20 =	spop (v2sf);
	[tilespmem:$0x10430] =	vst v7;
	v6 =	vld [tilespmem:s1+$0x6420]  }
0x2d2: {  	s21 =	sshll.u32 s20, $0x9;
	s4 =	sshll.u32 s20, $0x7;
	[tilespmem:$0x10440] =	vst v8;
	v7 =	vld [tilespmem:s1+$0x6430]  }
0x2d3: {  	s6 =	sand.u32 $0xFFFFF000, s21;
	s4 =	sand.u32 $0x380, s4;
	v8 =	vld [tilespmem:s1+$0x6440]  }
0x2d4: {  	(v2sf) =	vpush v3, $0x5;
	s4 =	sor.u32 s4, s6;
	[tilespmem:$0x10480] =	vst v4  }
0x2d5: {  	[tilespmem:$0x10490] =	vst v5;
	v4 =	vld [tilespmem:s4+$0x6400]  }
0x2d6: {  	[tilespmem:$0x104A0] =	vst v6;
	v5 =	vld [tilespmem:s4+$0x6410]  }
0x2d7: {  	s22 =	spop (v2sf);
	[tilespmem:$0x104B0] =	vst v7;
	v6 =	vld [tilespmem:s4+$0x6420]  }
0x2d8: {  	[tilespmem:$0x104C0] =	vst v8;
	s23 =	sshll.u32 s22, $0x9;
	s6 =	sshll.u32 s22, $0x7;
	v7 =	vld [tilespmem:s4+$0x6430]  }
0x2d9: {  	v8 =	vld [tilespmem:s4+$0x6440];
	s8 =	sand.u32 $0xFFFFF000, s23;
	s6 =	sand.u32 $0x380, s6  }
0x2da: {  	(v2sf) =	vpush v3, $0x6;
	s6 =	sor.u32 s6, s8;
	[tilespmem:$0x10500] =	vst v4  }
0x2db: {  	[tilespmem:$0x10510] =	vst v5;
	v4 =	vld [tilespmem:s6+$0x6400]  }
0x2dc: {  	[tilespmem:$0x10520] =	vst v6;
	v5 =	vld [tilespmem:s6+$0x6410]  }
0x2dd: {  	s24 =	spop (v2sf);
	[tilespmem:$0x10530] =	vst v7;
	v6 =	vld [tilespmem:s6+$0x6420]  }
0x2de: {  	s25 =	sshll.u32 s24, $0x9;
	s8 =	sshll.u32 s24, $0x7;
	[tilespmem:$0x10540] =	vst v8;
	v7 =	vld [tilespmem:s6+$0x6430]  }
0x2df: {  	s19 =	sand.u32 $0xFFFFF000, s25;
	s8 =	sand.u32 $0x380, s8;
	v8 =	vld [tilespmem:s6+$0x6440]  }
0x2e0: {  	(v2sf) =	vpush v3, $0x7;
	s8 =	sor.u32 s8, s19;
	[tilespmem:$0x10580] =	vst v4  }
0x2e1: {  	[tilespmem:$0x10590] =	vst v5;
	v4 =	vld [tilespmem:s8+$0x6400]  }
0x2e2: {  	[tilespmem:$0x105A0] =	vst v6;
	v5 =	vld [tilespmem:s8+$0x6410]  }
0x2e3: {  	s26 =	spop (v2sf);
	[tilespmem:$0x105B0] =	vst v7;
	v6 =	vld [tilespmem:s8+$0x6420]  }
0x2e4: {  	s28 =	sshll.u32 s26, $0x9;
	s19 =	sshll.u32 s26, $0x7;
	[tilespmem:$0x105C0] =	vst v8;
	v7 =	vld [tilespmem:s8+$0x6430]  }
0x2e5: {  	s20 =	sand.u32 $0xFFFFF000, s28;
	s19 =	sand.u32 $0x380, s19;
	v8 =	vld [tilespmem:s8+$0x6440]  }
0x2e6: {  	(v2sf) =	vpush v3, $0x8;
	s19 =	sor.u32 s19, s20;
	[tilespmem:$0x10600] =	vst v4  }
0x2e7: {  	[tilespmem:$0x10610] =	vst v5;
	v4 =	vld [tilespmem:s19+$0x6400]  }
0x2e8: {  	[tilespmem:$0x10620] =	vst v6;
	v5 =	vld [tilespmem:s19+$0x6410]  }
0x2e9: {  	s29 =	spop (v2sf);
	[tilespmem:$0x10630] =	vst v7;
	v6 =	vld [tilespmem:s19+$0x6420]  }
0x2ea: {  	s30 =	sshll.u32 s29, $0x9;
	s20 =	sshll.u32 s29, $0x7;
	[tilespmem:$0x10640] =	vst v8;
	v7 =	vld [tilespmem:s19+$0x6430]  }
0x2eb: {  	s21 =	sand.u32 $0xFFFFF000, s30;
	s20 =	sand.u32 $0x380, s20;
	v8 =	vld [tilespmem:s19+$0x6440]  }
0x2ec: {  	(v2sf) =	vpush v3, $0x9;
	s20 =	sor.u32 s20, s21;
	[tilespmem:$0x10680] =	vst v4  }
0x2ed: {  	[tilespmem:$0x10690] =	vst v5;
	v4 =	vld [tilespmem:s20+$0x6400]  }
0x2ee: {  	[tilespmem:$0x106A0] =	vst v6;
	v5 =	vld [tilespmem:s20+$0x6410]  }
0x2ef: {  	s31 =	spop (v2sf);
	[tilespmem:$0x106B0] =	vst v7;
	v6 =	vld [tilespmem:s20+$0x6420]  }
0x2f0: {  	s13 =	sshll.u32 s31, $0x9;
	s21 =	sshll.u32 s31, $0x7;
	[tilespmem:$0x106C0] =	vst v8;
	v7 =	vld [tilespmem:s20+$0x6430]  }
0x2f1: {  	s22 =	sand.u32 $0xFFFFF000, s13;
	s21 =	sand.u32 $0x380, s21;
	v8 =	vld [tilespmem:s20+$0x6440]  }
0x2f2: {  	(v2sf) =	vpush v3, $0xA;
	s21 =	sor.u32 s21, s22;
	[tilespmem:$0x10700] =	vst v4  }
0x2f3: {  	[tilespmem:$0x10710] =	vst v5;
	v4 =	vld [tilespmem:s21+$0x6400]  }
0x2f4: {  	[tilespmem:$0x10720] =	vst v6;
	v5 =	vld [tilespmem:s21+$0x6410]  }
0x2f5: {  	s23 =	spop (v2sf);
	[tilespmem:$0x10730] =	vst v7;
	v6 =	vld [tilespmem:s21+$0x6420]  }
0x2f6: {  	s24 =	sshll.u32 s23, $0x9;
	s22 =	sshll.u32 s23, $0x7;
	[tilespmem:$0x10740] =	vst v8;
	v7 =	vld [tilespmem:s21+$0x6430]  }
0x2f7: {  	s23 =	sand.u32 $0xFFFFF000, s24;
	s22 =	sand.u32 $0x380, s22;
	v8 =	vld [tilespmem:s21+$0x6440]  }
0x2f8: {  	(v2sf) =	vpush v3, $0xB;
	s22 =	sor.u32 s22, s23;
	[tilespmem:$0x10780] =	vst v4  }
0x2f9: {  	[tilespmem:$0x10790] =	vst v5;
	v4 =	vld [tilespmem:s22+$0x6400]  }
0x2fa: {  	[tilespmem:$0x107A0] =	vst v6;
	v5 =	vld [tilespmem:s22+$0x6410]  }
0x2fb: {  	s25 =	spop (v2sf);
	[tilespmem:$0x107B0] =	vst v7;
	v6 =	vld [tilespmem:s22+$0x6420]  }
0x2fc: {  	s26 =	sshll.u32 s25, $0x9;
	s23 =	sshll.u32 s25, $0x7;
	[tilespmem:$0x107C0] =	vst v8;
	v7 =	vld [tilespmem:s22+$0x6430]  }
0x2fd: {  	s24 =	sand.u32 $0xFFFFF000, s26;
	s23 =	sand.u32 $0x380, s23;
	v8 =	vld [tilespmem:s22+$0x6440]  }
0x2fe: {  	(v2sf) =	vpush v3, $0xC;
	s23 =	sor.u32 s23, s24;
	[tilespmem:$0x11400] =	vst v4  }
0x2ff: {  	[tilespmem:$0x11410] =	vst v5;
	v4 =	vld [tilespmem:s23+$0x6400]  }
0x300: {  	[tilespmem:$0x11420] =	vst v6;
	v5 =	vld [tilespmem:s23+$0x6410]  }
0x301: {  	s28 =	spop (v2sf);
	[tilespmem:$0x11430] =	vst v7;
	v6 =	vld [tilespmem:s23+$0x6420]  }
0x302: {  	s29 =	sshll.u32 s28, $0x9;
	s24 =	sshll.u32 s28, $0x7;
	[tilespmem:$0x11440] =	vst v8;
	v7 =	vld [tilespmem:s23+$0x6430]  }
0x303: {  	s25 =	sand.u32 $0xFFFFF000, s29;
	s24 =	sand.u32 $0x380, s24;
	v8 =	vld [tilespmem:s23+$0x6440]  }
0x304: {  	v63 =	vld [tilespmem:s0+$0x6450];
	(v2sf) =	vpush v3, $0xD;
	s24 =	sor.u32 s24, s25;
	[tilespmem:$0x11480] =	vst v4  }
0x305: {  	[tilespmem:$0x11490] =	vst v5;
	v12 =	vld [tilespmem:s24+$0x6400]  }
0x306: {  	[tilespmem:$0x114A0] =	vst v6;
	v13 =	vld [tilespmem:s24+$0x6410]  }
0x307: {  	s30 =	spop (v2sf);
	[tilespmem:$0x114B0] =	vst v7;
	v14 =	vld [tilespmem:s24+$0x6420]  }
0x308: {  	s31 =	sshll.u32 s30, $0x9;
	s25 =	sshll.u32 s30, $0x7;
	[tilespmem:$0x114C0] =	vst v8;
	v15 =	vld [tilespmem:s24+$0x6430]  }
0x309: {  	[tilespmem:$0x10450] =	vst v63;
	s26 =	sand.u32 $0xFFFFF000, s31;
	s25 =	sand.u32 $0x380, s25;
	v16 =	vld [tilespmem:s24+$0x6440]  }
0x30a: {  	v17 =	vld [tilespmem:s1+$0x6450];
	(v2sf) =	vpush v3, $0xE;
	s25 =	sor.u32 s25, s26;
	[tilespmem:$0x11500] =	vst v12  }
0x30b: {  	[tilespmem:$0x11510] =	vst v13;
	v18 =	vld [tilespmem:s25+$0x6400]  }
0x30c: {  	[tilespmem:$0x11520] =	vst v14;
	v19 =	vld [tilespmem:s25+$0x6410]  }
0x30d: {  	s13 =	spop (v2sf);
	[tilespmem:$0x11530] =	vst v15;
	v20 =	vld [tilespmem:s25+$0x6420]  }
0x30e: {  	s29 =	sshll.u32 s13, $0x9;
	s26 =	sshll.u32 s13, $0x7;
	[tilespmem:$0x11540] =	vst v16;
	v21 =	vld [tilespmem:s25+$0x6430]  }
0x30f: {  	[tilespmem:$0x104D0] =	vst v17;
	s28 =	sand.u32 $0xFFFFF000, s29;
	s26 =	sand.u32 $0x380, s26;
	v22 =	vld [tilespmem:s25+$0x6440]  }
0x310: {  	(v2sf) =	vpush v3, $0xF;
	v3 =	vld [tilespmem:s4+$0x6450];
	s26 =	sor.u32 s26, s28;
	[tilespmem:$0x11580] =	vst v18  }
0x311: {  	[tilespmem:$0x11590] =	vst v19;
	v6 =	vld [tilespmem:s26+$0x6400]  }
0x312: {  	[tilespmem:$0x115A0] =	vst v20;
	v7 =	vld [tilespmem:s26+$0x6410]  }
0x313: {  	s30 =	spop (v2sf);
	[tilespmem:$0x115B0] =	vst v21;
	v8 =	vld [tilespmem:s26+$0x6420]  }
0x314: {  	s31 =	sshll.u32 s30, $0x9;
	s28 =	sshll.u32 s30, $0x7;
	[tilespmem:$0x115C0] =	vst v22;
	v4 =	vld [tilespmem:s26+$0x6430]  }
0x315: {  	s29 =	sand.u32 $0xFFFFF000, s31;
	s28 =	sand.u32 $0x380, s28;
	[tilespmem:$0x10550] =	vst v3;
	v5 =	vld [tilespmem:s26+$0x6440]  }
0x316: {  	s28 =	sor.u32 s28, s29;
	v3 =	vld [tilespmem:s6+$0x6450];
	[tilespmem:$0x11600] =	vst v6  }
0x317: {  	[tilespmem:$0x11610] =	vst v7;
	v6 =	vld [tilespmem:s28+$0x6400]  }
0x318: {  	[tilespmem:$0x11620] =	vst v8;
	v7 =	vld [tilespmem:s28+$0x6410]  }
0x319: {  	s13 =	spop (v2sf);
	[tilespmem:$0x11630] =	vst v4;
	v8 =	vld [tilespmem:s28+$0x6420]  }
0x31a: {  	s31 =	sshll.u32 s13, $0x9;
	s29 =	sshll.u32 s13, $0x7;
	[tilespmem:$0x11640] =	vst v5;
	v4 =	vld [tilespmem:s28+$0x6430]  }
0x31b: {  	s30 =	sand.u32 $0xFFFFF000, s31;
	s29 =	sand.u32 $0x380, s29;
	[tilespmem:$0x105D0] =	vst v3;
	v5 =	vld [tilespmem:s28+$0x6440]  }
0x31c: {  	s29 =	sor.u32 s29, s30;
	v3 =	vld [tilespmem:s8+$0x6450];
	[tilespmem:$0x11680] =	vst v6  }
0x31d: {  	[tilespmem:$0x11690] =	vst v7;
	v6 =	vld [tilespmem:s29+$0x6400]  }
0x31e: {  	[tilespmem:$0x116A0] =	vst v8;
	v7 =	vld [tilespmem:s29+$0x6410]  }
0x31f: {  	s30 =	spop (v2sf);
	[tilespmem:$0x116B0] =	vst v4;
	v8 =	vld [tilespmem:s29+$0x6420]  }
0x320: {  	s13 =	sshll.u32 s30, $0x9;
	s30 =	sshll.u32 s30, $0x7;
	[tilespmem:$0x116C0] =	vst v5;
	v4 =	vld [tilespmem:s29+$0x6430]  }
0x321: {  	s31 =	sand.u32 $0xFFFFF000, s13;
	s30 =	sand.u32 $0x380, s30;
	[tilespmem:$0x10650] =	vst v3;
	v5 =	vld [tilespmem:s29+$0x6440]  }
0x322: {  	s30 =	sor.u32 s30, s31;
	v3 =	vld [tilespmem:s19+$0x6450];
	[tilespmem:$0x11700] =	vst v6  }
0x323: {  	[tilespmem:$0x11710] =	vst v7;
	v6 =	vld [tilespmem:s30+$0x6400]  }
0x324: {  	[tilespmem:$0x11720] =	vst v8;
	v7 =	vld [tilespmem:s30+$0x6410]  }
0x325: {  	[tilespmem:$0x11730] =	vst v4;
	v8 =	vld [tilespmem:s30+$0x6420]  }
0x326: {  	[tilespmem:$0x11740] =	vst v5;
	v4 =	vld [tilespmem:s30+$0x6430]  }
0x327: {  	[tilespmem:$0x106D0] =	vst v3;
	v5 =	vld [tilespmem:s30+$0x6440]  }
0x328: {  	v3 =	vld [tilespmem:s20+$0x6450];
	[tilespmem:$0x11780] =	vst v6  }
0x329: {  	[tilespmem:$0x11790] =	vst v7  }
0x32a: {  	[tilespmem:$0x117A0] =	vst v8  }
0x32b: {  	[tilespmem:$0x117B0] =	vst v4  }
0x32c: {  	[tilespmem:$0x117C0] =	vst v5  }
0x32d: {  	[tilespmem:$0x10750] =	vst v3  }
0x32e: {  	v3 =	vld [tilespmem:s0+$0x6460];
	_ =	sdelay $0x4  }
0x32f: {  	[tilespmem:$0x10460] =	vst v3  }
0x330: {  	v3 =	vld [tilespmem:s1+$0x6460];
	_ =	sdelay $0x4  }
0x331: {  	[tilespmem:$0x104E0] =	vst v3  }
0x332: {  	v3 =	vld [tilespmem:s4+$0x6460];
	_ =	sdelay $0x2  }
0x333: {  	v23 =	vld [tilespmem:s0+$0x6470]  }
0x334: {  	v24 =	vld [tilespmem:s0+$0x6800]  }
0x335: {  	[tilespmem:$0x10560] =	vst v3  }
0x336: {  	v3 =	vld [tilespmem:s6+$0x6460];
	_ =	sdelay $0x1  }
0x337: {  	[tilespmem:$0x10470] =	vst v23  }
0x338: {  	[tilespmem:$0x10800] =	vst v24;
	v4 =	vld [tilespmem:s1+$0x6470]  }
0x339: {  	v5 =	vld [tilespmem:s1+$0x6800]  }
0x33a: {  	[tilespmem:$0x105E0] =	vst v3  }
0x33b: {  	v3 =	vld [tilespmem:s8+$0x6460];
	_ =	sdelay $0x1  }
0x33c: {  	[tilespmem:$0x104F0] =	vst v4  }
0x33d: {  	[tilespmem:$0x10880] =	vst v5;
	v4 =	vld [tilespmem:s4+$0x6470]  }
0x33e: {  	v5 =	vld [tilespmem:s4+$0x6800]  }
0x33f: {  	[tilespmem:$0x10660] =	vst v3  }
0x340: {  	v3 =	vld [tilespmem:s19+$0x6460];
	_ =	sdelay $0x1  }
0x341: {  	[tilespmem:$0x10570] =	vst v4  }
0x342: {  	[tilespmem:$0x10900] =	vst v5;
	v4 =	vld [tilespmem:s6+$0x6470]  }
0x343: {  	v5 =	vld [tilespmem:s6+$0x6800]  }
0x344: {  	[tilespmem:$0x106E0] =	vst v3  }
0x345: {  	v3 =	vld [tilespmem:s20+$0x6460];
	_ =	sdelay $0x1  }
0x346: {  	[tilespmem:$0x105F0] =	vst v4  }
0x347: {  	[tilespmem:$0x10980] =	vst v5;
	v4 =	vld [tilespmem:s8+$0x6470]  }
0x348: {  	v5 =	vld [tilespmem:s8+$0x6800]  }
0x349: {  	[tilespmem:$0x10760] =	vst v3  }
0x34a: {  	v3 =	vld [tilespmem:s21+$0x6460];
	_ =	sdelay $0x1  }
0x34b: {  	[tilespmem:$0x10670] =	vst v4  }
0x34c: {  	[tilespmem:$0x10A00] =	vst v5;
	v4 =	vld [tilespmem:s19+$0x6470]  }
0x34d: {  	v5 =	vld [tilespmem:s19+$0x6800]  }
0x34e: {  	[tilespmem:$0x107E0] =	vst v3  }
0x34f: {  	v3 =	vld [tilespmem:s22+$0x6460];
	_ =	sdelay $0x1  }
0x350: {  	[tilespmem:$0x106F0] =	vst v4  }
0x351: {  	[tilespmem:$0x10A80] =	vst v5;
	v4 =	vld [tilespmem:s20+$0x6470]  }
0x352: {  	v5 =	vld [tilespmem:s20+$0x6800]  }
0x353: {  	[tilespmem:$0x11460] =	vst v3  }
0x354: {  	v3 =	vld [tilespmem:s23+$0x6460];
	_ =	sdelay $0x1  }
0x355: {  	v25 =	vld [tilespmem:s21+$0x6450];
	[tilespmem:$0x10770] =	vst v4  }
0x356: {  	[tilespmem:$0x10B00] =	vst v5;
	v4 =	vld [tilespmem:s21+$0x6470]  }
0x357: {  	v5 =	vld [tilespmem:s21+$0x6800]  }
0x358: {  	[tilespmem:$0x114E0] =	vst v3  }
0x359: {  	v3 =	vld [tilespmem:s24+$0x6460]  }
0x35a: {  	[tilespmem:$0x107D0] =	vst v25  }
0x35b: {  	v6 =	vld [tilespmem:s22+$0x6450];
	[tilespmem:$0x107F0] =	vst v4  }
0x35c: {  	[tilespmem:$0x10B80] =	vst v5;
	v4 =	vld [tilespmem:s22+$0x6470]  }
0x35d: {  	v5 =	vld [tilespmem:s22+$0x6800]  }
0x35e: {  	[tilespmem:$0x11560] =	vst v3  }
0x35f: {  	v3 =	vld [tilespmem:s25+$0x6460]  }
0x360: {  	[tilespmem:$0x11450] =	vst v6  }
0x361: {  	v6 =	vld [tilespmem:s23+$0x6450];
	[tilespmem:$0x11470] =	vst v4  }
0x362: {  	[tilespmem:$0x11800] =	vst v5;
	v4 =	vld [tilespmem:s23+$0x6470]  }
0x363: {  	v5 =	vld [tilespmem:s23+$0x6800]  }
0x364: {  	v26 =	vld [tilespmem:s0+$0x6810];
	[tilespmem:$0x115E0] =	vst v3  }
0x365: {  	v3 =	vld [tilespmem:s26+$0x6460]  }
0x366: {  	v27 =	vld [tilespmem:s0+$0x6820];
	[tilespmem:$0x114D0] =	vst v6  }
0x367: {  	v6 =	vld [tilespmem:s24+$0x6450];
	[tilespmem:$0x114F0] =	vst v4  }
0x368: {  	[tilespmem:$0x11880] =	vst v5;
	v4 =	vld [tilespmem:s24+$0x6470]  }
0x369: {  	[tilespmem:$0x10810] =	vst v26;
	v5 =	vld [tilespmem:s24+$0x6800]  }
0x36a: {  	v28 =	vld [tilespmem:s0+$0x6840];
	[tilespmem:$0x11660] =	vst v3  }
0x36b: {  	[tilespmem:$0x10820] =	vst v27;
	v3 =	vld [tilespmem:s28+$0x6460]  }
0x36c: {  	v29 =	vld [tilespmem:s0+$0x6850];
	[tilespmem:$0x11550] =	vst v6  }
0x36d: {  	v6 =	vld [tilespmem:s25+$0x6450];
	[tilespmem:$0x11570] =	vst v4  }
0x36e: {  	[tilespmem:$0x11900] =	vst v5;
	v4 =	vld [tilespmem:s25+$0x6470]  }
0x36f: {  	[tilespmem:$0x10840] =	vst v28;
	v5 =	vld [tilespmem:s25+$0x6800]  }
0x370: {  	v30 =	vld [tilespmem:s0+$0x6860];
	[tilespmem:$0x116E0] =	vst v3  }
0x371: {  	[tilespmem:$0x10850] =	vst v29;
	v3 =	vld [tilespmem:s29+$0x6460]  }
0x372: {  	v32 =	vld [tilespmem:s0+$0x6870];
	[tilespmem:$0x115D0] =	vst v6  }
0x373: {  	v6 =	vld [tilespmem:s26+$0x6450];
	[tilespmem:$0x115F0] =	vst v4  }
0x374: {  	[tilespmem:$0x11980] =	vst v5;
	v4 =	vld [tilespmem:s26+$0x6470]  }
0x375: {  	[tilespmem:$0x10860] =	vst v30;
	v5 =	vld [tilespmem:s26+$0x6800]  }
0x376: {  	v33 =	vld [tilespmem:s0+$0x6C10];
	[tilespmem:$0x11760] =	vst v3  }
0x377: {  	[tilespmem:$0x10870] =	vst v32;
	v3 =	vld [tilespmem:s30+$0x6460]  }
0x378: {  	v34 =	vld [tilespmem:s0+$0x6C20];
	[tilespmem:$0x11650] =	vst v6  }
0x379: {  	v6 =	vld [tilespmem:s28+$0x6450];
	[tilespmem:$0x11670] =	vst v4  }
0x37a: {  	[tilespmem:$0x11A00] =	vst v5;
	v4 =	vld [tilespmem:s28+$0x6470]  }
0x37b: {  	[tilespmem:$0x10C10] =	vst v33;
	v5 =	vld [tilespmem:s28+$0x6800]  }
0x37c: {  	[tilespmem:$0x117E0] =	vst v3;
	v3 =	vld [tilespmem:s0+$0x6830]  }
0x37d: {  	v35 =	vld [tilespmem:s0+$0x6C30];
	[tilespmem:$0x10C20] =	vst v34  }
0x37e: {  	v36 =	vld [tilespmem:s0+$0x6C40];
	[tilespmem:$0x116D0] =	vst v6  }
0x37f: {  	v6 =	vld [tilespmem:s29+$0x6450];
	[tilespmem:$0x116F0] =	vst v4  }
0x380: {  	[tilespmem:$0x11A80] =	vst v5;
	v4 =	vld [tilespmem:s29+$0x6470]  }
0x381: {  	v5 =	vld [tilespmem:s29+$0x6800];
	[tilespmem:$0x10830] =	vst v3  }
0x382: {  	[tilespmem:$0x10C30] =	vst v35;
	v3 =	vld [tilespmem:s1+$0x6830]  }
0x383: {  	[tilespmem:$0x10C40] =	vst v36;
	v31 =	vld [tilespmem:s1+$0x6810]  }
0x384: {  	v7 =	vld [tilespmem:s1+$0x6860];
	[tilespmem:$0x11750] =	vst v6  }
0x385: {  	v6 =	vld [tilespmem:s30+$0x6450];
	[tilespmem:$0x11770] =	vst v4  }
0x386: {  	[tilespmem:$0x11B00] =	vst v5;
	v4 =	vld [tilespmem:s30+$0x6470]  }
0x387: {  	v5 =	vld [tilespmem:s30+$0x6800];
	[tilespmem:$0x108B0] =	vst v3  }
0x388: {  	[tilespmem:$0x10890] =	vst v31;
	v3 =	vld [tilespmem:s4+$0x6830]  }
0x389: {  	v37 =	vld [tilespmem:s1+$0x6870];
	[tilespmem:$0x108E0] =	vst v7  }
0x38a: {  	[tilespmem:$0x117D0] =	vst v6;
	v6 =	vld [tilespmem:s1+$0x6820]  }
0x38b: {  	[tilespmem:$0x117F0] =	vst v4;
	v4 =	vld [tilespmem:s1+$0x6840]  }
0x38c: {  	[tilespmem:$0x11B80] =	vst v5;
	v5 =	vld [tilespmem:s1+$0x6850]  }
0x38d: {  	v8 =	vld [tilespmem:s4+$0x6810];
	[tilespmem:$0x10930] =	vst v3  }
0x38e: {  	[tilespmem:$0x108F0] =	vst v37;
	v3 =	vld [tilespmem:s6+$0x6830]  }
0x38f: {  	v7 =	vld [tilespmem:s4+$0x6860];
	[tilespmem:$0x108A0] =	vst v6  }
0x390: {  	v6 =	vld [tilespmem:s4+$0x6820];
	[tilespmem:$0x108C0] =	vst v4  }
0x391: {  	[tilespmem:$0x108D0] =	vst v5;
	v4 =	vld [tilespmem:s4+$0x6840]  }
0x392: {  	[tilespmem:$0x10910] =	vst v8;
	v5 =	vld [tilespmem:s4+$0x6850]  }
0x393: {  	v8 =	vld [tilespmem:s6+$0x6810];
	[tilespmem:$0x109B0] =	vst v3  }
0x394: {  	[tilespmem:$0x10960] =	vst v7;
	v3 =	vld [tilespmem:s8+$0x6830]  }
0x395: {  	v7 =	vld [tilespmem:s6+$0x6860];
	[tilespmem:$0x10920] =	vst v6  }
0x396: {  	v6 =	vld [tilespmem:s6+$0x6820];
	[tilespmem:$0x10940] =	vst v4  }
0x397: {  	[tilespmem:$0x10950] =	vst v5;
	v4 =	vld [tilespmem:s6+$0x6840]  }
0x398: {  	[tilespmem:$0x10990] =	vst v8;
	v5 =	vld [tilespmem:s6+$0x6850]  }
0x399: {  	v8 =	vld [tilespmem:s8+$0x6810];
	[tilespmem:$0x10A30] =	vst v3  }
0x39a: {  	[tilespmem:$0x109E0] =	vst v7;
	v3 =	vld [tilespmem:s19+$0x6830]  }
0x39b: {  	v7 =	vld [tilespmem:s8+$0x6860];
	[tilespmem:$0x109A0] =	vst v6  }
0x39c: {  	v6 =	vld [tilespmem:s8+$0x6820];
	[tilespmem:$0x109C0] =	vst v4  }
0x39d: {  	[tilespmem:$0x109D0] =	vst v5;
	v4 =	vld [tilespmem:s8+$0x6840]  }
0x39e: {  	[tilespmem:$0x10A10] =	vst v8;
	v5 =	vld [tilespmem:s8+$0x6850]  }
0x39f: {  	v8 =	vld [tilespmem:s19+$0x6810];
	[tilespmem:$0x10AB0] =	vst v3  }
0x3a0: {  	[tilespmem:$0x10A60] =	vst v7;
	v3 =	vld [tilespmem:s20+$0x6830]  }
0x3a1: {  	v7 =	vld [tilespmem:s19+$0x6860];
	[tilespmem:$0x10A20] =	vst v6  }
0x3a2: {  	v6 =	vld [tilespmem:s19+$0x6820];
	[tilespmem:$0x10A40] =	vst v4  }
0x3a3: {  	[tilespmem:$0x10A50] =	vst v5;
	v4 =	vld [tilespmem:s19+$0x6840]  }
0x3a4: {  	[tilespmem:$0x10A90] =	vst v8;
	v5 =	vld [tilespmem:s19+$0x6850]  }
0x3a5: {  	v8 =	vld [tilespmem:s20+$0x6810];
	[tilespmem:$0x10B30] =	vst v3  }
0x3a6: {  	[tilespmem:$0x10AE0] =	vst v7;
	v3 =	vld [tilespmem:s21+$0x6830]  }
0x3a7: {  	v7 =	vld [tilespmem:s20+$0x6860];
	[tilespmem:$0x10AA0] =	vst v6  }
0x3a8: {  	v6 =	vld [tilespmem:s20+$0x6820];
	[tilespmem:$0x10AC0] =	vst v4  }
0x3a9: {  	[tilespmem:$0x10AD0] =	vst v5;
	v4 =	vld [tilespmem:s20+$0x6840]  }
0x3aa: {  	[tilespmem:$0x10B10] =	vst v8;
	v5 =	vld [tilespmem:s20+$0x6850]  }
0x3ab: {  	v8 =	vld [tilespmem:s21+$0x6810];
	[tilespmem:$0x10BB0] =	vst v3  }
0x3ac: {  	[tilespmem:$0x10B60] =	vst v7;
	v3 =	vld [tilespmem:s22+$0x6830]  }
0x3ad: {  	v7 =	vld [tilespmem:s21+$0x6860];
	[tilespmem:$0x10B20] =	vst v6  }
0x3ae: {  	v6 =	vld [tilespmem:s21+$0x6820];
	[tilespmem:$0x10B40] =	vst v4  }
0x3af: {  	[tilespmem:$0x10B50] =	vst v5;
	v4 =	vld [tilespmem:s21+$0x6840]  }
0x3b0: {  	[tilespmem:$0x10B90] =	vst v8;
	v5 =	vld [tilespmem:s21+$0x6850]  }
0x3b1: {  	v8 =	vld [tilespmem:s22+$0x6810];
	[tilespmem:$0x11830] =	vst v3  }
0x3b2: {  	[tilespmem:$0x10BE0] =	vst v7;
	v3 =	vld [tilespmem:s23+$0x6830]  }
0x3b3: {  	v7 =	vld [tilespmem:s22+$0x6860];
	[tilespmem:$0x10BA0] =	vst v6  }
0x3b4: {  	v6 =	vld [tilespmem:s22+$0x6820];
	[tilespmem:$0x10BC0] =	vst v4  }
0x3b5: {  	[tilespmem:$0x10BD0] =	vst v5;
	v4 =	vld [tilespmem:s22+$0x6840]  }
0x3b6: {  	[tilespmem:$0x11810] =	vst v8;
	v5 =	vld [tilespmem:s22+$0x6850]  }
0x3b7: {  	v8 =	vld [tilespmem:s23+$0x6810];
	[tilespmem:$0x118B0] =	vst v3  }
0x3b8: {  	[tilespmem:$0x11860] =	vst v7;
	v3 =	vld [tilespmem:s24+$0x6830]  }
0x3b9: {  	v7 =	vld [tilespmem:s23+$0x6860];
	[tilespmem:$0x11820] =	vst v6  }
0x3ba: {  	v6 =	vld [tilespmem:s23+$0x6820];
	[tilespmem:$0x11840] =	vst v4  }
0x3bb: {  	[tilespmem:$0x11850] =	vst v5;
	v4 =	vld [tilespmem:s23+$0x6840]  }
0x3bc: {  	[tilespmem:$0x11890] =	vst v8;
	v5 =	vld [tilespmem:s23+$0x6850]  }
0x3bd: {  	v8 =	vld [tilespmem:s24+$0x6810];
	[tilespmem:$0x11930] =	vst v3  }
0x3be: {  	[tilespmem:$0x118E0] =	vst v7;
	v3 =	vld [tilespmem:s25+$0x6830]  }
0x3bf: {  	v7 =	vld [tilespmem:s24+$0x6860];
	[tilespmem:$0x118A0] =	vst v6  }
0x3c0: {  	v6 =	vld [tilespmem:s24+$0x6820];
	[tilespmem:$0x118C0] =	vst v4  }
0x3c1: {  	[tilespmem:$0x118D0] =	vst v5;
	v4 =	vld [tilespmem:s24+$0x6840]  }
0x3c2: {  	[tilespmem:$0x11910] =	vst v8;
	v5 =	vld [tilespmem:s24+$0x6850]  }
0x3c3: {  	v8 =	vld [tilespmem:s25+$0x6810];
	[tilespmem:$0x119B0] =	vst v3  }
0x3c4: {  	[tilespmem:$0x11960] =	vst v7;
	v3 =	vld [tilespmem:s26+$0x6830]  }
0x3c5: {  	v7 =	vld [tilespmem:s25+$0x6860];
	[tilespmem:$0x11920] =	vst v6  }
0x3c6: {  	v6 =	vld [tilespmem:s25+$0x6820];
	[tilespmem:$0x11940] =	vst v4  }
0x3c7: {  	[tilespmem:$0x11950] =	vst v5;
	v4 =	vld [tilespmem:s25+$0x6840]  }
0x3c8: {  	[tilespmem:$0x11990] =	vst v8;
	v5 =	vld [tilespmem:s25+$0x6850]  }
0x3c9: {  	v8 =	vld [tilespmem:s26+$0x6810];
	[tilespmem:$0x11A30] =	vst v3  }
0x3ca: {  	[tilespmem:$0x119E0] =	vst v7;
	v3 =	vld [tilespmem:s28+$0x6830]  }
0x3cb: {  	v7 =	vld [tilespmem:s26+$0x6860];
	[tilespmem:$0x119A0] =	vst v6  }
0x3cc: {  	v6 =	vld [tilespmem:s26+$0x6820];
	[tilespmem:$0x119C0] =	vst v4  }
0x3cd: {  	[tilespmem:$0x119D0] =	vst v5;
	v4 =	vld [tilespmem:s26+$0x6840]  }
0x3ce: {  	[tilespmem:$0x11A10] =	vst v8;
	v5 =	vld [tilespmem:s26+$0x6850]  }
0x3cf: {  	v8 =	vld [tilespmem:s28+$0x6810];
	[tilespmem:$0x11AB0] =	vst v3  }
0x3d0: {  	[tilespmem:$0x11A60] =	vst v7;
	v3 =	vld [tilespmem:s29+$0x6830]  }
0x3d1: {  	v7 =	vld [tilespmem:s28+$0x6860];
	[tilespmem:$0x11A20] =	vst v6  }
0x3d2: {  	v6 =	vld [tilespmem:s28+$0x6820];
	[tilespmem:$0x11A40] =	vst v4  }
0x3d3: {  	[tilespmem:$0x11A50] =	vst v5;
	v4 =	vld [tilespmem:s28+$0x6840]  }
0x3d4: {  	[tilespmem:$0x11A90] =	vst v8;
	v5 =	vld [tilespmem:s28+$0x6850]  }
0x3d5: {  	v8 =	vld [tilespmem:s29+$0x6810];
	[tilespmem:$0x11B30] =	vst v3  }
0x3d6: {  	[tilespmem:$0x11AE0] =	vst v7;
	v3 =	vld [tilespmem:s30+$0x6830]  }
0x3d7: {  	v7 =	vld [tilespmem:s29+$0x6860];
	[tilespmem:$0x11AA0] =	vst v6  }
0x3d8: {  	v6 =	vld [tilespmem:s29+$0x6820];
	[tilespmem:$0x11AC0] =	vst v4  }
0x3d9: {  	[tilespmem:$0x11AD0] =	vst v5;
	v4 =	vld [tilespmem:s29+$0x6840]  }
0x3da: {  	[tilespmem:$0x11B10] =	vst v8;
	v5 =	vld [tilespmem:s29+$0x6850]  }
0x3db: {  	[tilespmem:$0x11BB0] =	vst v3;
	v3 =	vld [tilespmem:s0+$0x6C00]  }
0x3dc: {  	[tilespmem:$0x11B60] =	vst v7;
	v8 =	vld [tilespmem:s30+$0x6810]  }
0x3dd: {  	v7 =	vld [tilespmem:s30+$0x6860];
	[tilespmem:$0x11B20] =	vst v6  }
0x3de: {  	v6 =	vld [tilespmem:s30+$0x6820];
	[tilespmem:$0x11B40] =	vst v4  }
0x3df: {  	[tilespmem:$0x11B50] =	vst v5;
	v4 =	vld [tilespmem:s30+$0x6840]  }
0x3e0: {  	v5 =	vld [tilespmem:s30+$0x6850];
	[tilespmem:$0x10C00] =	vst v3  }
0x3e1: {  	[tilespmem:$0x11B90] =	vst v8;
	v3 =	vld [tilespmem:s1+$0x6C00]  }
0x3e2: {  	[tilespmem:$0x11BE0] =	vst v7;
	v7 =	vld [tilespmem:s1+$0x6C30]  }
0x3e3: {  	[tilespmem:$0x11BA0] =	vst v6;
	v6 =	vld [tilespmem:s1+$0x6C40]  }
0x3e4: {  	[tilespmem:$0x11BC0] =	vst v4;
	v4 =	vld [tilespmem:s1+$0x6C10]  }
0x3e5: {  	[tilespmem:$0x11BD0] =	vst v5;
	v5 =	vld [tilespmem:s1+$0x6C20]  }
0x3e6: {  	v8 =	vld [tilespmem:s4+$0x6870];
	[tilespmem:$0x10C80] =	vst v3  }
0x3e7: {  	[tilespmem:$0x10CB0] =	vst v7;
	v3 =	vld [tilespmem:s4+$0x6C00]  }
0x3e8: {  	v7 =	vld [tilespmem:s4+$0x6C30];
	[tilespmem:$0x10CC0] =	vst v6  }
0x3e9: {  	v6 =	vld [tilespmem:s4+$0x6C40];
	[tilespmem:$0x10C90] =	vst v4  }
0x3ea: {  	[tilespmem:$0x10CA0] =	vst v5;
	v4 =	vld [tilespmem:s4+$0x6C10]  }
0x3eb: {  	[tilespmem:$0x10970] =	vst v8;
	v5 =	vld [tilespmem:s4+$0x6C20]  }
0x3ec: {  	v8 =	vld [tilespmem:s6+$0x6870];
	[tilespmem:$0x10D00] =	vst v3  }
0x3ed: {  	[tilespmem:$0x10D30] =	vst v7;
	v3 =	vld [tilespmem:s6+$0x6C00]  }
0x3ee: {  	v7 =	vld [tilespmem:s6+$0x6C30];
	[tilespmem:$0x10D40] =	vst v6  }
0x3ef: {  	v6 =	vld [tilespmem:s6+$0x6C40];
	[tilespmem:$0x10D10] =	vst v4  }
0x3f0: {  	[tilespmem:$0x10D20] =	vst v5;
	v4 =	vld [tilespmem:s6+$0x6C10]  }
0x3f1: {  	[tilespmem:$0x109F0] =	vst v8;
	v5 =	vld [tilespmem:s6+$0x6C20]  }
0x3f2: {  	v8 =	vld [tilespmem:s8+$0x6870];
	[tilespmem:$0x10D80] =	vst v3  }
0x3f3: {  	[tilespmem:$0x10DB0] =	vst v7;
	v3 =	vld [tilespmem:s8+$0x6C00]  }
0x3f4: {  	v7 =	vld [tilespmem:s8+$0x6C30];
	[tilespmem:$0x10DC0] =	vst v6  }
0x3f5: {  	v6 =	vld [tilespmem:s8+$0x6C40];
	[tilespmem:$0x10D90] =	vst v4  }
0x3f6: {  	[tilespmem:$0x10DA0] =	vst v5;
	v4 =	vld [tilespmem:s8+$0x6C10]  }
0x3f7: {  	[tilespmem:$0x10A70] =	vst v8;
	v5 =	vld [tilespmem:s8+$0x6C20]  }
0x3f8: {  	v8 =	vld [tilespmem:s19+$0x6870];
	[tilespmem:$0x10E00] =	vst v3  }
0x3f9: {  	[tilespmem:$0x10E30] =	vst v7;
	v3 =	vld [tilespmem:s19+$0x6C00]  }
0x3fa: {  	v7 =	vld [tilespmem:s19+$0x6C30];
	[tilespmem:$0x10E40] =	vst v6  }
0x3fb: {  	v6 =	vld [tilespmem:s19+$0x6C40];
	[tilespmem:$0x10E10] =	vst v4  }
0x3fc: {  	[tilespmem:$0x10E20] =	vst v5;
	v4 =	vld [tilespmem:s19+$0x6C10]  }
0x3fd: {  	[tilespmem:$0x10AF0] =	vst v8;
	v5 =	vld [tilespmem:s19+$0x6C20]  }
0x3fe: {  	v8 =	vld [tilespmem:s20+$0x6870];
	[tilespmem:$0x10E80] =	vst v3  }
0x3ff: {  	[tilespmem:$0x10EB0] =	vst v7;
	v3 =	vld [tilespmem:s20+$0x6C00]  }
0x400: {  	v7 =	vld [tilespmem:s20+$0x6C30];
	[tilespmem:$0x10EC0] =	vst v6  }
0x401: {  	v6 =	vld [tilespmem:s20+$0x6C40];
	[tilespmem:$0x10E90] =	vst v4  }
0x402: {  	[tilespmem:$0x10EA0] =	vst v5;
	v4 =	vld [tilespmem:s20+$0x6C10]  }
0x403: {  	[tilespmem:$0x10B70] =	vst v8;
	v5 =	vld [tilespmem:s20+$0x6C20]  }
0x404: {  	v8 =	vld [tilespmem:s21+$0x6870];
	[tilespmem:$0x10F00] =	vst v3  }
0x405: {  	[tilespmem:$0x10F30] =	vst v7;
	v3 =	vld [tilespmem:s21+$0x6C00]  }
0x406: {  	v7 =	vld [tilespmem:s21+$0x6C30];
	[tilespmem:$0x10F40] =	vst v6  }
0x407: {  	v6 =	vld [tilespmem:s21+$0x6C40];
	[tilespmem:$0x10F10] =	vst v4  }
0x408: {  	[tilespmem:$0x10F20] =	vst v5;
	v4 =	vld [tilespmem:s21+$0x6C10]  }
0x409: {  	[tilespmem:$0x10BF0] =	vst v8;
	v5 =	vld [tilespmem:s21+$0x6C20]  }
0x40a: {  	v8 =	vld [tilespmem:s22+$0x6870];
	[tilespmem:$0x10F80] =	vst v3  }
0x40b: {  	[tilespmem:$0x10FB0] =	vst v7;
	v3 =	vld [tilespmem:s22+$0x6C00]  }
0x40c: {  	v7 =	vld [tilespmem:s22+$0x6C30];
	[tilespmem:$0x10FC0] =	vst v6  }
0x40d: {  	v6 =	vld [tilespmem:s22+$0x6C40];
	[tilespmem:$0x10F90] =	vst v4  }
0x40e: {  	[tilespmem:$0x10FA0] =	vst v5;
	v4 =	vld [tilespmem:s22+$0x6C10]  }
0x40f: {  	[tilespmem:$0x11870] =	vst v8;
	v5 =	vld [tilespmem:s22+$0x6C20]  }
0x410: {  	v8 =	vld [tilespmem:s23+$0x6870];
	[tilespmem:$0x11C00] =	vst v3  }
0x411: {  	[tilespmem:$0x11C30] =	vst v7;
	v3 =	vld [tilespmem:s23+$0x6C00]  }
0x412: {  	v7 =	vld [tilespmem:s23+$0x6C30];
	[tilespmem:$0x11C40] =	vst v6  }
0x413: {  	v6 =	vld [tilespmem:s23+$0x6C40];
	[tilespmem:$0x11C10] =	vst v4  }
0x414: {  	[tilespmem:$0x11C20] =	vst v5;
	v4 =	vld [tilespmem:s23+$0x6C10]  }
0x415: {  	[tilespmem:$0x118F0] =	vst v8;
	v5 =	vld [tilespmem:s23+$0x6C20]  }
0x416: {  	v8 =	vld [tilespmem:s24+$0x6870];
	[tilespmem:$0x11C80] =	vst v3  }
0x417: {  	[tilespmem:$0x11CB0] =	vst v7;
	v3 =	vld [tilespmem:s24+$0x6C00]  }
0x418: {  	v7 =	vld [tilespmem:s24+$0x6C30];
	[tilespmem:$0x11CC0] =	vst v6  }
0x419: {  	v6 =	vld [tilespmem:s24+$0x6C40];
	[tilespmem:$0x11C90] =	vst v4  }
0x41a: {  	[tilespmem:$0x11CA0] =	vst v5;
	v4 =	vld [tilespmem:s24+$0x6C10]  }
0x41b: {  	[tilespmem:$0x11970] =	vst v8;
	v5 =	vld [tilespmem:s24+$0x6C20]  }
0x41c: {  	v8 =	vld [tilespmem:s25+$0x6870];
	[tilespmem:$0x11D00] =	vst v3  }
0x41d: {  	[tilespmem:$0x11D30] =	vst v7;
	v3 =	vld [tilespmem:s25+$0x6C00]  }
0x41e: {  	v7 =	vld [tilespmem:s25+$0x6C30];
	[tilespmem:$0x11D40] =	vst v6  }
0x41f: {  	v6 =	vld [tilespmem:s25+$0x6C40];
	[tilespmem:$0x11D10] =	vst v4  }
0x420: {  	[tilespmem:$0x11D20] =	vst v5;
	v4 =	vld [tilespmem:s25+$0x6C10]  }
0x421: {  	[tilespmem:$0x119F0] =	vst v8;
	v5 =	vld [tilespmem:s25+$0x6C20]  }
0x422: {  	v8 =	vld [tilespmem:s26+$0x6870];
	[tilespmem:$0x11D80] =	vst v3  }
0x423: {  	[tilespmem:$0x11DB0] =	vst v7;
	v3 =	vld [tilespmem:s26+$0x6C00]  }
0x424: {  	v7 =	vld [tilespmem:s26+$0x6C30];
	[tilespmem:$0x11DC0] =	vst v6  }
0x425: {  	v6 =	vld [tilespmem:s26+$0x6C40];
	[tilespmem:$0x11D90] =	vst v4  }
0x426: {  	[tilespmem:$0x11DA0] =	vst v5;
	v4 =	vld [tilespmem:s26+$0x6C10]  }
0x427: {  	[tilespmem:$0x11A70] =	vst v8;
	v5 =	vld [tilespmem:s26+$0x6C20]  }
0x428: {  	v8 =	vld [tilespmem:s28+$0x6870];
	[tilespmem:$0x11E00] =	vst v3  }
0x429: {  	[tilespmem:$0x11E30] =	vst v7;
	v3 =	vld [tilespmem:s28+$0x6C00]  }
0x42a: {  	v7 =	vld [tilespmem:s28+$0x6C30];
	[tilespmem:$0x11E40] =	vst v6  }
0x42b: {  	v6 =	vld [tilespmem:s28+$0x6C40];
	[tilespmem:$0x11E10] =	vst v4  }
0x42c: {  	[tilespmem:$0x11E20] =	vst v5;
	v4 =	vld [tilespmem:s28+$0x6C10]  }
0x42d: {  	[tilespmem:$0x11AF0] =	vst v8;
	v5 =	vld [tilespmem:s28+$0x6C20]  }
0x42e: {  	v8 =	vld [tilespmem:s29+$0x6870];
	[tilespmem:$0x11E80] =	vst v3  }
0x42f: {  	[tilespmem:$0x11EB0] =	vst v7;
	v3 =	vld [tilespmem:s29+$0x6C00]  }
0x430: {  	v7 =	vld [tilespmem:s29+$0x6C30];
	[tilespmem:$0x11EC0] =	vst v6  }
0x431: {  	v6 =	vld [tilespmem:s29+$0x6C40];
	[tilespmem:$0x11E90] =	vst v4  }
0x432: {  	[tilespmem:$0x11EA0] =	vst v5;
	v4 =	vld [tilespmem:s29+$0x6C10]  }
0x433: {  	[tilespmem:$0x11B70] =	vst v8;
	v5 =	vld [tilespmem:s29+$0x6C20]  }
0x434: {  	v8 =	vld [tilespmem:s30+$0x6870];
	[tilespmem:$0x11F00] =	vst v3  }
0x435: {  	[tilespmem:$0x11F30] =	vst v7;
	v3 =	vld [tilespmem:s30+$0x6C00]  }
0x436: {  	v7 =	vld [tilespmem:s30+$0x6C30];
	[tilespmem:$0x11F40] =	vst v6  }
0x437: {  	v6 =	vld [tilespmem:s30+$0x6C40];
	[tilespmem:$0x11F10] =	vst v4  }
0x438: {  	[tilespmem:$0x11F20] =	vst v5;
	v4 =	vld [tilespmem:s30+$0x6C10]  }
0x439: {  	[tilespmem:$0x11BF0] =	vst v8;
	v5 =	vld [tilespmem:s30+$0x6C20]  }
0x43a: {  	[tilespmem:$0x11F80] =	vst v3;
	v3 =	vld [tilespmem:s0+$0x6C50]  }
0x43b: {  	[tilespmem:$0x11FB0] =	vst v7  }
0x43c: {  	[tilespmem:$0x11FC0] =	vst v6  }
0x43d: {  	[tilespmem:$0x11F90] =	vst v4  }
0x43e: {  	[tilespmem:$0x11FA0] =	vst v5  }
0x43f: {  	[tilespmem:$0x10C50] =	vst v3  }
0x440: {  	v3 =	vld [tilespmem:s0+$0x6C60];
	_ =	sdelay $0x1  }
0x441: {  	v38 =	vld [tilespmem:s0+$0x6C70]  }
0x442: {  	v39 =	vld [tilespmem:s0+$0x7000]  }
0x443: {  	v40 =	vld [tilespmem:s0+$0x7010]  }
0x444: {  	[tilespmem:$0x10C60] =	vst v3  }
0x445: {  	v3 =	vld [tilespmem:s1+$0x6C60]  }
0x446: {  	v41 =	vld [tilespmem:s1+$0x6C50];
	[tilespmem:$0x10C70] =	vst v38  }
0x447: {  	[tilespmem:$0x11000] =	vst v39;
	v4 =	vld [tilespmem:s1+$0x6C70]  }
0x448: {  	[tilespmem:$0x11010] =	vst v40;
	v5 =	vld [tilespmem:s1+$0x7000]  }
0x449: {  	v6 =	vld [tilespmem:s1+$0x7010]  }
0x44a: {  	[tilespmem:$0x10CE0] =	vst v3  }
0x44b: {  	[tilespmem:$0x10CD0] =	vst v41;
	v3 =	vld [tilespmem:s4+$0x6C60]  }
0x44c: {  	v7 =	vld [tilespmem:s4+$0x6C50];
	[tilespmem:$0x10CF0] =	vst v4  }
0x44d: {  	[tilespmem:$0x11080] =	vst v5;
	v4 =	vld [tilespmem:s4+$0x6C70]  }
0x44e: {  	[tilespmem:$0x11090] =	vst v6;
	v5 =	vld [tilespmem:s4+$0x7000]  }
0x44f: {  	v6 =	vld [tilespmem:s4+$0x7010]  }
0x450: {  	[tilespmem:$0x10D60] =	vst v3  }
0x451: {  	[tilespmem:$0x10D50] =	vst v7;
	v3 =	vld [tilespmem:s6+$0x6C60]  }
0x452: {  	v7 =	vld [tilespmem:s6+$0x6C50];
	[tilespmem:$0x10D70] =	vst v4  }
0x453: {  	[tilespmem:$0x11100] =	vst v5;
	v4 =	vld [tilespmem:s6+$0x6C70]  }
0x454: {  	[tilespmem:$0x11110] =	vst v6;
	v5 =	vld [tilespmem:s6+$0x7000]  }
0x455: {  	v6 =	vld [tilespmem:s6+$0x7010]  }
0x456: {  	[tilespmem:$0x10DE0] =	vst v3  }
0x457: {  	[tilespmem:$0x10DD0] =	vst v7;
	v3 =	vld [tilespmem:s8+$0x6C60]  }
0x458: {  	v7 =	vld [tilespmem:s8+$0x6C50];
	[tilespmem:$0x10DF0] =	vst v4  }
0x459: {  	[tilespmem:$0x11180] =	vst v5;
	v4 =	vld [tilespmem:s8+$0x6C70]  }
0x45a: {  	[tilespmem:$0x11190] =	vst v6;
	v5 =	vld [tilespmem:s8+$0x7000]  }
0x45b: {  	v6 =	vld [tilespmem:s8+$0x7010]  }
0x45c: {  	[tilespmem:$0x10E60] =	vst v3  }
0x45d: {  	[tilespmem:$0x10E50] =	vst v7;
	v3 =	vld [tilespmem:s19+$0x6C60]  }
0x45e: {  	v7 =	vld [tilespmem:s19+$0x6C50];
	[tilespmem:$0x10E70] =	vst v4  }
0x45f: {  	[tilespmem:$0x11200] =	vst v5;
	v4 =	vld [tilespmem:s19+$0x6C70]  }
0x460: {  	[tilespmem:$0x11210] =	vst v6;
	v5 =	vld [tilespmem:s19+$0x7000]  }
0x461: {  	v6 =	vld [tilespmem:s19+$0x7010]  }
0x462: {  	[tilespmem:$0x10EE0] =	vst v3  }
0x463: {  	[tilespmem:$0x10ED0] =	vst v7;
	v3 =	vld [tilespmem:s20+$0x6C60]  }
0x464: {  	v7 =	vld [tilespmem:s20+$0x6C50];
	[tilespmem:$0x10EF0] =	vst v4  }
0x465: {  	[tilespmem:$0x11280] =	vst v5;
	v4 =	vld [tilespmem:s20+$0x6C70]  }
0x466: {  	[tilespmem:$0x11290] =	vst v6;
	v5 =	vld [tilespmem:s20+$0x7000]  }
0x467: {  	v6 =	vld [tilespmem:s20+$0x7010]  }
0x468: {  	[tilespmem:$0x10F60] =	vst v3  }
0x469: {  	[tilespmem:$0x10F50] =	vst v7;
	v3 =	vld [tilespmem:s21+$0x6C60]  }
0x46a: {  	v7 =	vld [tilespmem:s21+$0x6C50];
	[tilespmem:$0x10F70] =	vst v4  }
0x46b: {  	[tilespmem:$0x11300] =	vst v5;
	v4 =	vld [tilespmem:s21+$0x6C70]  }
0x46c: {  	[tilespmem:$0x11310] =	vst v6;
	v5 =	vld [tilespmem:s21+$0x7000]  }
0x46d: {  	v6 =	vld [tilespmem:s21+$0x7010]  }
0x46e: {  	[tilespmem:$0x10FE0] =	vst v3  }
0x46f: {  	[tilespmem:$0x10FD0] =	vst v7;
	v3 =	vld [tilespmem:s22+$0x6C60]  }
0x470: {  	v7 =	vld [tilespmem:s22+$0x6C50];
	[tilespmem:$0x10FF0] =	vst v4  }
0x471: {  	[tilespmem:$0x11380] =	vst v5;
	v4 =	vld [tilespmem:s22+$0x6C70]  }
0x472: {  	[tilespmem:$0x11390] =	vst v6;
	v5 =	vld [tilespmem:s22+$0x7000]  }
0x473: {  	v6 =	vld [tilespmem:s22+$0x7010]  }
0x474: {  	[tilespmem:$0x11C60] =	vst v3  }
0x475: {  	[tilespmem:$0x11C50] =	vst v7;
	v3 =	vld [tilespmem:s23+$0x6C60]  }
0x476: {  	v7 =	vld [tilespmem:s23+$0x6C50];
	[tilespmem:$0x11C70] =	vst v4  }
0x477: {  	[tilespmem:$0x12000] =	vst v5;
	v4 =	vld [tilespmem:s23+$0x6C70]  }
0x478: {  	[tilespmem:$0x12010] =	vst v6;
	v5 =	vld [tilespmem:s23+$0x7000]  }
0x479: {  	v6 =	vld [tilespmem:s23+$0x7010]  }
0x47a: {  	[tilespmem:$0x11CE0] =	vst v3  }
0x47b: {  	[tilespmem:$0x11CD0] =	vst v7;
	v3 =	vld [tilespmem:s24+$0x6C60]  }
0x47c: {  	v7 =	vld [tilespmem:s24+$0x6C50];
	[tilespmem:$0x11CF0] =	vst v4  }
0x47d: {  	[tilespmem:$0x12080] =	vst v5;
	v4 =	vld [tilespmem:s24+$0x6C70]  }
0x47e: {  	[tilespmem:$0x12090] =	vst v6;
	v5 =	vld [tilespmem:s24+$0x7000]  }
0x47f: {  	v6 =	vld [tilespmem:s24+$0x7010]  }
0x480: {  	v42 =	vld [tilespmem:s0+$0x7020];
	[tilespmem:$0x11D60] =	vst v3  }
0x481: {  	[tilespmem:$0x11D50] =	vst v7;
	v3 =	vld [tilespmem:s25+$0x6C60]  }
0x482: {  	v7 =	vld [tilespmem:s25+$0x6C50];
	[tilespmem:$0x11D70] =	vst v4  }
0x483: {  	[tilespmem:$0x12100] =	vst v5;
	v4 =	vld [tilespmem:s25+$0x6C70]  }
0x484: {  	[tilespmem:$0x12110] =	vst v6;
	v5 =	vld [tilespmem:s25+$0x7000]  }
0x485: {  	[tilespmem:$0x11020] =	vst v42;
	v6 =	vld [tilespmem:s25+$0x7010]  }
0x486: {  	v43 =	vld [tilespmem:s0+$0x7040];
	[tilespmem:$0x11DE0] =	vst v3  }
0x487: {  	[tilespmem:$0x11DD0] =	vst v7;
	v3 =	vld [tilespmem:s26+$0x6C60]  }
0x488: {  	v7 =	vld [tilespmem:s26+$0x6C50];
	[tilespmem:$0x11DF0] =	vst v4  }
0x489: {  	[tilespmem:$0x12180] =	vst v5;
	v4 =	vld [tilespmem:s26+$0x6C70]  }
0x48a: {  	[tilespmem:$0x12190] =	vst v6;
	v5 =	vld [tilespmem:s26+$0x7000]  }
0x48b: {  	[tilespmem:$0x11040] =	vst v43;
	v6 =	vld [tilespmem:s26+$0x7010]  }
0x48c: {  	v44 =	vld [tilespmem:s0+$0x7050];
	[tilespmem:$0x11E60] =	vst v3  }
0x48d: {  	[tilespmem:$0x11E50] =	vst v7;
	v3 =	vld [tilespmem:s28+$0x6C60]  }
0x48e: {  	v7 =	vld [tilespmem:s28+$0x6C50];
	[tilespmem:$0x11E70] =	vst v4  }
0x48f: {  	[tilespmem:$0x12200] =	vst v5;
	v4 =	vld [tilespmem:s28+$0x6C70]  }
0x490: {  	[tilespmem:$0x12210] =	vst v6;
	v5 =	vld [tilespmem:s28+$0x7000]  }
0x491: {  	[tilespmem:$0x11050] =	vst v44;
	v6 =	vld [tilespmem:s28+$0x7010]  }
0x492: {  	v45 =	vld [tilespmem:s0+$0x7060];
	[tilespmem:$0x11EE0] =	vst v3  }
0x493: {  	[tilespmem:$0x11ED0] =	vst v7;
	v3 =	vld [tilespmem:s29+$0x6C60]  }
0x494: {  	v7 =	vld [tilespmem:s29+$0x6C50];
	[tilespmem:$0x11EF0] =	vst v4  }
0x495: {  	[tilespmem:$0x12280] =	vst v5;
	v4 =	vld [tilespmem:s29+$0x6C70]  }
0x496: {  	[tilespmem:$0x12290] =	vst v6;
	v5 =	vld [tilespmem:s29+$0x7000]  }
0x497: {  	[tilespmem:$0x11060] =	vst v45;
	v6 =	vld [tilespmem:s29+$0x7010]  }
0x498: {  	v46 =	vld [tilespmem:s0+$0x7070];
	[tilespmem:$0x11F60] =	vst v3  }
0x499: {  	[tilespmem:$0x11F50] =	vst v7;
	v3 =	vld [tilespmem:s30+$0x6C60]  }
0x49a: {  	v7 =	vld [tilespmem:s30+$0x6C50];
	[tilespmem:$0x11F70] =	vst v4  }
0x49b: {  	[tilespmem:$0x12300] =	vst v5;
	v4 =	vld [tilespmem:s30+$0x6C70]  }
0x49c: {  	[tilespmem:$0x12310] =	vst v6;
	v5 =	vld [tilespmem:s30+$0x7000]  }
0x49d: {  	[tilespmem:$0x11070] =	vst v46;
	v6 =	vld [tilespmem:s30+$0x7010]  }
0x49e: {  	[tilespmem:$0x11FE0] =	vst v3;
	v3 =	vld [tilespmem:s0+$0x7030]  }
0x49f: {  	v47 =	vld [tilespmem:s1+$0x7020];
	[tilespmem:$0x11FD0] =	vst v7  }
0x4a0: {  	v7 =	vld [tilespmem:s1+$0x7070];
	[tilespmem:$0x11FF0] =	vst v4  }
0x4a1: {  	[tilespmem:$0x12380] =	vst v5;
	v4 =	vld [tilespmem:s1+$0x7040]  }
0x4a2: {  	[tilespmem:$0x12390] =	vst v6;
	v5 =	vld [tilespmem:s1+$0x7050]  }
0x4a3: {  	v6 =	vld [tilespmem:s1+$0x7060];
	[tilespmem:$0x11030] =	vst v3  }
0x4a4: {  	[tilespmem:$0x110A0] =	vst v47;
	v3 =	vld [tilespmem:s1+$0x7030]  }
0x4a5: {  	v8 =	vld [tilespmem:s4+$0x7020];
	[tilespmem:$0x110F0] =	vst v7  }
0x4a6: {  	v7 =	vld [tilespmem:s4+$0x7070];
	[tilespmem:$0x110C0] =	vst v4  }
0x4a7: {  	[tilespmem:$0x110D0] =	vst v5;
	v4 =	vld [tilespmem:s4+$0x7040]  }
0x4a8: {  	[tilespmem:$0x110E0] =	vst v6;
	v5 =	vld [tilespmem:s4+$0x7050]  }
0x4a9: {  	v6 =	vld [tilespmem:s4+$0x7060];
	[tilespmem:$0x110B0] =	vst v3  }
0x4aa: {  	[tilespmem:$0x11120] =	vst v8;
	v3 =	vld [tilespmem:s4+$0x7030]  }
0x4ab: {  	v8 =	vld [tilespmem:s6+$0x7020];
	[tilespmem:$0x11170] =	vst v7  }
0x4ac: {  	v7 =	vld [tilespmem:s6+$0x7070];
	[tilespmem:$0x11140] =	vst v4  }
0x4ad: {  	[tilespmem:$0x11150] =	vst v5;
	v4 =	vld [tilespmem:s6+$0x7040]  }
0x4ae: {  	[tilespmem:$0x11160] =	vst v6;
	v5 =	vld [tilespmem:s6+$0x7050]  }
0x4af: {  	v6 =	vld [tilespmem:s6+$0x7060];
	[tilespmem:$0x11130] =	vst v3  }
0x4b0: {  	[tilespmem:$0x111A0] =	vst v8;
	v3 =	vld [tilespmem:s6+$0x7030]  }
0x4b1: {  	v8 =	vld [tilespmem:s8+$0x7020];
	[tilespmem:$0x111F0] =	vst v7  }
0x4b2: {  	v7 =	vld [tilespmem:s8+$0x7070];
	[tilespmem:$0x111C0] =	vst v4  }
0x4b3: {  	[tilespmem:$0x111D0] =	vst v5;
	v4 =	vld [tilespmem:s8+$0x7040]  }
0x4b4: {  	[tilespmem:$0x111E0] =	vst v6;
	v5 =	vld [tilespmem:s8+$0x7050]  }
0x4b5: {  	v6 =	vld [tilespmem:s8+$0x7060];
	[tilespmem:$0x111B0] =	vst v3  }
0x4b6: {  	[tilespmem:$0x11220] =	vst v8;
	v3 =	vld [tilespmem:s8+$0x7030]  }
0x4b7: {  	v8 =	vld [tilespmem:s19+$0x7020];
	[tilespmem:$0x11270] =	vst v7  }
0x4b8: {  	v7 =	vld [tilespmem:s19+$0x7070];
	[tilespmem:$0x11240] =	vst v4  }
0x4b9: {  	[tilespmem:$0x11250] =	vst v5;
	v4 =	vld [tilespmem:s19+$0x7040]  }
0x4ba: {  	[tilespmem:$0x11260] =	vst v6;
	v5 =	vld [tilespmem:s19+$0x7050]  }
0x4bb: {  	v6 =	vld [tilespmem:s19+$0x7060];
	[tilespmem:$0x11230] =	vst v3  }
0x4bc: {  	[tilespmem:$0x112A0] =	vst v8;
	v3 =	vld [tilespmem:s19+$0x7030]  }
0x4bd: {  	v8 =	vld [tilespmem:s20+$0x7020];
	[tilespmem:$0x112F0] =	vst v7  }
0x4be: {  	v7 =	vld [tilespmem:s20+$0x7070];
	[tilespmem:$0x112C0] =	vst v4  }
0x4bf: {  	[tilespmem:$0x112D0] =	vst v5;
	v4 =	vld [tilespmem:s20+$0x7040]  }
0x4c0: {  	[tilespmem:$0x112E0] =	vst v6;
	v5 =	vld [tilespmem:s20+$0x7050]  }
0x4c1: {  	v6 =	vld [tilespmem:s20+$0x7060];
	[tilespmem:$0x112B0] =	vst v3  }
0x4c2: {  	[tilespmem:$0x11320] =	vst v8;
	v3 =	vld [tilespmem:s20+$0x7030]  }
0x4c3: {  	v8 =	vld [tilespmem:s21+$0x7020];
	[tilespmem:$0x11370] =	vst v7  }
0x4c4: {  	v7 =	vld [tilespmem:s21+$0x7070];
	[tilespmem:$0x11340] =	vst v4  }
0x4c5: {  	[tilespmem:$0x11350] =	vst v5;
	v4 =	vld [tilespmem:s21+$0x7040]  }
0x4c6: {  	[tilespmem:$0x11360] =	vst v6;
	v5 =	vld [tilespmem:s21+$0x7050]  }
0x4c7: {  	v6 =	vld [tilespmem:s21+$0x7060];
	[tilespmem:$0x11330] =	vst v3  }
0x4c8: {  	[tilespmem:$0x113A0] =	vst v8;
	v3 =	vld [tilespmem:s21+$0x7030]  }
0x4c9: {  	v8 =	vld [tilespmem:s22+$0x7020];
	[tilespmem:$0x113F0] =	vst v7  }
0x4ca: {  	v7 =	vld [tilespmem:s22+$0x7070];
	[tilespmem:$0x113C0] =	vst v4  }
0x4cb: {  	[tilespmem:$0x113D0] =	vst v5;
	v4 =	vld [tilespmem:s22+$0x7040]  }
0x4cc: {  	[tilespmem:$0x113E0] =	vst v6;
	v5 =	vld [tilespmem:s22+$0x7050]  }
0x4cd: {  	v6 =	vld [tilespmem:s22+$0x7060];
	[tilespmem:$0x113B0] =	vst v3  }
0x4ce: {  	[tilespmem:$0x12020] =	vst v8;
	v3 =	vld [tilespmem:s22+$0x7030]  }
0x4cf: {  	v8 =	vld [tilespmem:s23+$0x7020];
	[tilespmem:$0x12070] =	vst v7  }
0x4d0: {  	v7 =	vld [tilespmem:s23+$0x7070];
	[tilespmem:$0x12040] =	vst v4  }
0x4d1: {  	[tilespmem:$0x12050] =	vst v5;
	v4 =	vld [tilespmem:s23+$0x7040]  }
0x4d2: {  	[tilespmem:$0x12060] =	vst v6;
	v5 =	vld [tilespmem:s23+$0x7050]  }
0x4d3: {  	v6 =	vld [tilespmem:s23+$0x7060];
	[tilespmem:$0x12030] =	vst v3  }
0x4d4: {  	[tilespmem:$0x120A0] =	vst v8;
	v3 =	vld [tilespmem:s23+$0x7030]  }
0x4d5: {  	v8 =	vld [tilespmem:s24+$0x7020];
	[tilespmem:$0x120F0] =	vst v7  }
0x4d6: {  	v7 =	vld [tilespmem:s24+$0x7070];
	[tilespmem:$0x120C0] =	vst v4  }
0x4d7: {  	[tilespmem:$0x120D0] =	vst v5;
	v4 =	vld [tilespmem:s24+$0x7040]  }
0x4d8: {  	[tilespmem:$0x120E0] =	vst v6;
	v5 =	vld [tilespmem:s24+$0x7050]  }
0x4d9: {  	v6 =	vld [tilespmem:s24+$0x7060];
	[tilespmem:$0x120B0] =	vst v3  }
0x4da: {  	[tilespmem:$0x12120] =	vst v8;
	v3 =	vld [tilespmem:s24+$0x7030]  }
0x4db: {  	v8 =	vld [tilespmem:s25+$0x7020];
	[tilespmem:$0x12170] =	vst v7  }
0x4dc: {  	v7 =	vld [tilespmem:s25+$0x7070];
	[tilespmem:$0x12140] =	vst v4  }
0x4dd: {  	[tilespmem:$0x12150] =	vst v5;
	v4 =	vld [tilespmem:s25+$0x7040]  }
0x4de: {  	[tilespmem:$0x12160] =	vst v6;
	v5 =	vld [tilespmem:s25+$0x7050]  }
0x4df: {  	v6 =	vld [tilespmem:s25+$0x7060];
	[tilespmem:$0x12130] =	vst v3  }
0x4e0: {  	[tilespmem:$0x121A0] =	vst v8;
	v3 =	vld [tilespmem:s25+$0x7030]  }
0x4e1: {  	v8 =	vld [tilespmem:s26+$0x7020];
	[tilespmem:$0x121F0] =	vst v7  }
0x4e2: {  	v7 =	vld [tilespmem:s26+$0x7070];
	[tilespmem:$0x121C0] =	vst v4  }
0x4e3: {  	[tilespmem:$0x121D0] =	vst v5;
	v4 =	vld [tilespmem:s26+$0x7040]  }
0x4e4: {  	[tilespmem:$0x121E0] =	vst v6;
	v5 =	vld [tilespmem:s26+$0x7050]  }
0x4e5: {  	v6 =	vld [tilespmem:s26+$0x7060];
	[tilespmem:$0x121B0] =	vst v3  }
0x4e6: {  	[tilespmem:$0x12220] =	vst v8;
	v3 =	vld [tilespmem:s26+$0x7030]  }
0x4e7: {  	v8 =	vld [tilespmem:s28+$0x7020];
	[tilespmem:$0x12270] =	vst v7  }
0x4e8: {  	v7 =	vld [tilespmem:s28+$0x7070];
	[tilespmem:$0x12240] =	vst v4  }
0x4e9: {  	[tilespmem:$0x12250] =	vst v5;
	v4 =	vld [tilespmem:s28+$0x7040]  }
0x4ea: {  	[tilespmem:$0x12260] =	vst v6;
	v5 =	vld [tilespmem:s28+$0x7050]  }
0x4eb: {  	v6 =	vld [tilespmem:s28+$0x7060];
	[tilespmem:$0x12230] =	vst v3  }
0x4ec: {  	[tilespmem:$0x122A0] =	vst v8;
	v3 =	vld [tilespmem:s28+$0x7030]  }
0x4ed: {  	v8 =	vld [tilespmem:s29+$0x7020];
	[tilespmem:$0x122F0] =	vst v7  }
0x4ee: {  	v7 =	vld [tilespmem:s29+$0x7070];
	[tilespmem:$0x122C0] =	vst v4  }
0x4ef: {  	[tilespmem:$0x122D0] =	vst v5;
	v4 =	vld [tilespmem:s29+$0x7040]  }
0x4f0: {  	[tilespmem:$0x122E0] =	vst v6;
	v5 =	vld [tilespmem:s29+$0x7050]  }
0x4f1: {  	v6 =	vld [tilespmem:s29+$0x7060];
	[tilespmem:$0x122B0] =	vst v3  }
0x4f2: {  	[tilespmem:$0x12320] =	vst v8;
	v3 =	vld [tilespmem:s29+$0x7030]  }
0x4f3: {  	v8 =	vld [tilespmem:s30+$0x7020];
	[tilespmem:$0x12370] =	vst v7  }
0x4f4: {  	v7 =	vld [tilespmem:s30+$0x7070];
	[tilespmem:$0x12340] =	vst v4  }
0x4f5: {  	[tilespmem:$0x12350] =	vst v5;
	v4 =	vld [tilespmem:s30+$0x7040]  }
0x4f6: {  	[tilespmem:$0x12360] =	vst v6;
	v5 =	vld [tilespmem:s30+$0x7050]  }
0x4f7: {  	v6 =	vld [tilespmem:s30+$0x7060];
	[tilespmem:$0x12330] =	vst v3  }
0x4f8: {  	[tilespmem:$0x123A0] =	vst v8;
	v3 =	vld [tilespmem:s30+$0x7030]  }
0x4f9: {  	[tilespmem:$0x123F0] =	vst v7  }
0x4fa: {  	[tilespmem:$0x123C0] =	vst v4  }
0x4fb: {  	[tilespmem:$0x123D0] =	vst v5  }
0x4fc: {  	[tilespmem:$0x123E0] =	vst v6  }
0x4fd: {  	[tilespmem:$0x123B0] =	vst v3  }
0x4fe: {  	_ =	swait.ge [sflag:s10], $0x6000  }
0x4ff: {  	s23 =	rddreg [dreg:$0x3];
	[sflag:s10] =	ssyncset.done $0x0  }
0x500: {  	s0 =	simm.s32 @!p0 $0x4;
	[sflag:s10] =	ssyncadd.s32 $0xFFFFA000;
	s19 =	sadd.s32 s18, s23  }
0x501: {  	[hbm4b:s19+s2] =	stream.linear.scatter [tilespmem:s9], [sflag:$0x3], $0xA000, $0x38;
	[tilespmem:$0x1C400] =	vst v63  }
0x502: {  	_ =	swait.ge @!p0 [sflag:s0], $0xA000  }
0x503: {  	[sflag:s0] =	ssyncset.done @!p0 $0x0  }
0x504: {  	[sflag:s0] =	ssyncadd.s32 @!p0 $0xFFFF6000  }
0x505: {  	v3 =	vld [tilespmem:s16+$0x0];
	_ =	sdelay $0x4  }
0x506: {  	v48 =	vshll.u32 v3, $0x2  }
0x507: {  	v3 =	vand.u32 $0x7, v3;
	v4 =	vand.u32 $0xFFFFFFE0, v48  }
0x508: {  	v3 =	vor.u32 v3, v4  }
0x509: {  	v4 =	vperm.xlane v3, v0;
	_ =	sdelay $0x1  }
0x50a: {  	v4 =	vadd.s32 v1, v4;
	_ =	sdelay $0x1  }
0x50b: {  	v3 =	vperm.xlane v3, v2;
	_ =	sdelay $0x1  }
0x50c: {  	v3 =	vadd.s32 v1, v3  }
0x50d: {  	[tilespmem:s11], [sflag:$0x2] =	stream.indirect_vreg.gather [hbm4b:s3+s2], $0x80, v4, vm0, $0xb8;
	[tilespmem:$0x1C400] =	vst v63  }
0x50e: {  	s24 =	rddreg [dreg:$0xf]  }
0x50f: {  	[tilespmem:s24], [sflag:$0x2] =	stream.indirect_vreg.gather [hbm4b:s5+s2], $0x80, v4, vm0, $0xb8;
	[tilespmem:$0x1C400] =	vst v63  }
0x510: {  	s25 =	rddreg [dreg:$0x10]  }
0x511: {  	[tilespmem:s25], [sflag:$0x2] =	stream.indirect_vreg.gather [hbm4b:s3+s2], $0x80, v3, vm0, $0xb8;
	[tilespmem:$0x1C400] =	vst v63  }
0x512: {  	s26 =	rddreg [dreg:$0x11]  }
0x513: {  	[tilespmem:s26], [sflag:$0x2] =	stream.indirect_vreg.gather [hbm4b:s5+s2], $0x80, v3, vm0, $0xb8;
	[tilespmem:$0x1C400] =	vst v63  }
0x514: {  	v3 =	vld [tilespmem:s16+$0x10];
	_ =	sdelay $0x4  }
0x515: {  	v49 =	vshll.u32 v3, $0x2  }
0x516: {  	v3 =	vand.u32 $0x7, v3;
	v4 =	vand.u32 $0xFFFFFFE0, v49  }
0x517: {  	v3 =	vor.u32 v3, v4  }
0x518: {  	v4 =	vperm.xlane v3, v0;
	_ =	sdelay $0x1  }
0x519: {  	v4 =	vadd.s32 v1, v4;
	_ =	sdelay $0x1  }
0x51a: {  	v3 =	vperm.xlane v3, v2;
	_ =	sdelay $0x1  }
0x51b: {  	s28 =	rddreg [dreg:$0x12];
	v3 =	vadd.s32 v1, v3  }
0x51c: {  	[tilespmem:s28], [sflag:$0x2] =	stream.indirect_vreg.gather [hbm4b:s3+s2], $0x80, v4, vm0, $0xb8;
	[tilespmem:$0x1C400] =	vst v63  }
0x51d: {  	s29 =	rddreg [dreg:$0x13]  }
0x51e: {  	[tilespmem:s29], [sflag:$0x2] =	stream.indirect_vreg.gather [hbm4b:s5+s2], $0x80, v4, vm0, $0xb8;
	[tilespmem:$0x1C400] =	vst v63  }
0x51f: {  	s30 =	rddreg [dreg:$0x14]  }
0x520: {  	[tilespmem:s30], [sflag:$0x2] =	stream.indirect_vreg.gather [hbm4b:s3+s2], $0x80, v3, vm0, $0xb8;
	[tilespmem:$0x1C400] =	vst v63  }
0x521: {  	s31 =	rddreg [dreg:$0x15]  }
0x522: {  	[tilespmem:s31], [sflag:$0x2] =	stream.indirect_vreg.gather [hbm4b:s5+s2], $0x80, v3, vm0, $0xb8;
	[tilespmem:$0x1C400] =	vst v63  }
0x523: {  	v3 =	vld [tilespmem:s16+$0x20];
	_ =	sdelay $0x4  }
0x524: {  	v50 =	vshll.u32 v3, $0x2  }
0x525: {  	v3 =	vand.u32 $0x7, v3;
	v4 =	vand.u32 $0xFFFFFFE0, v50  }
0x526: {  	v3 =	vor.u32 v3, v4  }
0x527: {  	v4 =	vperm.xlane v3, v0;
	_ =	sdelay $0x1  }
0x528: {  	v4 =	vadd.s32 v1, v4;
	_ =	sdelay $0x1  }
0x529: {  	v3 =	vperm.xlane v3, v2;
	_ =	sdelay $0x1  }
0x52a: {  	s1 =	rddreg [dreg:$0x16];
	v3 =	vadd.s32 v1, v3  }
0x52b: {  	[tilespmem:s1], [sflag:$0x2] =	stream.indirect_vreg.gather [hbm4b:s3+s2], $0x80, v4, vm0, $0xb8;
	[tilespmem:$0x1C400] =	vst v63  }
0x52c: {  	s4 =	rddreg [dreg:$0x17]  }
0x52d: {  	[tilespmem:s4], [sflag:$0x2] =	stream.indirect_vreg.gather [hbm4b:s5+s2], $0x80, v4, vm0, $0xb8;
	[tilespmem:$0x1C400] =	vst v63  }
0x52e: {  	s6 =	rddreg [dreg:$0x18]  }
0x52f: {  	[tilespmem:s6], [sflag:$0x2] =	stream.indirect_vreg.gather [hbm4b:s3+s2], $0x80, v3, vm0, $0xb8;
	[tilespmem:$0x1C400] =	vst v63  }
0x530: {  	s13 =	sand.u32 $0xFFE0, s17;
	s8 =	rddreg [dreg:$0x19]  }
0x531: {  	[tilespmem:s8], [sflag:$0x2] =	stream.indirect_vreg.gather [hbm4b:s5+s2], $0x80, v3, vm0, $0xb8;
	[tilespmem:$0x1C400] =	vst v63  }
0x532: {  	v3 =	vld [tilespmem:s13+$0x80];
	_ =	sdelay $0x4  }
0x533: {  	(v2sf) =	vpush v3, $0x0;
	_ =	sdelay $0x5  }
0x534: {  	(v2sf) =	vpush v3, $0x1;
	_ =	sdelay $0x5  }
0x535: {  	(v2sf) =	vpush v3, $0x2;
	_ =	sdelay $0x2  }
0x536: {  	s20 =	spop (v2sf)  }
0x537: {  	s21 =	sshll.u32 s20, $0x9;
	s0 =	sshll.u32 s20, $0x7  }
0x538: {  	s1 =	sand.u32 $0xFFFFF000, s21;
	s0 =	sand.u32 $0x380, s0  }
0x539: {  	(v2sf) =	vpush v3, $0x3;
	s6 =	sor.u32 s0, s1  }
0x53a: {  	v4 =	vld [tilespmem:s6+$0x6400]  }
0x53b: {  	v51 =	vld [tilespmem:s6+$0x6410]  }
0x53c: {  	s22 =	spop (v2sf)  }
0x53d: {  	s23 =	sshll.u32 s22, $0x9;
	s0 =	sshll.u32 s22, $0x7  }
0x53e: {  	s1 =	sand.u32 $0xFFFFF000, s23;
	s0 =	sand.u32 $0x380, s0  }
0x53f: {  	(v2sf) =	vpush v3, $0x4;
	s28 =	sor.u32 s0, s1;
	[tilespmem:$0x18400] =	vst v4  }
0x540: {  	[tilespmem:$0x18410] =	vst v51;
	v4 =	vld [tilespmem:s28+$0x6400]  }
0x541: {  	v5 =	vld [tilespmem:s28+$0x6410]  }
0x542: {  	s24 =	spop (v2sf)  }
0x543: {  	s25 =	sshll.u32 s24, $0x9;
	s0 =	sshll.u32 s24, $0x7  }
0x544: {  	s1 =	sand.u32 $0xFFFFF000, s25;
	s0 =	sand.u32 $0x380, s0  }
0x545: {  	(v2sf) =	vpush v3, $0x5;
	s8 =	sor.u32 s0, s1;
	[tilespmem:$0x18480] =	vst v4  }
0x546: {  	[tilespmem:$0x18490] =	vst v5;
	v4 =	vld [tilespmem:s8+$0x6400]  }
0x547: {  	v5 =	vld [tilespmem:s8+$0x6410]  }
0x548: {  	s26 =	spop (v2sf)  }
0x549: {  	s29 =	sshll.u32 s26, $0x9;
	s0 =	sshll.u32 s26, $0x7  }
0x54a: {  	s1 =	sand.u32 $0xFFFFF000, s29;
	s0 =	sand.u32 $0x380, s0  }
0x54b: {  	(v2sf) =	vpush v3, $0x6;
	s24 =	sor.u32 s0, s1;
	[tilespmem:$0x18500] =	vst v4  }
0x54c: {  	[tilespmem:$0x18510] =	vst v5;
	v4 =	vld [tilespmem:s24+$0x6400]  }
0x54d: {  	v5 =	vld [tilespmem:s24+$0x6410]  }
0x54e: {  	s30 =	spop (v2sf)  }
0x54f: {  	s31 =	sshll.u32 s30, $0x9;
	s0 =	sshll.u32 s30, $0x7  }
0x550: {  	s1 =	sand.u32 $0xFFFFF000, s31;
	s0 =	sand.u32 $0x380, s0  }
0x551: {  	(v2sf) =	vpush v3, $0x7;
	s22 =	sor.u32 s0, s1;
	[tilespmem:$0x18580] =	vst v4  }
0x552: {  	[tilespmem:$0x18590] =	vst v5;
	v4 =	vld [tilespmem:s22+$0x6400]  }
0x553: {  	v5 =	vld [tilespmem:s22+$0x6410]  }
0x554: {  	s1 =	spop (v2sf)  }
0x555: {  	s4 =	sshll.u32 s1, $0x9;
	s0 =	sshll.u32 s1, $0x7  }
0x556: {  	s1 =	sand.u32 $0xFFFFF000, s4;
	s0 =	sand.u32 $0x380, s0  }
0x557: {  	(v2sf) =	vpush v3, $0x8;
	s0 =	sor.u32 s0, s1;
	[tilespmem:$0x18600] =	vst v4  }
0x558: {  	[tilespmem:$0x18610] =	vst v5;
	v4 =	vld [tilespmem:s0+$0x6400]  }
0x559: {  	v5 =	vld [tilespmem:s0+$0x6410]  }
0x55a: {  	s13 =	spop (v2sf)  }
0x55b: {  	s20 =	sshll.u32 s13, $0x9;
	s1 =	sshll.u32 s13, $0x7  }
0x55c: {  	s4 =	sand.u32 $0xFFFFF000, s20;
	s1 =	sand.u32 $0x380, s1  }
0x55d: {  	v52 =	vld [tilespmem:s6+$0x6420];
	(v2sf) =	vpush v3, $0x9;
	s1 =	sor.u32 s1, s4;
	[tilespmem:$0x18680] =	vst v4  }
0x55e: {  	[tilespmem:$0x18690] =	vst v5;
	v4 =	vld [tilespmem:s1+$0x6400]  }
0x55f: {  	v5 =	vld [tilespmem:s1+$0x6410]  }
0x560: {  	s21 =	spop (v2sf)  }
0x561: {  	s23 =	sshll.u32 s21, $0x9;
	s4 =	sshll.u32 s21, $0x7  }
0x562: {  	[tilespmem:$0x18420] =	vst v52;
	s20 =	sand.u32 $0xFFFFF000, s23;
	s4 =	sand.u32 $0x380, s4  }
0x563: {  	v6 =	vld [tilespmem:s28+$0x6420];
	(v2sf) =	vpush v3, $0xA;
	s20 =	sor.u32 s4, s20;
	[tilespmem:$0x18700] =	vst v4  }
0x564: {  	[tilespmem:$0x18710] =	vst v5;
	v4 =	vld [tilespmem:s20+$0x6400]  }
0x565: {  	v5 =	vld [tilespmem:s20+$0x6410]  }
0x566: {  	s25 =	spop (v2sf)  }
0x567: {  	s26 =	sshll.u32 s25, $0x9;
	s4 =	sshll.u32 s25, $0x7  }
0x568: {  	[tilespmem:$0x184A0] =	vst v6;
	s21 =	sand.u32 $0xFFFFF000, s26;
	s4 =	sand.u32 $0x380, s4  }
0x569: {  	v6 =	vld [tilespmem:s8+$0x6420];
	(v2sf) =	vpush v3, $0xB;
	s21 =	sor.u32 s4, s21;
	[tilespmem:$0x18780] =	vst v4  }
0x56a: {  	[tilespmem:$0x18790] =	vst v5;
	v4 =	vld [tilespmem:s21+$0x6400]  }
0x56b: {  	v5 =	vld [tilespmem:s21+$0x6410]  }
0x56c: {  	s29 =	spop (v2sf)  }
0x56d: {  	s30 =	sshll.u32 s29, $0x9;
	s4 =	sshll.u32 s29, $0x7  }
0x56e: {  	[tilespmem:$0x18520] =	vst v6;
	s23 =	sand.u32 $0xFFFFF000, s30;
	s4 =	sand.u32 $0x380, s4  }
0x56f: {  	v6 =	vld [tilespmem:s24+$0x6420];
	(v2sf) =	vpush v3, $0xC;
	s23 =	sor.u32 s4, s23;
	[tilespmem:$0x19400] =	vst v4  }
0x570: {  	[tilespmem:$0x19410] =	vst v5;
	v4 =	vld [tilespmem:s23+$0x6400]  }
0x571: {  	v5 =	vld [tilespmem:s23+$0x6410]  }
0x572: {  	s31 =	spop (v2sf)  }
0x573: {  	s13 =	sshll.u32 s31, $0x9;
	s4 =	sshll.u32 s31, $0x7  }
0x574: {  	[tilespmem:$0x185A0] =	vst v6;
	s25 =	sand.u32 $0xFFFFF000, s13;
	s4 =	sand.u32 $0x380, s4  }
0x575: {  	v6 =	vld [tilespmem:s22+$0x6420];
	(v2sf) =	vpush v3, $0xD;
	s25 =	sor.u32 s4, s25;
	[tilespmem:$0x19480] =	vst v4  }
0x576: {  	[tilespmem:$0x19490] =	vst v5;
	v4 =	vld [tilespmem:s25+$0x6400]  }
0x577: {  	v5 =	vld [tilespmem:s25+$0x6410]  }
0x578: {  	s26 =	spop (v2sf)  }
0x579: {  	s29 =	sshll.u32 s26, $0x9;
	s4 =	sshll.u32 s26, $0x7  }
0x57a: {  	[tilespmem:$0x18620] =	vst v6;
	s26 =	sand.u32 $0xFFFFF000, s29;
	s4 =	sand.u32 $0x380, s4  }
0x57b: {  	v6 =	vld [tilespmem:s0+$0x6420];
	(v2sf) =	vpush v3, $0xE;
	s26 =	sor.u32 s4, s26;
	[tilespmem:$0x19500] =	vst v4  }
0x57c: {  	[tilespmem:$0x19510] =	vst v5;
	v4 =	vld [tilespmem:s26+$0x6400]  }
0x57d: {  	v5 =	vld [tilespmem:s26+$0x6410]  }
0x57e: {  	s30 =	spop (v2sf)  }
0x57f: {  	s31 =	sshll.u32 s30, $0x9;
	s4 =	sshll.u32 s30, $0x7  }
0x580: {  	[tilespmem:$0x186A0] =	vst v6;
	s29 =	sand.u32 $0xFFFFF000, s31;
	s4 =	sand.u32 $0x380, s4  }
0x581: {  	v54 =	vld [tilespmem:s1+$0x6420];
	(v2sf) =	vpush v3, $0xF;
	s29 =	sor.u32 s4, s29;
	[tilespmem:$0x19580] =	vst v4  }
0x582: {  	[tilespmem:$0x19590] =	vst v5;
	v3 =	vld [tilespmem:s29+$0x6400]  }
0x583: {  	v53 =	vld [tilespmem:s29+$0x6410]  }
0x584: {  	s13 =	spop (v2sf)  }
0x585: {  	s31 =	sshll.u32 s13, $0x9;
	s4 =	sshll.u32 s13, $0x7  }
0x586: {  	[tilespmem:$0x18720] =	vst v54;
	s30 =	sand.u32 $0xFFFFF000, s31;
	s4 =	sand.u32 $0x380, s4  }
0x587: {  	s30 =	sor.u32 s4, s30;
	v5 =	vld [tilespmem:s20+$0x6420];
	[tilespmem:$0x19600] =	vst v3  }
0x588: {  	[tilespmem:$0x19610] =	vst v53;
	v3 =	vld [tilespmem:s30+$0x6400]  }
0x589: {  	v4 =	vld [tilespmem:s30+$0x6410]  }
0x58a: {  	s4 =	spop (v2sf)  }
0x58b: {  	s13 =	sshll.u32 s4, $0x9;
	s4 =	sshll.u32 s4, $0x7  }
0x58c: {  	s31 =	sand.u32 $0xFFFFF000, s13;
	s4 =	sand.u32 $0x380, s4;
	[tilespmem:$0x187A0] =	vst v5  }
0x58d: {  	s31 =	sor.u32 s4, s31;
	v5 =	vld [tilespmem:s21+$0x6420];
	[tilespmem:$0x19680] =	vst v3  }
0x58e: {  	[tilespmem:$0x19690] =	vst v4;
	v3 =	vld [tilespmem:s31+$0x6400]  }
0x58f: {  	v4 =	vld [tilespmem:s31+$0x6410]  }
0x590: {  	s4 =	spop (v2sf)  }
0x591: {  	s13 =	sshll.u32 s4, $0x9;
	s4 =	sshll.u32 s4, $0x7  }
0x592: {  	s13 =	sand.u32 $0xFFFFF000, s13;
	s4 =	sand.u32 $0x380, s4;
	[tilespmem:$0x19420] =	vst v5  }
0x593: {  	s4 =	sor.u32 s4, s13;
	v5 =	vld [tilespmem:s23+$0x6420];
	[tilespmem:$0x19700] =	vst v3  }
0x594: {  	[tilespmem:$0x19710] =	vst v4;
	v3 =	vld [tilespmem:s4+$0x6400]  }
0x595: {  	v4 =	vld [tilespmem:s4+$0x6410];
	_ =	sdelay $0x2  }
0x596: {  	[tilespmem:$0x194A0] =	vst v5  }
0x597: {  	[tilespmem:$0x19780] =	vst v3  }
0x598: {  	[tilespmem:$0x19790] =	vst v4  }
0x599: {  	v3 =	vld [tilespmem:s25+$0x6420]  }
0x59a: {  	v55 =	vld [tilespmem:s6+$0x6430]  }
0x59b: {  	v56 =	vld [tilespmem:s6+$0x6440]  }
0x59c: {  	v57 =	vld [tilespmem:s6+$0x6450];
	_ =	sdelay $0x2  }
0x59d: {  	[tilespmem:$0x18430] =	vst v55  }
0x59e: {  	[tilespmem:$0x18440] =	vst v56;
	v4 =	vld [tilespmem:s28+$0x6430]  }
0x59f: {  	[tilespmem:$0x18450] =	vst v57;
	v5 =	vld [tilespmem:s28+$0x6440]  }
0x5a0: {  	v6 =	vld [tilespmem:s28+$0x6450];
	_ =	sdelay $0x2  }
0x5a1: {  	[tilespmem:$0x184B0] =	vst v4  }
0x5a2: {  	[tilespmem:$0x184C0] =	vst v5;
	v4 =	vld [tilespmem:s8+$0x6430]  }
0x5a3: {  	[tilespmem:$0x184D0] =	vst v6;
	v5 =	vld [tilespmem:s8+$0x6440]  }
0x5a4: {  	v6 =	vld [tilespmem:s8+$0x6450];
	_ =	sdelay $0x2  }
0x5a5: {  	[tilespmem:$0x18530] =	vst v4  }
0x5a6: {  	[tilespmem:$0x18540] =	vst v5;
	v4 =	vld [tilespmem:s24+$0x6430]  }
0x5a7: {  	[tilespmem:$0x18550] =	vst v6;
	v5 =	vld [tilespmem:s24+$0x6440]  }
0x5a8: {  	v6 =	vld [tilespmem:s24+$0x6450];
	_ =	sdelay $0x2  }
0x5a9: {  	[tilespmem:$0x185B0] =	vst v4  }
0x5aa: {  	[tilespmem:$0x185C0] =	vst v5;
	v4 =	vld [tilespmem:s22+$0x6430]  }
0x5ab: {  	[tilespmem:$0x185D0] =	vst v6;
	v5 =	vld [tilespmem:s22+$0x6440]  }
0x5ac: {  	v6 =	vld [tilespmem:s22+$0x6450];
	_ =	sdelay $0x2  }
0x5ad: {  	[tilespmem:$0x18630] =	vst v4  }
0x5ae: {  	[tilespmem:$0x18640] =	vst v5;
	v4 =	vld [tilespmem:s0+$0x6430]  }
0x5af: {  	[tilespmem:$0x18650] =	vst v6;
	v5 =	vld [tilespmem:s0+$0x6440]  }
0x5b0: {  	v6 =	vld [tilespmem:s0+$0x6450];
	_ =	sdelay $0x2  }
0x5b1: {  	[tilespmem:$0x186B0] =	vst v4  }
0x5b2: {  	[tilespmem:$0x186C0] =	vst v5;
	v4 =	vld [tilespmem:s1+$0x6430]  }
0x5b3: {  	[tilespmem:$0x186D0] =	vst v6;
	v5 =	vld [tilespmem:s1+$0x6440]  }
0x5b4: {  	v6 =	vld [tilespmem:s1+$0x6450];
	_ =	sdelay $0x2  }
0x5b5: {  	[tilespmem:$0x18730] =	vst v4  }
0x5b6: {  	[tilespmem:$0x18740] =	vst v5;
	v4 =	vld [tilespmem:s20+$0x6430]  }
0x5b7: {  	[tilespmem:$0x18750] =	vst v6;
	v5 =	vld [tilespmem:s20+$0x6440]  }
0x5b8: {  	v6 =	vld [tilespmem:s20+$0x6450];
	_ =	sdelay $0x1  }
0x5b9: {  	v58 =	vld [tilespmem:s6+$0x6460];
	[tilespmem:$0x19520] =	vst v3  }
0x5ba: {  	v3 =	vld [tilespmem:s26+$0x6420];
	[tilespmem:$0x187B0] =	vst v4  }
0x5bb: {  	[tilespmem:$0x187C0] =	vst v5;
	v4 =	vld [tilespmem:s21+$0x6430]  }
0x5bc: {  	[tilespmem:$0x187D0] =	vst v6;
	v5 =	vld [tilespmem:s21+$0x6440]  }
0x5bd: {  	v6 =	vld [tilespmem:s21+$0x6450]  }
0x5be: {  	v59 =	vld [tilespmem:s6+$0x6800];
	[tilespmem:$0x18460] =	vst v58  }
0x5bf: {  	v60 =	vld [tilespmem:s6+$0x6810];
	[tilespmem:$0x195A0] =	vst v3  }
0x5c0: {  	v3 =	vld [tilespmem:s29+$0x6420];
	[tilespmem:$0x19430] =	vst v4  }
0x5c1: {  	[tilespmem:$0x19440] =	vst v5;
	v4 =	vld [tilespmem:s23+$0x6430]  }
0x5c2: {  	[tilespmem:$0x19450] =	vst v6;
	v5 =	vld [tilespmem:s23+$0x6440]  }
0x5c3: {  	[tilespmem:$0x18800] =	vst v59;
	v6 =	vld [tilespmem:s23+$0x6450]  }
0x5c4: {  	v61 =	vld [tilespmem:s6+$0x6820];
	[tilespmem:$0x18810] =	vst v60  }
0x5c5: {  	v62 =	vld [tilespmem:s6+$0x6830];
	[tilespmem:$0x19620] =	vst v3  }
0x5c6: {  	v3 =	vld [tilespmem:s30+$0x6420];
	[tilespmem:$0x194B0] =	vst v4  }
0x5c7: {  	[tilespmem:$0x194C0] =	vst v5;
	v4 =	vld [tilespmem:s25+$0x6430]  }
0x5c8: {  	[tilespmem:$0x194D0] =	vst v6;
	v5 =	vld [tilespmem:s25+$0x6440]  }
0x5c9: {  	[tilespmem:$0x18820] =	vst v61;
	v6 =	vld [tilespmem:s25+$0x6450]  }
0x5ca: {  	[tilespmem:$0x18830] =	vst v62;
	v7 =	vld [tilespmem:s28+$0x6460]  }
0x5cb: {  	v13 =	vld [tilespmem:s6+$0x6850];
	[tilespmem:$0x196A0] =	vst v3  }
0x5cc: {  	v3 =	vld [tilespmem:s31+$0x6420];
	[tilespmem:$0x19530] =	vst v4  }
0x5cd: {  	[tilespmem:$0x19540] =	vst v5;
	v4 =	vld [tilespmem:s26+$0x6430]  }
0x5ce: {  	[tilespmem:$0x19550] =	vst v6;
	v5 =	vld [tilespmem:s26+$0x6440]  }
0x5cf: {  	[tilespmem:$0x184E0] =	vst v7;
	v6 =	vld [tilespmem:s26+$0x6450]  }
0x5d0: {  	[tilespmem:$0x18850] =	vst v13;
	v7 =	vld [tilespmem:s8+$0x6460]  }
0x5d1: {  	v14 =	vld [tilespmem:s6+$0x6860];
	[tilespmem:$0x19720] =	vst v3  }
0x5d2: {  	v3 =	vld [tilespmem:s4+$0x6420];
	[tilespmem:$0x195B0] =	vst v4  }
0x5d3: {  	[tilespmem:$0x195C0] =	vst v5;
	v4 =	vld [tilespmem:s29+$0x6430]  }
0x5d4: {  	[tilespmem:$0x195D0] =	vst v6;
	v5 =	vld [tilespmem:s29+$0x6440]  }
0x5d5: {  	[tilespmem:$0x18560] =	vst v7;
	v6 =	vld [tilespmem:s29+$0x6450]  }
0x5d6: {  	[tilespmem:$0x18860] =	vst v14;
	v7 =	vld [tilespmem:s24+$0x6460]  }
0x5d7: {  	[tilespmem:$0x197A0] =	vst v3;
	v3 =	vld [tilespmem:s6+$0x6470]  }
0x5d8: {  	v15 =	vld [tilespmem:s6+$0x6870];
	[tilespmem:$0x19630] =	vst v4  }
0x5d9: {  	[tilespmem:$0x19640] =	vst v5;
	v4 =	vld [tilespmem:s30+$0x6430]  }
0x5da: {  	[tilespmem:$0x19650] =	vst v6;
	v5 =	vld [tilespmem:s30+$0x6440]  }
0x5db: {  	[tilespmem:$0x185E0] =	vst v7;
	v6 =	vld [tilespmem:s30+$0x6450]  }
0x5dc: {  	v7 =	vld [tilespmem:s28+$0x6830];
	[tilespmem:$0x18470] =	vst v3  }
0x5dd: {  	[tilespmem:$0x18870] =	vst v15;
	v3 =	vld [tilespmem:s28+$0x6470]  }
0x5de: {  	v16 =	vld [tilespmem:s6+$0x6C00];
	[tilespmem:$0x196B0] =	vst v4  }
0x5df: {  	[tilespmem:$0x196C0] =	vst v5;
	v4 =	vld [tilespmem:s31+$0x6430]  }
0x5e0: {  	[tilespmem:$0x196D0] =	vst v6;
	v5 =	vld [tilespmem:s31+$0x6440]  }
0x5e1: {  	[tilespmem:$0x188B0] =	vst v7;
	v6 =	vld [tilespmem:s31+$0x6450]  }
0x5e2: {  	v7 =	vld [tilespmem:s8+$0x6830];
	[tilespmem:$0x184F0] =	vst v3  }
0x5e3: {  	[tilespmem:$0x18C00] =	vst v16;
	v3 =	vld [tilespmem:s8+$0x6470]  }
0x5e4: {  	v18 =	vld [tilespmem:s6+$0x6C20];
	[tilespmem:$0x19730] =	vst v4  }
0x5e5: {  	[tilespmem:$0x19740] =	vst v5;
	v4 =	vld [tilespmem:s4+$0x6430]  }
0x5e6: {  	[tilespmem:$0x19750] =	vst v6;
	v5 =	vld [tilespmem:s4+$0x6440]  }
0x5e7: {  	[tilespmem:$0x18930] =	vst v7;
	v6 =	vld [tilespmem:s4+$0x6450]  }
0x5e8: {  	v7 =	vld [tilespmem:s24+$0x6830];
	[tilespmem:$0x18570] =	vst v3  }
0x5e9: {  	[tilespmem:$0x18C20] =	vst v18;
	v3 =	vld [tilespmem:s24+$0x6470]  }
0x5ea: {  	[tilespmem:$0x197B0] =	vst v4;
	v4 =	vld [tilespmem:s28+$0x6800]  }
0x5eb: {  	[tilespmem:$0x197C0] =	vst v5;
	v5 =	vld [tilespmem:s28+$0x6810]  }
0x5ec: {  	[tilespmem:$0x197D0] =	vst v6;
	v6 =	vld [tilespmem:s28+$0x6820]  }
0x5ed: {  	v63 =	vld [tilespmem:s22+$0x6460];
	[tilespmem:$0x189B0] =	vst v7  }
0x5ee: {  	v7 =	vld [tilespmem:s22+$0x6830];
	[tilespmem:$0x185F0] =	vst v3  }
0x5ef: {  	v3 =	vld [tilespmem:s22+$0x6470];
	[tilespmem:$0x18880] =	vst v4  }
0x5f0: {  	[tilespmem:$0x18890] =	vst v5;
	v4 =	vld [tilespmem:s8+$0x6800]  }
0x5f1: {  	[tilespmem:$0x188A0] =	vst v6;
	v5 =	vld [tilespmem:s8+$0x6810]  }
0x5f2: {  	[tilespmem:$0x18660] =	vst v63;
	v6 =	vld [tilespmem:s8+$0x6820]  }
0x5f3: {  	v8 =	vld [tilespmem:s0+$0x6460];
	[tilespmem:$0x18A30] =	vst v7  }
0x5f4: {  	v7 =	vld [tilespmem:s0+$0x6830];
	[tilespmem:$0x18670] =	vst v3  }
0x5f5: {  	v3 =	vld [tilespmem:s0+$0x6470];
	[tilespmem:$0x18900] =	vst v4  }
0x5f6: {  	[tilespmem:$0x18910] =	vst v5;
	v4 =	vld [tilespmem:s24+$0x6800]  }
0x5f7: {  	[tilespmem:$0x18920] =	vst v6;
	v5 =	vld [tilespmem:s24+$0x6810]  }
0x5f8: {  	[tilespmem:$0x186E0] =	vst v8;
	v6 =	vld [tilespmem:s24+$0x6820]  }
0x5f9: {  	v8 =	vld [tilespmem:s1+$0x6460];
	[tilespmem:$0x18AB0] =	vst v7  }
0x5fa: {  	v7 =	vld [tilespmem:s1+$0x6830];
	[tilespmem:$0x186F0] =	vst v3  }
0x5fb: {  	v3 =	vld [tilespmem:s1+$0x6470];
	[tilespmem:$0x18980] =	vst v4  }
0x5fc: {  	[tilespmem:$0x18990] =	vst v5;
	v4 =	vld [tilespmem:s22+$0x6800]  }
0x5fd: {  	[tilespmem:$0x189A0] =	vst v6;
	v5 =	vld [tilespmem:s22+$0x6810]  }
0x5fe: {  	[tilespmem:$0x18760] =	vst v8;
	v6 =	vld [tilespmem:s22+$0x6820]  }
0x5ff: {  	v8 =	vld [tilespmem:s20+$0x6460];
	[tilespmem:$0x18B30] =	vst v7  }
0x600: {  	v7 =	vld [tilespmem:s20+$0x6830];
	[tilespmem:$0x18770] =	vst v3  }
0x601: {  	v3 =	vld [tilespmem:s20+$0x6470];
	[tilespmem:$0x18A00] =	vst v4  }
0x602: {  	[tilespmem:$0x18A10] =	vst v5;
	v4 =	vld [tilespmem:s0+$0x6800]  }
0x603: {  	[tilespmem:$0x18A20] =	vst v6;
	v5 =	vld [tilespmem:s0+$0x6810]  }
0x604: {  	[tilespmem:$0x187E0] =	vst v8;
	v6 =	vld [tilespmem:s0+$0x6820]  }
0x605: {  	v8 =	vld [tilespmem:s21+$0x6460];
	[tilespmem:$0x18BB0] =	vst v7  }
0x606: {  	v7 =	vld [tilespmem:s21+$0x6830];
	[tilespmem:$0x187F0] =	vst v3  }
0x607: {  	v3 =	vld [tilespmem:s21+$0x6470];
	[tilespmem:$0x18A80] =	vst v4  }
0x608: {  	[tilespmem:$0x18A90] =	vst v5;
	v4 =	vld [tilespmem:s1+$0x6800]  }
0x609: {  	[tilespmem:$0x18AA0] =	vst v6;
	v5 =	vld [tilespmem:s1+$0x6810]  }
0x60a: {  	[tilespmem:$0x19460] =	vst v8;
	v6 =	vld [tilespmem:s1+$0x6820]  }
0x60b: {  	v8 =	vld [tilespmem:s23+$0x6460];
	[tilespmem:$0x19830] =	vst v7  }
0x60c: {  	v7 =	vld [tilespmem:s23+$0x6830];
	[tilespmem:$0x19470] =	vst v3  }
0x60d: {  	v3 =	vld [tilespmem:s23+$0x6470];
	[tilespmem:$0x18B00] =	vst v4  }
0x60e: {  	[tilespmem:$0x18B10] =	vst v5;
	v4 =	vld [tilespmem:s20+$0x6800]  }
0x60f: {  	[tilespmem:$0x18B20] =	vst v6;
	v5 =	vld [tilespmem:s20+$0x6810]  }
0x610: {  	[tilespmem:$0x194E0] =	vst v8;
	v6 =	vld [tilespmem:s20+$0x6820]  }
0x611: {  	v8 =	vld [tilespmem:s25+$0x6460];
	[tilespmem:$0x198B0] =	vst v7  }
0x612: {  	v7 =	vld [tilespmem:s25+$0x6830];
	[tilespmem:$0x194F0] =	vst v3  }
0x613: {  	v3 =	vld [tilespmem:s25+$0x6470];
	[tilespmem:$0x18B80] =	vst v4  }
0x614: {  	[tilespmem:$0x18B90] =	vst v5;
	v4 =	vld [tilespmem:s21+$0x6800]  }
0x615: {  	[tilespmem:$0x18BA0] =	vst v6;
	v5 =	vld [tilespmem:s21+$0x6810]  }
0x616: {  	[tilespmem:$0x19560] =	vst v8;
	v6 =	vld [tilespmem:s21+$0x6820]  }
0x617: {  	v8 =	vld [tilespmem:s26+$0x6460];
	[tilespmem:$0x19930] =	vst v7  }
0x618: {  	v7 =	vld [tilespmem:s26+$0x6830];
	[tilespmem:$0x19570] =	vst v3  }
0x619: {  	v3 =	vld [tilespmem:s26+$0x6470];
	[tilespmem:$0x19800] =	vst v4  }
0x61a: {  	[tilespmem:$0x19810] =	vst v5;
	v4 =	vld [tilespmem:s23+$0x6800]  }
0x61b: {  	[tilespmem:$0x19820] =	vst v6;
	v5 =	vld [tilespmem:s23+$0x6810]  }
0x61c: {  	[tilespmem:$0x195E0] =	vst v8;
	v6 =	vld [tilespmem:s23+$0x6820]  }
0x61d: {  	v8 =	vld [tilespmem:s29+$0x6460];
	[tilespmem:$0x199B0] =	vst v7  }
0x61e: {  	v7 =	vld [tilespmem:s29+$0x6830];
	[tilespmem:$0x195F0] =	vst v3  }
0x61f: {  	v3 =	vld [tilespmem:s29+$0x6470];
	[tilespmem:$0x19880] =	vst v4  }
0x620: {  	[tilespmem:$0x19890] =	vst v5;
	v4 =	vld [tilespmem:s25+$0x6800]  }
0x621: {  	[tilespmem:$0x198A0] =	vst v6;
	v5 =	vld [tilespmem:s25+$0x6810]  }
0x622: {  	[tilespmem:$0x19660] =	vst v8;
	v6 =	vld [tilespmem:s25+$0x6820]  }
0x623: {  	v8 =	vld [tilespmem:s30+$0x6460];
	[tilespmem:$0x19A30] =	vst v7  }
0x624: {  	[tilespmem:$0x19670] =	vst v3;
	v3 =	vld [tilespmem:s6+$0x6840]  }
0x625: {  	v7 =	vld [tilespmem:s30+$0x6830];
	[tilespmem:$0x19900] =	vst v4  }
0x626: {  	[tilespmem:$0x19910] =	vst v5;
	v4 =	vld [tilespmem:s26+$0x6800]  }
0x627: {  	[tilespmem:$0x19920] =	vst v6;
	v5 =	vld [tilespmem:s26+$0x6810]  }
0x628: {  	[tilespmem:$0x196E0] =	vst v8;
	v6 =	vld [tilespmem:s26+$0x6820]  }
0x629: {  	v8 =	vld [tilespmem:s31+$0x6460];
	[tilespmem:$0x18840] =	vst v3  }
0x62a: {  	[tilespmem:$0x19AB0] =	vst v7;
	v3 =	vld [tilespmem:s28+$0x6840]  }
0x62b: {  	v7 =	vld [tilespmem:s31+$0x6830];
	[tilespmem:$0x19980] =	vst v4  }
0x62c: {  	[tilespmem:$0x19990] =	vst v5;
	v4 =	vld [tilespmem:s29+$0x6800]  }
0x62d: {  	[tilespmem:$0x199A0] =	vst v6;
	v5 =	vld [tilespmem:s29+$0x6810]  }
0x62e: {  	[tilespmem:$0x19760] =	vst v8;
	v6 =	vld [tilespmem:s29+$0x6820]  }
0x62f: {  	v8 =	vld [tilespmem:s4+$0x6460];
	[tilespmem:$0x188C0] =	vst v3  }
0x630: {  	[tilespmem:$0x19B30] =	vst v7;
	v3 =	vld [tilespmem:s8+$0x6840]  }
0x631: {  	v7 =	vld [tilespmem:s4+$0x6830];
	[tilespmem:$0x19A00] =	vst v4  }
0x632: {  	[tilespmem:$0x19A10] =	vst v5;
	v4 =	vld [tilespmem:s30+$0x6800]  }
0x633: {  	[tilespmem:$0x19A20] =	vst v6;
	v5 =	vld [tilespmem:s30+$0x6810]  }
0x634: {  	[tilespmem:$0x197E0] =	vst v8;
	v6 =	vld [tilespmem:s30+$0x6820]  }
0x635: {  	v12 =	vld [tilespmem:s30+$0x6470];
	[tilespmem:$0x18940] =	vst v3  }
0x636: {  	[tilespmem:$0x19BB0] =	vst v7;
	v3 =	vld [tilespmem:s24+$0x6840]  }
0x637: {  	v7 =	vld [tilespmem:s28+$0x6C00];
	[tilespmem:$0x19A80] =	vst v4  }
0x638: {  	[tilespmem:$0x19A90] =	vst v5;
	v4 =	vld [tilespmem:s31+$0x6800]  }
0x639: {  	[tilespmem:$0x19AA0] =	vst v6;
	v5 =	vld [tilespmem:s31+$0x6810]  }
0x63a: {  	[tilespmem:$0x196F0] =	vst v12;
	v6 =	vld [tilespmem:s31+$0x6820]  }
0x63b: {  	[tilespmem:$0x189C0] =	vst v3;
	v3 =	vld [tilespmem:s6+$0x6C10]  }
0x63c: {  	[tilespmem:$0x18C80] =	vst v7;
	v8 =	vld [tilespmem:s31+$0x6470]  }
0x63d: {  	v7 =	vld [tilespmem:s8+$0x6C00];
	[tilespmem:$0x19B00] =	vst v4  }
0x63e: {  	[tilespmem:$0x19B10] =	vst v5;
	v4 =	vld [tilespmem:s4+$0x6800]  }
0x63f: {  	[tilespmem:$0x19B20] =	vst v6;
	v5 =	vld [tilespmem:s4+$0x6810]  }
0x640: {  	[tilespmem:$0x18C10] =	vst v3;
	v6 =	vld [tilespmem:s4+$0x6820]  }
0x641: {  	[tilespmem:$0x19770] =	vst v8;
	v3 =	vld [tilespmem:s28+$0x6C10]  }
0x642: {  	[tilespmem:$0x18D00] =	vst v7;
	v8 =	vld [tilespmem:s4+$0x6470]  }
0x643: {  	[tilespmem:$0x19B80] =	vst v4;
	v4 =	vld [tilespmem:s28+$0x6850]  }
0x644: {  	[tilespmem:$0x19B90] =	vst v5;
	v5 =	vld [tilespmem:s28+$0x6860]  }
0x645: {  	[tilespmem:$0x19BA0] =	vst v6;
	v6 =	vld [tilespmem:s28+$0x6870]  }
0x646: {  	v17 =	vld [tilespmem:s22+$0x6840];
	[tilespmem:$0x18C90] =	vst v3  }
0x647: {  	[tilespmem:$0x197F0] =	vst v8;
	v3 =	vld [tilespmem:s8+$0x6C10]  }
0x648: {  	v7 =	vld [tilespmem:s24+$0x6C00];
	[tilespmem:$0x188D0] =	vst v4  }
0x649: {  	[tilespmem:$0x188E0] =	vst v5;
	v4 =	vld [tilespmem:s8+$0x6850]  }
0x64a: {  	[tilespmem:$0x188F0] =	vst v6;
	v5 =	vld [tilespmem:s8+$0x6860]  }
0x64b: {  	[tilespmem:$0x18A40] =	vst v17;
	v6 =	vld [tilespmem:s8+$0x6870]  }
0x64c: {  	v8 =	vld [tilespmem:s0+$0x6840];
	[tilespmem:$0x18D10] =	vst v3  }
0x64d: {  	[tilespmem:$0x18D80] =	vst v7;
	v3 =	vld [tilespmem:s24+$0x6C10]  }
0x64e: {  	v7 =	vld [tilespmem:s22+$0x6C00];
	[tilespmem:$0x18950] =	vst v4  }
0x64f: {  	[tilespmem:$0x18960] =	vst v5;
	v4 =	vld [tilespmem:s24+$0x6850]  }
0x650: {  	[tilespmem:$0x18970] =	vst v6;
	v5 =	vld [tilespmem:s24+$0x6860]  }
0x651: {  	[tilespmem:$0x18AC0] =	vst v8;
	v6 =	vld [tilespmem:s24+$0x6870]  }
0x652: {  	v8 =	vld [tilespmem:s1+$0x6840];
	[tilespmem:$0x18D90] =	vst v3  }
0x653: {  	[tilespmem:$0x18E00] =	vst v7;
	v3 =	vld [tilespmem:s22+$0x6C10]  }
0x654: {  	v7 =	vld [tilespmem:s0+$0x6C00];
	[tilespmem:$0x189D0] =	vst v4  }
0x655: {  	[tilespmem:$0x189E0] =	vst v5;
	v4 =	vld [tilespmem:s22+$0x6850]  }
0x656: {  	[tilespmem:$0x189F0] =	vst v6;
	v5 =	vld [tilespmem:s22+$0x6860]  }
0x657: {  	[tilespmem:$0x18B40] =	vst v8;
	v6 =	vld [tilespmem:s22+$0x6870]  }
0x658: {  	v8 =	vld [tilespmem:s20+$0x6840];
	[tilespmem:$0x18E10] =	vst v3  }
0x659: {  	[tilespmem:$0x18E80] =	vst v7;
	v3 =	vld [tilespmem:s0+$0x6C10]  }
0x65a: {  	v7 =	vld [tilespmem:s1+$0x6C00];
	[tilespmem:$0x18A50] =	vst v4  }
0x65b: {  	[tilespmem:$0x18A60] =	vst v5;
	v4 =	vld [tilespmem:s0+$0x6850]  }
0x65c: {  	[tilespmem:$0x18A70] =	vst v6;
	v5 =	vld [tilespmem:s0+$0x6860]  }
0x65d: {  	[tilespmem:$0x18BC0] =	vst v8;
	v6 =	vld [tilespmem:s0+$0x6870]  }
0x65e: {  	v8 =	vld [tilespmem:s21+$0x6840];
	[tilespmem:$0x18E90] =	vst v3  }
0x65f: {  	[tilespmem:$0x18F00] =	vst v7;
	v3 =	vld [tilespmem:s1+$0x6C10]  }
0x660: {  	v7 =	vld [tilespmem:s20+$0x6C00];
	[tilespmem:$0x18AD0] =	vst v4  }
0x661: {  	[tilespmem:$0x18AE0] =	vst v5;
	v4 =	vld [tilespmem:s1+$0x6850]  }
0x662: {  	[tilespmem:$0x18AF0] =	vst v6;
	v5 =	vld [tilespmem:s1+$0x6860]  }
0x663: {  	[tilespmem:$0x19840] =	vst v8;
	v6 =	vld [tilespmem:s1+$0x6870]  }
0x664: {  	v8 =	vld [tilespmem:s23+$0x6840];
	[tilespmem:$0x18F10] =	vst v3  }
0x665: {  	[tilespmem:$0x18F80] =	vst v7;
	v3 =	vld [tilespmem:s20+$0x6C10]  }
0x666: {  	v7 =	vld [tilespmem:s21+$0x6C00];
	[tilespmem:$0x18B50] =	vst v4  }
0x667: {  	[tilespmem:$0x18B60] =	vst v5;
	v4 =	vld [tilespmem:s20+$0x6850]  }
0x668: {  	[tilespmem:$0x18B70] =	vst v6;
	v5 =	vld [tilespmem:s20+$0x6860]  }
0x669: {  	[tilespmem:$0x198C0] =	vst v8;
	v6 =	vld [tilespmem:s20+$0x6870]  }
0x66a: {  	v8 =	vld [tilespmem:s25+$0x6840];
	[tilespmem:$0x18F90] =	vst v3  }
0x66b: {  	[tilespmem:$0x19C00] =	vst v7;
	v3 =	vld [tilespmem:s21+$0x6C10]  }
0x66c: {  	v7 =	vld [tilespmem:s23+$0x6C00];
	[tilespmem:$0x18BD0] =	vst v4  }
0x66d: {  	[tilespmem:$0x18BE0] =	vst v5;
	v4 =	vld [tilespmem:s21+$0x6850]  }
0x66e: {  	[tilespmem:$0x18BF0] =	vst v6;
	v5 =	vld [tilespmem:s21+$0x6860]  }
0x66f: {  	[tilespmem:$0x19940] =	vst v8;
	v6 =	vld [tilespmem:s21+$0x6870]  }
0x670: {  	v8 =	vld [tilespmem:s26+$0x6840];
	[tilespmem:$0x19C10] =	vst v3  }
0x671: {  	[tilespmem:$0x19C80] =	vst v7;
	v3 =	vld [tilespmem:s23+$0x6C10]  }
0x672: {  	v7 =	vld [tilespmem:s25+$0x6C00];
	[tilespmem:$0x19850] =	vst v4  }
0x673: {  	[tilespmem:$0x19860] =	vst v5;
	v4 =	vld [tilespmem:s23+$0x6850]  }
0x674: {  	[tilespmem:$0x19870] =	vst v6;
	v5 =	vld [tilespmem:s23+$0x6860]  }
0x675: {  	[tilespmem:$0x199C0] =	vst v8;
	v6 =	vld [tilespmem:s23+$0x6870]  }
0x676: {  	v8 =	vld [tilespmem:s29+$0x6840];
	[tilespmem:$0x19C90] =	vst v3  }
0x677: {  	[tilespmem:$0x19D00] =	vst v7;
	v3 =	vld [tilespmem:s25+$0x6C10]  }
0x678: {  	v7 =	vld [tilespmem:s26+$0x6C00];
	[tilespmem:$0x198D0] =	vst v4  }
0x679: {  	[tilespmem:$0x198E0] =	vst v5;
	v4 =	vld [tilespmem:s25+$0x6850]  }
0x67a: {  	[tilespmem:$0x198F0] =	vst v6;
	v5 =	vld [tilespmem:s25+$0x6860]  }
0x67b: {  	[tilespmem:$0x19A40] =	vst v8;
	v6 =	vld [tilespmem:s25+$0x6870]  }
0x67c: {  	v8 =	vld [tilespmem:s30+$0x6840];
	[tilespmem:$0x19D10] =	vst v3  }
0x67d: {  	[tilespmem:$0x19D80] =	vst v7;
	v3 =	vld [tilespmem:s26+$0x6C10]  }
0x67e: {  	v7 =	vld [tilespmem:s29+$0x6C00];
	[tilespmem:$0x19950] =	vst v4  }
0x67f: {  	[tilespmem:$0x19960] =	vst v5;
	v4 =	vld [tilespmem:s26+$0x6850]  }
0x680: {  	[tilespmem:$0x19970] =	vst v6;
	v5 =	vld [tilespmem:s26+$0x6860]  }
0x681: {  	[tilespmem:$0x19AC0] =	vst v8;
	v6 =	vld [tilespmem:s26+$0x6870]  }
0x682: {  	v8 =	vld [tilespmem:s31+$0x6840];
	[tilespmem:$0x19D90] =	vst v3  }
0x683: {  	[tilespmem:$0x19E00] =	vst v7;
	v3 =	vld [tilespmem:s29+$0x6C10]  }
0x684: {  	v7 =	vld [tilespmem:s30+$0x6C00];
	[tilespmem:$0x199D0] =	vst v4  }
0x685: {  	[tilespmem:$0x199E0] =	vst v5;
	v4 =	vld [tilespmem:s29+$0x6850]  }
0x686: {  	[tilespmem:$0x199F0] =	vst v6;
	v5 =	vld [tilespmem:s29+$0x6860]  }
0x687: {  	[tilespmem:$0x19B40] =	vst v8;
	v6 =	vld [tilespmem:s29+$0x6870]  }
0x688: {  	v8 =	vld [tilespmem:s4+$0x6840];
	[tilespmem:$0x19E10] =	vst v3  }
0x689: {  	[tilespmem:$0x19E80] =	vst v7;
	v3 =	vld [tilespmem:s30+$0x6C10]  }
0x68a: {  	[tilespmem:$0x19A50] =	vst v4;
	v4 =	vld [tilespmem:s28+$0x6C20]  }
0x68b: {  	[tilespmem:$0x19A60] =	vst v5;
	v19 =	vld [tilespmem:s30+$0x6850]  }
0x68c: {  	[tilespmem:$0x19A70] =	vst v6;
	v5 =	vld [tilespmem:s30+$0x6860]  }
0x68d: {  	[tilespmem:$0x19BC0] =	vst v8;
	v6 =	vld [tilespmem:s30+$0x6870]  }
0x68e: {  	v7 =	vld [tilespmem:s31+$0x6C00];
	[tilespmem:$0x19E90] =	vst v3  }
0x68f: {  	v3 =	vld [tilespmem:s31+$0x6C10];
	[tilespmem:$0x18CA0] =	vst v4  }
0x690: {  	[tilespmem:$0x19AD0] =	vst v19;
	v4 =	vld [tilespmem:s8+$0x6C20]  }
0x691: {  	[tilespmem:$0x19AE0] =	vst v5;
	v8 =	vld [tilespmem:s31+$0x6850]  }
0x692: {  	[tilespmem:$0x19AF0] =	vst v6;
	v5 =	vld [tilespmem:s31+$0x6860]  }
0x693: {  	[tilespmem:$0x19F00] =	vst v7;
	v6 =	vld [tilespmem:s31+$0x6870]  }
0x694: {  	v7 =	vld [tilespmem:s4+$0x6C00];
	[tilespmem:$0x19F10] =	vst v3  }
0x695: {  	v3 =	vld [tilespmem:s4+$0x6C10];
	[tilespmem:$0x18D20] =	vst v4  }
0x696: {  	[tilespmem:$0x19B50] =	vst v8;
	v4 =	vld [tilespmem:s24+$0x6C20]  }
0x697: {  	[tilespmem:$0x19B60] =	vst v5;
	v8 =	vld [tilespmem:s4+$0x6850]  }
0x698: {  	[tilespmem:$0x19B70] =	vst v6;
	v5 =	vld [tilespmem:s4+$0x6860]  }
0x699: {  	[tilespmem:$0x19F80] =	vst v7;
	v6 =	vld [tilespmem:s4+$0x6870]  }
0x69a: {  	[tilespmem:$0x19F90] =	vst v3  }
0x69b: {  	[tilespmem:$0x18DA0] =	vst v4  }
0x69c: {  	[tilespmem:$0x19BD0] =	vst v8  }
0x69d: {  	[tilespmem:$0x19BE0] =	vst v5  }
0x69e: {  	[tilespmem:$0x19BF0] =	vst v6  }
0x69f: {  	v3 =	vld [tilespmem:s22+$0x6C20]  }
0x6a0: {  	v20 =	vld [tilespmem:s6+$0x6C30];
	_ =	sdelay $0x4  }
0x6a1: {  	[tilespmem:$0x18C30] =	vst v20  }
0x6a2: {  	v4 =	vld [tilespmem:s28+$0x6C30];
	_ =	sdelay $0x4  }
0x6a3: {  	[tilespmem:$0x18CB0] =	vst v4  }
0x6a4: {  	v4 =	vld [tilespmem:s8+$0x6C30];
	_ =	sdelay $0x3  }
0x6a5: {  	[tilespmem:$0x18E20] =	vst v3  }
0x6a6: {  	v3 =	vld [tilespmem:s0+$0x6C20];
	[tilespmem:$0x18D30] =	vst v4  }
0x6a7: {  	v4 =	vld [tilespmem:s24+$0x6C30];
	_ =	sdelay $0x3  }
0x6a8: {  	[tilespmem:$0x18EA0] =	vst v3  }
0x6a9: {  	v3 =	vld [tilespmem:s1+$0x6C20];
	[tilespmem:$0x18DB0] =	vst v4  }
0x6aa: {  	v4 =	vld [tilespmem:s22+$0x6C30];
	_ =	sdelay $0x3  }
0x6ab: {  	[tilespmem:$0x18F20] =	vst v3  }
0x6ac: {  	v3 =	vld [tilespmem:s20+$0x6C20];
	[tilespmem:$0x18E30] =	vst v4  }
0x6ad: {  	v4 =	vld [tilespmem:s0+$0x6C30];
	_ =	sdelay $0x3  }
0x6ae: {  	[tilespmem:$0x18FA0] =	vst v3  }
0x6af: {  	v3 =	vld [tilespmem:s21+$0x6C20];
	[tilespmem:$0x18EB0] =	vst v4  }
0x6b0: {  	v4 =	vld [tilespmem:s1+$0x6C30];
	_ =	sdelay $0x3  }
0x6b1: {  	[tilespmem:$0x19C20] =	vst v3  }
0x6b2: {  	v3 =	vld [tilespmem:s23+$0x6C20];
	[tilespmem:$0x18F30] =	vst v4  }
0x6b3: {  	v4 =	vld [tilespmem:s20+$0x6C30];
	_ =	sdelay $0x3  }
0x6b4: {  	[tilespmem:$0x19CA0] =	vst v3  }
0x6b5: {  	v3 =	vld [tilespmem:s25+$0x6C20];
	[tilespmem:$0x18FB0] =	vst v4  }
0x6b6: {  	v4 =	vld [tilespmem:s21+$0x6C30];
	_ =	sdelay $0x3  }
0x6b7: {  	[tilespmem:$0x19D20] =	vst v3  }
0x6b8: {  	v3 =	vld [tilespmem:s26+$0x6C20];
	[tilespmem:$0x19C30] =	vst v4  }
0x6b9: {  	v4 =	vld [tilespmem:s23+$0x6C30];
	_ =	sdelay $0x3  }
0x6ba: {  	[tilespmem:$0x19DA0] =	vst v3  }
0x6bb: {  	v3 =	vld [tilespmem:s29+$0x6C20];
	[tilespmem:$0x19CB0] =	vst v4  }
0x6bc: {  	v4 =	vld [tilespmem:s25+$0x6C30];
	_ =	sdelay $0x3  }
0x6bd: {  	[tilespmem:$0x19E20] =	vst v3  }
0x6be: {  	v3 =	vld [tilespmem:s30+$0x6C20];
	[tilespmem:$0x19D30] =	vst v4  }
0x6bf: {  	v4 =	vld [tilespmem:s26+$0x6C30];
	_ =	sdelay $0x3  }
0x6c0: {  	[tilespmem:$0x19EA0] =	vst v3  }
0x6c1: {  	v3 =	vld [tilespmem:s31+$0x6C20];
	[tilespmem:$0x19DB0] =	vst v4  }
0x6c2: {  	v4 =	vld [tilespmem:s29+$0x6C30]  }
0x6c3: {  	v21 =	vld [tilespmem:s6+$0x6C40]  }
0x6c4: {  	v22 =	vld [tilespmem:s6+$0x6C50]  }
0x6c5: {  	v23 =	vld [tilespmem:s6+$0x6C60]  }
0x6c6: {  	v24 =	vld [tilespmem:s6+$0x7000];
	[tilespmem:$0x19F20] =	vst v3  }
0x6c7: {  	v3 =	vld [tilespmem:s4+$0x6C20];
	[tilespmem:$0x19E30] =	vst v4  }
0x6c8: {  	[tilespmem:$0x18C40] =	vst v21;
	v4 =	vld [tilespmem:s30+$0x6C30]  }
0x6c9: {  	v25 =	vld [tilespmem:s6+$0x7010];
	[tilespmem:$0x18C50] =	vst v22  }
0x6ca: {  	v27 =	vld [tilespmem:s6+$0x7020];
	[tilespmem:$0x18C60] =	vst v23  }
0x6cb: {  	v28 =	vld [tilespmem:s6+$0x7030];
	[tilespmem:$0x19000] =	vst v24  }
0x6cc: {  	[tilespmem:$0x19FA0] =	vst v3;
	v3 =	vld [tilespmem:s6+$0x6C70]  }
0x6cd: {  	v29 =	vld [tilespmem:s6+$0x7050];
	[tilespmem:$0x19EB0] =	vst v4  }
0x6ce: {  	[tilespmem:$0x19010] =	vst v25;
	v4 =	vld [tilespmem:s31+$0x6C30]  }
0x6cf: {  	v30 =	vld [tilespmem:s6+$0x7060];
	[tilespmem:$0x19020] =	vst v27  }
0x6d0: {  	v31 =	vld [tilespmem:s6+$0x7070];
	[tilespmem:$0x19030] =	vst v28  }
0x6d1: {  	v26 =	vld [tilespmem:s28+$0x6C40];
	[tilespmem:$0x18C70] =	vst v3  }
0x6d2: {  	[tilespmem:$0x19050] =	vst v29;
	v3 =	vld [tilespmem:s28+$0x6C70]  }
0x6d3: {  	v6 =	vld [tilespmem:s28+$0x6C50];
	[tilespmem:$0x19F30] =	vst v4  }
0x6d4: {  	[tilespmem:$0x19060] =	vst v30;
	v4 =	vld [tilespmem:s4+$0x6C30]  }
0x6d5: {  	[tilespmem:$0x19070] =	vst v31;
	v7 =	vld [tilespmem:s28+$0x6C60]  }
0x6d6: {  	v5 =	vld [tilespmem:s28+$0x7010];
	[tilespmem:$0x18CC0] =	vst v26  }
0x6d7: {  	v32 =	vld [tilespmem:s28+$0x7020];
	[tilespmem:$0x18CF0] =	vst v3  }
0x6d8: {  	[tilespmem:$0x18CD0] =	vst v6;
	v3 =	vld [tilespmem:s8+$0x6C70]  }
0x6d9: {  	[tilespmem:$0x19FB0] =	vst v4;
	v4 =	vld [tilespmem:s28+$0x7000]  }
0x6da: {  	[tilespmem:$0x18CE0] =	vst v7;
	v6 =	vld [tilespmem:s8+$0x6C50]  }
0x6db: {  	[tilespmem:$0x19090] =	vst v5;
	v7 =	vld [tilespmem:s8+$0x6C60]  }
0x6dc: {  	[tilespmem:$0x190A0] =	vst v32;
	v5 =	vld [tilespmem:s8+$0x7010]  }
0x6dd: {  	v8 =	vld [tilespmem:s8+$0x6C40];
	[tilespmem:$0x18D70] =	vst v3  }
0x6de: {  	v3 =	vld [tilespmem:s24+$0x6C70];
	[tilespmem:$0x19080] =	vst v4  }
0x6df: {  	[tilespmem:$0x18D50] =	vst v6;
	v4 =	vld [tilespmem:s8+$0x7000]  }
0x6e0: {  	[tilespmem:$0x18D60] =	vst v7;
	v6 =	vld [tilespmem:s24+$0x6C50]  }
0x6e1: {  	[tilespmem:$0x19110] =	vst v5;
	v7 =	vld [tilespmem:s24+$0x6C60]  }
0x6e2: {  	[tilespmem:$0x18D40] =	vst v8;
	v5 =	vld [tilespmem:s24+$0x7010]  }
0x6e3: {  	v8 =	vld [tilespmem:s24+$0x6C40];
	[tilespmem:$0x18DF0] =	vst v3  }
0x6e4: {  	v3 =	vld [tilespmem:s22+$0x6C70];
	[tilespmem:$0x19100] =	vst v4  }
0x6e5: {  	[tilespmem:$0x18DD0] =	vst v6;
	v4 =	vld [tilespmem:s24+$0x7000]  }
0x6e6: {  	[tilespmem:$0x18DE0] =	vst v7;
	v6 =	vld [tilespmem:s22+$0x6C50]  }
0x6e7: {  	[tilespmem:$0x19190] =	vst v5;
	v7 =	vld [tilespmem:s22+$0x6C60]  }
0x6e8: {  	[tilespmem:$0x18DC0] =	vst v8;
	v5 =	vld [tilespmem:s22+$0x7010]  }
0x6e9: {  	v8 =	vld [tilespmem:s22+$0x6C40];
	[tilespmem:$0x18E70] =	vst v3  }
0x6ea: {  	v3 =	vld [tilespmem:s0+$0x6C70];
	[tilespmem:$0x19180] =	vst v4  }
0x6eb: {  	[tilespmem:$0x18E50] =	vst v6;
	v4 =	vld [tilespmem:s22+$0x7000]  }
0x6ec: {  	[tilespmem:$0x18E60] =	vst v7;
	v6 =	vld [tilespmem:s0+$0x6C50]  }
0x6ed: {  	[tilespmem:$0x19210] =	vst v5;
	v7 =	vld [tilespmem:s0+$0x6C60]  }
0x6ee: {  	[tilespmem:$0x18E40] =	vst v8;
	v5 =	vld [tilespmem:s0+$0x7010]  }
0x6ef: {  	v8 =	vld [tilespmem:s0+$0x6C40];
	[tilespmem:$0x18EF0] =	vst v3  }
0x6f0: {  	v3 =	vld [tilespmem:s1+$0x6C70];
	[tilespmem:$0x19200] =	vst v4  }
0x6f1: {  	[tilespmem:$0x18ED0] =	vst v6;
	v4 =	vld [tilespmem:s0+$0x7000]  }
0x6f2: {  	[tilespmem:$0x18EE0] =	vst v7;
	v6 =	vld [tilespmem:s1+$0x6C50]  }
0x6f3: {  	[tilespmem:$0x19290] =	vst v5;
	v7 =	vld [tilespmem:s1+$0x6C60]  }
0x6f4: {  	[tilespmem:$0x18EC0] =	vst v8;
	v5 =	vld [tilespmem:s1+$0x7010]  }
0x6f5: {  	v8 =	vld [tilespmem:s1+$0x6C40];
	[tilespmem:$0x18F70] =	vst v3  }
0x6f6: {  	v3 =	vld [tilespmem:s20+$0x6C70];
	[tilespmem:$0x19280] =	vst v4  }
0x6f7: {  	[tilespmem:$0x18F50] =	vst v6;
	v4 =	vld [tilespmem:s1+$0x7000]  }
0x6f8: {  	[tilespmem:$0x18F60] =	vst v7;
	v6 =	vld [tilespmem:s20+$0x6C50]  }
0x6f9: {  	[tilespmem:$0x19310] =	vst v5;
	v7 =	vld [tilespmem:s20+$0x6C60]  }
0x6fa: {  	[tilespmem:$0x18F40] =	vst v8;
	v5 =	vld [tilespmem:s20+$0x7010]  }
0x6fb: {  	v8 =	vld [tilespmem:s20+$0x6C40];
	[tilespmem:$0x18FF0] =	vst v3  }
0x6fc: {  	v3 =	vld [tilespmem:s21+$0x6C70];
	[tilespmem:$0x19300] =	vst v4  }
0x6fd: {  	[tilespmem:$0x18FD0] =	vst v6;
	v4 =	vld [tilespmem:s20+$0x7000]  }
0x6fe: {  	[tilespmem:$0x18FE0] =	vst v7;
	v6 =	vld [tilespmem:s21+$0x6C50]  }
0x6ff: {  	[tilespmem:$0x19390] =	vst v5;
	v7 =	vld [tilespmem:s21+$0x6C60]  }
0x700: {  	[tilespmem:$0x18FC0] =	vst v8;
	v5 =	vld [tilespmem:s21+$0x7010]  }
0x701: {  	v8 =	vld [tilespmem:s21+$0x6C40];
	[tilespmem:$0x19C70] =	vst v3  }
0x702: {  	v3 =	vld [tilespmem:s23+$0x6C70];
	[tilespmem:$0x19380] =	vst v4  }
0x703: {  	[tilespmem:$0x19C50] =	vst v6;
	v4 =	vld [tilespmem:s21+$0x7000]  }
0x704: {  	[tilespmem:$0x19C60] =	vst v7;
	v6 =	vld [tilespmem:s23+$0x6C50]  }
0x705: {  	[tilespmem:$0x1A010] =	vst v5;
	v7 =	vld [tilespmem:s23+$0x6C60]  }
0x706: {  	[tilespmem:$0x19C40] =	vst v8;
	v5 =	vld [tilespmem:s23+$0x7010]  }
0x707: {  	v8 =	vld [tilespmem:s23+$0x6C40];
	[tilespmem:$0x19CF0] =	vst v3  }
0x708: {  	v3 =	vld [tilespmem:s25+$0x6C70];
	[tilespmem:$0x1A000] =	vst v4  }
0x709: {  	[tilespmem:$0x19CD0] =	vst v6;
	v4 =	vld [tilespmem:s23+$0x7000]  }
0x70a: {  	[tilespmem:$0x19CE0] =	vst v7;
	v6 =	vld [tilespmem:s25+$0x6C50]  }
0x70b: {  	[tilespmem:$0x1A090] =	vst v5;
	v7 =	vld [tilespmem:s25+$0x6C60]  }
0x70c: {  	[tilespmem:$0x19CC0] =	vst v8;
	v5 =	vld [tilespmem:s25+$0x7010]  }
0x70d: {  	v8 =	vld [tilespmem:s25+$0x6C40];
	[tilespmem:$0x19D70] =	vst v3  }
0x70e: {  	v3 =	vld [tilespmem:s26+$0x6C70];
	[tilespmem:$0x1A080] =	vst v4  }
0x70f: {  	[tilespmem:$0x19D50] =	vst v6;
	v4 =	vld [tilespmem:s25+$0x7000]  }
0x710: {  	[tilespmem:$0x19D60] =	vst v7;
	v6 =	vld [tilespmem:s26+$0x6C50]  }
0x711: {  	[tilespmem:$0x1A110] =	vst v5;
	v7 =	vld [tilespmem:s26+$0x6C60]  }
0x712: {  	[tilespmem:$0x19D40] =	vst v8;
	v5 =	vld [tilespmem:s26+$0x7010]  }
0x713: {  	v8 =	vld [tilespmem:s26+$0x6C40];
	[tilespmem:$0x19DF0] =	vst v3  }
0x714: {  	v3 =	vld [tilespmem:s29+$0x6C70];
	[tilespmem:$0x1A100] =	vst v4  }
0x715: {  	[tilespmem:$0x19DD0] =	vst v6;
	v4 =	vld [tilespmem:s26+$0x7000]  }
0x716: {  	[tilespmem:$0x19DE0] =	vst v7;
	v6 =	vld [tilespmem:s29+$0x6C50]  }
0x717: {  	[tilespmem:$0x1A190] =	vst v5;
	v7 =	vld [tilespmem:s29+$0x6C60]  }
0x718: {  	[tilespmem:$0x19DC0] =	vst v8;
	v5 =	vld [tilespmem:s29+$0x7010]  }
0x719: {  	v8 =	vld [tilespmem:s29+$0x6C40];
	[tilespmem:$0x19E70] =	vst v3  }
0x71a: {  	v3 =	vld [tilespmem:s30+$0x6C70];
	[tilespmem:$0x1A180] =	vst v4  }
0x71b: {  	[tilespmem:$0x19E50] =	vst v6;
	v4 =	vld [tilespmem:s29+$0x7000]  }
0x71c: {  	[tilespmem:$0x19E60] =	vst v7;
	v6 =	vld [tilespmem:s30+$0x6C50]  }
0x71d: {  	[tilespmem:$0x1A210] =	vst v5;
	v7 =	vld [tilespmem:s30+$0x6C60]  }
0x71e: {  	[tilespmem:$0x19E40] =	vst v8;
	v5 =	vld [tilespmem:s30+$0x7010]  }
0x71f: {  	v8 =	vld [tilespmem:s30+$0x6C40];
	[tilespmem:$0x19EF0] =	vst v3  }
0x720: {  	v3 =	vld [tilespmem:s31+$0x6C70];
	[tilespmem:$0x1A200] =	vst v4  }
0x721: {  	[tilespmem:$0x19ED0] =	vst v6;
	v4 =	vld [tilespmem:s30+$0x7000]  }
0x722: {  	[tilespmem:$0x19EE0] =	vst v7;
	v6 =	vld [tilespmem:s31+$0x6C50]  }
0x723: {  	[tilespmem:$0x1A290] =	vst v5;
	v7 =	vld [tilespmem:s31+$0x6C60]  }
0x724: {  	[tilespmem:$0x19EC0] =	vst v8;
	v5 =	vld [tilespmem:s31+$0x7010]  }
0x725: {  	v8 =	vld [tilespmem:s31+$0x6C40];
	[tilespmem:$0x19F70] =	vst v3  }
0x726: {  	v3 =	vld [tilespmem:s4+$0x6C70];
	[tilespmem:$0x1A280] =	vst v4  }
0x727: {  	[tilespmem:$0x19F50] =	vst v6;
	v4 =	vld [tilespmem:s31+$0x7000]  }
0x728: {  	[tilespmem:$0x19F60] =	vst v7;
	v6 =	vld [tilespmem:s4+$0x6C50]  }
0x729: {  	[tilespmem:$0x1A310] =	vst v5;
	v7 =	vld [tilespmem:s4+$0x6C60]  }
0x72a: {  	[tilespmem:$0x19F40] =	vst v8;
	v5 =	vld [tilespmem:s4+$0x7010]  }
0x72b: {  	[tilespmem:$0x19FF0] =	vst v3;
	v3 =	vld [tilespmem:s6+$0x7040]  }
0x72c: {  	v8 =	vld [tilespmem:s4+$0x6C40];
	[tilespmem:$0x1A300] =	vst v4  }
0x72d: {  	[tilespmem:$0x19FD0] =	vst v6;
	v4 =	vld [tilespmem:s4+$0x7000]  }
0x72e: {  	[tilespmem:$0x19FE0] =	vst v7;
	v7 =	vld [tilespmem:s28+$0x7030]  }
0x72f: {  	[tilespmem:$0x1A390] =	vst v5;
	v5 =	vld [tilespmem:s28+$0x7060]  }
0x730: {  	v6 =	vld [tilespmem:s28+$0x7070];
	[tilespmem:$0x19040] =	vst v3  }
0x731: {  	[tilespmem:$0x19FC0] =	vst v8;
	v3 =	vld [tilespmem:s28+$0x7040]  }
0x732: {  	[tilespmem:$0x1A380] =	vst v4;
	v4 =	vld [tilespmem:s28+$0x7050]  }
0x733: {  	v8 =	vld [tilespmem:s8+$0x7020];
	[tilespmem:$0x190B0] =	vst v7  }
0x734: {  	[tilespmem:$0x190E0] =	vst v5;
	v7 =	vld [tilespmem:s8+$0x7030]  }
0x735: {  	[tilespmem:$0x190F0] =	vst v6;
	v5 =	vld [tilespmem:s8+$0x7060]  }
0x736: {  	v6 =	vld [tilespmem:s8+$0x7070];
	[tilespmem:$0x190C0] =	vst v3  }
0x737: {  	v3 =	vld [tilespmem:s8+$0x7040];
	[tilespmem:$0x190D0] =	vst v4  }
0x738: {  	[tilespmem:$0x19120] =	vst v8;
	v4 =	vld [tilespmem:s8+$0x7050]  }
0x739: {  	v8 =	vld [tilespmem:s24+$0x7020];
	[tilespmem:$0x19130] =	vst v7  }
0x73a: {  	[tilespmem:$0x19160] =	vst v5;
	v7 =	vld [tilespmem:s24+$0x7030]  }
0x73b: {  	[tilespmem:$0x19170] =	vst v6;
	v5 =	vld [tilespmem:s24+$0x7060]  }
0x73c: {  	v6 =	vld [tilespmem:s24+$0x7070];
	[tilespmem:$0x19140] =	vst v3  }
0x73d: {  	v3 =	vld [tilespmem:s24+$0x7040];
	[tilespmem:$0x19150] =	vst v4  }
0x73e: {  	[tilespmem:$0x191A0] =	vst v8;
	v4 =	vld [tilespmem:s24+$0x7050]  }
0x73f: {  	v8 =	vld [tilespmem:s22+$0x7020];
	[tilespmem:$0x191B0] =	vst v7  }
0x740: {  	[tilespmem:$0x191E0] =	vst v5;
	v7 =	vld [tilespmem:s22+$0x7030]  }
0x741: {  	[tilespmem:$0x191F0] =	vst v6;
	v5 =	vld [tilespmem:s22+$0x7060]  }
0x742: {  	v6 =	vld [tilespmem:s22+$0x7070];
	[tilespmem:$0x191C0] =	vst v3  }
0x743: {  	v3 =	vld [tilespmem:s22+$0x7040];
	[tilespmem:$0x191D0] =	vst v4  }
0x744: {  	[tilespmem:$0x19220] =	vst v8;
	v4 =	vld [tilespmem:s22+$0x7050]  }
0x745: {  	v8 =	vld [tilespmem:s0+$0x7020];
	[tilespmem:$0x19230] =	vst v7  }
0x746: {  	[tilespmem:$0x19260] =	vst v5;
	v7 =	vld [tilespmem:s0+$0x7030]  }
0x747: {  	[tilespmem:$0x19270] =	vst v6;
	v5 =	vld [tilespmem:s0+$0x7060]  }
0x748: {  	v6 =	vld [tilespmem:s0+$0x7070];
	[tilespmem:$0x19240] =	vst v3  }
0x749: {  	v3 =	vld [tilespmem:s0+$0x7040];
	[tilespmem:$0x19250] =	vst v4  }
0x74a: {  	[tilespmem:$0x192A0] =	vst v8;
	v4 =	vld [tilespmem:s0+$0x7050]  }
0x74b: {  	v8 =	vld [tilespmem:s1+$0x7020];
	[tilespmem:$0x192B0] =	vst v7  }
0x74c: {  	[tilespmem:$0x192E0] =	vst v5;
	v7 =	vld [tilespmem:s1+$0x7030]  }
0x74d: {  	[tilespmem:$0x192F0] =	vst v6;
	v5 =	vld [tilespmem:s1+$0x7060]  }
0x74e: {  	v6 =	vld [tilespmem:s1+$0x7070];
	[tilespmem:$0x192C0] =	vst v3  }
0x74f: {  	v3 =	vld [tilespmem:s1+$0x7040];
	[tilespmem:$0x192D0] =	vst v4  }
0x750: {  	[tilespmem:$0x19320] =	vst v8;
	v4 =	vld [tilespmem:s1+$0x7050]  }
0x751: {  	v8 =	vld [tilespmem:s20+$0x7020];
	[tilespmem:$0x19330] =	vst v7  }
0x752: {  	[tilespmem:$0x19360] =	vst v5;
	v7 =	vld [tilespmem:s20+$0x7030]  }
0x753: {  	[tilespmem:$0x19370] =	vst v6;
	v5 =	vld [tilespmem:s20+$0x7060]  }
0x754: {  	v6 =	vld [tilespmem:s20+$0x7070];
	[tilespmem:$0x19340] =	vst v3  }
0x755: {  	v3 =	vld [tilespmem:s20+$0x7040];
	[tilespmem:$0x19350] =	vst v4  }
0x756: {  	[tilespmem:$0x193A0] =	vst v8;
	v4 =	vld [tilespmem:s20+$0x7050]  }
0x757: {  	v8 =	vld [tilespmem:s21+$0x7020];
	[tilespmem:$0x193B0] =	vst v7  }
0x758: {  	[tilespmem:$0x193E0] =	vst v5;
	v7 =	vld [tilespmem:s21+$0x7030]  }
0x759: {  	[tilespmem:$0x193F0] =	vst v6;
	v5 =	vld [tilespmem:s21+$0x7060]  }
0x75a: {  	v6 =	vld [tilespmem:s21+$0x7070];
	[tilespmem:$0x193C0] =	vst v3  }
0x75b: {  	v3 =	vld [tilespmem:s21+$0x7040];
	[tilespmem:$0x193D0] =	vst v4  }
0x75c: {  	[tilespmem:$0x1A020] =	vst v8;
	v4 =	vld [tilespmem:s21+$0x7050]  }
0x75d: {  	v8 =	vld [tilespmem:s23+$0x7020];
	[tilespmem:$0x1A030] =	vst v7  }
0x75e: {  	[tilespmem:$0x1A060] =	vst v5;
	v7 =	vld [tilespmem:s23+$0x7030]  }
0x75f: {  	[tilespmem:$0x1A070] =	vst v6;
	v5 =	vld [tilespmem:s23+$0x7060]  }
0x760: {  	v6 =	vld [tilespmem:s23+$0x7070];
	[tilespmem:$0x1A040] =	vst v3  }
0x761: {  	v3 =	vld [tilespmem:s23+$0x7040];
	[tilespmem:$0x1A050] =	vst v4  }
0x762: {  	[tilespmem:$0x1A0A0] =	vst v8;
	v4 =	vld [tilespmem:s23+$0x7050]  }
0x763: {  	v8 =	vld [tilespmem:s25+$0x7020];
	[tilespmem:$0x1A0B0] =	vst v7  }
0x764: {  	[tilespmem:$0x1A0E0] =	vst v5;
	v7 =	vld [tilespmem:s25+$0x7030]  }
0x765: {  	[tilespmem:$0x1A0F0] =	vst v6;
	v5 =	vld [tilespmem:s25+$0x7060]  }
0x766: {  	v6 =	vld [tilespmem:s25+$0x7070];
	[tilespmem:$0x1A0C0] =	vst v3  }
0x767: {  	v3 =	vld [tilespmem:s25+$0x7040];
	[tilespmem:$0x1A0D0] =	vst v4  }
0x768: {  	[tilespmem:$0x1A120] =	vst v8;
	v4 =	vld [tilespmem:s25+$0x7050]  }
0x769: {  	v8 =	vld [tilespmem:s26+$0x7020];
	[tilespmem:$0x1A130] =	vst v7  }
0x76a: {  	[tilespmem:$0x1A160] =	vst v5;
	v7 =	vld [tilespmem:s26+$0x7030]  }
0x76b: {  	[tilespmem:$0x1A170] =	vst v6;
	v5 =	vld [tilespmem:s26+$0x7060]  }
0x76c: {  	v6 =	vld [tilespmem:s26+$0x7070];
	[tilespmem:$0x1A140] =	vst v3  }
0x76d: {  	v3 =	vld [tilespmem:s26+$0x7040];
	[tilespmem:$0x1A150] =	vst v4  }
0x76e: {  	[tilespmem:$0x1A1A0] =	vst v8;
	v4 =	vld [tilespmem:s26+$0x7050]  }
0x76f: {  	v8 =	vld [tilespmem:s29+$0x7020];
	[tilespmem:$0x1A1B0] =	vst v7  }
0x770: {  	[tilespmem:$0x1A1E0] =	vst v5;
	v7 =	vld [tilespmem:s29+$0x7030]  }
0x771: {  	[tilespmem:$0x1A1F0] =	vst v6;
	v5 =	vld [tilespmem:s29+$0x7060]  }
0x772: {  	v6 =	vld [tilespmem:s29+$0x7070];
	[tilespmem:$0x1A1C0] =	vst v3  }
0x773: {  	v3 =	vld [tilespmem:s29+$0x7040];
	[tilespmem:$0x1A1D0] =	vst v4  }
0x774: {  	[tilespmem:$0x1A220] =	vst v8;
	v4 =	vld [tilespmem:s29+$0x7050]  }
0x775: {  	v8 =	vld [tilespmem:s30+$0x7020];
	[tilespmem:$0x1A230] =	vst v7  }
0x776: {  	[tilespmem:$0x1A260] =	vst v5;
	v7 =	vld [tilespmem:s30+$0x7030]  }
0x777: {  	[tilespmem:$0x1A270] =	vst v6;
	v5 =	vld [tilespmem:s30+$0x7060]  }
0x778: {  	v6 =	vld [tilespmem:s30+$0x7070];
	[tilespmem:$0x1A240] =	vst v3  }
0x779: {  	v3 =	vld [tilespmem:s30+$0x7040];
	[tilespmem:$0x1A250] =	vst v4  }
0x77a: {  	[tilespmem:$0x1A2A0] =	vst v8;
	v4 =	vld [tilespmem:s30+$0x7050]  }
0x77b: {  	v8 =	vld [tilespmem:s31+$0x7020];
	[tilespmem:$0x1A2B0] =	vst v7  }
0x77c: {  	[tilespmem:$0x1A2E0] =	vst v5;
	v7 =	vld [tilespmem:s31+$0x7030]  }
0x77d: {  	[tilespmem:$0x1A2F0] =	vst v6;
	v5 =	vld [tilespmem:s31+$0x7060]  }
0x77e: {  	v6 =	vld [tilespmem:s31+$0x7070];
	[tilespmem:$0x1A2C0] =	vst v3  }
0x77f: {  	v3 =	vld [tilespmem:s31+$0x7040];
	[tilespmem:$0x1A2D0] =	vst v4  }
0x780: {  	[tilespmem:$0x1A320] =	vst v8;
	v4 =	vld [tilespmem:s31+$0x7050]  }
0x781: {  	v8 =	vld [tilespmem:s4+$0x7020];
	[tilespmem:$0x1A330] =	vst v7  }
0x782: {  	[tilespmem:$0x1A360] =	vst v5;
	v7 =	vld [tilespmem:s4+$0x7030]  }
0x783: {  	[tilespmem:$0x1A370] =	vst v6;
	v5 =	vld [tilespmem:s4+$0x7060]  }
0x784: {  	v6 =	vld [tilespmem:s4+$0x7070];
	[tilespmem:$0x1A340] =	vst v3  }
0x785: {  	v3 =	vld [tilespmem:s4+$0x7040];
	[tilespmem:$0x1A350] =	vst v4  }
0x786: {  	[tilespmem:$0x1A3A0] =	vst v8;
	v4 =	vld [tilespmem:s4+$0x7050]  }
0x787: {  	[tilespmem:$0x1A3B0] =	vst v7  }
0x788: {  	[tilespmem:$0x1A3E0] =	vst v5  }
0x789: {  	[tilespmem:$0x1A3F0] =	vst v6  }
0x78a: {  	[tilespmem:$0x1A3C0] =	vst v3  }
0x78b: {  	[tilespmem:$0x1A3D0] =	vst v4  }
0x78c: {  	v3 =	vld [tilespmem:s16+$0x40];
	_ =	sdelay $0x4  }
0x78d: {  	(v2sf) =	vpush v3, $0x0;
	_ =	sdelay $0x5  }
0x78e: {  	(v2sf) =	vpush v3, $0x1;
	_ =	sdelay $0x5  }
0x78f: {  	(v2sf) =	vpush v3, $0x2;
	_ =	sdelay $0x2  }
0x790: {  	s25 =	spop (v2sf)  }
0x791: {  	s26 =	sshll.u32 s25, $0x9;
	s0 =	sshll.u32 s25, $0x7  }
0x792: {  	s1 =	sand.u32 $0xFFFFF000, s26;
	s0 =	sand.u32 $0x380, s0  }
0x793: {  	(v2sf) =	vpush v3, $0x3;
	s6 =	sor.u32 s0, s1  }
0x794: {  	v4 =	vld [tilespmem:s6+$0x6400];
	_ =	sdelay $0x1  }
0x795: {  	s28 =	spop (v2sf)  }
0x796: {  	s29 =	sshll.u32 s28, $0x9;
	s0 =	sshll.u32 s28, $0x7  }
0x797: {  	s1 =	sand.u32 $0xFFFFF000, s29;
	s0 =	sand.u32 $0x380, s0  }
0x798: {  	(v2sf) =	vpush v3, $0x4;
	s4 =	sor.u32 s0, s1;
	[tilespmem:$0x1A400] =	vst v4  }
0x799: {  	v4 =	vld [tilespmem:s4+$0x6400];
	_ =	sdelay $0x1  }
0x79a: {  	s30 =	spop (v2sf)  }
0x79b: {  	s31 =	sshll.u32 s30, $0x9;
	s0 =	sshll.u32 s30, $0x7  }
0x79c: {  	s1 =	sand.u32 $0xFFFFF000, s31;
	s0 =	sand.u32 $0x380, s0  }
0x79d: {  	(v2sf) =	vpush v3, $0x5;
	s0 =	sor.u32 s0, s1;
	[tilespmem:$0x1A480] =	vst v4  }
0x79e: {  	v4 =	vld [tilespmem:s0+$0x6400];
	_ =	sdelay $0x1  }
0x79f: {  	s8 =	spop (v2sf)  }
0x7a0: {  	s13 =	sshll.u32 s8, $0x9;
	s1 =	sshll.u32 s8, $0x7  }
0x7a1: {  	s8 =	sand.u32 $0xFFFFF000, s13;
	s1 =	sand.u32 $0x380, s1  }
0x7a2: {  	(v2sf) =	vpush v3, $0x6;
	s1 =	sor.u32 s1, s8;
	[tilespmem:$0x1A500] =	vst v4  }
0x7a3: {  	v4 =	vld [tilespmem:s1+$0x6400];
	_ =	sdelay $0x1  }
0x7a4: {  	s20 =	spop (v2sf)  }
0x7a5: {  	s21 =	sshll.u32 s20, $0x9;
	s8 =	sshll.u32 s20, $0x7  }
0x7a6: {  	s13 =	sand.u32 $0xFFFFF000, s21;
	s8 =	sand.u32 $0x380, s8  }
0x7a7: {  	(v2sf) =	vpush v3, $0x7;
	s30 =	sor.u32 s8, s13;
	[tilespmem:$0x1A580] =	vst v4  }
0x7a8: {  	v4 =	vld [tilespmem:s30+$0x6400];
	_ =	sdelay $0x1  }
0x7a9: {  	s22 =	spop (v2sf)  }
0x7aa: {  	s23 =	sshll.u32 s22, $0x9;
	s8 =	sshll.u32 s22, $0x7  }
0x7ab: {  	s13 =	sand.u32 $0xFFFFF000, s23;
	s8 =	sand.u32 $0x380, s8  }
0x7ac: {  	(v2sf) =	vpush v3, $0x8;
	s29 =	sor.u32 s8, s13;
	[tilespmem:$0x1A600] =	vst v4  }
0x7ad: {  	v4 =	vld [tilespmem:s29+$0x6400];
	_ =	sdelay $0x1  }
0x7ae: {  	s24 =	spop (v2sf)  }
0x7af: {  	s25 =	sshll.u32 s24, $0x9;
	s8 =	sshll.u32 s24, $0x7  }
0x7b0: {  	s13 =	sand.u32 $0xFFFFF000, s25;
	s8 =	sand.u32 $0x380, s8  }
0x7b1: {  	(v2sf) =	vpush v3, $0x9;
	s28 =	sor.u32 s8, s13;
	[tilespmem:$0x1A680] =	vst v4  }
0x7b2: {  	v4 =	vld [tilespmem:s28+$0x6400];
	_ =	sdelay $0x1  }
0x7b3: {  	s26 =	spop (v2sf)  }
0x7b4: {  	s31 =	sshll.u32 s26, $0x9;
	s8 =	sshll.u32 s26, $0x7  }
0x7b5: {  	s13 =	sand.u32 $0xFFFFF000, s31;
	s8 =	sand.u32 $0x380, s8  }
0x7b6: {  	(v2sf) =	vpush v3, $0xA;
	s26 =	sor.u32 s8, s13;
	[tilespmem:$0x1A700] =	vst v4  }
0x7b7: {  	v4 =	vld [tilespmem:s26+$0x6400];
	_ =	sdelay $0x1  }
0x7b8: {  	s13 =	spop (v2sf)  }
0x7b9: {  	s20 =	sshll.u32 s13, $0x9;
	s8 =	sshll.u32 s13, $0x7  }
0x7ba: {  	s13 =	sand.u32 $0xFFFFF000, s20;
	s8 =	sand.u32 $0x380, s8  }
0x7bb: {  	(v2sf) =	vpush v3, $0xB;
	s25 =	sor.u32 s8, s13;
	[tilespmem:$0x1A780] =	vst v4  }
0x7bc: {  	v4 =	vld [tilespmem:s25+$0x6400];
	_ =	sdelay $0x1  }
0x7bd: {  	s21 =	spop (v2sf)  }
0x7be: {  	s22 =	sshll.u32 s21, $0x9;
	s8 =	sshll.u32 s21, $0x7  }
0x7bf: {  	s13 =	sand.u32 $0xFFFFF000, s22;
	s8 =	sand.u32 $0x380, s8  }
0x7c0: {  	(v2sf) =	vpush v3, $0xC;
	s24 =	sor.u32 s8, s13;
	[tilespmem:$0x1B400] =	vst v4  }
0x7c1: {  	v4 =	vld [tilespmem:s24+$0x6400];
	_ =	sdelay $0x1  }
0x7c2: {  	s23 =	spop (v2sf)  }
0x7c3: {  	s31 =	sshll.u32 s23, $0x9;
	s8 =	sshll.u32 s23, $0x7  }
0x7c4: {  	s13 =	sand.u32 $0xFFFFF000, s31;
	s8 =	sand.u32 $0x380, s8  }
0x7c5: {  	(v2sf) =	vpush v3, $0xD;
	s23 =	sor.u32 s8, s13;
	[tilespmem:$0x1B480] =	vst v4  }
0x7c6: {  	v4 =	vld [tilespmem:s23+$0x6400];
	_ =	sdelay $0x1  }
0x7c7: {  	s13 =	spop (v2sf)  }
0x7c8: {  	s20 =	sshll.u32 s13, $0x9;
	s8 =	sshll.u32 s13, $0x7  }
0x7c9: {  	s13 =	sand.u32 $0xFFFFF000, s20;
	s8 =	sand.u32 $0x380, s8  }
0x7ca: {  	s22 =	sor.u32 s8, s13;
	[tilespmem:$0x1B500] =	vst v4  }
0x7cb: {  	v4 =	vld [tilespmem:s22+$0x6400]  }
0x7cc: {  	(v2sf) =	vpush v3, $0xE  }
0x7cd: {  	(v2sf) =	vpush v3, $0xF;
	s21 =	spop (v2sf)  }
0x7ce: {  	s31 =	sshll.u32 s21, $0x9;
	s8 =	sshll.u32 s21, $0x7  }
0x7cf: {  	s13 =	sand.u32 $0xFFFFF000, s31;
	s8 =	sand.u32 $0x380, s8  }
0x7d0: {  	s21 =	sor.u32 s8, s13;
	[tilespmem:$0x1B580] =	vst v4  }
0x7d1: {  	v3 =	vld [tilespmem:s21+$0x6400];
	_ =	sdelay $0x1  }
0x7d2: {  	s13 =	spop (v2sf)  }
0x7d3: {  	s20 =	sshll.u32 s13, $0x9;
	s8 =	sshll.u32 s13, $0x7  }
0x7d4: {  	s13 =	sand.u32 $0xFFFFF000, s20;
	s8 =	sand.u32 $0x380, s8  }
0x7d5: {  	s20 =	sor.u32 s8, s13;
	[tilespmem:$0x1B600] =	vst v3  }
0x7d6: {  	v3 =	vld [tilespmem:s20+$0x6400];
	_ =	sdelay $0x3  }
0x7d7: {  	s8 =	spop (v2sf)  }
0x7d8: {  	s31 =	spop (v2sf);
	[tilespmem:$0x1B680] =	vst v3  }
0x7d9: {  	v3 =	vld [tilespmem:s6+$0x6410];
	_ =	sdelay $0x4  }
0x7da: {  	[tilespmem:$0x1A410] =	vst v3  }
0x7db: {  	v3 =	vld [tilespmem:s4+$0x6410];
	_ =	sdelay $0x4  }
0x7dc: {  	[tilespmem:$0x1A490] =	vst v3  }
0x7dd: {  	v3 =	vld [tilespmem:s0+$0x6410];
	_ =	sdelay $0x1  }
0x7de: {  	v33 =	vld [tilespmem:s6+$0x6420]  }
0x7df: {  	v34 =	vld [tilespmem:s6+$0x6430];
	_ =	sdelay $0x1  }
0x7e0: {  	[tilespmem:$0x1A510] =	vst v3  }
0x7e1: {  	v3 =	vld [tilespmem:s1+$0x6410]  }
0x7e2: {  	[tilespmem:$0x1A420] =	vst v33  }
0x7e3: {  	[tilespmem:$0x1A430] =	vst v34;
	v4 =	vld [tilespmem:s4+$0x6420]  }
0x7e4: {  	v5 =	vld [tilespmem:s4+$0x6430];
	_ =	sdelay $0x1  }
0x7e5: {  	[tilespmem:$0x1A590] =	vst v3  }
0x7e6: {  	v3 =	vld [tilespmem:s30+$0x6410]  }
0x7e7: {  	[tilespmem:$0x1A4A0] =	vst v4  }
0x7e8: {  	[tilespmem:$0x1A4B0] =	vst v5;
	v4 =	vld [tilespmem:s0+$0x6420]  }
0x7e9: {  	v5 =	vld [tilespmem:s0+$0x6430];
	_ =	sdelay $0x1  }
0x7ea: {  	[tilespmem:$0x1A610] =	vst v3  }
0x7eb: {  	v3 =	vld [tilespmem:s29+$0x6410]  }
0x7ec: {  	[tilespmem:$0x1A520] =	vst v4  }
0x7ed: {  	[tilespmem:$0x1A530] =	vst v5;
	v4 =	vld [tilespmem:s1+$0x6420]  }
0x7ee: {  	v5 =	vld [tilespmem:s1+$0x6430];
	_ =	sdelay $0x1  }
0x7ef: {  	[tilespmem:$0x1A690] =	vst v3  }
0x7f0: {  	v3 =	vld [tilespmem:s28+$0x6410]  }
0x7f1: {  	[tilespmem:$0x1A5A0] =	vst v4  }
0x7f2: {  	[tilespmem:$0x1A5B0] =	vst v5;
	v4 =	vld [tilespmem:s30+$0x6420]  }
0x7f3: {  	v5 =	vld [tilespmem:s30+$0x6430];
	_ =	sdelay $0x1  }
0x7f4: {  	[tilespmem:$0x1A710] =	vst v3  }
0x7f5: {  	v3 =	vld [tilespmem:s26+$0x6410]  }
0x7f6: {  	[tilespmem:$0x1A620] =	vst v4  }
0x7f7: {  	[tilespmem:$0x1A630] =	vst v5;
	v4 =	vld [tilespmem:s29+$0x6420]  }
0x7f8: {  	v5 =	vld [tilespmem:s29+$0x6430];
	_ =	sdelay $0x1  }
0x7f9: {  	[tilespmem:$0x1A790] =	vst v3  }
0x7fa: {  	v3 =	vld [tilespmem:s25+$0x6410]  }
0x7fb: {  	[tilespmem:$0x1A6A0] =	vst v4  }
0x7fc: {  	[tilespmem:$0x1A6B0] =	vst v5;
	v4 =	vld [tilespmem:s28+$0x6420]  }
0x7fd: {  	v5 =	vld [tilespmem:s28+$0x6430];
	_ =	sdelay $0x1  }
0x7fe: {  	[tilespmem:$0x1B410] =	vst v3  }
0x7ff: {  	v3 =	vld [tilespmem:s24+$0x6410]  }
0x800: {  	[tilespmem:$0x1A720] =	vst v4  }
0x801: {  	[tilespmem:$0x1A730] =	vst v5;
	v4 =	vld [tilespmem:s26+$0x6420]  }
0x802: {  	v5 =	vld [tilespmem:s26+$0x6430];
	_ =	sdelay $0x1  }
0x803: {  	[tilespmem:$0x1B490] =	vst v3  }
0x804: {  	v3 =	vld [tilespmem:s23+$0x6410]  }
0x805: {  	v35 =	vld [tilespmem:s6+$0x6440];
	[tilespmem:$0x1A7A0] =	vst v4  }
0x806: {  	[tilespmem:$0x1A7B0] =	vst v5;
	v4 =	vld [tilespmem:s25+$0x6420]  }
0x807: {  	v5 =	vld [tilespmem:s25+$0x6430];
	_ =	sdelay $0x1  }
0x808: {  	[tilespmem:$0x1B510] =	vst v3  }
0x809: {  	[tilespmem:$0x1A440] =	vst v35;
	v3 =	vld [tilespmem:s22+$0x6410]  }
0x80a: {  	s13 =	sshll.u32 s8, $0x9;
	s8 =	sshll.u32 s8, $0x7;
	v6 =	vld [tilespmem:s4+$0x6440];
	[tilespmem:$0x1B420] =	vst v4  }
0x80b: {  	s13 =	sand.u32 $0xFFFFF000, s13;
	s8 =	sand.u32 $0x380, s8;
	[tilespmem:$0x1B430] =	vst v5;
	v4 =	vld [tilespmem:s24+$0x6420]  }
0x80c: {  	s8 =	sor.u32 s8, s13;
	v5 =	vld [tilespmem:s24+$0x6430]  }
0x80d: {  	v36 =	vld [tilespmem:s8+$0x6400]  }
0x80e: {  	v37 =	vld [tilespmem:s6+$0x6450];
	[tilespmem:$0x1B590] =	vst v3  }
0x80f: {  	[tilespmem:$0x1A4C0] =	vst v6;
	v3 =	vld [tilespmem:s21+$0x6410]  }
0x810: {  	v6 =	vld [tilespmem:s0+$0x6440];
	[tilespmem:$0x1B4A0] =	vst v4  }
0x811: {  	s13 =	sshll.u32 s31, $0x9;
	s31 =	sshll.u32 s31, $0x7;
	[tilespmem:$0x1B4B0] =	vst v5;
	v4 =	vld [tilespmem:s23+$0x6420]  }
0x812: {  	s13 =	sand.u32 $0xFFFFF000, s13;
	s31 =	sand.u32 $0x380, s31;
	[tilespmem:$0x1B700] =	vst v36;
	v5 =	vld [tilespmem:s23+$0x6430]  }
0x813: {  	s31 =	sor.u32 s31, s13;
	v38 =	vld [tilespmem:s6+$0x6470];
	[tilespmem:$0x1A450] =	vst v37  }
0x814: {  	v7 =	vld [tilespmem:s31+$0x6400];
	[tilespmem:$0x1B610] =	vst v3  }
0x815: {  	[tilespmem:$0x1A540] =	vst v6;
	v3 =	vld [tilespmem:s20+$0x6410]  }
0x816: {  	v6 =	vld [tilespmem:s1+$0x6440];
	[tilespmem:$0x1B520] =	vst v4  }
0x817: {  	[tilespmem:$0x1B530] =	vst v5;
	v4 =	vld [tilespmem:s22+$0x6420]  }
0x818: {  	[tilespmem:$0x1A470] =	vst v38;
	v5 =	vld [tilespmem:s22+$0x6430]  }
0x819: {  	v39 =	vld [tilespmem:s6+$0x6800];
	[tilespmem:$0x1B780] =	vst v7  }
0x81a: {  	v7 =	vld [tilespmem:s4+$0x6450];
	[tilespmem:$0x1B690] =	vst v3  }
0x81b: {  	[tilespmem:$0x1A5C0] =	vst v6;
	v3 =	vld [tilespmem:s8+$0x6410]  }
0x81c: {  	v6 =	vld [tilespmem:s30+$0x6440];
	[tilespmem:$0x1B5A0] =	vst v4  }
0x81d: {  	[tilespmem:$0x1B5B0] =	vst v5;
	v4 =	vld [tilespmem:s21+$0x6420]  }
0x81e: {  	[tilespmem:$0x1A800] =	vst v39;
	v5 =	vld [tilespmem:s21+$0x6430]  }
0x81f: {  	v40 =	vld [tilespmem:s6+$0x6810];
	[tilespmem:$0x1A4D0] =	vst v7  }
0x820: {  	v7 =	vld [tilespmem:s0+$0x6450];
	[tilespmem:$0x1B710] =	vst v3  }
0x821: {  	[tilespmem:$0x1A640] =	vst v6;
	v3 =	vld [tilespmem:s31+$0x6410]  }
0x822: {  	v6 =	vld [tilespmem:s29+$0x6440];
	[tilespmem:$0x1B620] =	vst v4  }
0x823: {  	[tilespmem:$0x1B630] =	vst v5;
	v4 =	vld [tilespmem:s20+$0x6420]  }
0x824: {  	[tilespmem:$0x1A810] =	vst v40;
	v5 =	vld [tilespmem:s20+$0x6430]  }
0x825: {  	v42 =	vld [tilespmem:s6+$0x6820];
	[tilespmem:$0x1A550] =	vst v7  }
0x826: {  	[tilespmem:$0x1B790] =	vst v3;
	v3 =	vld [tilespmem:s6+$0x6460]  }
0x827: {  	v7 =	vld [tilespmem:s1+$0x6450];
	[tilespmem:$0x1A6C0] =	vst v6  }
0x828: {  	v6 =	vld [tilespmem:s28+$0x6440];
	[tilespmem:$0x1B6A0] =	vst v4  }
0x829: {  	[tilespmem:$0x1B6B0] =	vst v5;
	v4 =	vld [tilespmem:s8+$0x6420]  }
0x82a: {  	[tilespmem:$0x1A820] =	vst v42;
	v5 =	vld [tilespmem:s8+$0x6430]  }
0x82b: {  	v44 =	vld [tilespmem:s6+$0x6840];
	[tilespmem:$0x1A460] =	vst v3  }
0x82c: {  	[tilespmem:$0x1A5D0] =	vst v7;
	v3 =	vld [tilespmem:s4+$0x6460]  }
0x82d: {  	v7 =	vld [tilespmem:s30+$0x6450];
	[tilespmem:$0x1A740] =	vst v6  }
0x82e: {  	v6 =	vld [tilespmem:s26+$0x6440];
	[tilespmem:$0x1B720] =	vst v4  }
0x82f: {  	[tilespmem:$0x1B730] =	vst v5;
	v4 =	vld [tilespmem:s31+$0x6420]  }
0x830: {  	[tilespmem:$0x1A840] =	vst v44;
	v5 =	vld [tilespmem:s31+$0x6430]  }
0x831: {  	v45 =	vld [tilespmem:s6+$0x6850];
	[tilespmem:$0x1A4E0] =	vst v3  }
0x832: {  	[tilespmem:$0x1A650] =	vst v7;
	v3 =	vld [tilespmem:s0+$0x6460]  }
0x833: {  	[tilespmem:$0x1A7C0] =	vst v6;
	v6 =	vld [tilespmem:s4+$0x6810]  }
0x834: {  	[tilespmem:$0x1B7A0] =	vst v4;
	v4 =	vld [tilespmem:s4+$0x6470]  }
0x835: {  	[tilespmem:$0x1B7B0] =	vst v5;
	v5 =	vld [tilespmem:s4+$0x6800]  }
0x836: {  	[tilespmem:$0x1A850] =	vst v45;
	v7 =	vld [tilespmem:s29+$0x6450]  }
0x837: {  	v46 =	vld [tilespmem:s6+$0x6860];
	[tilespmem:$0x1A560] =	vst v3  }
0x838: {  	[tilespmem:$0x1A890] =	vst v6;
	v3 =	vld [tilespmem:s1+$0x6460]  }
0x839: {  	v6 =	vld [tilespmem:s0+$0x6810];
	[tilespmem:$0x1A4F0] =	vst v4  }
0x83a: {  	[tilespmem:$0x1A880] =	vst v5;
	v4 =	vld [tilespmem:s0+$0x6470]  }
0x83b: {  	[tilespmem:$0x1A6D0] =	vst v7;
	v5 =	vld [tilespmem:s0+$0x6800]  }
0x83c: {  	[tilespmem:$0x1A860] =	vst v46;
	v7 =	vld [tilespmem:s28+$0x6450]  }
0x83d: {  	v47 =	vld [tilespmem:s6+$0x6870];
	[tilespmem:$0x1A5E0] =	vst v3  }
0x83e: {  	[tilespmem:$0x1A910] =	vst v6;
	v3 =	vld [tilespmem:s30+$0x6460]  }
0x83f: {  	v6 =	vld [tilespmem:s1+$0x6810];
	[tilespmem:$0x1A570] =	vst v4  }
0x840: {  	[tilespmem:$0x1A900] =	vst v5;
	v4 =	vld [tilespmem:s1+$0x6470]  }
0x841: {  	[tilespmem:$0x1A750] =	vst v7;
	v5 =	vld [tilespmem:s1+$0x6800]  }
0x842: {  	[tilespmem:$0x1A870] =	vst v47;
	v7 =	vld [tilespmem:s26+$0x6450]  }
0x843: {  	v41 =	vld [tilespmem:s25+$0x6440];
	[tilespmem:$0x1A660] =	vst v3  }
0x844: {  	[tilespmem:$0x1A990] =	vst v6;
	v3 =	vld [tilespmem:s29+$0x6460]  }
0x845: {  	v6 =	vld [tilespmem:s30+$0x6810];
	[tilespmem:$0x1A5F0] =	vst v4  }
0x846: {  	[tilespmem:$0x1A980] =	vst v5;
	v4 =	vld [tilespmem:s30+$0x6470]  }
0x847: {  	[tilespmem:$0x1A7D0] =	vst v7;
	v5 =	vld [tilespmem:s30+$0x6800]  }
0x848: {  	[tilespmem:$0x1B440] =	vst v41;
	v7 =	vld [tilespmem:s25+$0x6450]  }
0x849: {  	v8 =	vld [tilespmem:s24+$0x6440];
	[tilespmem:$0x1A6E0] =	vst v3  }
0x84a: {  	[tilespmem:$0x1AA10] =	vst v6;
	v3 =	vld [tilespmem:s28+$0x6460]  }
0x84b: {  	v6 =	vld [tilespmem:s29+$0x6810];
	[tilespmem:$0x1A670] =	vst v4  }
0x84c: {  	[tilespmem:$0x1AA00] =	vst v5;
	v4 =	vld [tilespmem:s29+$0x6470]  }
0x84d: {  	[tilespmem:$0x1B450] =	vst v7;
	v5 =	vld [tilespmem:s29+$0x6800]  }
0x84e: {  	v7 =	vld [tilespmem:s4+$0x6820];
	[tilespmem:$0x1B4C0] =	vst v8  }
0x84f: {  	v8 =	vld [tilespmem:s23+$0x6440];
	[tilespmem:$0x1A760] =	vst v3  }
0x850: {  	[tilespmem:$0x1AA90] =	vst v6;
	v3 =	vld [tilespmem:s26+$0x6460]  }
0x851: {  	v6 =	vld [tilespmem:s28+$0x6810];
	[tilespmem:$0x1A6F0] =	vst v4  }
0x852: {  	[tilespmem:$0x1AA80] =	vst v5;
	v4 =	vld [tilespmem:s28+$0x6470]  }
0x853: {  	[tilespmem:$0x1A8A0] =	vst v7;
	v5 =	vld [tilespmem:s28+$0x6800]  }
0x854: {  	v43 =	vld [tilespmem:s24+$0x6450];
	[tilespmem:$0x1B540] =	vst v8  }
0x855: {  	v8 =	vld [tilespmem:s22+$0x6440];
	[tilespmem:$0x1A7E0] =	vst v3  }
0x856: {  	[tilespmem:$0x1AB10] =	vst v6;
	v3 =	vld [tilespmem:s25+$0x6460]  }
0x857: {  	v6 =	vld [tilespmem:s26+$0x6810];
	[tilespmem:$0x1A770] =	vst v4  }
0x858: {  	[tilespmem:$0x1AB00] =	vst v5;
	v4 =	vld [tilespmem:s26+$0x6470]  }
0x859: {  	[tilespmem:$0x1B4D0] =	vst v43;
	v5 =	vld [tilespmem:s26+$0x6800]  }
0x85a: {  	v7 =	vld [tilespmem:s0+$0x6820];
	[tilespmem:$0x1B5C0] =	vst v8  }
0x85b: {  	v8 =	vld [tilespmem:s21+$0x6440];
	[tilespmem:$0x1B460] =	vst v3  }
0x85c: {  	[tilespmem:$0x1AB90] =	vst v6;
	v3 =	vld [tilespmem:s24+$0x6460]  }
0x85d: {  	v6 =	vld [tilespmem:s25+$0x6810];
	[tilespmem:$0x1A7F0] =	vst v4  }
0x85e: {  	[tilespmem:$0x1AB80] =	vst v5;
	v4 =	vld [tilespmem:s25+$0x6470]  }
0x85f: {  	[tilespmem:$0x1A920] =	vst v7;
	v5 =	vld [tilespmem:s25+$0x6800]  }
0x860: {  	v7 =	vld [tilespmem:s1+$0x6820];
	[tilespmem:$0x1B640] =	vst v8  }
0x861: {  	v8 =	vld [tilespmem:s20+$0x6440];
	[tilespmem:$0x1B4E0] =	vst v3  }
0x862: {  	[tilespmem:$0x1B810] =	vst v6;
	v3 =	vld [tilespmem:s23+$0x6460]  }
0x863: {  	v6 =	vld [tilespmem:s24+$0x6810];
	[tilespmem:$0x1B470] =	vst v4  }
0x864: {  	[tilespmem:$0x1B800] =	vst v5;
	v4 =	vld [tilespmem:s24+$0x6470]  }
0x865: {  	[tilespmem:$0x1A9A0] =	vst v7;
	v5 =	vld [tilespmem:s24+$0x6800]  }
0x866: {  	v7 =	vld [tilespmem:s30+$0x6820];
	[tilespmem:$0x1B6C0] =	vst v8  }
0x867: {  	v8 =	vld [tilespmem:s8+$0x6440];
	[tilespmem:$0x1B560] =	vst v3  }
0x868: {  	[tilespmem:$0x1B890] =	vst v6;
	v3 =	vld [tilespmem:s22+$0x6460]  }
0x869: {  	v6 =	vld [tilespmem:s23+$0x6810];
	[tilespmem:$0x1B4F0] =	vst v4  }
0x86a: {  	[tilespmem:$0x1B880] =	vst v5;
	v4 =	vld [tilespmem:s23+$0x6470]  }
0x86b: {  	[tilespmem:$0x1AA20] =	vst v7;
	v5 =	vld [tilespmem:s23+$0x6800]  }
0x86c: {  	v7 =	vld [tilespmem:s29+$0x6820];
	[tilespmem:$0x1B740] =	vst v8  }
0x86d: {  	v8 =	vld [tilespmem:s31+$0x6440];
	[tilespmem:$0x1B5E0] =	vst v3  }
0x86e: {  	[tilespmem:$0x1B910] =	vst v6;
	v3 =	vld [tilespmem:s21+$0x6460]  }
0x86f: {  	v6 =	vld [tilespmem:s22+$0x6810];
	[tilespmem:$0x1B570] =	vst v4  }
0x870: {  	[tilespmem:$0x1B900] =	vst v5;
	v4 =	vld [tilespmem:s22+$0x6470]  }
0x871: {  	[tilespmem:$0x1AAA0] =	vst v7;
	v5 =	vld [tilespmem:s22+$0x6800]  }
0x872: {  	[tilespmem:$0x1B7C0] =	vst v8;
	v8 =	vld [tilespmem:s23+$0x6450]  }
0x873: {  	v7 =	vld [tilespmem:s28+$0x6820];
	[tilespmem:$0x1B660] =	vst v3  }
0x874: {  	[tilespmem:$0x1B990] =	vst v6;
	v3 =	vld [tilespmem:s20+$0x6460]  }
0x875: {  	v6 =	vld [tilespmem:s21+$0x6810];
	[tilespmem:$0x1B5F0] =	vst v4  }
0x876: {  	[tilespmem:$0x1B980] =	vst v5;
	v4 =	vld [tilespmem:s21+$0x6470]  }
0x877: {  	[tilespmem:$0x1B550] =	vst v8;
	v5 =	vld [tilespmem:s21+$0x6800]  }
0x878: {  	[tilespmem:$0x1AB20] =	vst v7;
	v8 =	vld [tilespmem:s22+$0x6450]  }
0x879: {  	v7 =	vld [tilespmem:s26+$0x6820];
	[tilespmem:$0x1B6E0] =	vst v3  }
0x87a: {  	[tilespmem:$0x1BA10] =	vst v6;
	v3 =	vld [tilespmem:s8+$0x6460]  }
0x87b: {  	v6 =	vld [tilespmem:s20+$0x6810];
	[tilespmem:$0x1B670] =	vst v4  }
0x87c: {  	[tilespmem:$0x1BA00] =	vst v5;
	v4 =	vld [tilespmem:s20+$0x6470]  }
0x87d: {  	[tilespmem:$0x1B5D0] =	vst v8;
	v5 =	vld [tilespmem:s20+$0x6800]  }
0x87e: {  	[tilespmem:$0x1ABA0] =	vst v7;
	v8 =	vld [tilespmem:s21+$0x6450]  }
0x87f: {  	v7 =	vld [tilespmem:s4+$0x6870];
	[tilespmem:$0x1B760] =	vst v3  }
0x880: {  	[tilespmem:$0x1BA90] =	vst v6;
	v3 =	vld [tilespmem:s31+$0x6460]  }
0x881: {  	v6 =	vld [tilespmem:s8+$0x6810];
	[tilespmem:$0x1B6F0] =	vst v4  }
0x882: {  	[tilespmem:$0x1BA80] =	vst v5;
	v4 =	vld [tilespmem:s8+$0x6470]  }
0x883: {  	[tilespmem:$0x1B650] =	vst v8;
	v5 =	vld [tilespmem:s8+$0x6800]  }
0x884: {  	[tilespmem:$0x1A8F0] =	vst v7;
	v8 =	vld [tilespmem:s20+$0x6450]  }
0x885: {  	[tilespmem:$0x1B7E0] =	vst v3;
	v3 =	vld [tilespmem:s6+$0x6830]  }
0x886: {  	v48 =	vld [tilespmem:s25+$0x6820];
	[tilespmem:$0x1BB10] =	vst v6  }
0x887: {  	v6 =	vld [tilespmem:s31+$0x6810];
	[tilespmem:$0x1B770] =	vst v4  }
0x888: {  	[tilespmem:$0x1BB00] =	vst v5;
	v4 =	vld [tilespmem:s31+$0x6470]  }
0x889: {  	[tilespmem:$0x1B6D0] =	vst v8;
	v5 =	vld [tilespmem:s31+$0x6800]  }
0x88a: {  	v8 =	vld [tilespmem:s8+$0x6450];
	[tilespmem:$0x1A830] =	vst v3  }
0x88b: {  	[tilespmem:$0x1B820] =	vst v48;
	v3 =	vld [tilespmem:s4+$0x6830]  }
0x88c: {  	[tilespmem:$0x1BB90] =	vst v6;
	v6 =	vld [tilespmem:s4+$0x6860]  }
0x88d: {  	[tilespmem:$0x1B7F0] =	vst v4;
	v4 =	vld [tilespmem:s4+$0x6840]  }
0x88e: {  	[tilespmem:$0x1BB80] =	vst v5;
	v5 =	vld [tilespmem:s4+$0x6850]  }
0x88f: {  	v7 =	vld [tilespmem:s0+$0x6870];
	[tilespmem:$0x1B750] =	vst v8  }
0x890: {  	v8 =	vld [tilespmem:s31+$0x6450];
	[tilespmem:$0x1A8B0] =	vst v3  }
0x891: {  	[tilespmem:$0x1A8E0] =	vst v6;
	v3 =	vld [tilespmem:s0+$0x6830]  }
0x892: {  	v6 =	vld [tilespmem:s0+$0x6860];
	[tilespmem:$0x1A8C0] =	vst v4  }
0x893: {  	[tilespmem:$0x1A8D0] =	vst v5;
	v4 =	vld [tilespmem:s0+$0x6840]  }
0x894: {  	[tilespmem:$0x1A970] =	vst v7;
	v5 =	vld [tilespmem:s0+$0x6850]  }
0x895: {  	v7 =	vld [tilespmem:s1+$0x6870];
	[tilespmem:$0x1B7D0] =	vst v8  }
0x896: {  	v8 =	vld [tilespmem:s24+$0x6820];
	[tilespmem:$0x1A930] =	vst v3  }
0x897: {  	[tilespmem:$0x1A960] =	vst v6;
	v3 =	vld [tilespmem:s1+$0x6830]  }
0x898: {  	v6 =	vld [tilespmem:s1+$0x6860];
	[tilespmem:$0x1A940] =	vst v4  }
0x899: {  	[tilespmem:$0x1A950] =	vst v5;
	v4 =	vld [tilespmem:s1+$0x6840]  }
0x89a: {  	[tilespmem:$0x1A9F0] =	vst v7;
	v5 =	vld [tilespmem:s1+$0x6850]  }
0x89b: {  	v7 =	vld [tilespmem:s30+$0x6870];
	[tilespmem:$0x1B8A0] =	vst v8  }
0x89c: {  	v8 =	vld [tilespmem:s23+$0x6820];
	[tilespmem:$0x1A9B0] =	vst v3  }
0x89d: {  	[tilespmem:$0x1A9E0] =	vst v6;
	v3 =	vld [tilespmem:s30+$0x6830]  }
0x89e: {  	v6 =	vld [tilespmem:s30+$0x6860];
	[tilespmem:$0x1A9C0] =	vst v4  }
0x89f: {  	[tilespmem:$0x1A9D0] =	vst v5;
	v4 =	vld [tilespmem:s30+$0x6840]  }
0x8a0: {  	[tilespmem:$0x1AA70] =	vst v7;
	v5 =	vld [tilespmem:s30+$0x6850]  }
0x8a1: {  	v7 =	vld [tilespmem:s29+$0x6870];
	[tilespmem:$0x1B920] =	vst v8  }
0x8a2: {  	v8 =	vld [tilespmem:s22+$0x6820];
	[tilespmem:$0x1AA30] =	vst v3  }
0x8a3: {  	[tilespmem:$0x1AA60] =	vst v6;
	v3 =	vld [tilespmem:s29+$0x6830]  }
0x8a4: {  	v6 =	vld [tilespmem:s29+$0x6860];
	[tilespmem:$0x1AA40] =	vst v4  }
0x8a5: {  	[tilespmem:$0x1AA50] =	vst v5;
	v4 =	vld [tilespmem:s29+$0x6840]  }
0x8a6: {  	[tilespmem:$0x1AAF0] =	vst v7;
	v5 =	vld [tilespmem:s29+$0x6850]  }
0x8a7: {  	v7 =	vld [tilespmem:s28+$0x6870];
	[tilespmem:$0x1B9A0] =	vst v8  }
0x8a8: {  	v8 =	vld [tilespmem:s21+$0x6820];
	[tilespmem:$0x1AAB0] =	vst v3  }
0x8a9: {  	[tilespmem:$0x1AAE0] =	vst v6;
	v3 =	vld [tilespmem:s28+$0x6830]  }
0x8aa: {  	v6 =	vld [tilespmem:s28+$0x6860];
	[tilespmem:$0x1AAC0] =	vst v4  }
0x8ab: {  	[tilespmem:$0x1AAD0] =	vst v5;
	v4 =	vld [tilespmem:s28+$0x6840]  }
0x8ac: {  	[tilespmem:$0x1AB70] =	vst v7;
	v5 =	vld [tilespmem:s28+$0x6850]  }
0x8ad: {  	v7 =	vld [tilespmem:s26+$0x6870];
	[tilespmem:$0x1BA20] =	vst v8  }
0x8ae: {  	v8 =	vld [tilespmem:s20+$0x6820];
	[tilespmem:$0x1AB30] =	vst v3  }
0x8af: {  	[tilespmem:$0x1AB60] =	vst v6;
	v3 =	vld [tilespmem:s26+$0x6830]  }
0x8b0: {  	v6 =	vld [tilespmem:s26+$0x6860];
	[tilespmem:$0x1AB40] =	vst v4  }
0x8b1: {  	[tilespmem:$0x1AB50] =	vst v5;
	v4 =	vld [tilespmem:s26+$0x6840]  }
0x8b2: {  	[tilespmem:$0x1ABF0] =	vst v7;
	v5 =	vld [tilespmem:s26+$0x6850]  }
0x8b3: {  	v7 =	vld [tilespmem:s25+$0x6870];
	[tilespmem:$0x1BAA0] =	vst v8  }
0x8b4: {  	v8 =	vld [tilespmem:s8+$0x6820];
	[tilespmem:$0x1ABB0] =	vst v3  }
0x8b5: {  	[tilespmem:$0x1ABE0] =	vst v6;
	v3 =	vld [tilespmem:s25+$0x6830]  }
0x8b6: {  	v6 =	vld [tilespmem:s25+$0x6860];
	[tilespmem:$0x1ABC0] =	vst v4  }
0x8b7: {  	[tilespmem:$0x1ABD0] =	vst v5;
	v4 =	vld [tilespmem:s25+$0x6840]  }
0x8b8: {  	[tilespmem:$0x1B870] =	vst v7;
	v5 =	vld [tilespmem:s25+$0x6850]  }
0x8b9: {  	v7 =	vld [tilespmem:s24+$0x6870];
	[tilespmem:$0x1BB20] =	vst v8  }
0x8ba: {  	[tilespmem:$0x1B830] =	vst v3;
	v3 =	vld [tilespmem:s6+$0x6C00]  }
0x8bb: {  	v8 =	vld [tilespmem:s31+$0x6820];
	[tilespmem:$0x1B860] =	vst v6  }
0x8bc: {  	v6 =	vld [tilespmem:s24+$0x6860];
	[tilespmem:$0x1B840] =	vst v4  }
0x8bd: {  	[tilespmem:$0x1B850] =	vst v5;
	v4 =	vld [tilespmem:s24+$0x6840]  }
0x8be: {  	[tilespmem:$0x1B8F0] =	vst v7;
	v5 =	vld [tilespmem:s24+$0x6850]  }
0x8bf: {  	v49 =	vld [tilespmem:s24+$0x6830];
	[tilespmem:$0x1AC00] =	vst v3  }
0x8c0: {  	[tilespmem:$0x1BBA0] =	vst v8;
	v3 =	vld [tilespmem:s4+$0x6C00]  }
0x8c1: {  	v7 =	vld [tilespmem:s23+$0x6870];
	[tilespmem:$0x1B8E0] =	vst v6  }
0x8c2: {  	v6 =	vld [tilespmem:s23+$0x6860];
	[tilespmem:$0x1B8C0] =	vst v4  }
0x8c3: {  	[tilespmem:$0x1B8D0] =	vst v5;
	v4 =	vld [tilespmem:s23+$0x6840]  }
0x8c4: {  	v5 =	vld [tilespmem:s23+$0x6850];
	[tilespmem:$0x1B8B0] =	vst v49  }
0x8c5: {  	v8 =	vld [tilespmem:s23+$0x6830];
	[tilespmem:$0x1AC80] =	vst v3  }
0x8c6: {  	[tilespmem:$0x1B970] =	vst v7;
	v3 =	vld [tilespmem:s0+$0x6C00]  }
0x8c7: {  	v7 =	vld [tilespmem:s22+$0x6870];
	[tilespmem:$0x1B960] =	vst v6  }
0x8c8: {  	v6 =	vld [tilespmem:s22+$0x6860];
	[tilespmem:$0x1B940] =	vst v4  }
0x8c9: {  	[tilespmem:$0x1B950] =	vst v5;
	v4 =	vld [tilespmem:s22+$0x6840]  }
0x8ca: {  	v5 =	vld [tilespmem:s22+$0x6850];
	[tilespmem:$0x1B930] =	vst v8  }
0x8cb: {  	v8 =	vld [tilespmem:s22+$0x6830];
	[tilespmem:$0x1AD00] =	vst v3  }
0x8cc: {  	[tilespmem:$0x1B9F0] =	vst v7;
	v3 =	vld [tilespmem:s1+$0x6C00]  }
0x8cd: {  	v7 =	vld [tilespmem:s21+$0x6870];
	[tilespmem:$0x1B9E0] =	vst v6  }
0x8ce: {  	v6 =	vld [tilespmem:s21+$0x6860];
	[tilespmem:$0x1B9C0] =	vst v4  }
0x8cf: {  	[tilespmem:$0x1B9D0] =	vst v5;
	v4 =	vld [tilespmem:s21+$0x6840]  }
0x8d0: {  	v5 =	vld [tilespmem:s21+$0x6850];
	[tilespmem:$0x1B9B0] =	vst v8  }
0x8d1: {  	v8 =	vld [tilespmem:s21+$0x6830];
	[tilespmem:$0x1AD80] =	vst v3  }
0x8d2: {  	[tilespmem:$0x1BA70] =	vst v7;
	v3 =	vld [tilespmem:s30+$0x6C00]  }
0x8d3: {  	v7 =	vld [tilespmem:s20+$0x6870];
	[tilespmem:$0x1BA60] =	vst v6  }
0x8d4: {  	v6 =	vld [tilespmem:s20+$0x6860];
	[tilespmem:$0x1BA40] =	vst v4  }
0x8d5: {  	[tilespmem:$0x1BA50] =	vst v5;
	v4 =	vld [tilespmem:s20+$0x6840]  }
0x8d6: {  	v5 =	vld [tilespmem:s20+$0x6850];
	[tilespmem:$0x1BA30] =	vst v8  }
0x8d7: {  	v8 =	vld [tilespmem:s20+$0x6830];
	[tilespmem:$0x1AE00] =	vst v3  }
0x8d8: {  	[tilespmem:$0x1BAF0] =	vst v7;
	v3 =	vld [tilespmem:s29+$0x6C00]  }
0x8d9: {  	v7 =	vld [tilespmem:s8+$0x6870];
	[tilespmem:$0x1BAE0] =	vst v6  }
0x8da: {  	v6 =	vld [tilespmem:s8+$0x6860];
	[tilespmem:$0x1BAC0] =	vst v4  }
0x8db: {  	[tilespmem:$0x1BAD0] =	vst v5;
	v4 =	vld [tilespmem:s8+$0x6840]  }
0x8dc: {  	v5 =	vld [tilespmem:s8+$0x6850];
	[tilespmem:$0x1BAB0] =	vst v8  }
0x8dd: {  	v8 =	vld [tilespmem:s8+$0x6830];
	[tilespmem:$0x1AE80] =	vst v3  }
0x8de: {  	[tilespmem:$0x1BB70] =	vst v7;
	v3 =	vld [tilespmem:s28+$0x6C00]  }
0x8df: {  	v7 =	vld [tilespmem:s31+$0x6870];
	[tilespmem:$0x1BB60] =	vst v6  }
0x8e0: {  	v6 =	vld [tilespmem:s31+$0x6860];
	[tilespmem:$0x1BB40] =	vst v4  }
0x8e1: {  	[tilespmem:$0x1BB50] =	vst v5;
	v4 =	vld [tilespmem:s31+$0x6840]  }
0x8e2: {  	v5 =	vld [tilespmem:s31+$0x6850];
	[tilespmem:$0x1BB30] =	vst v8  }
0x8e3: {  	v8 =	vld [tilespmem:s31+$0x6830];
	[tilespmem:$0x1AF00] =	vst v3  }
0x8e4: {  	[tilespmem:$0x1BBF0] =	vst v7;
	v3 =	vld [tilespmem:s26+$0x6C00]  }
0x8e5: {  	[tilespmem:$0x1BBE0] =	vst v6  }
0x8e6: {  	[tilespmem:$0x1BBC0] =	vst v4  }
0x8e7: {  	[tilespmem:$0x1BBD0] =	vst v5  }
0x8e8: {  	[tilespmem:$0x1BBB0] =	vst v8  }
0x8e9: {  	[tilespmem:$0x1AF80] =	vst v3  }
0x8ea: {  	v3 =	vld [tilespmem:s6+$0x6C10];
	_ =	sdelay $0x4  }
0x8eb: {  	[tilespmem:$0x1AC10] =	vst v3  }
0x8ec: {  	v3 =	vld [tilespmem:s4+$0x6C10];
	_ =	sdelay $0x2  }
0x8ed: {  	v50 =	vld [tilespmem:s6+$0x6C20]  }
0x8ee: {  	v51 =	vld [tilespmem:s6+$0x6C30]  }
0x8ef: {  	[tilespmem:$0x1AC90] =	vst v3  }
0x8f0: {  	v3 =	vld [tilespmem:s0+$0x6C10];
	_ =	sdelay $0x1  }
0x8f1: {  	[tilespmem:$0x1AC20] =	vst v50  }
0x8f2: {  	[tilespmem:$0x1AC30] =	vst v51;
	v4 =	vld [tilespmem:s4+$0x6C20]  }
0x8f3: {  	v5 =	vld [tilespmem:s4+$0x6C30]  }
0x8f4: {  	[tilespmem:$0x1AD10] =	vst v3  }
0x8f5: {  	v3 =	vld [tilespmem:s1+$0x6C10];
	_ =	sdelay $0x1  }
0x8f6: {  	[tilespmem:$0x1ACA0] =	vst v4  }
0x8f7: {  	[tilespmem:$0x1ACB0] =	vst v5;
	v4 =	vld [tilespmem:s0+$0x6C20]  }
0x8f8: {  	v5 =	vld [tilespmem:s0+$0x6C30]  }
0x8f9: {  	[tilespmem:$0x1AD90] =	vst v3  }
0x8fa: {  	v3 =	vld [tilespmem:s30+$0x6C10];
	_ =	sdelay $0x1  }
0x8fb: {  	[tilespmem:$0x1AD20] =	vst v4  }
0x8fc: {  	[tilespmem:$0x1AD30] =	vst v5;
	v4 =	vld [tilespmem:s1+$0x6C20]  }
0x8fd: {  	v5 =	vld [tilespmem:s1+$0x6C30]  }
0x8fe: {  	[tilespmem:$0x1AE10] =	vst v3  }
0x8ff: {  	v3 =	vld [tilespmem:s29+$0x6C10];
	_ =	sdelay $0x1  }
0x900: {  	[tilespmem:$0x1ADA0] =	vst v4  }
0x901: {  	[tilespmem:$0x1ADB0] =	vst v5;
	v4 =	vld [tilespmem:s30+$0x6C20]  }
0x902: {  	v5 =	vld [tilespmem:s30+$0x6C30]  }
0x903: {  	[tilespmem:$0x1AE90] =	vst v3  }
0x904: {  	v3 =	vld [tilespmem:s28+$0x6C10];
	_ =	sdelay $0x1  }
0x905: {  	[tilespmem:$0x1AE20] =	vst v4  }
0x906: {  	[tilespmem:$0x1AE30] =	vst v5;
	v4 =	vld [tilespmem:s29+$0x6C20]  }
0x907: {  	v5 =	vld [tilespmem:s29+$0x6C30]  }
0x908: {  	[tilespmem:$0x1AF10] =	vst v3  }
0x909: {  	v3 =	vld [tilespmem:s26+$0x6C10];
	_ =	sdelay $0x1  }
0x90a: {  	[tilespmem:$0x1AEA0] =	vst v4  }
0x90b: {  	[tilespmem:$0x1AEB0] =	vst v5;
	v4 =	vld [tilespmem:s28+$0x6C20]  }
0x90c: {  	v5 =	vld [tilespmem:s28+$0x6C30]  }
0x90d: {  	[tilespmem:$0x1AF90] =	vst v3  }
0x90e: {  	v3 =	vld [tilespmem:s25+$0x6C10];
	_ =	sdelay $0x1  }
0x90f: {  	[tilespmem:$0x1AF20] =	vst v4  }
0x910: {  	[tilespmem:$0x1AF30] =	vst v5;
	v4 =	vld [tilespmem:s26+$0x6C20]  }
0x911: {  	v5 =	vld [tilespmem:s26+$0x6C30]  }
0x912: {  	[tilespmem:$0x1BC10] =	vst v3  }
0x913: {  	v3 =	vld [tilespmem:s24+$0x6C10];
	_ =	sdelay $0x1  }
0x914: {  	v52 =	vld [tilespmem:s25+$0x6C00];
	[tilespmem:$0x1AFA0] =	vst v4  }
0x915: {  	[tilespmem:$0x1AFB0] =	vst v5;
	v4 =	vld [tilespmem:s25+$0x6C20]  }
0x916: {  	v5 =	vld [tilespmem:s25+$0x6C30]  }
0x917: {  	[tilespmem:$0x1BC90] =	vst v3  }
0x918: {  	v3 =	vld [tilespmem:s23+$0x6C10]  }
0x919: {  	[tilespmem:$0x1BC00] =	vst v52  }
0x91a: {  	v6 =	vld [tilespmem:s24+$0x6C00];
	[tilespmem:$0x1BC20] =	vst v4  }
0x91b: {  	[tilespmem:$0x1BC30] =	vst v5;
	v4 =	vld [tilespmem:s24+$0x6C20]  }
0x91c: {  	v5 =	vld [tilespmem:s24+$0x6C30]  }
0x91d: {  	[tilespmem:$0x1BD10] =	vst v3  }
0x91e: {  	v3 =	vld [tilespmem:s22+$0x6C10]  }
0x91f: {  	v53 =	vld [tilespmem:s6+$0x6C40];
	[tilespmem:$0x1BC80] =	vst v6  }
0x920: {  	v6 =	vld [tilespmem:s23+$0x6C00];
	[tilespmem:$0x1BCA0] =	vst v4  }
0x921: {  	[tilespmem:$0x1BCB0] =	vst v5;
	v4 =	vld [tilespmem:s23+$0x6C20]  }
0x922: {  	v5 =	vld [tilespmem:s23+$0x6C30]  }
0x923: {  	v54 =	vld [tilespmem:s6+$0x6C50];
	[tilespmem:$0x1BD90] =	vst v3  }
0x924: {  	[tilespmem:$0x1AC40] =	vst v53;
	v3 =	vld [tilespmem:s21+$0x6C10]  }
0x925: {  	v55 =	vld [tilespmem:s6+$0x6C70];
	[tilespmem:$0x1BD00] =	vst v6  }
0x926: {  	v6 =	vld [tilespmem:s22+$0x6C00];
	[tilespmem:$0x1BD20] =	vst v4  }
0x927: {  	[tilespmem:$0x1BD30] =	vst v5;
	v4 =	vld [tilespmem:s22+$0x6C20]  }
0x928: {  	[tilespmem:$0x1AC50] =	vst v54;
	v5 =	vld [tilespmem:s22+$0x6C30]  }
0x929: {  	v56 =	vld [tilespmem:s6+$0x7000];
	[tilespmem:$0x1BE10] =	vst v3  }
0x92a: {  	[tilespmem:$0x1AC70] =	vst v55;
	v3 =	vld [tilespmem:s20+$0x6C10]  }
0x92b: {  	v57 =	vld [tilespmem:s6+$0x7010];
	[tilespmem:$0x1BD80] =	vst v6  }
0x92c: {  	v6 =	vld [tilespmem:s21+$0x6C00];
	[tilespmem:$0x1BDA0] =	vst v4  }
0x92d: {  	[tilespmem:$0x1BDB0] =	vst v5;
	v4 =	vld [tilespmem:s21+$0x6C20]  }
0x92e: {  	[tilespmem:$0x1B000] =	vst v56;
	v5 =	vld [tilespmem:s21+$0x6C30]  }
0x92f: {  	v59 =	vld [tilespmem:s6+$0x7020];
	[tilespmem:$0x1BE90] =	vst v3  }
0x930: {  	[tilespmem:$0x1B010] =	vst v57;
	v3 =	vld [tilespmem:s8+$0x6C10]  }
0x931: {  	v60 =	vld [tilespmem:s6+$0x7040];
	[tilespmem:$0x1BE00] =	vst v6  }
0x932: {  	v6 =	vld [tilespmem:s20+$0x6C00];
	[tilespmem:$0x1BE20] =	vst v4  }
0x933: {  	[tilespmem:$0x1BE30] =	vst v5;
	v4 =	vld [tilespmem:s20+$0x6C20]  }
0x934: {  	[tilespmem:$0x1B020] =	vst v59;
	v5 =	vld [tilespmem:s20+$0x6C30]  }
0x935: {  	v61 =	vld [tilespmem:s6+$0x7050];
	[tilespmem:$0x1BF10] =	vst v3  }
0x936: {  	[tilespmem:$0x1B040] =	vst v60;
	v3 =	vld [tilespmem:s31+$0x6C10]  }
0x937: {  	v62 =	vld [tilespmem:s6+$0x7060];
	[tilespmem:$0x1BE80] =	vst v6  }
0x938: {  	v6 =	vld [tilespmem:s8+$0x6C00];
	[tilespmem:$0x1BEA0] =	vst v4  }
0x939: {  	[tilespmem:$0x1BEB0] =	vst v5;
	v4 =	vld [tilespmem:s8+$0x6C20]  }
0x93a: {  	[tilespmem:$0x1B050] =	vst v61;
	v5 =	vld [tilespmem:s8+$0x6C30]  }
0x93b: {  	[tilespmem:$0x1BF90] =	vst v3;
	v3 =	vld [tilespmem:s6+$0x6C60]  }
0x93c: {  	v63 =	vld [tilespmem:s6+$0x7070];
	[tilespmem:$0x1B060] =	vst v62  }
0x93d: {  	v58 =	vld [tilespmem:s4+$0x6C40];
	[tilespmem:$0x1BF00] =	vst v6  }
0x93e: {  	v6 =	vld [tilespmem:s31+$0x6C00];
	[tilespmem:$0x1BF20] =	vst v4  }
0x93f: {  	[tilespmem:$0x1BF30] =	vst v5;
	v4 =	vld [tilespmem:s31+$0x6C20]  }
0x940: {  	v5 =	vld [tilespmem:s31+$0x6C30];
	[tilespmem:$0x1AC60] =	vst v3  }
0x941: {  	[tilespmem:$0x1B070] =	vst v63;
	v3 =	vld [tilespmem:s4+$0x6C60]  }
0x942: {  	v7 =	vld [tilespmem:s4+$0x7010];
	[tilespmem:$0x1ACC0] =	vst v58  }
0x943: {  	[tilespmem:$0x1BF80] =	vst v6;
	v6 =	vld [tilespmem:s4+$0x6C50]  }
0x944: {  	[tilespmem:$0x1BFA0] =	vst v4;
	v4 =	vld [tilespmem:s4+$0x6C70]  }
0x945: {  	[tilespmem:$0x1BFB0] =	vst v5;
	v5 =	vld [tilespmem:s4+$0x7000]  }
0x946: {  	v8 =	vld [tilespmem:s0+$0x6C40];
	[tilespmem:$0x1ACE0] =	vst v3  }
0x947: {  	[tilespmem:$0x1B090] =	vst v7;
	v3 =	vld [tilespmem:s0+$0x6C60]  }
0x948: {  	v7 =	vld [tilespmem:s0+$0x7010];
	[tilespmem:$0x1ACD0] =	vst v6  }
0x949: {  	v6 =	vld [tilespmem:s0+$0x6C50];
	[tilespmem:$0x1ACF0] =	vst v4  }
0x94a: {  	[tilespmem:$0x1B080] =	vst v5;
	v4 =	vld [tilespmem:s0+$0x6C70]  }
0x94b: {  	[tilespmem:$0x1AD40] =	vst v8;
	v5 =	vld [tilespmem:s0+$0x7000]  }
0x94c: {  	v8 =	vld [tilespmem:s1+$0x6C40];
	[tilespmem:$0x1AD60] =	vst v3  }
0x94d: {  	[tilespmem:$0x1B110] =	vst v7;
	v3 =	vld [tilespmem:s1+$0x6C60]  }
0x94e: {  	v7 =	vld [tilespmem:s1+$0x7010];
	[tilespmem:$0x1AD50] =	vst v6  }
0x94f: {  	v6 =	vld [tilespmem:s1+$0x6C50];
	[tilespmem:$0x1AD70] =	vst v4  }
0x950: {  	[tilespmem:$0x1B100] =	vst v5;
	v4 =	vld [tilespmem:s1+$0x6C70]  }
0x951: {  	[tilespmem:$0x1ADC0] =	vst v8;
	v5 =	vld [tilespmem:s1+$0x7000]  }
0x952: {  	v8 =	vld [tilespmem:s30+$0x6C40];
	[tilespmem:$0x1ADE0] =	vst v3  }
0x953: {  	[tilespmem:$0x1B190] =	vst v7;
	v3 =	vld [tilespmem:s30+$0x6C60]  }
0x954: {  	v7 =	vld [tilespmem:s30+$0x7010];
	[tilespmem:$0x1ADD0] =	vst v6  }
0x955: {  	v6 =	vld [tilespmem:s30+$0x6C50];
	[tilespmem:$0x1ADF0] =	vst v4  }
0x956: {  	[tilespmem:$0x1B180] =	vst v5;
	v4 =	vld [tilespmem:s30+$0x6C70]  }
0x957: {  	[tilespmem:$0x1AE40] =	vst v8;
	v5 =	vld [tilespmem:s30+$0x7000]  }
0x958: {  	v8 =	vld [tilespmem:s29+$0x6C40];
	[tilespmem:$0x1AE60] =	vst v3  }
0x959: {  	[tilespmem:$0x1B210] =	vst v7;
	v3 =	vld [tilespmem:s29+$0x6C60]  }
0x95a: {  	v7 =	vld [tilespmem:s29+$0x7010];
	[tilespmem:$0x1AE50] =	vst v6  }
0x95b: {  	v6 =	vld [tilespmem:s29+$0x6C50];
	[tilespmem:$0x1AE70] =	vst v4  }
0x95c: {  	[tilespmem:$0x1B200] =	vst v5;
	v4 =	vld [tilespmem:s29+$0x6C70]  }
0x95d: {  	[tilespmem:$0x1AEC0] =	vst v8;
	v5 =	vld [tilespmem:s29+$0x7000]  }
0x95e: {  	v8 =	vld [tilespmem:s28+$0x6C40];
	[tilespmem:$0x1AEE0] =	vst v3  }
0x95f: {  	[tilespmem:$0x1B290] =	vst v7;
	v3 =	vld [tilespmem:s28+$0x6C60]  }
0x960: {  	v7 =	vld [tilespmem:s28+$0x7010];
	[tilespmem:$0x1AED0] =	vst v6  }
0x961: {  	v6 =	vld [tilespmem:s28+$0x6C50];
	[tilespmem:$0x1AEF0] =	vst v4  }
0x962: {  	[tilespmem:$0x1B280] =	vst v5;
	v4 =	vld [tilespmem:s28+$0x6C70]  }
0x963: {  	[tilespmem:$0x1AF40] =	vst v8;
	v5 =	vld [tilespmem:s28+$0x7000]  }
0x964: {  	v8 =	vld [tilespmem:s26+$0x6C40];
	[tilespmem:$0x1AF60] =	vst v3  }
0x965: {  	[tilespmem:$0x1B310] =	vst v7;
	v3 =	vld [tilespmem:s26+$0x6C60]  }
0x966: {  	v7 =	vld [tilespmem:s26+$0x7010];
	[tilespmem:$0x1AF50] =	vst v6  }
0x967: {  	v6 =	vld [tilespmem:s26+$0x6C50];
	[tilespmem:$0x1AF70] =	vst v4  }
0x968: {  	[tilespmem:$0x1B300] =	vst v5;
	v4 =	vld [tilespmem:s26+$0x6C70]  }
0x969: {  	[tilespmem:$0x1AFC0] =	vst v8;
	v5 =	vld [tilespmem:s26+$0x7000]  }
0x96a: {  	v8 =	vld [tilespmem:s25+$0x6C40];
	[tilespmem:$0x1AFE0] =	vst v3  }
0x96b: {  	[tilespmem:$0x1B390] =	vst v7;
	v3 =	vld [tilespmem:s25+$0x6C60]  }
0x96c: {  	v7 =	vld [tilespmem:s25+$0x7010];
	[tilespmem:$0x1AFD0] =	vst v6  }
0x96d: {  	v6 =	vld [tilespmem:s25+$0x6C50];
	[tilespmem:$0x1AFF0] =	vst v4  }
0x96e: {  	[tilespmem:$0x1B380] =	vst v5;
	v4 =	vld [tilespmem:s25+$0x6C70]  }
0x96f: {  	[tilespmem:$0x1BC40] =	vst v8;
	v5 =	vld [tilespmem:s25+$0x7000]  }
0x970: {  	v8 =	vld [tilespmem:s24+$0x6C40];
	[tilespmem:$0x1BC60] =	vst v3  }
0x971: {  	[tilespmem:$0x1C010] =	vst v7;
	v3 =	vld [tilespmem:s24+$0x6C60]  }
0x972: {  	v7 =	vld [tilespmem:s24+$0x7010];
	[tilespmem:$0x1BC50] =	vst v6  }
0x973: {  	v6 =	vld [tilespmem:s24+$0x6C50];
	[tilespmem:$0x1BC70] =	vst v4  }
0x974: {  	[tilespmem:$0x1C000] =	vst v5;
	v4 =	vld [tilespmem:s24+$0x6C70]  }
0x975: {  	[tilespmem:$0x1BCC0] =	vst v8;
	v5 =	vld [tilespmem:s24+$0x7000]  }
0x976: {  	v8 =	vld [tilespmem:s23+$0x6C40];
	[tilespmem:$0x1BCE0] =	vst v3  }
0x977: {  	[tilespmem:$0x1C090] =	vst v7;
	v3 =	vld [tilespmem:s23+$0x6C60]  }
0x978: {  	v7 =	vld [tilespmem:s23+$0x7010];
	[tilespmem:$0x1BCD0] =	vst v6  }
0x979: {  	v6 =	vld [tilespmem:s23+$0x6C50];
	[tilespmem:$0x1BCF0] =	vst v4  }
0x97a: {  	[tilespmem:$0x1C080] =	vst v5;
	v4 =	vld [tilespmem:s23+$0x6C70]  }
0x97b: {  	[tilespmem:$0x1BD40] =	vst v8;
	v5 =	vld [tilespmem:s23+$0x7000]  }
0x97c: {  	v8 =	vld [tilespmem:s22+$0x6C40];
	[tilespmem:$0x1BD60] =	vst v3  }
0x97d: {  	[tilespmem:$0x1C110] =	vst v7;
	v3 =	vld [tilespmem:s22+$0x6C60]  }
0x97e: {  	v7 =	vld [tilespmem:s22+$0x7010];
	[tilespmem:$0x1BD50] =	vst v6  }
0x97f: {  	v6 =	vld [tilespmem:s22+$0x6C50];
	[tilespmem:$0x1BD70] =	vst v4  }
0x980: {  	[tilespmem:$0x1C100] =	vst v5;
	v4 =	vld [tilespmem:s22+$0x6C70]  }
0x981: {  	[tilespmem:$0x1BDC0] =	vst v8;
	v5 =	vld [tilespmem:s22+$0x7000]  }
0x982: {  	v8 =	vld [tilespmem:s21+$0x6C40];
	[tilespmem:$0x1BDE0] =	vst v3  }
0x983: {  	[tilespmem:$0x1C190] =	vst v7;
	v3 =	vld [tilespmem:s21+$0x6C60]  }
0x984: {  	v7 =	vld [tilespmem:s21+$0x7010];
	[tilespmem:$0x1BDD0] =	vst v6  }
0x985: {  	v6 =	vld [tilespmem:s21+$0x6C50];
	[tilespmem:$0x1BDF0] =	vst v4  }
0x986: {  	[tilespmem:$0x1C180] =	vst v5;
	v4 =	vld [tilespmem:s21+$0x6C70]  }
0x987: {  	[tilespmem:$0x1BE40] =	vst v8;
	v5 =	vld [tilespmem:s21+$0x7000]  }
0x988: {  	v8 =	vld [tilespmem:s20+$0x6C40];
	[tilespmem:$0x1BE60] =	vst v3  }
0x989: {  	[tilespmem:$0x1C210] =	vst v7;
	v3 =	vld [tilespmem:s20+$0x6C60]  }
0x98a: {  	v7 =	vld [tilespmem:s20+$0x7010];
	[tilespmem:$0x1BE50] =	vst v6  }
0x98b: {  	v6 =	vld [tilespmem:s20+$0x6C50];
	[tilespmem:$0x1BE70] =	vst v4  }
0x98c: {  	[tilespmem:$0x1C200] =	vst v5;
	v4 =	vld [tilespmem:s20+$0x6C70]  }
0x98d: {  	[tilespmem:$0x1BEC0] =	vst v8;
	v5 =	vld [tilespmem:s20+$0x7000]  }
0x98e: {  	v8 =	vld [tilespmem:s8+$0x6C40];
	[tilespmem:$0x1BEE0] =	vst v3  }
0x98f: {  	[tilespmem:$0x1C290] =	vst v7;
	v3 =	vld [tilespmem:s8+$0x6C60]  }
0x990: {  	v7 =	vld [tilespmem:s8+$0x7010];
	[tilespmem:$0x1BED0] =	vst v6  }
0x991: {  	v6 =	vld [tilespmem:s8+$0x6C50];
	[tilespmem:$0x1BEF0] =	vst v4  }
0x992: {  	[tilespmem:$0x1C280] =	vst v5;
	v4 =	vld [tilespmem:s8+$0x6C70]  }
0x993: {  	[tilespmem:$0x1BF40] =	vst v8;
	v5 =	vld [tilespmem:s8+$0x7000]  }
0x994: {  	v8 =	vld [tilespmem:s31+$0x6C40];
	[tilespmem:$0x1BF60] =	vst v3  }
0x995: {  	[tilespmem:$0x1C310] =	vst v7;
	v3 =	vld [tilespmem:s31+$0x6C60]  }
0x996: {  	v7 =	vld [tilespmem:s31+$0x7010];
	[tilespmem:$0x1BF50] =	vst v6  }
0x997: {  	v6 =	vld [tilespmem:s31+$0x6C50];
	[tilespmem:$0x1BF70] =	vst v4  }
0x998: {  	[tilespmem:$0x1C300] =	vst v5;
	v4 =	vld [tilespmem:s31+$0x6C70]  }
0x999: {  	[tilespmem:$0x1BFC0] =	vst v8;
	v5 =	vld [tilespmem:s31+$0x7000]  }
0x99a: {  	[tilespmem:$0x1BFE0] =	vst v3;
	v3 =	vld [tilespmem:s6+$0x7030]  }
0x99b: {  	[tilespmem:$0x1C390] =	vst v7;
	v7 =	vld [tilespmem:s4+$0x7060]  }
0x99c: {  	v8 =	vld [tilespmem:s4+$0x7070];
	[tilespmem:$0x1BFD0] =	vst v6  }
0x99d: {  	v6 =	vld [tilespmem:s4+$0x7020];
	[tilespmem:$0x1BFF0] =	vst v4  }
0x99e: {  	[tilespmem:$0x1C380] =	vst v5;
	v4 =	vld [tilespmem:s4+$0x7040]  }
0x99f: {  	v5 =	vld [tilespmem:s4+$0x7050];
	[tilespmem:$0x1B030] =	vst v3  }
0x9a0: {  	[tilespmem:$0x1B0E0] =	vst v7;
	v3 =	vld [tilespmem:s4+$0x7030]  }
0x9a1: {  	[tilespmem:$0x1B0F0] =	vst v8;
	v7 =	vld [tilespmem:s0+$0x7060]  }
0x9a2: {  	v8 =	vld [tilespmem:s0+$0x7070];
	[tilespmem:$0x1B0A0] =	vst v6  }
0x9a3: {  	v6 =	vld [tilespmem:s0+$0x7020];
	[tilespmem:$0x1B0C0] =	vst v4  }
0x9a4: {  	[tilespmem:$0x1B0D0] =	vst v5;
	v4 =	vld [tilespmem:s0+$0x7040]  }
0x9a5: {  	v5 =	vld [tilespmem:s0+$0x7050];
	[tilespmem:$0x1B0B0] =	vst v3  }
0x9a6: {  	[tilespmem:$0x1B160] =	vst v7;
	v3 =	vld [tilespmem:s0+$0x7030]  }
0x9a7: {  	[tilespmem:$0x1B170] =	vst v8;
	v7 =	vld [tilespmem:s1+$0x7060]  }
0x9a8: {  	v8 =	vld [tilespmem:s1+$0x7070];
	[tilespmem:$0x1B120] =	vst v6  }
0x9a9: {  	v6 =	vld [tilespmem:s1+$0x7020];
	[tilespmem:$0x1B140] =	vst v4  }
0x9aa: {  	[tilespmem:$0x1B150] =	vst v5;
	v4 =	vld [tilespmem:s1+$0x7040]  }
0x9ab: {  	v5 =	vld [tilespmem:s1+$0x7050];
	[tilespmem:$0x1B130] =	vst v3  }
0x9ac: {  	[tilespmem:$0x1B1E0] =	vst v7;
	v3 =	vld [tilespmem:s1+$0x7030]  }
0x9ad: {  	[tilespmem:$0x1B1F0] =	vst v8;
	v7 =	vld [tilespmem:s30+$0x7060]  }
0x9ae: {  	v8 =	vld [tilespmem:s30+$0x7070];
	[tilespmem:$0x1B1A0] =	vst v6  }
0x9af: {  	v6 =	vld [tilespmem:s30+$0x7020];
	[tilespmem:$0x1B1C0] =	vst v4  }
0x9b0: {  	[tilespmem:$0x1B1D0] =	vst v5;
	v4 =	vld [tilespmem:s30+$0x7040]  }
0x9b1: {  	v5 =	vld [tilespmem:s30+$0x7050];
	[tilespmem:$0x1B1B0] =	vst v3  }
0x9b2: {  	[tilespmem:$0x1B260] =	vst v7;
	v3 =	vld [tilespmem:s30+$0x7030]  }
0x9b3: {  	[tilespmem:$0x1B270] =	vst v8;
	v7 =	vld [tilespmem:s29+$0x7060]  }
0x9b4: {  	v8 =	vld [tilespmem:s29+$0x7070];
	[tilespmem:$0x1B220] =	vst v6  }
0x9b5: {  	v6 =	vld [tilespmem:s29+$0x7020];
	[tilespmem:$0x1B240] =	vst v4  }
0x9b6: {  	[tilespmem:$0x1B250] =	vst v5;
	v4 =	vld [tilespmem:s29+$0x7040]  }
0x9b7: {  	v5 =	vld [tilespmem:s29+$0x7050];
	[tilespmem:$0x1B230] =	vst v3  }
0x9b8: {  	[tilespmem:$0x1B2E0] =	vst v7;
	v3 =	vld [tilespmem:s29+$0x7030]  }
0x9b9: {  	[tilespmem:$0x1B2F0] =	vst v8;
	v7 =	vld [tilespmem:s28+$0x7060]  }
0x9ba: {  	v8 =	vld [tilespmem:s28+$0x7070];
	[tilespmem:$0x1B2A0] =	vst v6  }
0x9bb: {  	v6 =	vld [tilespmem:s28+$0x7020];
	[tilespmem:$0x1B2C0] =	vst v4  }
0x9bc: {  	[tilespmem:$0x1B2D0] =	vst v5;
	v4 =	vld [tilespmem:s28+$0x7040]  }
0x9bd: {  	v5 =	vld [tilespmem:s28+$0x7050];
	[tilespmem:$0x1B2B0] =	vst v3  }
0x9be: {  	[tilespmem:$0x1B360] =	vst v7;
	v3 =	vld [tilespmem:s28+$0x7030]  }
0x9bf: {  	[tilespmem:$0x1B370] =	vst v8;
	v7 =	vld [tilespmem:s26+$0x7060]  }
0x9c0: {  	v8 =	vld [tilespmem:s26+$0x7070];
	[tilespmem:$0x1B320] =	vst v6  }
0x9c1: {  	v6 =	vld [tilespmem:s26+$0x7020];
	[tilespmem:$0x1B340] =	vst v4  }
0x9c2: {  	[tilespmem:$0x1B350] =	vst v5;
	v4 =	vld [tilespmem:s26+$0x7040]  }
0x9c3: {  	v5 =	vld [tilespmem:s26+$0x7050];
	[tilespmem:$0x1B330] =	vst v3  }
0x9c4: {  	[tilespmem:$0x1B3E0] =	vst v7;
	v3 =	vld [tilespmem:s26+$0x7030]  }
0x9c5: {  	[tilespmem:$0x1B3F0] =	vst v8;
	v7 =	vld [tilespmem:s25+$0x7060]  }
0x9c6: {  	v8 =	vld [tilespmem:s25+$0x7070];
	[tilespmem:$0x1B3A0] =	vst v6  }
0x9c7: {  	v6 =	vld [tilespmem:s25+$0x7020];
	[tilespmem:$0x1B3C0] =	vst v4  }
0x9c8: {  	[tilespmem:$0x1B3D0] =	vst v5;
	v4 =	vld [tilespmem:s25+$0x7040]  }
0x9c9: {  	v5 =	vld [tilespmem:s25+$0x7050];
	[tilespmem:$0x1B3B0] =	vst v3  }
0x9ca: {  	[tilespmem:$0x1C060] =	vst v7;
	v3 =	vld [tilespmem:s25+$0x7030]  }
0x9cb: {  	[tilespmem:$0x1C070] =	vst v8;
	v7 =	vld [tilespmem:s24+$0x7060]  }
0x9cc: {  	v8 =	vld [tilespmem:s24+$0x7070];
	[tilespmem:$0x1C020] =	vst v6  }
0x9cd: {  	v6 =	vld [tilespmem:s24+$0x7020];
	[tilespmem:$0x1C040] =	vst v4  }
0x9ce: {  	[tilespmem:$0x1C050] =	vst v5;
	v4 =	vld [tilespmem:s24+$0x7040]  }
0x9cf: {  	v5 =	vld [tilespmem:s24+$0x7050];
	[tilespmem:$0x1C030] =	vst v3  }
0x9d0: {  	[tilespmem:$0x1C0E0] =	vst v7;
	v3 =	vld [tilespmem:s24+$0x7030]  }
0x9d1: {  	[tilespmem:$0x1C0F0] =	vst v8;
	v7 =	vld [tilespmem:s23+$0x7060]  }
0x9d2: {  	v8 =	vld [tilespmem:s23+$0x7070];
	[tilespmem:$0x1C0A0] =	vst v6  }
0x9d3: {  	v6 =	vld [tilespmem:s23+$0x7020];
	[tilespmem:$0x1C0C0] =	vst v4  }
0x9d4: {  	[tilespmem:$0x1C0D0] =	vst v5;
	v4 =	vld [tilespmem:s23+$0x7040]  }
0x9d5: {  	v5 =	vld [tilespmem:s23+$0x7050];
	[tilespmem:$0x1C0B0] =	vst v3  }
0x9d6: {  	[tilespmem:$0x1C160] =	vst v7;
	v3 =	vld [tilespmem:s23+$0x7030]  }
0x9d7: {  	[tilespmem:$0x1C170] =	vst v8;
	v7 =	vld [tilespmem:s22+$0x7060]  }
0x9d8: {  	v8 =	vld [tilespmem:s22+$0x7070];
	[tilespmem:$0x1C120] =	vst v6  }
0x9d9: {  	v6 =	vld [tilespmem:s22+$0x7020];
	[tilespmem:$0x1C140] =	vst v4  }
0x9da: {  	[tilespmem:$0x1C150] =	vst v5;
	v4 =	vld [tilespmem:s22+$0x7040]  }
0x9db: {  	v5 =	vld [tilespmem:s22+$0x7050];
	[tilespmem:$0x1C130] =	vst v3  }
0x9dc: {  	[tilespmem:$0x1C1E0] =	vst v7;
	v3 =	vld [tilespmem:s22+$0x7030]  }
0x9dd: {  	[tilespmem:$0x1C1F0] =	vst v8;
	v7 =	vld [tilespmem:s21+$0x7060]  }
0x9de: {  	v8 =	vld [tilespmem:s21+$0x7070];
	[tilespmem:$0x1C1A0] =	vst v6  }
0x9df: {  	v6 =	vld [tilespmem:s21+$0x7020];
	[tilespmem:$0x1C1C0] =	vst v4  }
0x9e0: {  	[tilespmem:$0x1C1D0] =	vst v5;
	v4 =	vld [tilespmem:s21+$0x7040]  }
0x9e1: {  	v5 =	vld [tilespmem:s21+$0x7050];
	[tilespmem:$0x1C1B0] =	vst v3  }
0x9e2: {  	[tilespmem:$0x1C260] =	vst v7;
	v3 =	vld [tilespmem:s21+$0x7030]  }
0x9e3: {  	[tilespmem:$0x1C270] =	vst v8;
	v7 =	vld [tilespmem:s20+$0x7060]  }
0x9e4: {  	v8 =	vld [tilespmem:s20+$0x7070];
	[tilespmem:$0x1C220] =	vst v6  }
0x9e5: {  	v6 =	vld [tilespmem:s20+$0x7020];
	[tilespmem:$0x1C240] =	vst v4  }
0x9e6: {  	[tilespmem:$0x1C250] =	vst v5;
	v4 =	vld [tilespmem:s20+$0x7040]  }
0x9e7: {  	v5 =	vld [tilespmem:s20+$0x7050];
	[tilespmem:$0x1C230] =	vst v3  }
0x9e8: {  	[tilespmem:$0x1C2E0] =	vst v7;
	v3 =	vld [tilespmem:s20+$0x7030]  }
0x9e9: {  	[tilespmem:$0x1C2F0] =	vst v8;
	v7 =	vld [tilespmem:s8+$0x7060]  }
0x9ea: {  	v8 =	vld [tilespmem:s8+$0x7070];
	[tilespmem:$0x1C2A0] =	vst v6  }
0x9eb: {  	v6 =	vld [tilespmem:s8+$0x7020];
	[tilespmem:$0x1C2C0] =	vst v4  }
0x9ec: {  	[tilespmem:$0x1C2D0] =	vst v5;
	v4 =	vld [tilespmem:s8+$0x7040]  }
0x9ed: {  	v5 =	vld [tilespmem:s8+$0x7050];
	[tilespmem:$0x1C2B0] =	vst v3  }
0x9ee: {  	[tilespmem:$0x1C360] =	vst v7;
	v3 =	vld [tilespmem:s8+$0x7030]  }
0x9ef: {  	[tilespmem:$0x1C370] =	vst v8;
	v7 =	vld [tilespmem:s31+$0x7060]  }
0x9f0: {  	v8 =	vld [tilespmem:s31+$0x7070];
	[tilespmem:$0x1C320] =	vst v6  }
0x9f1: {  	v6 =	vld [tilespmem:s31+$0x7020];
	[tilespmem:$0x1C340] =	vst v4  }
0x9f2: {  	[tilespmem:$0x1C350] =	vst v5;
	v4 =	vld [tilespmem:s31+$0x7040]  }
0x9f3: {  	v5 =	vld [tilespmem:s31+$0x7050];
	[tilespmem:$0x1C330] =	vst v3  }
0x9f4: {  	[tilespmem:$0x1C3E0] =	vst v7;
	v3 =	vld [tilespmem:s31+$0x7030]  }
0x9f5: {  	[tilespmem:$0x1C3F0] =	vst v8  }
0x9f6: {  	[tilespmem:$0x1C3A0] =	vst v6  }
0x9f7: {  	s18 =	sadd.s32 $0x2800, s18;
	[tilespmem:$0x1C3C0] =	vst v4  }
0x9f8: {  	p0 =	sne.s32 s18, $0x190000;
	[tilespmem:$0x1C3D0] =	vst v5  }
.Ltmp0:
0x9f9: {  	[tilespmem:$0x1C3B0] =	vst v3;
	(pc) =	sbr.rel @p0 .LBB2_2-.Ltmp0, $4  }
0x9fa: {  	_ =	swait.ge [sflag:s12], $0x6000  }
0x9fb: {  	s17 =	sadd.s32 $0xA0, s17;
	[sflag:s12] =	ssyncset.done $0x0  }
0x9fc: {  	s16 =	sadd.s32 $0xA0, s16;
	s31 =	sadd.s32 $0x1400, s19;
	[sflag:s12] =	ssyncadd.s32 $0xFFFFA000  }
0x9fd: {  	[hbm4b:s31+s2] =	stream.linear.scatter [tilespmem:s11], [sflag:$0x4], $0xA000, $0x38;
	[tilespmem:$0x1C400] =	vst v63  }
0x9fe: {  	s0 =	simm.s32 $0x3  }
0x9ff: {  	_ =	swait.ge [sflag:s0], $0xA000  }
0xa00: {  	[sflag:s0] =	ssyncset.done $0x0  }
0xa01: {  	[sflag:s0] =	ssyncadd.s32 $0xFFFF6000  }
0xa02: {  	_ =	swait.ge [sflag:s14], $0xA000  }
0xa03: {  	s15 =	sadd.s32 $0x1, s15;
	s31 =	rddreg [dreg:$0x1b]  }
0xa04: {  	p0 =	sne.s32 s15, s31  }
.Ltmp1:
0xa05: {  	_ = 	snop;
	(pc) =	sbr.rel @p0 .LBB2_1-.Ltmp1, $3  }
0xa06: {  	_ =	sdelay $0x1  }
0xa07: {  	[sflag:s14] =	ssyncset.done $0x0  }
0xa08: {  	[sflag:s14] =	ssyncadd.s32 $0xFFFF6000  }
0xa09: {  	_ =	sfence.sel $0x180000  }
0xa0a: {  	[bflag:$0x0] =	sbarrier.arrive $0xFFFF  }
0xa0b: {  	_ =	strace $0x90000047  }
0xa0c: {  	s0 =	stileid.u32;
	[bflag:$0x2] =	sbarrier.arrive $0xFFFF  }
0xa0d: {  	p0 =	sne.s32 s0, $0x0;
	s0 =	rddreg [dreg:$0x2]  }
0xa0e: {  	s0 =	sadd.s32 @!p0 $0x100000, s0  }
0xa0f: {  	[sflag:s0] =	ssyncadd.tile.s32 @!p0 $0x1;
	_ =	shalt  }
.Lfunc_end2:
_tile_overlayer_lowered:
.L_overlay_start_2:
0xa10: {  	(tag) =	ssettag $0x2  }
0xa11: {  	s0 =	rddreg [dreg:$0x0];
	s2 =	stileid.u32  }
0xa12: {  	s1 =	rddreg [dreg:$0x1];
	p0 =	sne.s32 s2, $0x0  }
0xa13: {  	s3 =	rddreg [dreg:$0x2];
	[bflag:$0x3] =	sbarrier.arrive $0xFFFF;
	s2 =	simm.s32 @!p0 $0x1C05  }
0xa14: {  	[timem:s3], [sflag:s2] =	dma.local @!p0 [hbm:s0], s1  }
0xa15: {  	s0 =	simm.s32 @!p0 $0x5  }
0xa16: {  	_ =	swait.ge @!p0 [sflag:s0], s1  }
0xa17: {  	s1 =	ssub.s32 @!p0 $0x0, s1;
	[sflag:s0] =	ssyncset.done @!p0 $0x0  }
0xa18: {  	[sflag:s0] =	ssyncadd.s32 @!p0 s1  }
0xa19: {  	[bflag:$0x3] =	sbarrier.arrive $0xFFFF  }
0xa1a: {  	_ =	shalt  }

</sc_bundles>
